<compile_context>
chip_gen: v7x
topology: tpu7x:2x2x1
jax: 0.10.2.dev20260603
libtpu: 0.0.44.dev20260713+nightly
codegen_flags: <defaults>
</compile_context>

<pallas_src>
import functools

import jax
import jax.numpy as jnp
from jax import lax
from jax.experimental import pallas as pl
from jax.experimental.pallas import tpu as pltpu
from jax.experimental.pallas import tpu_sc as plsc

_NC = 2
_NS = 16
_NW = _NC * _NS
_L = 16

_EPS = 1e-5


def _pack_pairs(top, bot):
    ue = lax.bitcast_convert_type(top.astype(jnp.bfloat16),
                                  jnp.uint16).astype(jnp.uint32)
    uo = lax.bitcast_convert_type(bot.astype(jnp.bfloat16),
                                  jnp.uint16).astype(jnp.uint32)
    return lax.bitcast_convert_type(ue | (uo << 16), jnp.int32)



def _mm_in_body(wta_ref, wtb_ref, x_ref, o_ref):
    dims = (((1,), (1,)), ((), ()))
    ya = lax.dot_general(wta_ref[...], x_ref[...], dims,
                         preferred_element_type=jnp.float32,
                         precision=lax.Precision.HIGHEST)
    yb = lax.dot_general(wtb_ref[...], x_ref[...], dims,
                         preferred_element_type=jnp.float32,
                         precision=lax.Precision.HIGHEST)
    o_ref[...] = _pack_pairs(ya, yb)


def _bn_chain(agg, b, a, g, be, pa):
    z = agg + b
    z = jnp.where(z > 0, z, a * z)
    n = z.shape[1]
    mu = jnp.sum(z, axis=1, keepdims=True) / n
    zc = z - mu
    var = jnp.sum(zc * zc, axis=1, keepdims=True) / n
    zn = g * zc * lax.rsqrt(var + _EPS) + be
    return jnp.where(zn > 0, zn, pa * zn)


def _mid_body(agg_ref, b_ref, a_ref, g_ref, be_ref, pa_ref, w_ref, o_ref,
              scr_ref):
    i = pl.program_id(0)
    nsteps = pl.num_programs(0)
    zp = _bn_chain(agg_ref[...], b_ref[...], a_ref[0, 0], g_ref[...],
                   be_ref[...], pa_ref[0, 0])
    contrib = lax.dot_general(
        w_ref[...], zp, (((0,), (0,)), ((), ())),
        preferred_element_type=jnp.float32, precision=lax.Precision.HIGHEST)

    @pl.when(i == 0)
    def _():
        scr_ref[...] = contrib

    @pl.when(i > 0)
    def _():
        scr_ref[...] += contrib

    @pl.when(i == nsteps - 1)
    def _():
        y = scr_ref[...]
        half = y.shape[0] // 2
        o_ref[...] = _pack_pairs(y[:half], y[half:])


def _final_body(agg_ref, b_ref, a_ref, g_ref, be_ref, pa_ref, o_ref):
    zp = _bn_chain(agg_ref[...], b_ref[...], a_ref[0, 0], g_ref[...],
                   be_ref[...], pa_ref[0, 0])
    o_ref[...] = zp.T



def _mm_in(w_t, x):
    dout, din = w_t.shape
    n = x.shape[0]
    half = dout // 2
    blk = 32
    col = lambda i: (i, 0)
    return pl.pallas_call(
        _mm_in_body,
        grid=(half // blk,),
        in_specs=[
            pl.BlockSpec((blk, din), col),
            pl.BlockSpec((blk, din), col),
            pl.BlockSpec((n, din), lambda i: (0, 0)),
        ],
        out_specs=pl.BlockSpec((blk, n), col),
        out_shape=jax.ShapeDtypeStruct((half, n), jnp.int32),
    )(w_t[:half], w_t[half:], x)


def _mid(agg, b, a, g, be, pa, w):
    d, n = agg.shape
    dout = w.shape[1]
    blk = 64
    col = lambda i: (i, 0)
    scal = pl.BlockSpec((1, 1), lambda i: (0, 0), memory_space=pltpu.SMEM)
    return pl.pallas_call(
        _mid_body,
        grid=(d // blk,),
        in_specs=[
            pl.BlockSpec((blk, n), col),
            pl.BlockSpec((blk, 1), col),
            scal,
            pl.BlockSpec((blk, 1), col),
            pl.BlockSpec((blk, 1), col),
            scal,
            pl.BlockSpec((blk, dout), col),
        ],
        out_specs=pl.BlockSpec((dout // 2, n), lambda i: (0, 0)),
        out_shape=jax.ShapeDtypeStruct((dout // 2, n), jnp.int32),
        scratch_shapes=[pltpu.VMEM((dout, n), jnp.float32)],
    )(agg, b, a, g, be, pa, w)


def _final(agg, b, a, g, be, pa):
    d, n = agg.shape
    blk = 128
    col = lambda i: (i, 0)
    scal = pl.BlockSpec((1, 1), lambda i: (0, 0), memory_space=pltpu.SMEM)
    return pl.pallas_call(
        _final_body,
        grid=(d // blk,),
        in_specs=[
            pl.BlockSpec((blk, n), col),
            pl.BlockSpec((blk, 1), col),
            scal,
            pl.BlockSpec((blk, 1), col),
            pl.BlockSpec((blk, 1), col),
            scal,
        ],
        out_specs=pl.BlockSpec((n, blk), lambda i: (0, i)),
        out_shape=jax.ShapeDtypeStruct((n, d), jnp.float32),
    )(agg, b, a, g, be, pa)



def _sc_scatter(y_pk, edata, d):
    dh, n = y_pk.shape
    e = edata.shape[1]
    prows = dh // _NW
    chunk = 1280
    nchunk = e // chunk
    groups = chunk // _L
    gpi = 4
    assert nchunk * chunk == e and groups % gpi == 0 and nchunk >= 2

    mesh = plsc.VectorSubcoreMesh(core_axis_name="c", subcore_axis_name="s")

    @functools.partial(
        pl.kernel,
        out_type=jax.ShapeDtypeStruct((d, n), jnp.float32),
        mesh=mesh,
        compiler_params=pltpu.CompilerParams(needs_layout_passes=False,
                                             disable_bounds_checks=True),
        scratch_types=(
            [pltpu.VMEM((n,), jnp.int32)] * prows +
            [pltpu.VMEM((n,), jnp.float32)] * (2 * prows) +
            [pltpu.VMEM((2, 2, chunk), jnp.int32),
             pltpu.SemaphoreType.DMA,
             pltpu.SemaphoreType.DMA]
        ),
    )
    def k(y_hbm, ed_hbm, out_hbm, xp0, xp1, xp2, xp3,
          ac0, ac1, ac2, ac3, ac4, ac5, ac6, ac7, ebuf, sem0, sem1):
        cid = lax.axis_index("c")
        sid = lax.axis_index("s")
        wid = sid * _NC + cid
        sems = (sem0, sem1)
        xps = (xp0, xp1, xp2, xp3)
        acs = (ac0, ac1, ac2, ac3, ac4, ac5, ac6, ac7)
        base = wid * prows

        def start(ch, p):
            off = pl.multiple_of(ch * chunk, 8)
            pltpu.async_copy(ed_hbm.at[:, pl.ds(off, chunk)], ebuf.at[p],
                             sems[p])

        def drain(p):
            pltpu.make_async_copy(ed_hbm.at[:, pl.ds(0, chunk)], ebuf.at[p],
                                  sems[p]).wait()

        def compute(p):
            @plsc.parallel_loop(0, groups // gpi)
            def g_body(gi):
                vals = []
                for g in range(gpi):
                    off = (gi * gpi + g) * _L
                    sd = ebuf[p, 0, pl.ds(off, _L)]
                    w = plsc.bitcast(ebuf[p, 1, pl.ds(off, _L)], jnp.float32)
                    s_idx = sd & 0xFFFF
                    d_idx = lax.shift_right_logical(sd, 16)
                    gs = [plsc.load_gather(xps[c], [s_idx])
                          for c in range(prows)]
                    vals.append((d_idx, w, gs))
                for d_idx, w, gs in vals:
                    for c in range(prows):
                        v_top = plsc.bitcast(gs[c] << 16, jnp.float32)
                        v_bot = plsc.bitcast(gs[c] & jnp.int32(-65536),
                                             jnp.float32)
                        plsc.addupdate_scatter(acs[c], [d_idx], v_top * w)
                        plsc.addupdate_scatter(acs[c + prows], [d_idx],
                                               v_bot * w)

        for c in range(prows):
            pltpu.sync_copy(y_hbm.at[base + c], xps[c])

        def zero_body(i, carry):
            zv = jnp.zeros((_L,), jnp.float32)
            for c in range(2 * prows):
                acs[c][pl.ds(i * _L, _L)] = zv
            return carry

        lax.fori_loop(0, n // _L, zero_body, 0, unroll=5)

        start(0, 0)

        def pair_body(i2, carry):
            ch = i2 * 2
            start(ch + 1, 1)
            drain(0)
            compute(0)

            @pl.when(ch + 2 < nchunk)
            def _():
                start(ch + 2, 0)

            drain(1)
            compute(1)
            return carry

        lax.fori_loop(0, nchunk // 2, pair_body, 0)
        if nchunk % 2:
            drain(0)
            compute(0)
        for c in range(prows):
            pltpu.sync_copy(acs[c], out_hbm.at[base + c])
            pltpu.sync_copy(acs[c + prows], out_hbm.at[base + c + dh])

    return k(y_pk, edata)



def kernel(graph_edge_index, diff_edge_index, heat, edge_weight,
           W0, b0, a0, gamma0, beta0, pa0,
           W1, b1, a1, gamma1, beta1, pa1):
    src = diff_edge_index[0]
    dst = diff_edge_index[1]
    sd = src | (dst << 16)
    ew_i32 = lax.bitcast_convert_type(edge_weight, jnp.int32)
    edata = jnp.stack([sd, ew_i32])
    d = W0.shape[1]

    b0c = b0.reshape(d, 1)
    g0c = gamma0.reshape(d, 1)
    be0c = beta0.reshape(d, 1)
    b1c = b1.reshape(d, 1)
    g1c = gamma1.reshape(d, 1)
    be1c = beta1.reshape(d, 1)
    a0s = a0.reshape(1, 1)
    pa0s = pa0.reshape(1, 1)
    a1s = a1.reshape(1, 1)
    pa1s = pa1.reshape(1, 1)

    y0 = _mm_in(W0.T, heat)
    agg0 = _sc_scatter(y0, edata, d)
    y1 = _mid(agg0, b0c, a0s, g0c, be0c, pa0s, W1)
    agg1 = _sc_scatter(y1, edata, d)
    return _final(agg1, b1c, a1s, g1c, be1c, pa1s)

# --- scband reference (transcript-rebuilt; emitter-appended) ---
"""Pipeline reference for scband-encoder2-13408887898960 (READ-ONLY COPY).

The authoritative reference and input builder live on the scoring server;
editing this copy changes nothing except your own understanding.
"""

import jax, jax.numpy as jnp
import numpy as np

N = 10000
E = 160000
DIN = 256
DOUT = 256

def setup_inputs(seed: int = 0) -> dict:
    key = jax.random.key(seed)
    ks = jax.random.split(key, 20)
    inp = {}
    inp["graph_edge_index"] = jax.random.randint(ks[0], (2, E), 0, N, dtype=jnp.int32)
    inp["diff_edge_index"] = jax.random.randint(ks[1], (2, E), 0, N, dtype=jnp.int32)
    inp["heat"] = jax.random.normal(ks[2], (N, DIN), dtype=jnp.float32)
    inp["edge_weight"] = jax.random.uniform(ks[3], (E,), dtype=jnp.float32)
    # layer 0 params
    inp["W0"] = jax.random.normal(ks[4], (DIN, DOUT), dtype=jnp.float32) * 0.05
    inp["b0"] = jnp.zeros((DOUT,), dtype=jnp.float32)
    inp["a0"] = jnp.array(0.25, dtype=jnp.float32)      # PReLU inside GraphConv
    inp["gamma0"] = jnp.ones((DOUT,), dtype=jnp.float32)
    inp["beta0"] = jnp.zeros((DOUT,), dtype=jnp.float32)
    inp["pa0"] = jnp.array(0.25, dtype=jnp.float32)     # outer PReLU (actions[0])
    # layer 1 params
    inp["W1"] = jax.random.normal(ks[5], (DOUT, DOUT), dtype=jnp.float32) * 0.05
    inp["b1"] = jnp.zeros((DOUT,), dtype=jnp.float32)
    inp["a1"] = jnp.array(0.25, dtype=jnp.float32)
    inp["gamma1"] = jnp.ones((DOUT,), dtype=jnp.float32)
    inp["beta1"] = jnp.zeros((DOUT,), dtype=jnp.float32)
    inp["pa1"] = jnp.array(0.25, dtype=jnp.float32)
    return inp

def _prelu(h, a):
    return jnp.where(h > 0, h, a * h)

def _batch_norm(h, gamma, beta, eps=1e-5):
    mu = jnp.mean(h, axis=0)
    var = jnp.var(h, axis=0)
    return gamma * (h - mu) / jnp.sqrt(var + eps) + beta

def _graph_conv(src, dst, x, edge_weight, W, b, a):
    # DGL GraphConv, norm='none', with edge_weight: aggregate then project
    m = x[src] * edge_weight[:, None]
    agg = jax.ops.segment_sum(m, dst, num_segments=N)
    h = agg @ W + b
    return _prelu(h, a)

def reference(graph_edge_index, diff_edge_index, heat, edge_weight,
              W0, b0, a0, gamma0, beta0, pa0,
              W1, b1, a1, gamma1, beta1, pa1):
    # graph is unused in the original forward; diff_graph drives message passing.
    src = diff_edge_index[0]
    dst = diff_edge_index[1]
    x = heat  # dropout in eval mode = identity
    h = _graph_conv(src, dst, x, edge_weight, W0, b0, a0)
    h = _batch_norm(h, gamma0, beta0)
    h = _prelu(h, pa0)
    h = _graph_conv(src, dst, h, edge_weight, W1, b1, a1)
    h = _batch_norm(h, gamma1, beta1)
    h = _prelu(h, pa1)
    return h

if __name__ == "__main__":
    import jax
    _d = setup_inputs()
    print(jax.jit(kernel)(*tuple(_d.values())))

</pallas_src>

<mosaic_0001>
#map = affine_map<(d0, d1) -> (0, 0)>
module attributes {stable_mosaic.version = 14 : i64} {
  func.func @k(%arg0: i32, %arg1: i32, %arg2: memref<128x10000xi32, #tpu.memory_space<hbm>>, %arg3: memref<2x160000xi32, #tpu.memory_space<hbm>>, %arg4: memref<256x10000xf32, #tpu.memory_space<hbm>>, %arg5: memref<10000xi32, #tpu.memory_space<vmem>>, %arg6: memref<10000xi32, #tpu.memory_space<vmem>>, %arg7: memref<10000xi32, #tpu.memory_space<vmem>>, %arg8: memref<10000xi32, #tpu.memory_space<vmem>>, %arg9: memref<10000xf32, #tpu.memory_space<vmem>>, %arg10: memref<10000xf32, #tpu.memory_space<vmem>>, %arg11: memref<10000xf32, #tpu.memory_space<vmem>>, %arg12: memref<10000xf32, #tpu.memory_space<vmem>>, %arg13: memref<10000xf32, #tpu.memory_space<vmem>>, %arg14: memref<10000xf32, #tpu.memory_space<vmem>>, %arg15: memref<10000xf32, #tpu.memory_space<vmem>>, %arg16: memref<10000xf32, #tpu.memory_space<vmem>>, %arg17: memref<2x2x1280xi32, #tpu.memory_space<vmem>>, %arg18: memref<!tpu.dma_semaphore, #tpu.memory_space<semaphore_mem>>, %arg19: memref<!tpu.dma_semaphore, #tpu.memory_space<semaphore_mem>>) attributes {dimension_semantics = [#tpu.dimension_semantics<core_parallel>, #tpu.dimension_semantics<subcore_parallel>], iteration_bounds = array<i64: 2, 16>, scalar_prefetch = 0 : i64, scratch_operands = 15 : i64, tpu.core_type = #tpu.core_type<sc_vector_subcore>, window_params = [{transform_indices = #map}, {transform_indices = #map}, {transform_indices = #map}]} {
    %mul3A = arith.constant 2 : i32
    %mul3A_0 = arith.muli %arg1, %mul3A : i32
    %add3A = arith.addi %mul3A_0, %arg0 : i32
    %mul3A_1 = arith.constant 4 : i32
    %mul3A_2 = arith.muli %add3A, %mul3A_1 : i32
    %add3A_3 = arith.constant 0 : i32
    %add3A_4 = arith.addi %mul3A_2, %add3A_3 : i32
    "tpu.region"() ({
      %run_scoped3A = tpu.sem_alloc : memref<!tpu.dma_semaphore, #tpu.memory_space<semaphore_mem>>
      %dma_start3A_75 = arith.constant 0 : i32
      %dma_start3A_76 = tpu.memref_slice %arg2[%add3A_4, %dma_start3A_75] : memref<128x10000xi32, #tpu.memory_space<hbm>> -> memref<1x10000xi32, #tpu.memory_space<hbm>>
      %dma_start3A_77 = tpu.memref_squeeze %dma_start3A_76 : memref<1x10000xi32, #tpu.memory_space<hbm>> -> memref<10000xi32, #tpu.memory_space<hbm>>
      %dma_start3A_78 = arith.constant 0 : i32
      %dma_start3A_79 = tpu.memref_slice %arg2[%add3A_4, %dma_start3A_78] : memref<128x10000xi32, #tpu.memory_space<hbm>> -> memref<1x10000xi32, #tpu.memory_space<hbm>>
      %dma_start3A_80 = tpu.memref_squeeze %dma_start3A_79 : memref<1x10000xi32, #tpu.memory_space<hbm>> -> memref<10000xi32, #tpu.memory_space<hbm>>
      tpu.enqueue_dma source(%dma_start3A_80 : memref<10000xi32, #tpu.memory_space<hbm>>) target(%arg5 : memref<10000xi32, #tpu.memory_space<vmem>>) target_semaphore(%run_scoped3A : memref<!tpu.dma_semaphore, #tpu.memory_space<semaphore_mem>>)
      %dma_wait3A_81 = arith.constant 0 : i32
      %dma_wait3A_82 = tpu.memref_slice %arg2[%add3A_4, %dma_wait3A_81] : memref<128x10000xi32, #tpu.memory_space<hbm>> -> memref<1x10000xi32, #tpu.memory_space<hbm>>
      %dma_wait3A_83 = tpu.memref_squeeze %dma_wait3A_82 : memref<1x10000xi32, #tpu.memory_space<hbm>> -> memref<10000xi32, #tpu.memory_space<hbm>>
      %dma_wait3A_84 = arith.constant 0 : i32
      %dma_wait3A_85 = tpu.memref_slice %arg2[%add3A_4, %dma_wait3A_84] : memref<128x10000xi32, #tpu.memory_space<hbm>> -> memref<1x10000xi32, #tpu.memory_space<hbm>>
      %dma_wait3A_86 = tpu.memref_squeeze %dma_wait3A_85 : memref<1x10000xi32, #tpu.memory_space<hbm>> -> memref<10000xi32, #tpu.memory_space<hbm>>
      tpu.wait_dma2 semaphore(%run_scoped3A : memref<!tpu.dma_semaphore, #tpu.memory_space<semaphore_mem>>) src(%dma_wait3A_86 : memref<10000xi32, #tpu.memory_space<hbm>>) dst(%arg5 : memref<10000xi32, #tpu.memory_space<vmem>>)
      tpu.yield
    }) : () -> ()
    %add3A_5 = arith.constant 1 : i32
    %add3A_6 = arith.addi %mul3A_2, %add3A_5 : i32
    "tpu.region"() ({
      %run_scoped3A = tpu.sem_alloc : memref<!tpu.dma_semaphore, #tpu.memory_space<semaphore_mem>>
      %dma_start3A_75 = arith.constant 0 : i32
      %dma_start3A_76 = tpu.memref_slice %arg2[%add3A_6, %dma_start3A_75] : memref<128x10000xi32, #tpu.memory_space<hbm>> -> memref<1x10000xi32, #tpu.memory_space<hbm>>
      %dma_start3A_77 = tpu.memref_squeeze %dma_start3A_76 : memref<1x10000xi32, #tpu.memory_space<hbm>> -> memref<10000xi32, #tpu.memory_space<hbm>>
      %dma_start3A_78 = arith.constant 0 : i32
      %dma_start3A_79 = tpu.memref_slice %arg2[%add3A_6, %dma_start3A_78] : memref<128x10000xi32, #tpu.memory_space<hbm>> -> memref<1x10000xi32, #tpu.memory_space<hbm>>
      %dma_start3A_80 = tpu.memref_squeeze %dma_start3A_79 : memref<1x10000xi32, #tpu.memory_space<hbm>> -> memref<10000xi32, #tpu.memory_space<hbm>>
      tpu.enqueue_dma source(%dma_start3A_80 : memref<10000xi32, #tpu.memory_space<hbm>>) target(%arg6 : memref<10000xi32, #tpu.memory_space<vmem>>) target_semaphore(%run_scoped3A : memref<!tpu.dma_semaphore, #tpu.memory_space<semaphore_mem>>)
      %dma_wait3A_81 = arith.constant 0 : i32
      %dma_wait3A_82 = tpu.memref_slice %arg2[%add3A_6, %dma_wait3A_81] : memref<128x10000xi32, #tpu.memory_space<hbm>> -> memref<1x10000xi32, #tpu.memory_space<hbm>>
      %dma_wait3A_83 = tpu.memref_squeeze %dma_wait3A_82 : memref<1x10000xi32, #tpu.memory_space<hbm>> -> memref<10000xi32, #tpu.memory_space<hbm>>
      %dma_wait3A_84 = arith.constant 0 : i32
      %dma_wait3A_85 = tpu.memref_slice %arg2[%add3A_6, %dma_wait3A_84] : memref<128x10000xi32, #tpu.memory_space<hbm>> -> memref<1x10000xi32, #tpu.memory_space<hbm>>
      %dma_wait3A_86 = tpu.memref_squeeze %dma_wait3A_85 : memref<1x10000xi32, #tpu.memory_space<hbm>> -> memref<10000xi32, #tpu.memory_space<hbm>>
      tpu.wait_dma2 semaphore(%run_scoped3A : memref<!tpu.dma_semaphore, #tpu.memory_space<semaphore_mem>>) src(%dma_wait3A_86 : memref<10000xi32, #tpu.memory_space<hbm>>) dst(%arg6 : memref<10000xi32, #tpu.memory_space<vmem>>)
      tpu.yield
    }) : () -> ()
    %add3A_7 = arith.constant 2 : i32
    %add3A_8 = arith.addi %mul3A_2, %add3A_7 : i32
    "tpu.region"() ({
      %run_scoped3A = tpu.sem_alloc : memref<!tpu.dma_semaphore, #tpu.memory_space<semaphore_mem>>
      %dma_start3A_75 = arith.constant 0 : i32
      %dma_start3A_76 = tpu.memref_slice %arg2[%add3A_8, %dma_start3A_75] : memref<128x10000xi32, #tpu.memory_space<hbm>> -> memref<1x10000xi32, #tpu.memory_space<hbm>>
      %dma_start3A_77 = tpu.memref_squeeze %dma_start3A_76 : memref<1x10000xi32, #tpu.memory_space<hbm>> -> memref<10000xi32, #tpu.memory_space<hbm>>
      %dma_start3A_78 = arith.constant 0 : i32
      %dma_start3A_79 = tpu.memref_slice %arg2[%add3A_8, %dma_start3A_78] : memref<128x10000xi32, #tpu.memory_space<hbm>> -> memref<1x10000xi32, #tpu.memory_space<hbm>>
      %dma_start3A_80 = tpu.memref_squeeze %dma_start3A_79 : memref<1x10000xi32, #tpu.memory_space<hbm>> -> memref<10000xi32, #tpu.memory_space<hbm>>
      tpu.enqueue_dma source(%dma_start3A_80 : memref<10000xi32, #tpu.memory_space<hbm>>) target(%arg7 : memref<10000xi32, #tpu.memory_space<vmem>>) target_semaphore(%run_scoped3A : memref<!tpu.dma_semaphore, #tpu.memory_space<semaphore_mem>>)
      %dma_wait3A_81 = arith.constant 0 : i32
      %dma_wait3A_82 = tpu.memref_slice %arg2[%add3A_8, %dma_wait3A_81] : memref<128x10000xi32, #tpu.memory_space<hbm>> -> memref<1x10000xi32, #tpu.memory_space<hbm>>
      %dma_wait3A_83 = tpu.memref_squeeze %dma_wait3A_82 : memref<1x10000xi32, #tpu.memory_space<hbm>> -> memref<10000xi32, #tpu.memory_space<hbm>>
      %dma_wait3A_84 = arith.constant 0 : i32
      %dma_wait3A_85 = tpu.memref_slice %arg2[%add3A_8, %dma_wait3A_84] : memref<128x10000xi32, #tpu.memory_space<hbm>> -> memref<1x10000xi32, #tpu.memory_space<hbm>>
      %dma_wait3A_86 = tpu.memref_squeeze %dma_wait3A_85 : memref<1x10000xi32, #tpu.memory_space<hbm>> -> memref<10000xi32, #tpu.memory_space<hbm>>
      tpu.wait_dma2 semaphore(%run_scoped3A : memref<!tpu.dma_semaphore, #tpu.memory_space<semaphore_mem>>) src(%dma_wait3A_86 : memref<10000xi32, #tpu.memory_space<hbm>>) dst(%arg7 : memref<10000xi32, #tpu.memory_space<vmem>>)
      tpu.yield
    }) : () -> ()
    %add3A_9 = arith.constant 3 : i32
    %add3A_10 = arith.addi %mul3A_2, %add3A_9 : i32
    "tpu.region"() ({
      %run_scoped3A = tpu.sem_alloc : memref<!tpu.dma_semaphore, #tpu.memory_space<semaphore_mem>>
      %dma_start3A_75 = arith.constant 0 : i32
      %dma_start3A_76 = tpu.memref_slice %arg2[%add3A_10, %dma_start3A_75] : memref<128x10000xi32, #tpu.memory_space<hbm>> -> memref<1x10000xi32, #tpu.memory_space<hbm>>
      %dma_start3A_77 = tpu.memref_squeeze %dma_start3A_76 : memref<1x10000xi32, #tpu.memory_space<hbm>> -> memref<10000xi32, #tpu.memory_space<hbm>>
      %dma_start3A_78 = arith.constant 0 : i32
      %dma_start3A_79 = tpu.memref_slice %arg2[%add3A_10, %dma_start3A_78] : memref<128x10000xi32, #tpu.memory_space<hbm>> -> memref<1x10000xi32, #tpu.memory_space<hbm>>
      %dma_start3A_80 = tpu.memref_squeeze %dma_start3A_79 : memref<1x10000xi32, #tpu.memory_space<hbm>> -> memref<10000xi32, #tpu.memory_space<hbm>>
      tpu.enqueue_dma source(%dma_start3A_80 : memref<10000xi32, #tpu.memory_space<hbm>>) target(%arg8 : memref<10000xi32, #tpu.memory_space<vmem>>) target_semaphore(%run_scoped3A : memref<!tpu.dma_semaphore, #tpu.memory_space<semaphore_mem>>)
      %dma_wait3A_81 = arith.constant 0 : i32
      %dma_wait3A_82 = tpu.memref_slice %arg2[%add3A_10, %dma_wait3A_81] : memref<128x10000xi32, #tpu.memory_space<hbm>> -> memref<1x10000xi32, #tpu.memory_space<hbm>>
      %dma_wait3A_83 = tpu.memref_squeeze %dma_wait3A_82 : memref<1x10000xi32, #tpu.memory_space<hbm>> -> memref<10000xi32, #tpu.memory_space<hbm>>
      %dma_wait3A_84 = arith.constant 0 : i32
      %dma_wait3A_85 = tpu.memref_slice %arg2[%add3A_10, %dma_wait3A_84] : memref<128x10000xi32, #tpu.memory_space<hbm>> -> memref<1x10000xi32, #tpu.memory_space<hbm>>
      %dma_wait3A_86 = tpu.memref_squeeze %dma_wait3A_85 : memref<1x10000xi32, #tpu.memory_space<hbm>> -> memref<10000xi32, #tpu.memory_space<hbm>>
      tpu.wait_dma2 semaphore(%run_scoped3A : memref<!tpu.dma_semaphore, #tpu.memory_space<semaphore_mem>>) src(%dma_wait3A_86 : memref<10000xi32, #tpu.memory_space<hbm>>) dst(%arg8 : memref<10000xi32, #tpu.memory_space<vmem>>)
      tpu.yield
    }) : () -> ()
    %scan3A = arith.constant 0 : i32
    %scan3A_11 = arith.constant 0 : i32
    %scan3A_12 = arith.constant 625 : i32
    %scan3A_13 = arith.addi %scan3A_11, %scan3A_12 : i32
    %scan3A_14 = arith.constant 5 : i32
    scf.for %scan3A_75 = %scan3A_11 to %scan3A_13 step %scan3A_14  : i32 {
      %broadcast_in_dim3A = arith.constant 0.000000e+00 : f32
      %broadcast_in_dim3A_76 = vector.broadcast %broadcast_in_dim3A : f32 to vector<16xf32>
      %mul3A_77 = arith.constant 16 : i32
      %mul3A_78 = arith.muli %scan3A_75, %mul3A_77 : i32
      %swap3A = arith.index_cast %mul3A_78 : i32 to index
      %swap3A_79 = tpu.vector_load %arg9[%swap3A] {strides = array<i32>} : memref<10000xf32, #tpu.memory_space<vmem>>, vector<16xf32>,
      tpu.vector_store %arg9[%swap3A], %broadcast_in_dim3A_76 {strides = array<i32>} : memref<10000xf32, #tpu.memory_space<vmem>>, vector<16xf32>,
      %mul3A_80 = arith.constant 16 : i32
      %mul3A_81 = arith.muli %scan3A_75, %mul3A_80 : i32
      %swap3A_82 = arith.index_cast %mul3A_81 : i32 to index
      %swap3A_83 = tpu.vector_load %arg10[%swap3A_82] {strides = array<i32>} : memref<10000xf32, #tpu.memory_space<vmem>>, vector<16xf32>,
      tpu.vector_store %arg10[%swap3A_82], %broadcast_in_dim3A_76 {strides = array<i32>} : memref<10000xf32, #tpu.memory_space<vmem>>, vector<16xf32>,
      %mul3A_84 = arith.constant 16 : i32
      %mul3A_85 = arith.muli %scan3A_75, %mul3A_84 : i32
      %swap3A_86 = arith.index_cast %mul3A_85 : i32 to index
      %swap3A_87 = tpu.vector_load %arg11[%swap3A_86] {strides = array<i32>} : memref<10000xf32, #tpu.memory_space<vmem>>, vector<16xf32>,
      tpu.vector_store %arg11[%swap3A_86], %broadcast_in_dim3A_76 {strides = array<i32>} : memref<10000xf32, #tpu.memory_space<vmem>>, vector<16xf32>,
      %mul3A_88 = arith.constant 16 : i32
      %mul3A_89 = arith.muli %scan3A_75, %mul3A_88 : i32
      %swap3A_90 = arith.index_cast %mul3A_89 : i32 to index
      %swap3A_91 = tpu.vector_load %arg12[%swap3A_90] {strides = array<i32>} : memref<10000xf32, #tpu.memory_space<vmem>>, vector<16xf32>,
      tpu.vector_store %arg12[%swap3A_90], %broadcast_in_dim3A_76 {strides = array<i32>} : memref<10000xf32, #tpu.memory_space<vmem>>, vector<16xf32>,
      %mul3A_92 = arith.constant 16 : i32
      %mul3A_93 = arith.muli %scan3A_75, %mul3A_92 : i32
      %swap3A_94 = arith.index_cast %mul3A_93 : i32 to index
      %swap3A_95 = tpu.vector_load %arg13[%swap3A_94] {strides = array<i32>} : memref<10000xf32, #tpu.memory_space<vmem>>, vector<16xf32>,
      tpu.vector_store %arg13[%swap3A_94], %broadcast_in_dim3A_76 {strides = array<i32>} : memref<10000xf32, #tpu.memory_space<vmem>>, vector<16xf32>,
      %mul3A_96 = arith.constant 16 : i32
      %mul3A_97 = arith.muli %scan3A_75, %mul3A_96 : i32
      %swap3A_98 = arith.index_cast %mul3A_97 : i32 to index
      %swap3A_99 = tpu.vector_load %arg14[%swap3A_98] {strides = array<i32>} : memref<10000xf32, #tpu.memory_space<vmem>>, vector<16xf32>,
      tpu.vector_store %arg14[%swap3A_98], %broadcast_in_dim3A_76 {strides = array<i32>} : memref<10000xf32, #tpu.memory_space<vmem>>, vector<16xf32>,
      %mul3A_100 = arith.constant 16 : i32
      %mul3A_101 = arith.muli %scan3A_75, %mul3A_100 : i32
      %swap3A_102 = arith.index_cast %mul3A_101 : i32 to index
      %swap3A_103 = tpu.vector_load %arg15[%swap3A_102] {strides = array<i32>} : memref<10000xf32, #tpu.memory_space<vmem>>, vector<16xf32>,
      tpu.vector_store %arg15[%swap3A_102], %broadcast_in_dim3A_76 {strides = array<i32>} : memref<10000xf32, #tpu.memory_space<vmem>>, vector<16xf32>,
      %mul3A_104 = arith.constant 16 : i32
      %mul3A_105 = arith.muli %scan3A_75, %mul3A_104 : i32
      %swap3A_106 = arith.index_cast %mul3A_105 : i32 to index
      %swap3A_107 = tpu.vector_load %arg16[%swap3A_106] {strides = array<i32>} : memref<10000xf32, #tpu.memory_space<vmem>>, vector<16xf32>,
      tpu.vector_store %arg16[%swap3A_106], %broadcast_in_dim3A_76 {strides = array<i32>} : memref<10000xf32, #tpu.memory_space<vmem>>, vector<16xf32>,
      %scan3A_108 = arith.constant 1 : i32
      %scan3A_109 = arith.addi %scan3A_75, %scan3A_108 : i32
      %broadcast_in_dim3A_110 = arith.constant 0.000000e+00 : f32
      %broadcast_in_dim3A_111 = vector.broadcast %broadcast_in_dim3A_110 : f32 to vector<16xf32>
      %mul3A_112 = arith.constant 16 : i32
      %mul3A_113 = arith.muli %scan3A_109, %mul3A_112 : i32
      %swap3A_114 = arith.index_cast %mul3A_113 : i32 to index
      %swap3A_115 = tpu.vector_load %arg9[%swap3A_114] {strides = array<i32>} : memref<10000xf32, #tpu.memory_space<vmem>>, vector<16xf32>,
      tpu.vector_store %arg9[%swap3A_114], %broadcast_in_dim3A_111 {strides = array<i32>} : memref<10000xf32, #tpu.memory_space<vmem>>, vector<16xf32>,
      %mul3A_116 = arith.constant 16 : i32
      %mul3A_117 = arith.muli %scan3A_109, %mul3A_116 : i32
      %swap3A_118 = arith.index_cast %mul3A_117 : i32 to index
      %swap3A_119 = tpu.vector_load %arg10[%swap3A_118] {strides = array<i32>} : memref<10000xf32, #tpu.memory_space<vmem>>, vector<16xf32>,
      tpu.vector_store %arg10[%swap3A_118], %broadcast_in_dim3A_111 {strides = array<i32>} : memref<10000xf32, #tpu.memory_space<vmem>>, vector<16xf32>,
      %mul3A_120 = arith.constant 16 : i32
      %mul3A_121 = arith.muli %scan3A_109, %mul3A_120 : i32
      %swap3A_122 = arith.index_cast %mul3A_121 : i32 to index
      %swap3A_123 = tpu.vector_load %arg11[%swap3A_122] {strides = array<i32>} : memref<10000xf32, #tpu.memory_space<vmem>>, vector<16xf32>,
      tpu.vector_store %arg11[%swap3A_122], %broadcast_in_dim3A_111 {strides = array<i32>} : memref<10000xf32, #tpu.memory_space<vmem>>, vector<16xf32>,
      %mul3A_124 = arith.constant 16 : i32
      %mul3A_125 = arith.muli %scan3A_109, %mul3A_124 : i32
      %swap3A_126 = arith.index_cast %mul3A_125 : i32 to index
      %swap3A_127 = tpu.vector_load %arg12[%swap3A_126] {strides = array<i32>} : memref<10000xf32, #tpu.memory_space<vmem>>, vector<16xf32>,
      tpu.vector_store %arg12[%swap3A_126], %broadcast_in_dim3A_111 {strides = array<i32>} : memref<10000xf32, #tpu.memory_space<vmem>>, vector<16xf32>,
      %mul3A_128 = arith.constant 16 : i32
      %mul3A_129 = arith.muli %scan3A_109, %mul3A_128 : i32
      %swap3A_130 = arith.index_cast %mul3A_129 : i32 to index
      %swap3A_131 = tpu.vector_load %arg13[%swap3A_130] {strides = array<i32>} : memref<10000xf32, #tpu.memory_space<vmem>>, vector<16xf32>,
      tpu.vector_store %arg13[%swap3A_130], %broadcast_in_dim3A_111 {strides = array<i32>} : memref<10000xf32, #tpu.memory_space<vmem>>, vector<16xf32>,
      %mul3A_132 = arith.constant 16 : i32
      %mul3A_133 = arith.muli %scan3A_109, %mul3A_132 : i32
      %swap3A_134 = arith.index_cast %mul3A_133 : i32 to index
      %swap3A_135 = tpu.vector_load %arg14[%swap3A_134] {strides = array<i32>} : memref<10000xf32, #tpu.memory_space<vmem>>, vector<16xf32>,
      tpu.vector_store %arg14[%swap3A_134], %broadcast_in_dim3A_111 {strides = array<i32>} : memref<10000xf32, #tpu.memory_space<vmem>>, vector<16xf32>,
      %mul3A_136 = arith.constant 16 : i32
      %mul3A_137 = arith.muli %scan3A_109, %mul3A_136 : i32
      %swap3A_138 = arith.index_cast %mul3A_137 : i32 to index
      %swap3A_139 = tpu.vector_load %arg15[%swap3A_138] {strides = array<i32>} : memref<10000xf32, #tpu.memory_space<vmem>>, vector<16xf32>,
      tpu.vector_store %arg15[%swap3A_138], %broadcast_in_dim3A_111 {strides = array<i32>} : memref<10000xf32, #tpu.memory_space<vmem>>, vector<16xf32>,
      %mul3A_140 = arith.constant 16 : i32
      %mul3A_141 = arith.muli %scan3A_109, %mul3A_140 : i32
      %swap3A_142 = arith.index_cast %mul3A_141 : i32 to index
      %swap3A_143 = tpu.vector_load %arg16[%swap3A_142] {strides = array<i32>} : memref<10000xf32, #tpu.memory_space<vmem>>, vector<16xf32>,
      tpu.vector_store %arg16[%swap3A_142], %broadcast_in_dim3A_111 {strides = array<i32>} : memref<10000xf32, #tpu.memory_space<vmem>>, vector<16xf32>,
      %scan3A_144 = arith.constant 2 : i32
      %scan3A_145 = arith.addi %scan3A_75, %scan3A_144 : i32
      %broadcast_in_dim3A_146 = arith.constant 0.000000e+00 : f32
      %broadcast_in_dim3A_147 = vector.broadcast %broadcast_in_dim3A_146 : f32 to vector<16xf32>
      %mul3A_148 = arith.constant 16 : i32
      %mul3A_149 = arith.muli %scan3A_145, %mul3A_148 : i32
      %swap3A_150 = arith.index_cast %mul3A_149 : i32 to index
      %swap3A_151 = tpu.vector_load %arg9[%swap3A_150] {strides = array<i32>} : memref<10000xf32, #tpu.memory_space<vmem>>, vector<16xf32>,
      tpu.vector_store %arg9[%swap3A_150], %broadcast_in_dim3A_147 {strides = array<i32>} : memref<10000xf32, #tpu.memory_space<vmem>>, vector<16xf32>,
      %mul3A_152 = arith.constant 16 : i32
      %mul3A_153 = arith.muli %scan3A_145, %mul3A_152 : i32
      %swap3A_154 = arith.index_cast %mul3A_153 : i32 to index
      %swap3A_155 = tpu.vector_load %arg10[%swap3A_154] {strides = array<i32>} : memref<10000xf32, #tpu.memory_space<vmem>>, vector<16xf32>,
      tpu.vector_store %arg10[%swap3A_154], %broadcast_in_dim3A_147 {strides = array<i32>} : memref<10000xf32, #tpu.memory_space<vmem>>, vector<16xf32>,
      %mul3A_156 = arith.constant 16 : i32
      %mul3A_157 = arith.muli %scan3A_145, %mul3A_156 : i32
      %swap3A_158 = arith.index_cast %mul3A_157 : i32 to index
      %swap3A_159 = tpu.vector_load %arg11[%swap3A_158] {strides = array<i32>} : memref<10000xf32, #tpu.memory_space<vmem>>, vector<16xf32>,
      tpu.vector_store %arg11[%swap3A_158], %broadcast_in_dim3A_147 {strides = array<i32>} : memref<10000xf32, #tpu.memory_space<vmem>>, vector<16xf32>,
      %mul3A_160 = arith.constant 16 : i32
      %mul3A_161 = arith.muli %scan3A_145, %mul3A_160 : i32
      %swap3A_162 = arith.index_cast %mul3A_161 : i32 to index
      %swap3A_163 = tpu.vector_load %arg12[%swap3A_162] {strides = array<i32>} : memref<10000xf32, #tpu.memory_space<vmem>>, vector<16xf32>,
      tpu.vector_store %arg12[%swap3A_162], %broadcast_in_dim3A_147 {strides = array<i32>} : memref<10000xf32, #tpu.memory_space<vmem>>, vector<16xf32>,
      %mul3A_164 = arith.constant 16 : i32
      %mul3A_165 = arith.muli %scan3A_145, %mul3A_164 : i32
      %swap3A_166 = arith.index_cast %mul3A_165 : i32 to index
      %swap3A_167 = tpu.vector_load %arg13[%swap3A_166] {strides = array<i32>} : memref<10000xf32, #tpu.memory_space<vmem>>, vector<16xf32>,
      tpu.vector_store %arg13[%swap3A_166], %broadcast_in_dim3A_147 {strides = array<i32>} : memref<10000xf32, #tpu.memory_space<vmem>>, vector<16xf32>,
      %mul3A_168 = arith.constant 16 : i32
      %mul3A_169 = arith.muli %scan3A_145, %mul3A_168 : i32
      %swap3A_170 = arith.index_cast %mul3A_169 : i32 to index
      %swap3A_171 = tpu.vector_load %arg14[%swap3A_170] {strides = array<i32>} : memref<10000xf32, #tpu.memory_space<vmem>>, vector<16xf32>,
      tpu.vector_store %arg14[%swap3A_170], %broadcast_in_dim3A_147 {strides = array<i32>} : memref<10000xf32, #tpu.memory_space<vmem>>, vector<16xf32>,
      %mul3A_172 = arith.constant 16 : i32
      %mul3A_173 = arith.muli %scan3A_145, %mul3A_172 : i32
      %swap3A_174 = arith.index_cast %mul3A_173 : i32 to index
      %swap3A_175 = tpu.vector_load %arg15[%swap3A_174] {strides = array<i32>} : memref<10000xf32, #tpu.memory_space<vmem>>, vector<16xf32>,
      tpu.vector_store %arg15[%swap3A_174], %broadcast_in_dim3A_147 {strides = array<i32>} : memref<10000xf32, #tpu.memory_space<vmem>>, vector<16xf32>,
      %mul3A_176 = arith.constant 16 : i32
      %mul3A_177 = arith.muli %scan3A_145, %mul3A_176 : i32
      %swap3A_178 = arith.index_cast %mul3A_177 : i32 to index
      %swap3A_179 = tpu.vector_load %arg16[%swap3A_178] {strides = array<i32>} : memref<10000xf32, #tpu.memory_space<vmem>>, vector<16xf32>,
      tpu.vector_store %arg16[%swap3A_178], %broadcast_in_dim3A_147 {strides = array<i32>} : memref<10000xf32, #tpu.memory_space<vmem>>, vector<16xf32>,
      %scan3A_180 = arith.constant 3 : i32
      %scan3A_181 = arith.addi %scan3A_75, %scan3A_180 : i32
      %broadcast_in_dim3A_182 = arith.constant 0.000000e+00 : f32
      %broadcast_in_dim3A_183 = vector.broadcast %broadcast_in_dim3A_182 : f32 to vector<16xf32>
      %mul3A_184 = arith.constant 16 : i32
      %mul3A_185 = arith.muli %scan3A_181, %mul3A_184 : i32
      %swap3A_186 = arith.index_cast %mul3A_185 : i32 to index
      %swap3A_187 = tpu.vector_load %arg9[%swap3A_186] {strides = array<i32>} : memref<10000xf32, #tpu.memory_space<vmem>>, vector<16xf32>,
      tpu.vector_store %arg9[%swap3A_186], %broadcast_in_dim3A_183 {strides = array<i32>} : memref<10000xf32, #tpu.memory_space<vmem>>, vector<16xf32>,
      %mul3A_188 = arith.constant 16 : i32
      %mul3A_189 = arith.muli %scan3A_181, %mul3A_188 : i32
      %swap3A_190 = arith.index_cast %mul3A_189 : i32 to index
      %swap3A_191 = tpu.vector_load %arg10[%swap3A_190] {strides = array<i32>} : memref<10000xf32, #tpu.memory_space<vmem>>, vector<16xf32>,
      tpu.vector_store %arg10[%swap3A_190], %broadcast_in_dim3A_183 {strides = array<i32>} : memref<10000xf32, #tpu.memory_space<vmem>>, vector<16xf32>,
      %mul3A_192 = arith.constant 16 : i32
      %mul3A_193 = arith.muli %scan3A_181, %mul3A_192 : i32
      %swap3A_194 = arith.index_cast %mul3A_193 : i32 to index
      %swap3A_195 = tpu.vector_load %arg11[%swap3A_194] {strides = array<i32>} : memref<10000xf32, #tpu.memory_space<vmem>>, vector<16xf32>,
      tpu.vector_store %arg11[%swap3A_194], %broadcast_in_dim3A_183 {strides = array<i32>} : memref<10000xf32, #tpu.memory_space<vmem>>, vector<16xf32>,
      %mul3A_196 = arith.constant 16 : i32
      %mul3A_197 = arith.muli %scan3A_181, %mul3A_196 : i32
      %swap3A_198 = arith.index_cast %mul3A_197 : i32 to index
      %swap3A_199 = tpu.vector_load %arg12[%swap3A_198] {strides = array<i32>} : memref<10000xf32, #tpu.memory_space<vmem>>, vector<16xf32>,
      tpu.vector_store %arg12[%swap3A_198], %broadcast_in_dim3A_183 {strides = array<i32>} : memref<10000xf32, #tpu.memory_space<vmem>>, vector<16xf32>,
      %mul3A_200 = arith.constant 16 : i32
      %mul3A_201 = arith.muli %scan3A_181, %mul3A_200 : i32
      %swap3A_202 = arith.index_cast %mul3A_201 : i32 to index
      %swap3A_203 = tpu.vector_load %arg13[%swap3A_202] {strides = array<i32>} : memref<10000xf32, #tpu.memory_space<vmem>>, vector<16xf32>,
      tpu.vector_store %arg13[%swap3A_202], %broadcast_in_dim3A_183 {strides = array<i32>} : memref<10000xf32, #tpu.memory_space<vmem>>, vector<16xf32>,
      %mul3A_204 = arith.constant 16 : i32
      %mul3A_205 = arith.muli %scan3A_181, %mul3A_204 : i32
      %swap3A_206 = arith.index_cast %mul3A_205 : i32 to index
      %swap3A_207 = tpu.vector_load %arg14[%swap3A_206] {strides = array<i32>} : memref<10000xf32, #tpu.memory_space<vmem>>, vector<16xf32>,
      tpu.vector_store %arg14[%swap3A_206], %broadcast_in_dim3A_183 {strides = array<i32>} : memref<10000xf32, #tpu.memory_space<vmem>>, vector<16xf32>,
      %mul3A_208 = arith.constant 16 : i32
      %mul3A_209 = arith.muli %scan3A_181, %mul3A_208 : i32
      %swap3A_210 = arith.index_cast %mul3A_209 : i32 to index
      %swap3A_211 = tpu.vector_load %arg15[%swap3A_210] {strides = array<i32>} : memref<10000xf32, #tpu.memory_space<vmem>>, vector<16xf32>,
      tpu.vector_store %arg15[%swap3A_210], %broadcast_in_dim3A_183 {strides = array<i32>} : memref<10000xf32, #tpu.memory_space<vmem>>, vector<16xf32>,
      %mul3A_212 = arith.constant 16 : i32
      %mul3A_213 = arith.muli %scan3A_181, %mul3A_212 : i32
      %swap3A_214 = arith.index_cast %mul3A_213 : i32 to index
      %swap3A_215 = tpu.vector_load %arg16[%swap3A_214] {strides = array<i32>} : memref<10000xf32, #tpu.memory_space<vmem>>, vector<16xf32>,
      tpu.vector_store %arg16[%swap3A_214], %broadcast_in_dim3A_183 {strides = array<i32>} : memref<10000xf32, #tpu.memory_space<vmem>>, vector<16xf32>,
      %scan3A_216 = arith.constant 4 : i32
      %scan3A_217 = arith.addi %scan3A_75, %scan3A_216 : i32
      %broadcast_in_dim3A_218 = arith.constant 0.000000e+00 : f32
      %broadcast_in_dim3A_219 = vector.broadcast %broadcast_in_dim3A_218 : f32 to vector<16xf32>
      %mul3A_220 = arith.constant 16 : i32
      %mul3A_221 = arith.muli %scan3A_217, %mul3A_220 : i32
      %swap3A_222 = arith.index_cast %mul3A_221 : i32 to index
      %swap3A_223 = tpu.vector_load %arg9[%swap3A_222] {strides = array<i32>} : memref<10000xf32, #tpu.memory_space<vmem>>, vector<16xf32>,
      tpu.vector_store %arg9[%swap3A_222], %broadcast_in_dim3A_219 {strides = array<i32>} : memref<10000xf32, #tpu.memory_space<vmem>>, vector<16xf32>,
      %mul3A_224 = arith.constant 16 : i32
      %mul3A_225 = arith.muli %scan3A_217, %mul3A_224 : i32
      %swap3A_226 = arith.index_cast %mul3A_225 : i32 to index
      %swap3A_227 = tpu.vector_load %arg10[%swap3A_226] {strides = array<i32>} : memref<10000xf32, #tpu.memory_space<vmem>>, vector<16xf32>,
      tpu.vector_store %arg10[%swap3A_226], %broadcast_in_dim3A_219 {strides = array<i32>} : memref<10000xf32, #tpu.memory_space<vmem>>, vector<16xf32>,
      %mul3A_228 = arith.constant 16 : i32
      %mul3A_229 = arith.muli %scan3A_217, %mul3A_228 : i32
      %swap3A_230 = arith.index_cast %mul3A_229 : i32 to index
      %swap3A_231 = tpu.vector_load %arg11[%swap3A_230] {strides = array<i32>} : memref<10000xf32, #tpu.memory_space<vmem>>, vector<16xf32>,
      tpu.vector_store %arg11[%swap3A_230], %broadcast_in_dim3A_219 {strides = array<i32>} : memref<10000xf32, #tpu.memory_space<vmem>>, vector<16xf32>,
      %mul3A_232 = arith.constant 16 : i32
      %mul3A_233 = arith.muli %scan3A_217, %mul3A_232 : i32
      %swap3A_234 = arith.index_cast %mul3A_233 : i32 to index
      %swap3A_235 = tpu.vector_load %arg12[%swap3A_234] {strides = array<i32>} : memref<10000xf32, #tpu.memory_space<vmem>>, vector<16xf32>,
      tpu.vector_store %arg12[%swap3A_234], %broadcast_in_dim3A_219 {strides = array<i32>} : memref<10000xf32, #tpu.memory_space<vmem>>, vector<16xf32>,
      %mul3A_236 = arith.constant 16 : i32
      %mul3A_237 = arith.muli %scan3A_217, %mul3A_236 : i32
      %swap3A_238 = arith.index_cast %mul3A_237 : i32 to index
      %swap3A_239 = tpu.vector_load %arg13[%swap3A_238] {strides = array<i32>} : memref<10000xf32, #tpu.memory_space<vmem>>, vector<16xf32>,
      tpu.vector_store %arg13[%swap3A_238], %broadcast_in_dim3A_219 {strides = array<i32>} : memref<10000xf32, #tpu.memory_space<vmem>>, vector<16xf32>,
      %mul3A_240 = arith.constant 16 : i32
      %mul3A_241 = arith.muli %scan3A_217, %mul3A_240 : i32
      %swap3A_242 = arith.index_cast %mul3A_241 : i32 to index
      %swap3A_243 = tpu.vector_load %arg14[%swap3A_242] {strides = array<i32>} : memref<10000xf32, #tpu.memory_space<vmem>>, vector<16xf32>,
      tpu.vector_store %arg14[%swap3A_242], %broadcast_in_dim3A_219 {strides = array<i32>} : memref<10000xf32, #tpu.memory_space<vmem>>, vector<16xf32>,
      %mul3A_244 = arith.constant 16 : i32
      %mul3A_245 = arith.muli %scan3A_217, %mul3A_244 : i32
      %swap3A_246 = arith.index_cast %mul3A_245 : i32 to index
      %swap3A_247 = tpu.vector_load %arg15[%swap3A_246] {strides = array<i32>} : memref<10000xf32, #tpu.memory_space<vmem>>, vector<16xf32>,
      tpu.vector_store %arg15[%swap3A_246], %broadcast_in_dim3A_219 {strides = array<i32>} : memref<10000xf32, #tpu.memory_space<vmem>>, vector<16xf32>,
      %mul3A_248 = arith.constant 16 : i32
      %mul3A_249 = arith.muli %scan3A_217, %mul3A_248 : i32
      %swap3A_250 = arith.index_cast %mul3A_249 : i32 to index
      %swap3A_251 = tpu.vector_load %arg16[%swap3A_250] {strides = array<i32>} : memref<10000xf32, #tpu.memory_space<vmem>>, vector<16xf32>,
      tpu.vector_store %arg16[%swap3A_250], %broadcast_in_dim3A_219 {strides = array<i32>} : memref<10000xf32, #tpu.memory_space<vmem>>, vector<16xf32>,
    }
    %scan3A_15 = arith.constant 625 : i32
    %multiple_of3A = arith.constant 0 : i32
    %multiple_of3A_16 = tpu.assume_multiple %multiple_of3A, 8 : i32
    %dma_start3A = arith.constant 0 : i32
    %dma_start3A_17 = arith.constant 0 : i32
    %dma_start3A_18 = arith.constant 0 : i32
    %dma_start3A_19 = tpu.memref_slice %arg17[%dma_start3A, %dma_start3A_17, %dma_start3A_18] : memref<2x2x1280xi32, #tpu.memory_space<vmem>> -> memref<1x2x1280xi32, #tpu.memory_space<vmem>>
    %dma_start3A_20 = tpu.memref_squeeze %dma_start3A_19 : memref<1x2x1280xi32, #tpu.memory_space<vmem>> -> memref<2x1280xi32, #tpu.memory_space<vmem>>
    %dma_start3A_21 = arith.constant 0 : i32
    %dma_start3A_22 = tpu.memref_slice %arg3[%dma_start3A_21, %multiple_of3A_16] : memref<2x160000xi32, #tpu.memory_space<hbm>> -> memref<2x1280xi32, #tpu.memory_space<hbm>>
    %dma_start3A_23 = arith.constant 0 : i32
    %dma_start3A_24 = arith.constant 0 : i32
    %dma_start3A_25 = tpu.memref_slice %arg17[%dma_start3A, %dma_start3A_23, %dma_start3A_24] : memref<2x2x1280xi32, #tpu.memory_space<vmem>> -> memref<1x2x1280xi32, #tpu.memory_space<vmem>>
    %dma_start3A_26 = tpu.memref_squeeze %dma_start3A_25 : memref<1x2x1280xi32, #tpu.memory_space<vmem>> -> memref<2x1280xi32, #tpu.memory_space<vmem>>
    %dma_start3A_27 = arith.constant 0 : i32
    %dma_start3A_28 = tpu.memref_slice %arg3[%dma_start3A_27, %multiple_of3A_16] : memref<2x160000xi32, #tpu.memory_space<hbm>> -> memref<2x1280xi32, #tpu.memory_space<hbm>>
    tpu.enqueue_dma source(%dma_start3A_28 : memref<2x1280xi32, #tpu.memory_space<hbm>>) target(%dma_start3A_26 : memref<2x1280xi32, #tpu.memory_space<vmem>>) target_semaphore(%arg18 : memref<!tpu.dma_semaphore, #tpu.memory_space<semaphore_mem>>)
    %scan3A_29 = arith.constant 0 : i32
    %scan3A_30 = arith.constant 0 : i32
    %scan3A_31 = arith.constant 62 : i32
    %scan3A_32 = arith.addi %scan3A_30, %scan3A_31 : i32
    %scan3A_33 = arith.constant 1 : i32
    scf.for %scan3A_75 = %scan3A_30 to %scan3A_32 step %scan3A_33  : i32 {
      %mul3A_76 = arith.constant 2 : i32
      %mul3A_77 = arith.muli %scan3A_75, %mul3A_76 : i32
      %add3A_78 = arith.constant 1 : i32
      %add3A_79 = arith.addi %mul3A_77, %add3A_78 : i32
      %mul3A_80 = arith.constant 1280 : i32
      %mul3A_81 = arith.muli %add3A_79, %mul3A_80 : i32
      %multiple_of3A_82 = tpu.assume_multiple %mul3A_81, 8 : i32
      %dma_start3A_83 = arith.constant 1 : i32
      %dma_start3A_84 = arith.constant 0 : i32
      %dma_start3A_85 = arith.constant 0 : i32
      %dma_start3A_86 = tpu.memref_slice %arg17[%dma_start3A_83, %dma_start3A_84, %dma_start3A_85] : memref<2x2x1280xi32, #tpu.memory_space<vmem>> -> memref<1x2x1280xi32, #tpu.memory_space<vmem>>
      %dma_start3A_87 = tpu.memref_squeeze %dma_start3A_86 : memref<1x2x1280xi32, #tpu.memory_space<vmem>> -> memref<2x1280xi32, #tpu.memory_space<vmem>>
      %dma_start3A_88 = arith.constant 0 : i32
      %dma_start3A_89 = tpu.memref_slice %arg3[%dma_start3A_88, %multiple_of3A_82] : memref<2x160000xi32, #tpu.memory_space<hbm>> -> memref<2x1280xi32, #tpu.memory_space<hbm>>
      %dma_start3A_90 = arith.constant 0 : i32
      %dma_start3A_91 = arith.constant 0 : i32
      %dma_start3A_92 = tpu.memref_slice %arg17[%dma_start3A_83, %dma_start3A_90, %dma_start3A_91] : memref<2x2x1280xi32, #tpu.memory_space<vmem>> -> memref<1x2x1280xi32, #tpu.memory_space<vmem>>
      %dma_start3A_93 = tpu.memref_squeeze %dma_start3A_92 : memref<1x2x1280xi32, #tpu.memory_space<vmem>> -> memref<2x1280xi32, #tpu.memory_space<vmem>>
      %dma_start3A_94 = arith.constant 0 : i32
      %dma_start3A_95 = tpu.memref_slice %arg3[%dma_start3A_94, %multiple_of3A_82] : memref<2x160000xi32, #tpu.memory_space<hbm>> -> memref<2x1280xi32, #tpu.memory_space<hbm>>
      tpu.enqueue_dma source(%dma_start3A_95 : memref<2x1280xi32, #tpu.memory_space<hbm>>) target(%dma_start3A_93 : memref<2x1280xi32, #tpu.memory_space<vmem>>) target_semaphore(%arg19 : memref<!tpu.dma_semaphore, #tpu.memory_space<semaphore_mem>>)
      %dma_wait3A_96 = arith.constant 0 : i32
      %dma_wait3A_97 = arith.constant 0 : i32
      %dma_wait3A_98 = arith.constant 0 : i32
      %dma_wait3A_99 = tpu.memref_slice %arg17[%dma_wait3A_96, %dma_wait3A_97, %dma_wait3A_98] : memref<2x2x1280xi32, #tpu.memory_space<vmem>> -> memref<1x2x1280xi32, #tpu.memory_space<vmem>>
      %dma_wait3A_100 = tpu.memref_squeeze %dma_wait3A_99 : memref<1x2x1280xi32, #tpu.memory_space<vmem>> -> memref<2x1280xi32, #tpu.memory_space<vmem>>
      %dma_wait3A_101 = arith.constant 0 : i32
      %dma_wait3A_102 = arith.constant 0 : i32
      %dma_wait3A_103 = tpu.memref_slice %arg3[%dma_wait3A_101, %dma_wait3A_102] : memref<2x160000xi32, #tpu.memory_space<hbm>> -> memref<2x1280xi32, #tpu.memory_space<hbm>>
      %dma_wait3A_104 = arith.constant 0 : i32
      %dma_wait3A_105 = arith.constant 0 : i32
      %dma_wait3A_106 = tpu.memref_slice %arg17[%dma_wait3A_96, %dma_wait3A_104, %dma_wait3A_105] : memref<2x2x1280xi32, #tpu.memory_space<vmem>> -> memref<1x2x1280xi32, #tpu.memory_space<vmem>>
      %dma_wait3A_107 = tpu.memref_squeeze %dma_wait3A_106 : memref<1x2x1280xi32, #tpu.memory_space<vmem>> -> memref<2x1280xi32, #tpu.memory_space<vmem>>
      %dma_wait3A_108 = arith.constant 0 : i32
      %dma_wait3A_109 = arith.constant 0 : i32
      %dma_wait3A_110 = tpu.memref_slice %arg3[%dma_wait3A_108, %dma_wait3A_109] : memref<2x160000xi32, #tpu.memory_space<hbm>> -> memref<2x1280xi32, #tpu.memory_space<hbm>>
      tpu.wait_dma2 semaphore(%arg18 : memref<!tpu.dma_semaphore, #tpu.memory_space<semaphore_mem>>) src(%dma_wait3A_110 : memref<2x1280xi32, #tpu.memory_space<hbm>>) dst(%dma_wait3A_107 : memref<2x1280xi32, #tpu.memory_space<vmem>>)
      %parallel_loop3A_111 = arith.constant 0 : i32
      %parallel_loop3A_112 = arith.constant 20 : i32
      %parallel_loop3A_113 = arith.constant 1 : i32
      scf.for %parallel_loop3A_136 = %parallel_loop3A_111 to %parallel_loop3A_112 step %parallel_loop3A_113  : i32 {
        %parallel_loop3A_137 = arith.constant 4 : i32
        %parallel_loop3A_138 = arith.muli %parallel_loop3A_136, %parallel_loop3A_137 : i32
        %parallel_loop3A_139 = arith.constant 0 : i32
        %parallel_loop3A_140 = arith.addi %parallel_loop3A_138, %parallel_loop3A_139 : i32
        %parallel_loop3A_141 = arith.constant 16 : i32
        %parallel_loop3A_142 = arith.muli %parallel_loop3A_140, %parallel_loop3A_141 : i32
        %parallel_loop3A_143 = arith.constant 0 : i32
        %parallel_loop3A_144 = arith.constant 0 : i32
        %parallel_loop3A_145 = arith.index_cast %parallel_loop3A_143 : i32 to index
        %parallel_loop3A_146 = arith.index_cast %parallel_loop3A_144 : i32 to index
        %parallel_loop3A_147 = arith.index_cast %parallel_loop3A_142 : i32 to index
        %parallel_loop3A_148 = tpu.vector_load %arg17[%parallel_loop3A_145, %parallel_loop3A_146, %parallel_loop3A_147] {strides = array<i32>} : memref<2x2x1280xi32, #tpu.memory_space<vmem>>, vector<16xi32>,
        %parallel_loop3A_149 = arith.constant 0 : i32
        %parallel_loop3A_150 = arith.constant 1 : i32
        %parallel_loop3A_151 = arith.index_cast %parallel_loop3A_149 : i32 to index
        %parallel_loop3A_152 = arith.index_cast %parallel_loop3A_150 : i32 to index
        %parallel_loop3A_153 = arith.index_cast %parallel_loop3A_142 : i32 to index
        %parallel_loop3A_154 = tpu.vector_load %arg17[%parallel_loop3A_151, %parallel_loop3A_152, %parallel_loop3A_153] {strides = array<i32>} : memref<2x2x1280xi32, #tpu.memory_space<vmem>>, vector<16xi32>,
        %parallel_loop3A_155 = vector.bitcast %parallel_loop3A_154 : vector<16xi32> to vector<16xf32>
        %parallel_loop3A_156 = arith.constant 65535 : i32
        %parallel_loop3A_157 = vector.broadcast %parallel_loop3A_156 : i32 to vector<16xi32>
        %parallel_loop3A_158 = arith.andi %parallel_loop3A_148, %parallel_loop3A_157 : vector<16xi32>
        %parallel_loop3A_159 = arith.constant 16 : i32
        %parallel_loop3A_160 = vector.broadcast %parallel_loop3A_159 : i32 to vector<16xi32>
        %parallel_loop3A_161 = arith.shrui %parallel_loop3A_148, %parallel_loop3A_160 : vector<16xi32>
        %parallel_loop3A_162 = tpu.vector_load_idx %arg5[%parallel_loop3A_158] : memref<10000xi32, #tpu.memory_space<vmem>>[vector<16xi32>], vector<16xi32>,
        %parallel_loop3A_163 = tpu.vector_load_idx %arg6[%parallel_loop3A_158] : memref<10000xi32, #tpu.memory_space<vmem>>[vector<16xi32>], vector<16xi32>,
        %parallel_loop3A_164 = tpu.vector_load_idx %arg7[%parallel_loop3A_158] : memref<10000xi32, #tpu.memory_space<vmem>>[vector<16xi32>], vector<16xi32>,
        %parallel_loop3A_165 = tpu.vector_load_idx %arg8[%parallel_loop3A_158] : memref<10000xi32, #tpu.memory_space<vmem>>[vector<16xi32>], vector<16xi32>,
        %parallel_loop3A_166 = arith.constant 4 : i32
        %parallel_loop3A_167 = arith.muli %parallel_loop3A_136, %parallel_loop3A_166 : i32
        %parallel_loop3A_168 = arith.constant 1 : i32
        %parallel_loop3A_169 = arith.addi %parallel_loop3A_167, %parallel_loop3A_168 : i32
        %parallel_loop3A_170 = arith.constant 16 : i32
        %parallel_loop3A_171 = arith.muli %parallel_loop3A_169, %parallel_loop3A_170 : i32
        %parallel_loop3A_172 = arith.constant 0 : i32
        %parallel_loop3A_173 = arith.constant 0 : i32
        %parallel_loop3A_174 = arith.index_cast %parallel_loop3A_172 : i32 to index
        %parallel_loop3A_175 = arith.index_cast %parallel_loop3A_173 : i32 to index
        %parallel_loop3A_176 = arith.index_cast %parallel_loop3A_171 : i32 to index
        %parallel_loop3A_177 = tpu.vector_load %arg17[%parallel_loop3A_174, %parallel_loop3A_175, %parallel_loop3A_176] {strides = array<i32>} : memref<2x2x1280xi32, #tpu.memory_space<vmem>>, vector<16xi32>,
        %parallel_loop3A_178 = arith.constant 0 : i32
        %parallel_loop3A_179 = arith.constant 1 : i32
        %parallel_loop3A_180 = arith.index_cast %parallel_loop3A_178 : i32 to index
        %parallel_loop3A_181 = arith.index_cast %parallel_loop3A_179 : i32 to index
        %parallel_loop3A_182 = arith.index_cast %parallel_loop3A_171 : i32 to index
        %parallel_loop3A_183 = tpu.vector_load %arg17[%parallel_loop3A_180, %parallel_loop3A_181, %parallel_loop3A_182] {strides = array<i32>} : memref<2x2x1280xi32, #tpu.memory_space<vmem>>, vector<16xi32>,
        %parallel_loop3A_184 = vector.bitcast %parallel_loop3A_183 : vector<16xi32> to vector<16xf32>
        %parallel_loop3A_185 = arith.constant 65535 : i32
        %parallel_loop3A_186 = vector.broadcast %parallel_loop3A_185 : i32 to vector<16xi32>
        %parallel_loop3A_187 = arith.andi %parallel_loop3A_177, %parallel_loop3A_186 : vector<16xi32>
        %parallel_loop3A_188 = arith.constant 16 : i32
        %parallel_loop3A_189 = vector.broadcast %parallel_loop3A_188 : i32 to vector<16xi32>
        %parallel_loop3A_190 = arith.shrui %parallel_loop3A_177, %parallel_loop3A_189 : vector<16xi32>
        %parallel_loop3A_191 = tpu.vector_load_idx %arg5[%parallel_loop3A_187] : memref<10000xi32, #tpu.memory_space<vmem>>[vector<16xi32>], vector<16xi32>,
        %parallel_loop3A_192 = tpu.vector_load_idx %arg6[%parallel_loop3A_187] : memref<10000xi32, #tpu.memory_space<vmem>>[vector<16xi32>], vector<16xi32>,
        %parallel_loop3A_193 = tpu.vector_load_idx %arg7[%parallel_loop3A_187] : memref<10000xi32, #tpu.memory_space<vmem>>[vector<16xi32>], vector<16xi32>,
        %parallel_loop3A_194 = tpu.vector_load_idx %arg8[%parallel_loop3A_187] : memref<10000xi32, #tpu.memory_space<vmem>>[vector<16xi32>], vector<16xi32>,
        %parallel_loop3A_195 = arith.constant 4 : i32
        %parallel_loop3A_196 = arith.muli %parallel_loop3A_136, %parallel_loop3A_195 : i32
        %parallel_loop3A_197 = arith.constant 2 : i32
        %parallel_loop3A_198 = arith.addi %parallel_loop3A_196, %parallel_loop3A_197 : i32
        %parallel_loop3A_199 = arith.constant 16 : i32
        %parallel_loop3A_200 = arith.muli %parallel_loop3A_198, %parallel_loop3A_199 : i32
        %parallel_loop3A_201 = arith.constant 0 : i32
        %parallel_loop3A_202 = arith.constant 0 : i32
        %parallel_loop3A_203 = arith.index_cast %parallel_loop3A_201 : i32 to index
        %parallel_loop3A_204 = arith.index_cast %parallel_loop3A_202 : i32 to index
        %parallel_loop3A_205 = arith.index_cast %parallel_loop3A_200 : i32 to index
        %parallel_loop3A_206 = tpu.vector_load %arg17[%parallel_loop3A_203, %parallel_loop3A_204, %parallel_loop3A_205] {strides = array<i32>} : memref<2x2x1280xi32, #tpu.memory_space<vmem>>, vector<16xi32>,
        %parallel_loop3A_207 = arith.constant 0 : i32
        %parallel_loop3A_208 = arith.constant 1 : i32
        %parallel_loop3A_209 = arith.index_cast %parallel_loop3A_207 : i32 to index
        %parallel_loop3A_210 = arith.index_cast %parallel_loop3A_208 : i32 to index
        %parallel_loop3A_211 = arith.index_cast %parallel_loop3A_200 : i32 to index
        %parallel_loop3A_212 = tpu.vector_load %arg17[%parallel_loop3A_209, %parallel_loop3A_210, %parallel_loop3A_211] {strides = array<i32>} : memref<2x2x1280xi32, #tpu.memory_space<vmem>>, vector<16xi32>,
        %parallel_loop3A_213 = vector.bitcast %parallel_loop3A_212 : vector<16xi32> to vector<16xf32>
        %parallel_loop3A_214 = arith.constant 65535 : i32
        %parallel_loop3A_215 = vector.broadcast %parallel_loop3A_214 : i32 to vector<16xi32>
        %parallel_loop3A_216 = arith.andi %parallel_loop3A_206, %parallel_loop3A_215 : vector<16xi32>
        %parallel_loop3A_217 = arith.constant 16 : i32
        %parallel_loop3A_218 = vector.broadcast %parallel_loop3A_217 : i32 to vector<16xi32>
        %parallel_loop3A_219 = arith.shrui %parallel_loop3A_206, %parallel_loop3A_218 : vector<16xi32>
        %parallel_loop3A_220 = tpu.vector_load_idx %arg5[%parallel_loop3A_216] : memref<10000xi32, #tpu.memory_space<vmem>>[vector<16xi32>], vector<16xi32>,
        %parallel_loop3A_221 = tpu.vector_load_idx %arg6[%parallel_loop3A_216] : memref<10000xi32, #tpu.memory_space<vmem>>[vector<16xi32>], vector<16xi32>,
        %parallel_loop3A_222 = tpu.vector_load_idx %arg7[%parallel_loop3A_216] : memref<10000xi32, #tpu.memory_space<vmem>>[vector<16xi32>], vector<16xi32>,
        %parallel_loop3A_223 = tpu.vector_load_idx %arg8[%parallel_loop3A_216] : memref<10000xi32, #tpu.memory_space<vmem>>[vector<16xi32>], vector<16xi32>,
        %parallel_loop3A_224 = arith.constant 4 : i32
        %parallel_loop3A_225 = arith.muli %parallel_loop3A_136, %parallel_loop3A_224 : i32
        %parallel_loop3A_226 = arith.constant 3 : i32
        %parallel_loop3A_227 = arith.addi %parallel_loop3A_225, %parallel_loop3A_226 : i32
        %parallel_loop3A_228 = arith.constant 16 : i32
        %parallel_loop3A_229 = arith.muli %parallel_loop3A_227, %parallel_loop3A_228 : i32
        %parallel_loop3A_230 = arith.constant 0 : i32
        %parallel_loop3A_231 = arith.constant 0 : i32
        %parallel_loop3A_232 = arith.index_cast %parallel_loop3A_230 : i32 to index
        %parallel_loop3A_233 = arith.index_cast %parallel_loop3A_231 : i32 to index
        %parallel_loop3A_234 = arith.index_cast %parallel_loop3A_229 : i32 to index
        %parallel_loop3A_235 = tpu.vector_load %arg17[%parallel_loop3A_232, %parallel_loop3A_233, %parallel_loop3A_234] {strides = array<i32>} : memref<2x2x1280xi32, #tpu.memory_space<vmem>>, vector<16xi32>,
        %parallel_loop3A_236 = arith.constant 0 : i32
        %parallel_loop3A_237 = arith.constant 1 : i32
        %parallel_loop3A_238 = arith.index_cast %parallel_loop3A_236 : i32 to index
        %parallel_loop3A_239 = arith.index_cast %parallel_loop3A_237 : i32 to index
        %parallel_loop3A_240 = arith.index_cast %parallel_loop3A_229 : i32 to index
        %parallel_loop3A_241 = tpu.vector_load %arg17[%parallel_loop3A_238, %parallel_loop3A_239, %parallel_loop3A_240] {strides = array<i32>} : memref<2x2x1280xi32, #tpu.memory_space<vmem>>, vector<16xi32>,
        %parallel_loop3A_242 = vector.bitcast %parallel_loop3A_241 : vector<16xi32> to vector<16xf32>
        %parallel_loop3A_243 = arith.constant 65535 : i32
        %parallel_loop3A_244 = vector.broadcast %parallel_loop3A_243 : i32 to vector<16xi32>
        %parallel_loop3A_245 = arith.andi %parallel_loop3A_235, %parallel_loop3A_244 : vector<16xi32>
        %parallel_loop3A_246 = arith.constant 16 : i32
        %parallel_loop3A_247 = vector.broadcast %parallel_loop3A_246 : i32 to vector<16xi32>
        %parallel_loop3A_248 = arith.shrui %parallel_loop3A_235, %parallel_loop3A_247 : vector<16xi32>
        %parallel_loop3A_249 = tpu.vector_load_idx %arg5[%parallel_loop3A_245] : memref<10000xi32, #tpu.memory_space<vmem>>[vector<16xi32>], vector<16xi32>,
        %parallel_loop3A_250 = tpu.vector_load_idx %arg6[%parallel_loop3A_245] : memref<10000xi32, #tpu.memory_space<vmem>>[vector<16xi32>], vector<16xi32>,
        %parallel_loop3A_251 = tpu.vector_load_idx %arg7[%parallel_loop3A_245] : memref<10000xi32, #tpu.memory_space<vmem>>[vector<16xi32>], vector<16xi32>,
        %parallel_loop3A_252 = tpu.vector_load_idx %arg8[%parallel_loop3A_245] : memref<10000xi32, #tpu.memory_space<vmem>>[vector<16xi32>], vector<16xi32>,
        %parallel_loop3A_253 = arith.constant 16 : i32
        %parallel_loop3A_254 = vector.broadcast %parallel_loop3A_253 : i32 to vector<16xi32>
        %parallel_loop3A_255 = arith.shli %parallel_loop3A_162, %parallel_loop3A_254 : vector<16xi32>
        %parallel_loop3A_256 = vector.bitcast %parallel_loop3A_255 : vector<16xi32> to vector<16xf32>
        %parallel_loop3A_257 = arith.constant -65536 : i32
        %parallel_loop3A_258 = vector.broadcast %parallel_loop3A_257 : i32 to vector<16xi32>
        %parallel_loop3A_259 = arith.andi %parallel_loop3A_162, %parallel_loop3A_258 : vector<16xi32>
        %parallel_loop3A_260 = vector.bitcast %parallel_loop3A_259 : vector<16xi32> to vector<16xf32>
        %parallel_loop3A_261 = arith.mulf %parallel_loop3A_256, %parallel_loop3A_155 : vector<16xf32>
        tpu.vector_store_idx %arg9[%parallel_loop3A_161], %parallel_loop3A_261 {add = true} : memref<10000xf32, #tpu.memory_space<vmem>>[vector<16xi32>], vector<16xf32>,
        %parallel_loop3A_262 = arith.mulf %parallel_loop3A_260, %parallel_loop3A_155 : vector<16xf32>
        tpu.vector_store_idx %arg13[%parallel_loop3A_161], %parallel_loop3A_262 {add = true} : memref<10000xf32, #tpu.memory_space<vmem>>[vector<16xi32>], vector<16xf32>,
        %parallel_loop3A_263 = arith.constant 16 : i32
        %parallel_loop3A_264 = vector.broadcast %parallel_loop3A_263 : i32 to vector<16xi32>
        %parallel_loop3A_265 = arith.shli %parallel_loop3A_163, %parallel_loop3A_264 : vector<16xi32>
        %parallel_loop3A_266 = vector.bitcast %parallel_loop3A_265 : vector<16xi32> to vector<16xf32>
        %parallel_loop3A_267 = arith.constant -65536 : i32
        %parallel_loop3A_268 = vector.broadcast %parallel_loop3A_267 : i32 to vector<16xi32>
        %parallel_loop3A_269 = arith.andi %parallel_loop3A_163, %parallel_loop3A_268 : vector<16xi32>
        %parallel_loop3A_270 = vector.bitcast %parallel_loop3A_269 : vector<16xi32> to vector<16xf32>
        %parallel_loop3A_271 = arith.mulf %parallel_loop3A_266, %parallel_loop3A_155 : vector<16xf32>
        tpu.vector_store_idx %arg10[%parallel_loop3A_161], %parallel_loop3A_271 {add = true} : memref<10000xf32, #tpu.memory_space<vmem>>[vector<16xi32>], vector<16xf32>,
        %parallel_loop3A_272 = arith.mulf %parallel_loop3A_270, %parallel_loop3A_155 : vector<16xf32>
        tpu.vector_store_idx %arg14[%parallel_loop3A_161], %parallel_loop3A_272 {add = true} : memref<10000xf32, #tpu.memory_space<vmem>>[vector<16xi32>], vector<16xf32>,
        %parallel_loop3A_273 = arith.constant 16 : i32
        %parallel_loop3A_274 = vector.broadcast %parallel_loop3A_273 : i32 to vector<16xi32>
        %parallel_loop3A_275 = arith.shli %parallel_loop3A_164, %parallel_loop3A_274 : vector<16xi32>
        %parallel_loop3A_276 = vector.bitcast %parallel_loop3A_275 : vector<16xi32> to vector<16xf32>
        %parallel_loop3A_277 = arith.constant -65536 : i32
        %parallel_loop3A_278 = vector.broadcast %parallel_loop3A_277 : i32 to vector<16xi32>
        %parallel_loop3A_279 = arith.andi %parallel_loop3A_164, %parallel_loop3A_278 : vector<16xi32>
        %parallel_loop3A_280 = vector.bitcast %parallel_loop3A_279 : vector<16xi32> to vector<16xf32>
        %parallel_loop3A_281 = arith.mulf %parallel_loop3A_276, %parallel_loop3A_155 : vector<16xf32>
        tpu.vector_store_idx %arg11[%parallel_loop3A_161], %parallel_loop3A_281 {add = true} : memref<10000xf32, #tpu.memory_space<vmem>>[vector<16xi32>], vector<16xf32>,
        %parallel_loop3A_282 = arith.mulf %parallel_loop3A_280, %parallel_loop3A_155 : vector<16xf32>
        tpu.vector_store_idx %arg15[%parallel_loop3A_161], %parallel_loop3A_282 {add = true} : memref<10000xf32, #tpu.memory_space<vmem>>[vector<16xi32>], vector<16xf32>,
        %parallel_loop3A_283 = arith.constant 16 : i32
        %parallel_loop3A_284 = vector.broadcast %parallel_loop3A_283 : i32 to vector<16xi32>
        %parallel_loop3A_285 = arith.shli %parallel_loop3A_165, %parallel_loop3A_284 : vector<16xi32>
        %parallel_loop3A_286 = vector.bitcast %parallel_loop3A_285 : vector<16xi32> to vector<16xf32>
        %parallel_loop3A_287 = arith.constant -65536 : i32
        %parallel_loop3A_288 = vector.broadcast %parallel_loop3A_287 : i32 to vector<16xi32>
        %parallel_loop3A_289 = arith.andi %parallel_loop3A_165, %parallel_loop3A_288 : vector<16xi32>
        %parallel_loop3A_290 = vector.bitcast %parallel_loop3A_289 : vector<16xi32> to vector<16xf32>
        %parallel_loop3A_291 = arith.mulf %parallel_loop3A_286, %parallel_loop3A_155 : vector<16xf32>
        tpu.vector_store_idx %arg12[%parallel_loop3A_161], %parallel_loop3A_291 {add = true} : memref<10000xf32, #tpu.memory_space<vmem>>[vector<16xi32>], vector<16xf32>,
        %parallel_loop3A_292 = arith.mulf %parallel_loop3A_290, %parallel_loop3A_155 : vector<16xf32>
        tpu.vector_store_idx %arg16[%parallel_loop3A_161], %parallel_loop3A_292 {add = true} : memref<10000xf32, #tpu.memory_space<vmem>>[vector<16xi32>], vector<16xf32>,
        %parallel_loop3A_293 = arith.constant 16 : i32
        %parallel_loop3A_294 = vector.broadcast %parallel_loop3A_293 : i32 to vector<16xi32>
        %parallel_loop3A_295 = arith.shli %parallel_loop3A_191, %parallel_loop3A_294 : vector<16xi32>
        %parallel_loop3A_296 = vector.bitcast %parallel_loop3A_295 : vector<16xi32> to vector<16xf32>
        %parallel_loop3A_297 = arith.constant -65536 : i32
        %parallel_loop3A_298 = vector.broadcast %parallel_loop3A_297 : i32 to vector<16xi32>
        %parallel_loop3A_299 = arith.andi %parallel_loop3A_191, %parallel_loop3A_298 : vector<16xi32>
        %parallel_loop3A_300 = vector.bitcast %parallel_loop3A_299 : vector<16xi32> to vector<16xf32>
        %parallel_loop3A_301 = arith.mulf %parallel_loop3A_296, %parallel_loop3A_184 : vector<16xf32>
        tpu.vector_store_idx %arg9[%parallel_loop3A_190], %parallel_loop3A_301 {add = true} : memref<10000xf32, #tpu.memory_space<vmem>>[vector<16xi32>], vector<16xf32>,
        %parallel_loop3A_302 = arith.mulf %parallel_loop3A_300, %parallel_loop3A_184 : vector<16xf32>
        tpu.vector_store_idx %arg13[%parallel_loop3A_190], %parallel_loop3A_302 {add = true} : memref<10000xf32, #tpu.memory_space<vmem>>[vector<16xi32>], vector<16xf32>,
        %parallel_loop3A_303 = arith.constant 16 : i32
        %parallel_loop3A_304 = vector.broadcast %parallel_loop3A_303 : i32 to vector<16xi32>
        %parallel_loop3A_305 = arith.shli %parallel_loop3A_192, %parallel_loop3A_304 : vector<16xi32>
        %parallel_loop3A_306 = vector.bitcast %parallel_loop3A_305 : vector<16xi32> to vector<16xf32>
        %parallel_loop3A_307 = arith.constant -65536 : i32
        %parallel_loop3A_308 = vector.broadcast %parallel_loop3A_307 : i32 to vector<16xi32>
        %parallel_loop3A_309 = arith.andi %parallel_loop3A_192, %parallel_loop3A_308 : vector<16xi32>
        %parallel_loop3A_310 = vector.bitcast %parallel_loop3A_309 : vector<16xi32> to vector<16xf32>
        %parallel_loop3A_311 = arith.mulf %parallel_loop3A_306, %parallel_loop3A_184 : vector<16xf32>
        tpu.vector_store_idx %arg10[%parallel_loop3A_190], %parallel_loop3A_311 {add = true} : memref<10000xf32, #tpu.memory_space<vmem>>[vector<16xi32>], vector<16xf32>,
        %parallel_loop3A_312 = arith.mulf %parallel_loop3A_310, %parallel_loop3A_184 : vector<16xf32>
        tpu.vector_store_idx %arg14[%parallel_loop3A_190], %parallel_loop3A_312 {add = true} : memref<10000xf32, #tpu.memory_space<vmem>>[vector<16xi32>], vector<16xf32>,
        %parallel_loop3A_313 = arith.constant 16 : i32
        %parallel_loop3A_314 = vector.broadcast %parallel_loop3A_313 : i32 to vector<16xi32>
        %parallel_loop3A_315 = arith.shli %parallel_loop3A_193, %parallel_loop3A_314 : vector<16xi32>
        %parallel_loop3A_316 = vector.bitcast %parallel_loop3A_315 : vector<16xi32> to vector<16xf32>
        %parallel_loop3A_317 = arith.constant -65536 : i32
        %parallel_loop3A_318 = vector.broadcast %parallel_loop3A_317 : i32 to vector<16xi32>
        %parallel_loop3A_319 = arith.andi %parallel_loop3A_193, %parallel_loop3A_318 : vector<16xi32>
        %parallel_loop3A_320 = vector.bitcast %parallel_loop3A_319 : vector<16xi32> to vector<16xf32>
        %parallel_loop3A_321 = arith.mulf %parallel_loop3A_316, %parallel_loop3A_184 : vector<16xf32>
        tpu.vector_store_idx %arg11[%parallel_loop3A_190], %parallel_loop3A_321 {add = true} : memref<10000xf32, #tpu.memory_space<vmem>>[vector<16xi32>], vector<16xf32>,
        %parallel_loop3A_322 = arith.mulf %parallel_loop3A_320, %parallel_loop3A_184 : vector<16xf32>
        tpu.vector_store_idx %arg15[%parallel_loop3A_190], %parallel_loop3A_322 {add = true} : memref<10000xf32, #tpu.memory_space<vmem>>[vector<16xi32>], vector<16xf32>,
        %parallel_loop3A_323 = arith.constant 16 : i32
        %parallel_loop3A_324 = vector.broadcast %parallel_loop3A_323 : i32 to vector<16xi32>
        %parallel_loop3A_325 = arith.shli %parallel_loop3A_194, %parallel_loop3A_324 : vector<16xi32>
        %parallel_loop3A_326 = vector.bitcast %parallel_loop3A_325 : vector<16xi32> to vector<16xf32>
        %parallel_loop3A_327 = arith.constant -65536 : i32
        %parallel_loop3A_328 = vector.broadcast %parallel_loop3A_327 : i32 to vector<16xi32>
        %parallel_loop3A_329 = arith.andi %parallel_loop3A_194, %parallel_loop3A_328 : vector<16xi32>
        %parallel_loop3A_330 = vector.bitcast %parallel_loop3A_329 : vector<16xi32> to vector<16xf32>
        %parallel_loop3A_331 = arith.mulf %parallel_loop3A_326, %parallel_loop3A_184 : vector<16xf32>
        tpu.vector_store_idx %arg12[%parallel_loop3A_190], %parallel_loop3A_331 {add = true} : memref<10000xf32, #tpu.memory_space<vmem>>[vector<16xi32>], vector<16xf32>,
        %parallel_loop3A_332 = arith.mulf %parallel_loop3A_330, %parallel_loop3A_184 : vector<16xf32>
        tpu.vector_store_idx %arg16[%parallel_loop3A_190], %parallel_loop3A_332 {add = true} : memref<10000xf32, #tpu.memory_space<vmem>>[vector<16xi32>], vector<16xf32>,
        %parallel_loop3A_333 = arith.constant 16 : i32
        %parallel_loop3A_334 = vector.broadcast %parallel_loop3A_333 : i32 to vector<16xi32>
        %parallel_loop3A_335 = arith.shli %parallel_loop3A_220, %parallel_loop3A_334 : vector<16xi32>
        %parallel_loop3A_336 = vector.bitcast %parallel_loop3A_335 : vector<16xi32> to vector<16xf32>
        %parallel_loop3A_337 = arith.constant -65536 : i32
        %parallel_loop3A_338 = vector.broadcast %parallel_loop3A_337 : i32 to vector<16xi32>
        %parallel_loop3A_339 = arith.andi %parallel_loop3A_220, %parallel_loop3A_338 : vector<16xi32>
        %parallel_loop3A_340 = vector.bitcast %parallel_loop3A_339 : vector<16xi32> to vector<16xf32>
        %parallel_loop3A_341 = arith.mulf %parallel_loop3A_336, %parallel_loop3A_213 : vector<16xf32>
        tpu.vector_store_idx %arg9[%parallel_loop3A_219], %parallel_loop3A_341 {add = true} : memref<10000xf32, #tpu.memory_space<vmem>>[vector<16xi32>], vector<16xf32>,
        %parallel_loop3A_342 = arith.mulf %parallel_loop3A_340, %parallel_loop3A_213 : vector<16xf32>
        tpu.vector_store_idx %arg13[%parallel_loop3A_219], %parallel_loop3A_342 {add = true} : memref<10000xf32, #tpu.memory_space<vmem>>[vector<16xi32>], vector<16xf32>,
        %parallel_loop3A_343 = arith.constant 16 : i32
        %parallel_loop3A_344 = vector.broadcast %parallel_loop3A_343 : i32 to vector<16xi32>
        %parallel_loop3A_345 = arith.shli %parallel_loop3A_221, %parallel_loop3A_344 : vector<16xi32>
        %parallel_loop3A_346 = vector.bitcast %parallel_loop3A_345 : vector<16xi32> to vector<16xf32>
        %parallel_loop3A_347 = arith.constant -65536 : i32
        %parallel_loop3A_348 = vector.broadcast %parallel_loop3A_347 : i32 to vector<16xi32>
        %parallel_loop3A_349 = arith.andi %parallel_loop3A_221, %parallel_loop3A_348 : vector<16xi32>
        %parallel_loop3A_350 = vector.bitcast %parallel_loop3A_349 : vector<16xi32> to vector<16xf32>
        %parallel_loop3A_351 = arith.mulf %parallel_loop3A_346, %parallel_loop3A_213 : vector<16xf32>
        tpu.vector_store_idx %arg10[%parallel_loop3A_219], %parallel_loop3A_351 {add = true} : memref<10000xf32, #tpu.memory_space<vmem>>[vector<16xi32>], vector<16xf32>,
        %parallel_loop3A_352 = arith.mulf %parallel_loop3A_350, %parallel_loop3A_213 : vector<16xf32>
        tpu.vector_store_idx %arg14[%parallel_loop3A_219], %parallel_loop3A_352 {add = true} : memref<10000xf32, #tpu.memory_space<vmem>>[vector<16xi32>], vector<16xf32>,
        %parallel_loop3A_353 = arith.constant 16 : i32
        %parallel_loop3A_354 = vector.broadcast %parallel_loop3A_353 : i32 to vector<16xi32>
        %parallel_loop3A_355 = arith.shli %parallel_loop3A_222, %parallel_loop3A_354 : vector<16xi32>
        %parallel_loop3A_356 = vector.bitcast %parallel_loop3A_355 : vector<16xi32> to vector<16xf32>
        %parallel_loop3A_357 = arith.constant -65536 : i32
        %parallel_loop3A_358 = vector.broadcast %parallel_loop3A_357 : i32 to vector<16xi32>
        %parallel_loop3A_359 = arith.andi %parallel_loop3A_222, %parallel_loop3A_358 : vector<16xi32>
        %parallel_loop3A_360 = vector.bitcast %parallel_loop3A_359 : vector<16xi32> to vector<16xf32>
        %parallel_loop3A_361 = arith.mulf %parallel_loop3A_356, %parallel_loop3A_213 : vector<16xf32>
        tpu.vector_store_idx %arg11[%parallel_loop3A_219], %parallel_loop3A_361 {add = true} : memref<10000xf32, #tpu.memory_space<vmem>>[vector<16xi32>], vector<16xf32>,
        %parallel_loop3A_362 = arith.mulf %parallel_loop3A_360, %parallel_loop3A_213 : vector<16xf32>
        tpu.vector_store_idx %arg15[%parallel_loop3A_219], %parallel_loop3A_362 {add = true} : memref<10000xf32, #tpu.memory_space<vmem>>[vector<16xi32>], vector<16xf32>,
        %parallel_loop3A_363 = arith.constant 16 : i32
        %parallel_loop3A_364 = vector.broadcast %parallel_loop3A_363 : i32 to vector<16xi32>
        %parallel_loop3A_365 = arith.shli %parallel_loop3A_223, %parallel_loop3A_364 : vector<16xi32>
        %parallel_loop3A_366 = vector.bitcast %parallel_loop3A_365 : vector<16xi32> to vector<16xf32>
        %parallel_loop3A_367 = arith.constant -65536 : i32
        %parallel_loop3A_368 = vector.broadcast %parallel_loop3A_367 : i32 to vector<16xi32>
        %parallel_loop3A_369 = arith.andi %parallel_loop3A_223, %parallel_loop3A_368 : vector<16xi32>
        %parallel_loop3A_370 = vector.bitcast %parallel_loop3A_369 : vector<16xi32> to vector<16xf32>
        %parallel_loop3A_371 = arith.mulf %parallel_loop3A_366, %parallel_loop3A_213 : vector<16xf32>
        tpu.vector_store_idx %arg12[%parallel_loop3A_219], %parallel_loop3A_371 {add = true} : memref<10000xf32, #tpu.memory_space<vmem>>[vector<16xi32>], vector<16xf32>,
        %parallel_loop3A_372 = arith.mulf %parallel_loop3A_370, %parallel_loop3A_213 : vector<16xf32>
        tpu.vector_store_idx %arg16[%parallel_loop3A_219], %parallel_loop3A_372 {add = true} : memref<10000xf32, #tpu.memory_space<vmem>>[vector<16xi32>], vector<16xf32>,
        %parallel_loop3A_373 = arith.constant 16 : i32
        %parallel_loop3A_374 = vector.broadcast %parallel_loop3A_373 : i32 to vector<16xi32>
        %parallel_loop3A_375 = arith.shli %parallel_loop3A_249, %parallel_loop3A_374 : vector<16xi32>
        %parallel_loop3A_376 = vector.bitcast %parallel_loop3A_375 : vector<16xi32> to vector<16xf32>
        %parallel_loop3A_377 = arith.constant -65536 : i32
        %parallel_loop3A_378 = vector.broadcast %parallel_loop3A_377 : i32 to vector<16xi32>
        %parallel_loop3A_379 = arith.andi %parallel_loop3A_249, %parallel_loop3A_378 : vector<16xi32>
        %parallel_loop3A_380 = vector.bitcast %parallel_loop3A_379 : vector<16xi32> to vector<16xf32>
        %parallel_loop3A_381 = arith.mulf %parallel_loop3A_376, %parallel_loop3A_242 : vector<16xf32>
        tpu.vector_store_idx %arg9[%parallel_loop3A_248], %parallel_loop3A_381 {add = true} : memref<10000xf32, #tpu.memory_space<vmem>>[vector<16xi32>], vector<16xf32>,
        %parallel_loop3A_382 = arith.mulf %parallel_loop3A_380, %parallel_loop3A_242 : vector<16xf32>
        tpu.vector_store_idx %arg13[%parallel_loop3A_248], %parallel_loop3A_382 {add = true} : memref<10000xf32, #tpu.memory_space<vmem>>[vector<16xi32>], vector<16xf32>,
        %parallel_loop3A_383 = arith.constant 16 : i32
        %parallel_loop3A_384 = vector.broadcast %parallel_loop3A_383 : i32 to vector<16xi32>
        %parallel_loop3A_385 = arith.shli %parallel_loop3A_250, %parallel_loop3A_384 : vector<16xi32>
        %parallel_loop3A_386 = vector.bitcast %parallel_loop3A_385 : vector<16xi32> to vector<16xf32>
        %parallel_loop3A_387 = arith.constant -65536 : i32
        %parallel_loop3A_388 = vector.broadcast %parallel_loop3A_387 : i32 to vector<16xi32>
        %parallel_loop3A_389 = arith.andi %parallel_loop3A_250, %parallel_loop3A_388 : vector<16xi32>
        %parallel_loop3A_390 = vector.bitcast %parallel_loop3A_389 : vector<16xi32> to vector<16xf32>
        %parallel_loop3A_391 = arith.mulf %parallel_loop3A_386, %parallel_loop3A_242 : vector<16xf32>
        tpu.vector_store_idx %arg10[%parallel_loop3A_248], %parallel_loop3A_391 {add = true} : memref<10000xf32, #tpu.memory_space<vmem>>[vector<16xi32>], vector<16xf32>,
        %parallel_loop3A_392 = arith.mulf %parallel_loop3A_390, %parallel_loop3A_242 : vector<16xf32>
        tpu.vector_store_idx %arg14[%parallel_loop3A_248], %parallel_loop3A_392 {add = true} : memref<10000xf32, #tpu.memory_space<vmem>>[vector<16xi32>], vector<16xf32>,
        %parallel_loop3A_393 = arith.constant 16 : i32
        %parallel_loop3A_394 = vector.broadcast %parallel_loop3A_393 : i32 to vector<16xi32>
        %parallel_loop3A_395 = arith.shli %parallel_loop3A_251, %parallel_loop3A_394 : vector<16xi32>
        %parallel_loop3A_396 = vector.bitcast %parallel_loop3A_395 : vector<16xi32> to vector<16xf32>
        %parallel_loop3A_397 = arith.constant -65536 : i32
        %parallel_loop3A_398 = vector.broadcast %parallel_loop3A_397 : i32 to vector<16xi32>
        %parallel_loop3A_399 = arith.andi %parallel_loop3A_251, %parallel_loop3A_398 : vector<16xi32>
        %parallel_loop3A_400 = vector.bitcast %parallel_loop3A_399 : vector<16xi32> to vector<16xf32>
        %parallel_loop3A_401 = arith.mulf %parallel_loop3A_396, %parallel_loop3A_242 : vector<16xf32>
        tpu.vector_store_idx %arg11[%parallel_loop3A_248], %parallel_loop3A_401 {add = true} : memref<10000xf32, #tpu.memory_space<vmem>>[vector<16xi32>], vector<16xf32>,
        %parallel_loop3A_402 = arith.mulf %parallel_loop3A_400, %parallel_loop3A_242 : vector<16xf32>
        tpu.vector_store_idx %arg15[%parallel_loop3A_248], %parallel_loop3A_402 {add = true} : memref<10000xf32, #tpu.memory_space<vmem>>[vector<16xi32>], vector<16xf32>,
        %parallel_loop3A_403 = arith.constant 16 : i32
        %parallel_loop3A_404 = vector.broadcast %parallel_loop3A_403 : i32 to vector<16xi32>
        %parallel_loop3A_405 = arith.shli %parallel_loop3A_252, %parallel_loop3A_404 : vector<16xi32>
        %parallel_loop3A_406 = vector.bitcast %parallel_loop3A_405 : vector<16xi32> to vector<16xf32>
        %parallel_loop3A_407 = arith.constant -65536 : i32
        %parallel_loop3A_408 = vector.broadcast %parallel_loop3A_407 : i32 to vector<16xi32>
        %parallel_loop3A_409 = arith.andi %parallel_loop3A_252, %parallel_loop3A_408 : vector<16xi32>
        %parallel_loop3A_410 = vector.bitcast %parallel_loop3A_409 : vector<16xi32> to vector<16xf32>
        %parallel_loop3A_411 = arith.mulf %parallel_loop3A_406, %parallel_loop3A_242 : vector<16xf32>
        tpu.vector_store_idx %arg12[%parallel_loop3A_248], %parallel_loop3A_411 {add = true} : memref<10000xf32, #tpu.memory_space<vmem>>[vector<16xi32>], vector<16xf32>,
        %parallel_loop3A_412 = arith.mulf %parallel_loop3A_410, %parallel_loop3A_242 : vector<16xf32>
        tpu.vector_store_idx %arg16[%parallel_loop3A_248], %parallel_loop3A_412 {add = true} : memref<10000xf32, #tpu.memory_space<vmem>>[vector<16xi32>], vector<16xf32>,
      } {sc.loop_unroll_factor = 1 : i64, sc.parallel_access}
      %add3A_114 = arith.constant 2 : i32
      %add3A_115 = arith.addi %mul3A_77, %add3A_114 : i32
      %lt3A = arith.constant 125 : i32
      %lt3A_116 = arith.cmpi slt, %add3A_115, %lt3A : i32
      %convert_element_type3A = arith.extui %lt3A_116 : i1 to i32
      %cond3A = arith.constant 0 : i32
      %cond3A_117 = arith.cmpi ne, %convert_element_type3A, %cond3A : i32
      scf.if %cond3A_117 {
        %add3A_136 = arith.constant 2 : i32
        %add3A_137 = arith.addi %mul3A_77, %add3A_136 : i32
        %mul3A_138 = arith.constant 1280 : i32
        %mul3A_139 = arith.muli %add3A_137, %mul3A_138 : i32
        %multiple_of3A_140 = tpu.assume_multiple %mul3A_139, 8 : i32
        %dma_start3A_141 = arith.constant 0 : i32
        %dma_start3A_142 = arith.constant 0 : i32
        %dma_start3A_143 = arith.constant 0 : i32
        %dma_start3A_144 = tpu.memref_slice %arg17[%dma_start3A_141, %dma_start3A_142, %dma_start3A_143] : memref<2x2x1280xi32, #tpu.memory_space<vmem>> -> memref<1x2x1280xi32, #tpu.memory_space<vmem>>
        %dma_start3A_145 = tpu.memref_squeeze %dma_start3A_144 : memref<1x2x1280xi32, #tpu.memory_space<vmem>> -> memref<2x1280xi32, #tpu.memory_space<vmem>>
        %dma_start3A_146 = arith.constant 0 : i32
        %dma_start3A_147 = tpu.memref_slice %arg3[%dma_start3A_146, %multiple_of3A_140] : memref<2x160000xi32, #tpu.memory_space<hbm>> -> memref<2x1280xi32, #tpu.memory_space<hbm>>
        %dma_start3A_148 = arith.constant 0 : i32
        %dma_start3A_149 = arith.constant 0 : i32
        %dma_start3A_150 = tpu.memref_slice %arg17[%dma_start3A_141, %dma_start3A_148, %dma_start3A_149] : memref<2x2x1280xi32, #tpu.memory_space<vmem>> -> memref<1x2x1280xi32, #tpu.memory_space<vmem>>
        %dma_start3A_151 = tpu.memref_squeeze %dma_start3A_150 : memref<1x2x1280xi32, #tpu.memory_space<vmem>> -> memref<2x1280xi32, #tpu.memory_space<vmem>>
        %dma_start3A_152 = arith.constant 0 : i32
        %dma_start3A_153 = tpu.memref_slice %arg3[%dma_start3A_152, %multiple_of3A_140] : memref<2x160000xi32, #tpu.memory_space<hbm>> -> memref<2x1280xi32, #tpu.memory_space<hbm>>
        tpu.enqueue_dma source(%dma_start3A_153 : memref<2x1280xi32, #tpu.memory_space<hbm>>) target(%dma_start3A_151 : memref<2x1280xi32, #tpu.memory_space<vmem>>) target_semaphore(%arg18 : memref<!tpu.dma_semaphore, #tpu.memory_space<semaphore_mem>>)
      } else {
      }
      %dma_wait3A_118 = arith.constant 1 : i32
      %dma_wait3A_119 = arith.constant 0 : i32
      %dma_wait3A_120 = arith.constant 0 : i32
      %dma_wait3A_121 = tpu.memref_slice %arg17[%dma_wait3A_118, %dma_wait3A_119, %dma_wait3A_120] : memref<2x2x1280xi32, #tpu.memory_space<vmem>> -> memref<1x2x1280xi32, #tpu.memory_space<vmem>>
      %dma_wait3A_122 = tpu.memref_squeeze %dma_wait3A_121 : memref<1x2x1280xi32, #tpu.memory_space<vmem>> -> memref<2x1280xi32, #tpu.memory_space<vmem>>
      %dma_wait3A_123 = arith.constant 0 : i32
      %dma_wait3A_124 = arith.constant 0 : i32
      %dma_wait3A_125 = tpu.memref_slice %arg3[%dma_wait3A_123, %dma_wait3A_124] : memref<2x160000xi32, #tpu.memory_space<hbm>> -> memref<2x1280xi32, #tpu.memory_space<hbm>>
      %dma_wait3A_126 = arith.constant 0 : i32
      %dma_wait3A_127 = arith.constant 0 : i32
      %dma_wait3A_128 = tpu.memref_slice %arg17[%dma_wait3A_118, %dma_wait3A_126, %dma_wait3A_127] : memref<2x2x1280xi32, #tpu.memory_space<vmem>> -> memref<1x2x1280xi32, #tpu.memory_space<vmem>>
      %dma_wait3A_129 = tpu.memref_squeeze %dma_wait3A_128 : memref<1x2x1280xi32, #tpu.memory_space<vmem>> -> memref<2x1280xi32, #tpu.memory_space<vmem>>
      %dma_wait3A_130 = arith.constant 0 : i32
      %dma_wait3A_131 = arith.constant 0 : i32
      %dma_wait3A_132 = tpu.memref_slice %arg3[%dma_wait3A_130, %dma_wait3A_131] : memref<2x160000xi32, #tpu.memory_space<hbm>> -> memref<2x1280xi32, #tpu.memory_space<hbm>>
      tpu.wait_dma2 semaphore(%arg19 : memref<!tpu.dma_semaphore, #tpu.memory_space<semaphore_mem>>) src(%dma_wait3A_132 : memref<2x1280xi32, #tpu.memory_space<hbm>>) dst(%dma_wait3A_129 : memref<2x1280xi32, #tpu.memory_space<vmem>>)
      %parallel_loop3A_133 = arith.constant 0 : i32
      %parallel_loop3A_134 = arith.constant 20 : i32
      %parallel_loop3A_135 = arith.constant 1 : i32
      scf.for %parallel_loop3A_136 = %parallel_loop3A_133 to %parallel_loop3A_134 step %parallel_loop3A_135  : i32 {
        %parallel_loop3A_137 = arith.constant 4 : i32
        %parallel_loop3A_138 = arith.muli %parallel_loop3A_136, %parallel_loop3A_137 : i32
        %parallel_loop3A_139 = arith.constant 0 : i32
        %parallel_loop3A_140 = arith.addi %parallel_loop3A_138, %parallel_loop3A_139 : i32
        %parallel_loop3A_141 = arith.constant 16 : i32
        %parallel_loop3A_142 = arith.muli %parallel_loop3A_140, %parallel_loop3A_141 : i32
        %parallel_loop3A_143 = arith.constant 1 : i32
        %parallel_loop3A_144 = arith.constant 0 : i32
        %parallel_loop3A_145 = arith.index_cast %parallel_loop3A_143 : i32 to index
        %parallel_loop3A_146 = arith.index_cast %parallel_loop3A_144 : i32 to index
        %parallel_loop3A_147 = arith.index_cast %parallel_loop3A_142 : i32 to index
        %parallel_loop3A_148 = tpu.vector_load %arg17[%parallel_loop3A_145, %parallel_loop3A_146, %parallel_loop3A_147] {strides = array<i32>} : memref<2x2x1280xi32, #tpu.memory_space<vmem>>, vector<16xi32>,
        %parallel_loop3A_149 = arith.constant 1 : i32
        %parallel_loop3A_150 = arith.constant 1 : i32
        %parallel_loop3A_151 = arith.index_cast %parallel_loop3A_149 : i32 to index
        %parallel_loop3A_152 = arith.index_cast %parallel_loop3A_150 : i32 to index
        %parallel_loop3A_153 = arith.index_cast %parallel_loop3A_142 : i32 to index
        %parallel_loop3A_154 = tpu.vector_load %arg17[%parallel_loop3A_151, %parallel_loop3A_152, %parallel_loop3A_153] {strides = array<i32>} : memref<2x2x1280xi32, #tpu.memory_space<vmem>>, vector<16xi32>,
        %parallel_loop3A_155 = vector.bitcast %parallel_loop3A_154 : vector<16xi32> to vector<16xf32>
        %parallel_loop3A_156 = arith.constant 65535 : i32
        %parallel_loop3A_157 = vector.broadcast %parallel_loop3A_156 : i32 to vector<16xi32>
        %parallel_loop3A_158 = arith.andi %parallel_loop3A_148, %parallel_loop3A_157 : vector<16xi32>
        %parallel_loop3A_159 = arith.constant 16 : i32
        %parallel_loop3A_160 = vector.broadcast %parallel_loop3A_159 : i32 to vector<16xi32>
        %parallel_loop3A_161 = arith.shrui %parallel_loop3A_148, %parallel_loop3A_160 : vector<16xi32>
        %parallel_loop3A_162 = tpu.vector_load_idx %arg5[%parallel_loop3A_158] : memref<10000xi32, #tpu.memory_space<vmem>>[vector<16xi32>], vector<16xi32>,
        %parallel_loop3A_163 = tpu.vector_load_idx %arg6[%parallel_loop3A_158] : memref<10000xi32, #tpu.memory_space<vmem>>[vector<16xi32>], vector<16xi32>,
        %parallel_loop3A_164 = tpu.vector_load_idx %arg7[%parallel_loop3A_158] : memref<10000xi32, #tpu.memory_space<vmem>>[vector<16xi32>], vector<16xi32>,
        %parallel_loop3A_165 = tpu.vector_load_idx %arg8[%parallel_loop3A_158] : memref<10000xi32, #tpu.memory_space<vmem>>[vector<16xi32>], vector<16xi32>,
        %parallel_loop3A_166 = arith.constant 4 : i32
        %parallel_loop3A_167 = arith.muli %parallel_loop3A_136, %parallel_loop3A_166 : i32
        %parallel_loop3A_168 = arith.constant 1 : i32
        %parallel_loop3A_169 = arith.addi %parallel_loop3A_167, %parallel_loop3A_168 : i32
        %parallel_loop3A_170 = arith.constant 16 : i32
        %parallel_loop3A_171 = arith.muli %parallel_loop3A_169, %parallel_loop3A_170 : i32
        %parallel_loop3A_172 = arith.constant 1 : i32
        %parallel_loop3A_173 = arith.constant 0 : i32
        %parallel_loop3A_174 = arith.index_cast %parallel_loop3A_172 : i32 to index
        %parallel_loop3A_175 = arith.index_cast %parallel_loop3A_173 : i32 to index
        %parallel_loop3A_176 = arith.index_cast %parallel_loop3A_171 : i32 to index
        %parallel_loop3A_177 = tpu.vector_load %arg17[%parallel_loop3A_174, %parallel_loop3A_175, %parallel_loop3A_176] {strides = array<i32>} : memref<2x2x1280xi32, #tpu.memory_space<vmem>>, vector<16xi32>,
        %parallel_loop3A_178 = arith.constant 1 : i32
        %parallel_loop3A_179 = arith.constant 1 : i32
        %parallel_loop3A_180 = arith.index_cast %parallel_loop3A_178 : i32 to index
        %parallel_loop3A_181 = arith.index_cast %parallel_loop3A_179 : i32 to index
        %parallel_loop3A_182 = arith.index_cast %parallel_loop3A_171 : i32 to index
        %parallel_loop3A_183 = tpu.vector_load %arg17[%parallel_loop3A_180, %parallel_loop3A_181, %parallel_loop3A_182] {strides = array<i32>} : memref<2x2x1280xi32, #tpu.memory_space<vmem>>, vector<16xi32>,
        %parallel_loop3A_184 = vector.bitcast %parallel_loop3A_183 : vector<16xi32> to vector<16xf32>
        %parallel_loop3A_185 = arith.constant 65535 : i32
        %parallel_loop3A_186 = vector.broadcast %parallel_loop3A_185 : i32 to vector<16xi32>
        %parallel_loop3A_187 = arith.andi %parallel_loop3A_177, %parallel_loop3A_186 : vector<16xi32>
        %parallel_loop3A_188 = arith.constant 16 : i32
        %parallel_loop3A_189 = vector.broadcast %parallel_loop3A_188 : i32 to vector<16xi32>
        %parallel_loop3A_190 = arith.shrui %parallel_loop3A_177, %parallel_loop3A_189 : vector<16xi32>
        %parallel_loop3A_191 = tpu.vector_load_idx %arg5[%parallel_loop3A_187] : memref<10000xi32, #tpu.memory_space<vmem>>[vector<16xi32>], vector<16xi32>,
        %parallel_loop3A_192 = tpu.vector_load_idx %arg6[%parallel_loop3A_187] : memref<10000xi32, #tpu.memory_space<vmem>>[vector<16xi32>], vector<16xi32>,
        %parallel_loop3A_193 = tpu.vector_load_idx %arg7[%parallel_loop3A_187] : memref<10000xi32, #tpu.memory_space<vmem>>[vector<16xi32>], vector<16xi32>,
        %parallel_loop3A_194 = tpu.vector_load_idx %arg8[%parallel_loop3A_187] : memref<10000xi32, #tpu.memory_space<vmem>>[vector<16xi32>], vector<16xi32>,
        %parallel_loop3A_195 = arith.constant 4 : i32
        %parallel_loop3A_196 = arith.muli %parallel_loop3A_136, %parallel_loop3A_195 : i32
        %parallel_loop3A_197 = arith.constant 2 : i32
        %parallel_loop3A_198 = arith.addi %parallel_loop3A_196, %parallel_loop3A_197 : i32
        %parallel_loop3A_199 = arith.constant 16 : i32
        %parallel_loop3A_200 = arith.muli %parallel_loop3A_198, %parallel_loop3A_199 : i32
        %parallel_loop3A_201 = arith.constant 1 : i32
        %parallel_loop3A_202 = arith.constant 0 : i32
        %parallel_loop3A_203 = arith.index_cast %parallel_loop3A_201 : i32 to index
        %parallel_loop3A_204 = arith.index_cast %parallel_loop3A_202 : i32 to index
        %parallel_loop3A_205 = arith.index_cast %parallel_loop3A_200 : i32 to index
        %parallel_loop3A_206 = tpu.vector_load %arg17[%parallel_loop3A_203, %parallel_loop3A_204, %parallel_loop3A_205] {strides = array<i32>} : memref<2x2x1280xi32, #tpu.memory_space<vmem>>, vector<16xi32>,
        %parallel_loop3A_207 = arith.constant 1 : i32
        %parallel_loop3A_208 = arith.constant 1 : i32
        %parallel_loop3A_209 = arith.index_cast %parallel_loop3A_207 : i32 to index
        %parallel_loop3A_210 = arith.index_cast %parallel_loop3A_208 : i32 to index
        %parallel_loop3A_211 = arith.index_cast %parallel_loop3A_200 : i32 to index
        %parallel_loop3A_212 = tpu.vector_load %arg17[%parallel_loop3A_209, %parallel_loop3A_210, %parallel_loop3A_211] {strides = array<i32>} : memref<2x2x1280xi32, #tpu.memory_space<vmem>>, vector<16xi32>,
        %parallel_loop3A_213 = vector.bitcast %parallel_loop3A_212 : vector<16xi32> to vector<16xf32>
        %parallel_loop3A_214 = arith.constant 65535 : i32
        %parallel_loop3A_215 = vector.broadcast %parallel_loop3A_214 : i32 to vector<16xi32>
        %parallel_loop3A_216 = arith.andi %parallel_loop3A_206, %parallel_loop3A_215 : vector<16xi32>
        %parallel_loop3A_217 = arith.constant 16 : i32
        %parallel_loop3A_218 = vector.broadcast %parallel_loop3A_217 : i32 to vector<16xi32>
        %parallel_loop3A_219 = arith.shrui %parallel_loop3A_206, %parallel_loop3A_218 : vector<16xi32>
        %parallel_loop3A_220 = tpu.vector_load_idx %arg5[%parallel_loop3A_216] : memref<10000xi32, #tpu.memory_space<vmem>>[vector<16xi32>], vector<16xi32>,
        %parallel_loop3A_221 = tpu.vector_load_idx %arg6[%parallel_loop3A_216] : memref<10000xi32, #tpu.memory_space<vmem>>[vector<16xi32>], vector<16xi32>,
        %parallel_loop3A_222 = tpu.vector_load_idx %arg7[%parallel_loop3A_216] : memref<10000xi32, #tpu.memory_space<vmem>>[vector<16xi32>], vector<16xi32>,
        %parallel_loop3A_223 = tpu.vector_load_idx %arg8[%parallel_loop3A_216] : memref<10000xi32, #tpu.memory_space<vmem>>[vector<16xi32>], vector<16xi32>,
        %parallel_loop3A_224 = arith.constant 4 : i32
        %parallel_loop3A_225 = arith.muli %parallel_loop3A_136, %parallel_loop3A_224 : i32
        %parallel_loop3A_226 = arith.constant 3 : i32
        %parallel_loop3A_227 = arith.addi %parallel_loop3A_225, %parallel_loop3A_226 : i32
        %parallel_loop3A_228 = arith.constant 16 : i32
        %parallel_loop3A_229 = arith.muli %parallel_loop3A_227, %parallel_loop3A_228 : i32
        %parallel_loop3A_230 = arith.constant 1 : i32
        %parallel_loop3A_231 = arith.constant 0 : i32
        %parallel_loop3A_232 = arith.index_cast %parallel_loop3A_230 : i32 to index
        %parallel_loop3A_233 = arith.index_cast %parallel_loop3A_231 : i32 to index
        %parallel_loop3A_234 = arith.index_cast %parallel_loop3A_229 : i32 to index
        %parallel_loop3A_235 = tpu.vector_load %arg17[%parallel_loop3A_232, %parallel_loop3A_233, %parallel_loop3A_234] {strides = array<i32>} : memref<2x2x1280xi32, #tpu.memory_space<vmem>>, vector<16xi32>,
        %parallel_loop3A_236 = arith.constant 1 : i32
        %parallel_loop3A_237 = arith.constant 1 : i32
        %parallel_loop3A_238 = arith.index_cast %parallel_loop3A_236 : i32 to index
        %parallel_loop3A_239 = arith.index_cast %parallel_loop3A_237 : i32 to index
        %parallel_loop3A_240 = arith.index_cast %parallel_loop3A_229 : i32 to index
        %parallel_loop3A_241 = tpu.vector_load %arg17[%parallel_loop3A_238, %parallel_loop3A_239, %parallel_loop3A_240] {strides = array<i32>} : memref<2x2x1280xi32, #tpu.memory_space<vmem>>, vector<16xi32>,
        %parallel_loop3A_242 = vector.bitcast %parallel_loop3A_241 : vector<16xi32> to vector<16xf32>
        %parallel_loop3A_243 = arith.constant 65535 : i32
        %parallel_loop3A_244 = vector.broadcast %parallel_loop3A_243 : i32 to vector<16xi32>
        %parallel_loop3A_245 = arith.andi %parallel_loop3A_235, %parallel_loop3A_244 : vector<16xi32>
        %parallel_loop3A_246 = arith.constant 16 : i32
        %parallel_loop3A_247 = vector.broadcast %parallel_loop3A_246 : i32 to vector<16xi32>
        %parallel_loop3A_248 = arith.shrui %parallel_loop3A_235, %parallel_loop3A_247 : vector<16xi32>
        %parallel_loop3A_249 = tpu.vector_load_idx %arg5[%parallel_loop3A_245] : memref<10000xi32, #tpu.memory_space<vmem>>[vector<16xi32>], vector<16xi32>,
        %parallel_loop3A_250 = tpu.vector_load_idx %arg6[%parallel_loop3A_245] : memref<10000xi32, #tpu.memory_space<vmem>>[vector<16xi32>], vector<16xi32>,
        %parallel_loop3A_251 = tpu.vector_load_idx %arg7[%parallel_loop3A_245] : memref<10000xi32, #tpu.memory_space<vmem>>[vector<16xi32>], vector<16xi32>,
        %parallel_loop3A_252 = tpu.vector_load_idx %arg8[%parallel_loop3A_245] : memref<10000xi32, #tpu.memory_space<vmem>>[vector<16xi32>], vector<16xi32>,
        %parallel_loop3A_253 = arith.constant 16 : i32
        %parallel_loop3A_254 = vector.broadcast %parallel_loop3A_253 : i32 to vector<16xi32>
        %parallel_loop3A_255 = arith.shli %parallel_loop3A_162, %parallel_loop3A_254 : vector<16xi32>
        %parallel_loop3A_256 = vector.bitcast %parallel_loop3A_255 : vector<16xi32> to vector<16xf32>
        %parallel_loop3A_257 = arith.constant -65536 : i32
        %parallel_loop3A_258 = vector.broadcast %parallel_loop3A_257 : i32 to vector<16xi32>
        %parallel_loop3A_259 = arith.andi %parallel_loop3A_162, %parallel_loop3A_258 : vector<16xi32>
        %parallel_loop3A_260 = vector.bitcast %parallel_loop3A_259 : vector<16xi32> to vector<16xf32>
        %parallel_loop3A_261 = arith.mulf %parallel_loop3A_256, %parallel_loop3A_155 : vector<16xf32>
        tpu.vector_store_idx %arg9[%parallel_loop3A_161], %parallel_loop3A_261 {add = true} : memref<10000xf32, #tpu.memory_space<vmem>>[vector<16xi32>], vector<16xf32>,
        %parallel_loop3A_262 = arith.mulf %parallel_loop3A_260, %parallel_loop3A_155 : vector<16xf32>
        tpu.vector_store_idx %arg13[%parallel_loop3A_161], %parallel_loop3A_262 {add = true} : memref<10000xf32, #tpu.memory_space<vmem>>[vector<16xi32>], vector<16xf32>,
        %parallel_loop3A_263 = arith.constant 16 : i32
        %parallel_loop3A_264 = vector.broadcast %parallel_loop3A_263 : i32 to vector<16xi32>
        %parallel_loop3A_265 = arith.shli %parallel_loop3A_163, %parallel_loop3A_264 : vector<16xi32>
        %parallel_loop3A_266 = vector.bitcast %parallel_loop3A_265 : vector<16xi32> to vector<16xf32>
        %parallel_loop3A_267 = arith.constant -65536 : i32
        %parallel_loop3A_268 = vector.broadcast %parallel_loop3A_267 : i32 to vector<16xi32>
        %parallel_loop3A_269 = arith.andi %parallel_loop3A_163, %parallel_loop3A_268 : vector<16xi32>
        %parallel_loop3A_270 = vector.bitcast %parallel_loop3A_269 : vector<16xi32> to vector<16xf32>
        %parallel_loop3A_271 = arith.mulf %parallel_loop3A_266, %parallel_loop3A_155 : vector<16xf32>
        tpu.vector_store_idx %arg10[%parallel_loop3A_161], %parallel_loop3A_271 {add = true} : memref<10000xf32, #tpu.memory_space<vmem>>[vector<16xi32>], vector<16xf32>,
        %parallel_loop3A_272 = arith.mulf %parallel_loop3A_270, %parallel_loop3A_155 : vector<16xf32>
        tpu.vector_store_idx %arg14[%parallel_loop3A_161], %parallel_loop3A_272 {add = true} : memref<10000xf32, #tpu.memory_space<vmem>>[vector<16xi32>], vector<16xf32>,
        %parallel_loop3A_273 = arith.constant 16 : i32
        %parallel_loop3A_274 = vector.broadcast %parallel_loop3A_273 : i32 to vector<16xi32>
        %parallel_loop3A_275 = arith.shli %parallel_loop3A_164, %parallel_loop3A_274 : vector<16xi32>
        %parallel_loop3A_276 = vector.bitcast %parallel_loop3A_275 : vector<16xi32> to vector<16xf32>
        %parallel_loop3A_277 = arith.constant -65536 : i32
        %parallel_loop3A_278 = vector.broadcast %parallel_loop3A_277 : i32 to vector<16xi32>
        %parallel_loop3A_279 = arith.andi %parallel_loop3A_164, %parallel_loop3A_278 : vector<16xi32>
        %parallel_loop3A_280 = vector.bitcast %parallel_loop3A_279 : vector<16xi32> to vector<16xf32>
        %parallel_loop3A_281 = arith.mulf %parallel_loop3A_276, %parallel_loop3A_155 : vector<16xf32>
        tpu.vector_store_idx %arg11[%parallel_loop3A_161], %parallel_loop3A_281 {add = true} : memref<10000xf32, #tpu.memory_space<vmem>>[vector<16xi32>], vector<16xf32>,
        %parallel_loop3A_282 = arith.mulf %parallel_loop3A_280, %parallel_loop3A_155 : vector<16xf32>
        tpu.vector_store_idx %arg15[%parallel_loop3A_161], %parallel_loop3A_282 {add = true} : memref<10000xf32, #tpu.memory_space<vmem>>[vector<16xi32>], vector<16xf32>,
        %parallel_loop3A_283 = arith.constant 16 : i32
        %parallel_loop3A_284 = vector.broadcast %parallel_loop3A_283 : i32 to vector<16xi32>
        %parallel_loop3A_285 = arith.shli %parallel_loop3A_165, %parallel_loop3A_284 : vector<16xi32>
        %parallel_loop3A_286 = vector.bitcast %parallel_loop3A_285 : vector<16xi32> to vector<16xf32>
        %parallel_loop3A_287 = arith.constant -65536 : i32
        %parallel_loop3A_288 = vector.broadcast %parallel_loop3A_287 : i32 to vector<16xi32>
        %parallel_loop3A_289 = arith.andi %parallel_loop3A_165, %parallel_loop3A_288 : vector<16xi32>
        %parallel_loop3A_290 = vector.bitcast %parallel_loop3A_289 : vector<16xi32> to vector<16xf32>
        %parallel_loop3A_291 = arith.mulf %parallel_loop3A_286, %parallel_loop3A_155 : vector<16xf32>
        tpu.vector_store_idx %arg12[%parallel_loop3A_161], %parallel_loop3A_291 {add = true} : memref<10000xf32, #tpu.memory_space<vmem>>[vector<16xi32>], vector<16xf32>,
        %parallel_loop3A_292 = arith.mulf %parallel_loop3A_290, %parallel_loop3A_155 : vector<16xf32>
        tpu.vector_store_idx %arg16[%parallel_loop3A_161], %parallel_loop3A_292 {add = true} : memref<10000xf32, #tpu.memory_space<vmem>>[vector<16xi32>], vector<16xf32>,
        %parallel_loop3A_293 = arith.constant 16 : i32
        %parallel_loop3A_294 = vector.broadcast %parallel_loop3A_293 : i32 to vector<16xi32>
        %parallel_loop3A_295 = arith.shli %parallel_loop3A_191, %parallel_loop3A_294 : vector<16xi32>
        %parallel_loop3A_296 = vector.bitcast %parallel_loop3A_295 : vector<16xi32> to vector<16xf32>
        %parallel_loop3A_297 = arith.constant -65536 : i32
        %parallel_loop3A_298 = vector.broadcast %parallel_loop3A_297 : i32 to vector<16xi32>
        %parallel_loop3A_299 = arith.andi %parallel_loop3A_191, %parallel_loop3A_298 : vector<16xi32>
        %parallel_loop3A_300 = vector.bitcast %parallel_loop3A_299 : vector<16xi32> to vector<16xf32>
        %parallel_loop3A_301 = arith.mulf %parallel_loop3A_296, %parallel_loop3A_184 : vector<16xf32>
        tpu.vector_store_idx %arg9[%parallel_loop3A_190], %parallel_loop3A_301 {add = true} : memref<10000xf32, #tpu.memory_space<vmem>>[vector<16xi32>], vector<16xf32>,
        %parallel_loop3A_302 = arith.mulf %parallel_loop3A_300, %parallel_loop3A_184 : vector<16xf32>
        tpu.vector_store_idx %arg13[%parallel_loop3A_190], %parallel_loop3A_302 {add = true} : memref<10000xf32, #tpu.memory_space<vmem>>[vector<16xi32>], vector<16xf32>,
        %parallel_loop3A_303 = arith.constant 16 : i32
        %parallel_loop3A_304 = vector.broadcast %parallel_loop3A_303 : i32 to vector<16xi32>
        %parallel_loop3A_305 = arith.shli %parallel_loop3A_192, %parallel_loop3A_304 : vector<16xi32>
        %parallel_loop3A_306 = vector.bitcast %parallel_loop3A_305 : vector<16xi32> to vector<16xf32>
        %parallel_loop3A_307 = arith.constant -65536 : i32
        %parallel_loop3A_308 = vector.broadcast %parallel_loop3A_307 : i32 to vector<16xi32>
        %parallel_loop3A_309 = arith.andi %parallel_loop3A_192, %parallel_loop3A_308 : vector<16xi32>
        %parallel_loop3A_310 = vector.bitcast %parallel_loop3A_309 : vector<16xi32> to vector<16xf32>
        %parallel_loop3A_311 = arith.mulf %parallel_loop3A_306, %parallel_loop3A_184 : vector<16xf32>
        tpu.vector_store_idx %arg10[%parallel_loop3A_190], %parallel_loop3A_311 {add = true} : memref<10000xf32, #tpu.memory_space<vmem>>[vector<16xi32>], vector<16xf32>,
        %parallel_loop3A_312 = arith.mulf %parallel_loop3A_310, %parallel_loop3A_184 : vector<16xf32>
        tpu.vector_store_idx %arg14[%parallel_loop3A_190], %parallel_loop3A_312 {add = true} : memref<10000xf32, #tpu.memory_space<vmem>>[vector<16xi32>], vector<16xf32>,
        %parallel_loop3A_313 = arith.constant 16 : i32
        %parallel_loop3A_314 = vector.broadcast %parallel_loop3A_313 : i32 to vector<16xi32>
        %parallel_loop3A_315 = arith.shli %parallel_loop3A_193, %parallel_loop3A_314 : vector<16xi32>
        %parallel_loop3A_316 = vector.bitcast %parallel_loop3A_315 : vector<16xi32> to vector<16xf32>
        %parallel_loop3A_317 = arith.constant -65536 : i32
        %parallel_loop3A_318 = vector.broadcast %parallel_loop3A_317 : i32 to vector<16xi32>
        %parallel_loop3A_319 = arith.andi %parallel_loop3A_193, %parallel_loop3A_318 : vector<16xi32>
        %parallel_loop3A_320 = vector.bitcast %parallel_loop3A_319 : vector<16xi32> to vector<16xf32>
        %parallel_loop3A_321 = arith.mulf %parallel_loop3A_316, %parallel_loop3A_184 : vector<16xf32>
        tpu.vector_store_idx %arg11[%parallel_loop3A_190], %parallel_loop3A_321 {add = true} : memref<10000xf32, #tpu.memory_space<vmem>>[vector<16xi32>], vector<16xf32>,
        %parallel_loop3A_322 = arith.mulf %parallel_loop3A_320, %parallel_loop3A_184 : vector<16xf32>
        tpu.vector_store_idx %arg15[%parallel_loop3A_190], %parallel_loop3A_322 {add = true} : memref<10000xf32, #tpu.memory_space<vmem>>[vector<16xi32>], vector<16xf32>,
        %parallel_loop3A_323 = arith.constant 16 : i32
        %parallel_loop3A_324 = vector.broadcast %parallel_loop3A_323 : i32 to vector<16xi32>
        %parallel_loop3A_325 = arith.shli %parallel_loop3A_194, %parallel_loop3A_324 : vector<16xi32>
        %parallel_loop3A_326 = vector.bitcast %parallel_loop3A_325 : vector<16xi32> to vector<16xf32>
        %parallel_loop3A_327 = arith.constant -65536 : i32
        %parallel_loop3A_328 = vector.broadcast %parallel_loop3A_327 : i32 to vector<16xi32>
        %parallel_loop3A_329 = arith.andi %parallel_loop3A_194, %parallel_loop3A_328 : vector<16xi32>
        %parallel_loop3A_330 = vector.bitcast %parallel_loop3A_329 : vector<16xi32> to vector<16xf32>
        %parallel_loop3A_331 = arith.mulf %parallel_loop3A_326, %parallel_loop3A_184 : vector<16xf32>
        tpu.vector_store_idx %arg12[%parallel_loop3A_190], %parallel_loop3A_331 {add = true} : memref<10000xf32, #tpu.memory_space<vmem>>[vector<16xi32>], vector<16xf32>,
        %parallel_loop3A_332 = arith.mulf %parallel_loop3A_330, %parallel_loop3A_184 : vector<16xf32>
        tpu.vector_store_idx %arg16[%parallel_loop3A_190], %parallel_loop3A_332 {add = true} : memref<10000xf32, #tpu.memory_space<vmem>>[vector<16xi32>], vector<16xf32>,
        %parallel_loop3A_333 = arith.constant 16 : i32
        %parallel_loop3A_334 = vector.broadcast %parallel_loop3A_333 : i32 to vector<16xi32>
        %parallel_loop3A_335 = arith.shli %parallel_loop3A_220, %parallel_loop3A_334 : vector<16xi32>
        %parallel_loop3A_336 = vector.bitcast %parallel_loop3A_335 : vector<16xi32> to vector<16xf32>
        %parallel_loop3A_337 = arith.constant -65536 : i32
        %parallel_loop3A_338 = vector.broadcast %parallel_loop3A_337 : i32 to vector<16xi32>
        %parallel_loop3A_339 = arith.andi %parallel_loop3A_220, %parallel_loop3A_338 : vector<16xi32>
        %parallel_loop3A_340 = vector.bitcast %parallel_loop3A_339 : vector<16xi32> to vector<16xf32>
        %parallel_loop3A_341 = arith.mulf %parallel_loop3A_336, %parallel_loop3A_213 : vector<16xf32>
        tpu.vector_store_idx %arg9[%parallel_loop3A_219], %parallel_loop3A_341 {add = true} : memref<10000xf32, #tpu.memory_space<vmem>>[vector<16xi32>], vector<16xf32>,
        %parallel_loop3A_342 = arith.mulf %parallel_loop3A_340, %parallel_loop3A_213 : vector<16xf32>
        tpu.vector_store_idx %arg13[%parallel_loop3A_219], %parallel_loop3A_342 {add = true} : memref<10000xf32, #tpu.memory_space<vmem>>[vector<16xi32>], vector<16xf32>,
        %parallel_loop3A_343 = arith.constant 16 : i32
        %parallel_loop3A_344 = vector.broadcast %parallel_loop3A_343 : i32 to vector<16xi32>
        %parallel_loop3A_345 = arith.shli %parallel_loop3A_221, %parallel_loop3A_344 : vector<16xi32>
        %parallel_loop3A_346 = vector.bitcast %parallel_loop3A_345 : vector<16xi32> to vector<16xf32>
        %parallel_loop3A_347 = arith.constant -65536 : i32
        %parallel_loop3A_348 = vector.broadcast %parallel_loop3A_347 : i32 to vector<16xi32>
        %parallel_loop3A_349 = arith.andi %parallel_loop3A_221, %parallel_loop3A_348 : vector<16xi32>
        %parallel_loop3A_350 = vector.bitcast %parallel_loop3A_349 : vector<16xi32> to vector<16xf32>
        %parallel_loop3A_351 = arith.mulf %parallel_loop3A_346, %parallel_loop3A_213 : vector<16xf32>
        tpu.vector_store_idx %arg10[%parallel_loop3A_219], %parallel_loop3A_351 {add = true} : memref<10000xf32, #tpu.memory_space<vmem>>[vector<16xi32>], vector<16xf32>,
        %parallel_loop3A_352 = arith.mulf %parallel_loop3A_350, %parallel_loop3A_213 : vector<16xf32>
        tpu.vector_store_idx %arg14[%parallel_loop3A_219], %parallel_loop3A_352 {add = true} : memref<10000xf32, #tpu.memory_space<vmem>>[vector<16xi32>], vector<16xf32>,
        %parallel_loop3A_353 = arith.constant 16 : i32
        %parallel_loop3A_354 = vector.broadcast %parallel_loop3A_353 : i32 to vector<16xi32>
        %parallel_loop3A_355 = arith.shli %parallel_loop3A_222, %parallel_loop3A_354 : vector<16xi32>
        %parallel_loop3A_356 = vector.bitcast %parallel_loop3A_355 : vector<16xi32> to vector<16xf32>
        %parallel_loop3A_357 = arith.constant -65536 : i32
        %parallel_loop3A_358 = vector.broadcast %parallel_loop3A_357 : i32 to vector<16xi32>
        %parallel_loop3A_359 = arith.andi %parallel_loop3A_222, %parallel_loop3A_358 : vector<16xi32>
        %parallel_loop3A_360 = vector.bitcast %parallel_loop3A_359 : vector<16xi32> to vector<16xf32>
        %parallel_loop3A_361 = arith.mulf %parallel_loop3A_356, %parallel_loop3A_213 : vector<16xf32>
        tpu.vector_store_idx %arg11[%parallel_loop3A_219], %parallel_loop3A_361 {add = true} : memref<10000xf32, #tpu.memory_space<vmem>>[vector<16xi32>], vector<16xf32>,
        %parallel_loop3A_362 = arith.mulf %parallel_loop3A_360, %parallel_loop3A_213 : vector<16xf32>
        tpu.vector_store_idx %arg15[%parallel_loop3A_219], %parallel_loop3A_362 {add = true} : memref<10000xf32, #tpu.memory_space<vmem>>[vector<16xi32>], vector<16xf32>,
        %parallel_loop3A_363 = arith.constant 16 : i32
        %parallel_loop3A_364 = vector.broadcast %parallel_loop3A_363 : i32 to vector<16xi32>
        %parallel_loop3A_365 = arith.shli %parallel_loop3A_223, %parallel_loop3A_364 : vector<16xi32>
        %parallel_loop3A_366 = vector.bitcast %parallel_loop3A_365 : vector<16xi32> to vector<16xf32>
        %parallel_loop3A_367 = arith.constant -65536 : i32
        %parallel_loop3A_368 = vector.broadcast %parallel_loop3A_367 : i32 to vector<16xi32>
        %parallel_loop3A_369 = arith.andi %parallel_loop3A_223, %parallel_loop3A_368 : vector<16xi32>
        %parallel_loop3A_370 = vector.bitcast %parallel_loop3A_369 : vector<16xi32> to vector<16xf32>
        %parallel_loop3A_371 = arith.mulf %parallel_loop3A_366, %parallel_loop3A_213 : vector<16xf32>
        tpu.vector_store_idx %arg12[%parallel_loop3A_219], %parallel_loop3A_371 {add = true} : memref<10000xf32, #tpu.memory_space<vmem>>[vector<16xi32>], vector<16xf32>,
        %parallel_loop3A_372 = arith.mulf %parallel_loop3A_370, %parallel_loop3A_213 : vector<16xf32>
        tpu.vector_store_idx %arg16[%parallel_loop3A_219], %parallel_loop3A_372 {add = true} : memref<10000xf32, #tpu.memory_space<vmem>>[vector<16xi32>], vector<16xf32>,
        %parallel_loop3A_373 = arith.constant 16 : i32
        %parallel_loop3A_374 = vector.broadcast %parallel_loop3A_373 : i32 to vector<16xi32>
        %parallel_loop3A_375 = arith.shli %parallel_loop3A_249, %parallel_loop3A_374 : vector<16xi32>
        %parallel_loop3A_376 = vector.bitcast %parallel_loop3A_375 : vector<16xi32> to vector<16xf32>
        %parallel_loop3A_377 = arith.constant -65536 : i32
        %parallel_loop3A_378 = vector.broadcast %parallel_loop3A_377 : i32 to vector<16xi32>
        %parallel_loop3A_379 = arith.andi %parallel_loop3A_249, %parallel_loop3A_378 : vector<16xi32>
        %parallel_loop3A_380 = vector.bitcast %parallel_loop3A_379 : vector<16xi32> to vector<16xf32>
        %parallel_loop3A_381 = arith.mulf %parallel_loop3A_376, %parallel_loop3A_242 : vector<16xf32>
        tpu.vector_store_idx %arg9[%parallel_loop3A_248], %parallel_loop3A_381 {add = true} : memref<10000xf32, #tpu.memory_space<vmem>>[vector<16xi32>], vector<16xf32>,
        %parallel_loop3A_382 = arith.mulf %parallel_loop3A_380, %parallel_loop3A_242 : vector<16xf32>
        tpu.vector_store_idx %arg13[%parallel_loop3A_248], %parallel_loop3A_382 {add = true} : memref<10000xf32, #tpu.memory_space<vmem>>[vector<16xi32>], vector<16xf32>,
        %parallel_loop3A_383 = arith.constant 16 : i32
        %parallel_loop3A_384 = vector.broadcast %parallel_loop3A_383 : i32 to vector<16xi32>
        %parallel_loop3A_385 = arith.shli %parallel_loop3A_250, %parallel_loop3A_384 : vector<16xi32>
        %parallel_loop3A_386 = vector.bitcast %parallel_loop3A_385 : vector<16xi32> to vector<16xf32>
        %parallel_loop3A_387 = arith.constant -65536 : i32
        %parallel_loop3A_388 = vector.broadcast %parallel_loop3A_387 : i32 to vector<16xi32>
        %parallel_loop3A_389 = arith.andi %parallel_loop3A_250, %parallel_loop3A_388 : vector<16xi32>
        %parallel_loop3A_390 = vector.bitcast %parallel_loop3A_389 : vector<16xi32> to vector<16xf32>
        %parallel_loop3A_391 = arith.mulf %parallel_loop3A_386, %parallel_loop3A_242 : vector<16xf32>
        tpu.vector_store_idx %arg10[%parallel_loop3A_248], %parallel_loop3A_391 {add = true} : memref<10000xf32, #tpu.memory_space<vmem>>[vector<16xi32>], vector<16xf32>,
        %parallel_loop3A_392 = arith.mulf %parallel_loop3A_390, %parallel_loop3A_242 : vector<16xf32>
        tpu.vector_store_idx %arg14[%parallel_loop3A_248], %parallel_loop3A_392 {add = true} : memref<10000xf32, #tpu.memory_space<vmem>>[vector<16xi32>], vector<16xf32>,
        %parallel_loop3A_393 = arith.constant 16 : i32
        %parallel_loop3A_394 = vector.broadcast %parallel_loop3A_393 : i32 to vector<16xi32>
        %parallel_loop3A_395 = arith.shli %parallel_loop3A_251, %parallel_loop3A_394 : vector<16xi32>
        %parallel_loop3A_396 = vector.bitcast %parallel_loop3A_395 : vector<16xi32> to vector<16xf32>
        %parallel_loop3A_397 = arith.constant -65536 : i32
        %parallel_loop3A_398 = vector.broadcast %parallel_loop3A_397 : i32 to vector<16xi32>
        %parallel_loop3A_399 = arith.andi %parallel_loop3A_251, %parallel_loop3A_398 : vector<16xi32>
        %parallel_loop3A_400 = vector.bitcast %parallel_loop3A_399 : vector<16xi32> to vector<16xf32>
        %parallel_loop3A_401 = arith.mulf %parallel_loop3A_396, %parallel_loop3A_242 : vector<16xf32>
        tpu.vector_store_idx %arg11[%parallel_loop3A_248], %parallel_loop3A_401 {add = true} : memref<10000xf32, #tpu.memory_space<vmem>>[vector<16xi32>], vector<16xf32>,
        %parallel_loop3A_402 = arith.mulf %parallel_loop3A_400, %parallel_loop3A_242 : vector<16xf32>
        tpu.vector_store_idx %arg15[%parallel_loop3A_248], %parallel_loop3A_402 {add = true} : memref<10000xf32, #tpu.memory_space<vmem>>[vector<16xi32>], vector<16xf32>,
        %parallel_loop3A_403 = arith.constant 16 : i32
        %parallel_loop3A_404 = vector.broadcast %parallel_loop3A_403 : i32 to vector<16xi32>
        %parallel_loop3A_405 = arith.shli %parallel_loop3A_252, %parallel_loop3A_404 : vector<16xi32>
        %parallel_loop3A_406 = vector.bitcast %parallel_loop3A_405 : vector<16xi32> to vector<16xf32>
        %parallel_loop3A_407 = arith.constant -65536 : i32
        %parallel_loop3A_408 = vector.broadcast %parallel_loop3A_407 : i32 to vector<16xi32>
        %parallel_loop3A_409 = arith.andi %parallel_loop3A_252, %parallel_loop3A_408 : vector<16xi32>
        %parallel_loop3A_410 = vector.bitcast %parallel_loop3A_409 : vector<16xi32> to vector<16xf32>
        %parallel_loop3A_411 = arith.mulf %parallel_loop3A_406, %parallel_loop3A_242 : vector<16xf32>
        tpu.vector_store_idx %arg12[%parallel_loop3A_248], %parallel_loop3A_411 {add = true} : memref<10000xf32, #tpu.memory_space<vmem>>[vector<16xi32>], vector<16xf32>,
        %parallel_loop3A_412 = arith.mulf %parallel_loop3A_410, %parallel_loop3A_242 : vector<16xf32>
        tpu.vector_store_idx %arg16[%parallel_loop3A_248], %parallel_loop3A_412 {add = true} : memref<10000xf32, #tpu.memory_space<vmem>>[vector<16xi32>], vector<16xf32>,
      } {sc.loop_unroll_factor = 1 : i64, sc.parallel_access}
    }
    %scan3A_34 = arith.constant 62 : i32
    %dma_wait3A = arith.constant 0 : i32
    %dma_wait3A_35 = arith.constant 0 : i32
    %dma_wait3A_36 = arith.constant 0 : i32
    %dma_wait3A_37 = tpu.memref_slice %arg17[%dma_wait3A, %dma_wait3A_35, %dma_wait3A_36] : memref<2x2x1280xi32, #tpu.memory_space<vmem>> -> memref<1x2x1280xi32, #tpu.memory_space<vmem>>
    %dma_wait3A_38 = tpu.memref_squeeze %dma_wait3A_37 : memref<1x2x1280xi32, #tpu.memory_space<vmem>> -> memref<2x1280xi32, #tpu.memory_space<vmem>>
    %dma_wait3A_39 = arith.constant 0 : i32
    %dma_wait3A_40 = arith.constant 0 : i32
    %dma_wait3A_41 = tpu.memref_slice %arg3[%dma_wait3A_39, %dma_wait3A_40] : memref<2x160000xi32, #tpu.memory_space<hbm>> -> memref<2x1280xi32, #tpu.memory_space<hbm>>
    %dma_wait3A_42 = arith.constant 0 : i32
    %dma_wait3A_43 = arith.constant 0 : i32
    %dma_wait3A_44 = tpu.memref_slice %arg17[%dma_wait3A, %dma_wait3A_42, %dma_wait3A_43] : memref<2x2x1280xi32, #tpu.memory_space<vmem>> -> memref<1x2x1280xi32, #tpu.memory_space<vmem>>
    %dma_wait3A_45 = tpu.memref_squeeze %dma_wait3A_44 : memref<1x2x1280xi32, #tpu.memory_space<vmem>> -> memref<2x1280xi32, #tpu.memory_space<vmem>>
    %dma_wait3A_46 = arith.constant 0 : i32
    %dma_wait3A_47 = arith.constant 0 : i32
    %dma_wait3A_48 = tpu.memref_slice %arg3[%dma_wait3A_46, %dma_wait3A_47] : memref<2x160000xi32, #tpu.memory_space<hbm>> -> memref<2x1280xi32, #tpu.memory_space<hbm>>
    tpu.wait_dma2 semaphore(%arg18 : memref<!tpu.dma_semaphore, #tpu.memory_space<semaphore_mem>>) src(%dma_wait3A_48 : memref<2x1280xi32, #tpu.memory_space<hbm>>) dst(%dma_wait3A_45 : memref<2x1280xi32, #tpu.memory_space<vmem>>)
    %parallel_loop3A = arith.constant 0 : i32
    %parallel_loop3A_49 = arith.constant 20 : i32
    %parallel_loop3A_50 = arith.constant 1 : i32
    scf.for %parallel_loop3A_75 = %parallel_loop3A to %parallel_loop3A_49 step %parallel_loop3A_50  : i32 {
      %parallel_loop3A_76 = arith.constant 4 : i32
      %parallel_loop3A_77 = arith.muli %parallel_loop3A_75, %parallel_loop3A_76 : i32
      %parallel_loop3A_78 = arith.constant 0 : i32
      %parallel_loop3A_79 = arith.addi %parallel_loop3A_77, %parallel_loop3A_78 : i32
      %parallel_loop3A_80 = arith.constant 16 : i32
      %parallel_loop3A_81 = arith.muli %parallel_loop3A_79, %parallel_loop3A_80 : i32
      %parallel_loop3A_82 = arith.constant 0 : i32
      %parallel_loop3A_83 = arith.constant 0 : i32
      %parallel_loop3A_84 = arith.index_cast %parallel_loop3A_82 : i32 to index
      %parallel_loop3A_85 = arith.index_cast %parallel_loop3A_83 : i32 to index
      %parallel_loop3A_86 = arith.index_cast %parallel_loop3A_81 : i32 to index
      %parallel_loop3A_87 = tpu.vector_load %arg17[%parallel_loop3A_84, %parallel_loop3A_85, %parallel_loop3A_86] {strides = array<i32>} : memref<2x2x1280xi32, #tpu.memory_space<vmem>>, vector<16xi32>,
      %parallel_loop3A_88 = arith.constant 0 : i32
      %parallel_loop3A_89 = arith.constant 1 : i32
      %parallel_loop3A_90 = arith.index_cast %parallel_loop3A_88 : i32 to index
      %parallel_loop3A_91 = arith.index_cast %parallel_loop3A_89 : i32 to index
      %parallel_loop3A_92 = arith.index_cast %parallel_loop3A_81 : i32 to index
      %parallel_loop3A_93 = tpu.vector_load %arg17[%parallel_loop3A_90, %parallel_loop3A_91, %parallel_loop3A_92] {strides = array<i32>} : memref<2x2x1280xi32, #tpu.memory_space<vmem>>, vector<16xi32>,
      %parallel_loop3A_94 = vector.bitcast %parallel_loop3A_93 : vector<16xi32> to vector<16xf32>
      %parallel_loop3A_95 = arith.constant 65535 : i32
      %parallel_loop3A_96 = vector.broadcast %parallel_loop3A_95 : i32 to vector<16xi32>
      %parallel_loop3A_97 = arith.andi %parallel_loop3A_87, %parallel_loop3A_96 : vector<16xi32>
      %parallel_loop3A_98 = arith.constant 16 : i32
      %parallel_loop3A_99 = vector.broadcast %parallel_loop3A_98 : i32 to vector<16xi32>
      %parallel_loop3A_100 = arith.shrui %parallel_loop3A_87, %parallel_loop3A_99 : vector<16xi32>
      %parallel_loop3A_101 = tpu.vector_load_idx %arg5[%parallel_loop3A_97] : memref<10000xi32, #tpu.memory_space<vmem>>[vector<16xi32>], vector<16xi32>,
      %parallel_loop3A_102 = tpu.vector_load_idx %arg6[%parallel_loop3A_97] : memref<10000xi32, #tpu.memory_space<vmem>>[vector<16xi32>], vector<16xi32>,
      %parallel_loop3A_103 = tpu.vector_load_idx %arg7[%parallel_loop3A_97] : memref<10000xi32, #tpu.memory_space<vmem>>[vector<16xi32>], vector<16xi32>,
      %parallel_loop3A_104 = tpu.vector_load_idx %arg8[%parallel_loop3A_97] : memref<10000xi32, #tpu.memory_space<vmem>>[vector<16xi32>], vector<16xi32>,
      %parallel_loop3A_105 = arith.constant 4 : i32
      %parallel_loop3A_106 = arith.muli %parallel_loop3A_75, %parallel_loop3A_105 : i32
      %parallel_loop3A_107 = arith.constant 1 : i32
      %parallel_loop3A_108 = arith.addi %parallel_loop3A_106, %parallel_loop3A_107 : i32
      %parallel_loop3A_109 = arith.constant 16 : i32
      %parallel_loop3A_110 = arith.muli %parallel_loop3A_108, %parallel_loop3A_109 : i32
      %parallel_loop3A_111 = arith.constant 0 : i32
      %parallel_loop3A_112 = arith.constant 0 : i32
      %parallel_loop3A_113 = arith.index_cast %parallel_loop3A_111 : i32 to index
      %parallel_loop3A_114 = arith.index_cast %parallel_loop3A_112 : i32 to index
      %parallel_loop3A_115 = arith.index_cast %parallel_loop3A_110 : i32 to index
      %parallel_loop3A_116 = tpu.vector_load %arg17[%parallel_loop3A_113, %parallel_loop3A_114, %parallel_loop3A_115] {strides = array<i32>} : memref<2x2x1280xi32, #tpu.memory_space<vmem>>, vector<16xi32>,
      %parallel_loop3A_117 = arith.constant 0 : i32
      %parallel_loop3A_118 = arith.constant 1 : i32
      %parallel_loop3A_119 = arith.index_cast %parallel_loop3A_117 : i32 to index
      %parallel_loop3A_120 = arith.index_cast %parallel_loop3A_118 : i32 to index
      %parallel_loop3A_121 = arith.index_cast %parallel_loop3A_110 : i32 to index
      %parallel_loop3A_122 = tpu.vector_load %arg17[%parallel_loop3A_119, %parallel_loop3A_120, %parallel_loop3A_121] {strides = array<i32>} : memref<2x2x1280xi32, #tpu.memory_space<vmem>>, vector<16xi32>,
      %parallel_loop3A_123 = vector.bitcast %parallel_loop3A_122 : vector<16xi32> to vector<16xf32>
      %parallel_loop3A_124 = arith.constant 65535 : i32
      %parallel_loop3A_125 = vector.broadcast %parallel_loop3A_124 : i32 to vector<16xi32>
      %parallel_loop3A_126 = arith.andi %parallel_loop3A_116, %parallel_loop3A_125 : vector<16xi32>
      %parallel_loop3A_127 = arith.constant 16 : i32
      %parallel_loop3A_128 = vector.broadcast %parallel_loop3A_127 : i32 to vector<16xi32>
      %parallel_loop3A_129 = arith.shrui %parallel_loop3A_116, %parallel_loop3A_128 : vector<16xi32>
      %parallel_loop3A_130 = tpu.vector_load_idx %arg5[%parallel_loop3A_126] : memref<10000xi32, #tpu.memory_space<vmem>>[vector<16xi32>], vector<16xi32>,
      %parallel_loop3A_131 = tpu.vector_load_idx %arg6[%parallel_loop3A_126] : memref<10000xi32, #tpu.memory_space<vmem>>[vector<16xi32>], vector<16xi32>,
      %parallel_loop3A_132 = tpu.vector_load_idx %arg7[%parallel_loop3A_126] : memref<10000xi32, #tpu.memory_space<vmem>>[vector<16xi32>], vector<16xi32>,
      %parallel_loop3A_133 = tpu.vector_load_idx %arg8[%parallel_loop3A_126] : memref<10000xi32, #tpu.memory_space<vmem>>[vector<16xi32>], vector<16xi32>,
      %parallel_loop3A_134 = arith.constant 4 : i32
      %parallel_loop3A_135 = arith.muli %parallel_loop3A_75, %parallel_loop3A_134 : i32
      %parallel_loop3A_136 = arith.constant 2 : i32
      %parallel_loop3A_137 = arith.addi %parallel_loop3A_135, %parallel_loop3A_136 : i32
      %parallel_loop3A_138 = arith.constant 16 : i32
      %parallel_loop3A_139 = arith.muli %parallel_loop3A_137, %parallel_loop3A_138 : i32
      %parallel_loop3A_140 = arith.constant 0 : i32
      %parallel_loop3A_141 = arith.constant 0 : i32
      %parallel_loop3A_142 = arith.index_cast %parallel_loop3A_140 : i32 to index
      %parallel_loop3A_143 = arith.index_cast %parallel_loop3A_141 : i32 to index
      %parallel_loop3A_144 = arith.index_cast %parallel_loop3A_139 : i32 to index
      %parallel_loop3A_145 = tpu.vector_load %arg17[%parallel_loop3A_142, %parallel_loop3A_143, %parallel_loop3A_144] {strides = array<i32>} : memref<2x2x1280xi32, #tpu.memory_space<vmem>>, vector<16xi32>,
      %parallel_loop3A_146 = arith.constant 0 : i32
      %parallel_loop3A_147 = arith.constant 1 : i32
      %parallel_loop3A_148 = arith.index_cast %parallel_loop3A_146 : i32 to index
      %parallel_loop3A_149 = arith.index_cast %parallel_loop3A_147 : i32 to index
      %parallel_loop3A_150 = arith.index_cast %parallel_loop3A_139 : i32 to index
      %parallel_loop3A_151 = tpu.vector_load %arg17[%parallel_loop3A_148, %parallel_loop3A_149, %parallel_loop3A_150] {strides = array<i32>} : memref<2x2x1280xi32, #tpu.memory_space<vmem>>, vector<16xi32>,
      %parallel_loop3A_152 = vector.bitcast %parallel_loop3A_151 : vector<16xi32> to vector<16xf32>
      %parallel_loop3A_153 = arith.constant 65535 : i32
      %parallel_loop3A_154 = vector.broadcast %parallel_loop3A_153 : i32 to vector<16xi32>
      %parallel_loop3A_155 = arith.andi %parallel_loop3A_145, %parallel_loop3A_154 : vector<16xi32>
      %parallel_loop3A_156 = arith.constant 16 : i32
      %parallel_loop3A_157 = vector.broadcast %parallel_loop3A_156 : i32 to vector<16xi32>
      %parallel_loop3A_158 = arith.shrui %parallel_loop3A_145, %parallel_loop3A_157 : vector<16xi32>
      %parallel_loop3A_159 = tpu.vector_load_idx %arg5[%parallel_loop3A_155] : memref<10000xi32, #tpu.memory_space<vmem>>[vector<16xi32>], vector<16xi32>,
      %parallel_loop3A_160 = tpu.vector_load_idx %arg6[%parallel_loop3A_155] : memref<10000xi32, #tpu.memory_space<vmem>>[vector<16xi32>], vector<16xi32>,
      %parallel_loop3A_161 = tpu.vector_load_idx %arg7[%parallel_loop3A_155] : memref<10000xi32, #tpu.memory_space<vmem>>[vector<16xi32>], vector<16xi32>,
      %parallel_loop3A_162 = tpu.vector_load_idx %arg8[%parallel_loop3A_155] : memref<10000xi32, #tpu.memory_space<vmem>>[vector<16xi32>], vector<16xi32>,
      %parallel_loop3A_163 = arith.constant 4 : i32
      %parallel_loop3A_164 = arith.muli %parallel_loop3A_75, %parallel_loop3A_163 : i32
      %parallel_loop3A_165 = arith.constant 3 : i32
      %parallel_loop3A_166 = arith.addi %parallel_loop3A_164, %parallel_loop3A_165 : i32
      %parallel_loop3A_167 = arith.constant 16 : i32
      %parallel_loop3A_168 = arith.muli %parallel_loop3A_166, %parallel_loop3A_167 : i32
      %parallel_loop3A_169 = arith.constant 0 : i32
      %parallel_loop3A_170 = arith.constant 0 : i32
      %parallel_loop3A_171 = arith.index_cast %parallel_loop3A_169 : i32 to index
      %parallel_loop3A_172 = arith.index_cast %parallel_loop3A_170 : i32 to index
      %parallel_loop3A_173 = arith.index_cast %parallel_loop3A_168 : i32 to index
      %parallel_loop3A_174 = tpu.vector_load %arg17[%parallel_loop3A_171, %parallel_loop3A_172, %parallel_loop3A_173] {strides = array<i32>} : memref<2x2x1280xi32, #tpu.memory_space<vmem>>, vector<16xi32>,
      %parallel_loop3A_175 = arith.constant 0 : i32
      %parallel_loop3A_176 = arith.constant 1 : i32
      %parallel_loop3A_177 = arith.index_cast %parallel_loop3A_175 : i32 to index
      %parallel_loop3A_178 = arith.index_cast %parallel_loop3A_176 : i32 to index
      %parallel_loop3A_179 = arith.index_cast %parallel_loop3A_168 : i32 to index
      %parallel_loop3A_180 = tpu.vector_load %arg17[%parallel_loop3A_177, %parallel_loop3A_178, %parallel_loop3A_179] {strides = array<i32>} : memref<2x2x1280xi32, #tpu.memory_space<vmem>>, vector<16xi32>,
      %parallel_loop3A_181 = vector.bitcast %parallel_loop3A_180 : vector<16xi32> to vector<16xf32>
      %parallel_loop3A_182 = arith.constant 65535 : i32
      %parallel_loop3A_183 = vector.broadcast %parallel_loop3A_182 : i32 to vector<16xi32>
      %parallel_loop3A_184 = arith.andi %parallel_loop3A_174, %parallel_loop3A_183 : vector<16xi32>
      %parallel_loop3A_185 = arith.constant 16 : i32
      %parallel_loop3A_186 = vector.broadcast %parallel_loop3A_185 : i32 to vector<16xi32>
      %parallel_loop3A_187 = arith.shrui %parallel_loop3A_174, %parallel_loop3A_186 : vector<16xi32>
      %parallel_loop3A_188 = tpu.vector_load_idx %arg5[%parallel_loop3A_184] : memref<10000xi32, #tpu.memory_space<vmem>>[vector<16xi32>], vector<16xi32>,
      %parallel_loop3A_189 = tpu.vector_load_idx %arg6[%parallel_loop3A_184] : memref<10000xi32, #tpu.memory_space<vmem>>[vector<16xi32>], vector<16xi32>,
      %parallel_loop3A_190 = tpu.vector_load_idx %arg7[%parallel_loop3A_184] : memref<10000xi32, #tpu.memory_space<vmem>>[vector<16xi32>], vector<16xi32>,
      %parallel_loop3A_191 = tpu.vector_load_idx %arg8[%parallel_loop3A_184] : memref<10000xi32, #tpu.memory_space<vmem>>[vector<16xi32>], vector<16xi32>,
      %parallel_loop3A_192 = arith.constant 16 : i32
      %parallel_loop3A_193 = vector.broadcast %parallel_loop3A_192 : i32 to vector<16xi32>
      %parallel_loop3A_194 = arith.shli %parallel_loop3A_101, %parallel_loop3A_193 : vector<16xi32>
      %parallel_loop3A_195 = vector.bitcast %parallel_loop3A_194 : vector<16xi32> to vector<16xf32>
      %parallel_loop3A_196 = arith.constant -65536 : i32
      %parallel_loop3A_197 = vector.broadcast %parallel_loop3A_196 : i32 to vector<16xi32>
      %parallel_loop3A_198 = arith.andi %parallel_loop3A_101, %parallel_loop3A_197 : vector<16xi32>
      %parallel_loop3A_199 = vector.bitcast %parallel_loop3A_198 : vector<16xi32> to vector<16xf32>
      %parallel_loop3A_200 = arith.mulf %parallel_loop3A_195, %parallel_loop3A_94 : vector<16xf32>
      tpu.vector_store_idx %arg9[%parallel_loop3A_100], %parallel_loop3A_200 {add = true} : memref<10000xf32, #tpu.memory_space<vmem>>[vector<16xi32>], vector<16xf32>,
      %parallel_loop3A_201 = arith.mulf %parallel_loop3A_199, %parallel_loop3A_94 : vector<16xf32>
      tpu.vector_store_idx %arg13[%parallel_loop3A_100], %parallel_loop3A_201 {add = true} : memref<10000xf32, #tpu.memory_space<vmem>>[vector<16xi32>], vector<16xf32>,
      %parallel_loop3A_202 = arith.constant 16 : i32
      %parallel_loop3A_203 = vector.broadcast %parallel_loop3A_202 : i32 to vector<16xi32>
      %parallel_loop3A_204 = arith.shli %parallel_loop3A_102, %parallel_loop3A_203 : vector<16xi32>
      %parallel_loop3A_205 = vector.bitcast %parallel_loop3A_204 : vector<16xi32> to vector<16xf32>
      %parallel_loop3A_206 = arith.constant -65536 : i32
      %parallel_loop3A_207 = vector.broadcast %parallel_loop3A_206 : i32 to vector<16xi32>
      %parallel_loop3A_208 = arith.andi %parallel_loop3A_102, %parallel_loop3A_207 : vector<16xi32>
      %parallel_loop3A_209 = vector.bitcast %parallel_loop3A_208 : vector<16xi32> to vector<16xf32>
      %parallel_loop3A_210 = arith.mulf %parallel_loop3A_205, %parallel_loop3A_94 : vector<16xf32>
      tpu.vector_store_idx %arg10[%parallel_loop3A_100], %parallel_loop3A_210 {add = true} : memref<10000xf32, #tpu.memory_space<vmem>>[vector<16xi32>], vector<16xf32>,
      %parallel_loop3A_211 = arith.mulf %parallel_loop3A_209, %parallel_loop3A_94 : vector<16xf32>
      tpu.vector_store_idx %arg14[%parallel_loop3A_100], %parallel_loop3A_211 {add = true} : memref<10000xf32, #tpu.memory_space<vmem>>[vector<16xi32>], vector<16xf32>,
      %parallel_loop3A_212 = arith.constant 16 : i32
      %parallel_loop3A_213 = vector.broadcast %parallel_loop3A_212 : i32 to vector<16xi32>
      %parallel_loop3A_214 = arith.shli %parallel_loop3A_103, %parallel_loop3A_213 : vector<16xi32>
      %parallel_loop3A_215 = vector.bitcast %parallel_loop3A_214 : vector<16xi32> to vector<16xf32>
      %parallel_loop3A_216 = arith.constant -65536 : i32
      %parallel_loop3A_217 = vector.broadcast %parallel_loop3A_216 : i32 to vector<16xi32>
      %parallel_loop3A_218 = arith.andi %parallel_loop3A_103, %parallel_loop3A_217 : vector<16xi32>
      %parallel_loop3A_219 = vector.bitcast %parallel_loop3A_218 : vector<16xi32> to vector<16xf32>
      %parallel_loop3A_220 = arith.mulf %parallel_loop3A_215, %parallel_loop3A_94 : vector<16xf32>
      tpu.vector_store_idx %arg11[%parallel_loop3A_100], %parallel_loop3A_220 {add = true} : memref<10000xf32, #tpu.memory_space<vmem>>[vector<16xi32>], vector<16xf32>,
      %parallel_loop3A_221 = arith.mulf %parallel_loop3A_219, %parallel_loop3A_94 : vector<16xf32>
      tpu.vector_store_idx %arg15[%parallel_loop3A_100], %parallel_loop3A_221 {add = true} : memref<10000xf32, #tpu.memory_space<vmem>>[vector<16xi32>], vector<16xf32>,
      %parallel_loop3A_222 = arith.constant 16 : i32
      %parallel_loop3A_223 = vector.broadcast %parallel_loop3A_222 : i32 to vector<16xi32>
      %parallel_loop3A_224 = arith.shli %parallel_loop3A_104, %parallel_loop3A_223 : vector<16xi32>
      %parallel_loop3A_225 = vector.bitcast %parallel_loop3A_224 : vector<16xi32> to vector<16xf32>
      %parallel_loop3A_226 = arith.constant -65536 : i32
      %parallel_loop3A_227 = vector.broadcast %parallel_loop3A_226 : i32 to vector<16xi32>
      %parallel_loop3A_228 = arith.andi %parallel_loop3A_104, %parallel_loop3A_227 : vector<16xi32>
      %parallel_loop3A_229 = vector.bitcast %parallel_loop3A_228 : vector<16xi32> to vector<16xf32>
      %parallel_loop3A_230 = arith.mulf %parallel_loop3A_225, %parallel_loop3A_94 : vector<16xf32>
      tpu.vector_store_idx %arg12[%parallel_loop3A_100], %parallel_loop3A_230 {add = true} : memref<10000xf32, #tpu.memory_space<vmem>>[vector<16xi32>], vector<16xf32>,
      %parallel_loop3A_231 = arith.mulf %parallel_loop3A_229, %parallel_loop3A_94 : vector<16xf32>
      tpu.vector_store_idx %arg16[%parallel_loop3A_100], %parallel_loop3A_231 {add = true} : memref<10000xf32, #tpu.memory_space<vmem>>[vector<16xi32>], vector<16xf32>,
      %parallel_loop3A_232 = arith.constant 16 : i32
      %parallel_loop3A_233 = vector.broadcast %parallel_loop3A_232 : i32 to vector<16xi32>
      %parallel_loop3A_234 = arith.shli %parallel_loop3A_130, %parallel_loop3A_233 : vector<16xi32>
      %parallel_loop3A_235 = vector.bitcast %parallel_loop3A_234 : vector<16xi32> to vector<16xf32>
      %parallel_loop3A_236 = arith.constant -65536 : i32
      %parallel_loop3A_237 = vector.broadcast %parallel_loop3A_236 : i32 to vector<16xi32>
      %parallel_loop3A_238 = arith.andi %parallel_loop3A_130, %parallel_loop3A_237 : vector<16xi32>
      %parallel_loop3A_239 = vector.bitcast %parallel_loop3A_238 : vector<16xi32> to vector<16xf32>
      %parallel_loop3A_240 = arith.mulf %parallel_loop3A_235, %parallel_loop3A_123 : vector<16xf32>
      tpu.vector_store_idx %arg9[%parallel_loop3A_129], %parallel_loop3A_240 {add = true} : memref<10000xf32, #tpu.memory_space<vmem>>[vector<16xi32>], vector<16xf32>,
      %parallel_loop3A_241 = arith.mulf %parallel_loop3A_239, %parallel_loop3A_123 : vector<16xf32>
      tpu.vector_store_idx %arg13[%parallel_loop3A_129], %parallel_loop3A_241 {add = true} : memref<10000xf32, #tpu.memory_space<vmem>>[vector<16xi32>], vector<16xf32>,
      %parallel_loop3A_242 = arith.constant 16 : i32
      %parallel_loop3A_243 = vector.broadcast %parallel_loop3A_242 : i32 to vector<16xi32>
      %parallel_loop3A_244 = arith.shli %parallel_loop3A_131, %parallel_loop3A_243 : vector<16xi32>
      %parallel_loop3A_245 = vector.bitcast %parallel_loop3A_244 : vector<16xi32> to vector<16xf32>
      %parallel_loop3A_246 = arith.constant -65536 : i32
      %parallel_loop3A_247 = vector.broadcast %parallel_loop3A_246 : i32 to vector<16xi32>
      %parallel_loop3A_248 = arith.andi %parallel_loop3A_131, %parallel_loop3A_247 : vector<16xi32>
      %parallel_loop3A_249 = vector.bitcast %parallel_loop3A_248 : vector<16xi32> to vector<16xf32>
      %parallel_loop3A_250 = arith.mulf %parallel_loop3A_245, %parallel_loop3A_123 : vector<16xf32>
      tpu.vector_store_idx %arg10[%parallel_loop3A_129], %parallel_loop3A_250 {add = true} : memref<10000xf32, #tpu.memory_space<vmem>>[vector<16xi32>], vector<16xf32>,
      %parallel_loop3A_251 = arith.mulf %parallel_loop3A_249, %parallel_loop3A_123 : vector<16xf32>
      tpu.vector_store_idx %arg14[%parallel_loop3A_129], %parallel_loop3A_251 {add = true} : memref<10000xf32, #tpu.memory_space<vmem>>[vector<16xi32>], vector<16xf32>,
      %parallel_loop3A_252 = arith.constant 16 : i32
      %parallel_loop3A_253 = vector.broadcast %parallel_loop3A_252 : i32 to vector<16xi32>
      %parallel_loop3A_254 = arith.shli %parallel_loop3A_132, %parallel_loop3A_253 : vector<16xi32>
      %parallel_loop3A_255 = vector.bitcast %parallel_loop3A_254 : vector<16xi32> to vector<16xf32>
      %parallel_loop3A_256 = arith.constant -65536 : i32
      %parallel_loop3A_257 = vector.broadcast %parallel_loop3A_256 : i32 to vector<16xi32>
      %parallel_loop3A_258 = arith.andi %parallel_loop3A_132, %parallel_loop3A_257 : vector<16xi32>
      %parallel_loop3A_259 = vector.bitcast %parallel_loop3A_258 : vector<16xi32> to vector<16xf32>
      %parallel_loop3A_260 = arith.mulf %parallel_loop3A_255, %parallel_loop3A_123 : vector<16xf32>
      tpu.vector_store_idx %arg11[%parallel_loop3A_129], %parallel_loop3A_260 {add = true} : memref<10000xf32, #tpu.memory_space<vmem>>[vector<16xi32>], vector<16xf32>,
      %parallel_loop3A_261 = arith.mulf %parallel_loop3A_259, %parallel_loop3A_123 : vector<16xf32>
      tpu.vector_store_idx %arg15[%parallel_loop3A_129], %parallel_loop3A_261 {add = true} : memref<10000xf32, #tpu.memory_space<vmem>>[vector<16xi32>], vector<16xf32>,
      %parallel_loop3A_262 = arith.constant 16 : i32
      %parallel_loop3A_263 = vector.broadcast %parallel_loop3A_262 : i32 to vector<16xi32>
      %parallel_loop3A_264 = arith.shli %parallel_loop3A_133, %parallel_loop3A_263 : vector<16xi32>
      %parallel_loop3A_265 = vector.bitcast %parallel_loop3A_264 : vector<16xi32> to vector<16xf32>
      %parallel_loop3A_266 = arith.constant -65536 : i32
      %parallel_loop3A_267 = vector.broadcast %parallel_loop3A_266 : i32 to vector<16xi32>
      %parallel_loop3A_268 = arith.andi %parallel_loop3A_133, %parallel_loop3A_267 : vector<16xi32>
      %parallel_loop3A_269 = vector.bitcast %parallel_loop3A_268 : vector<16xi32> to vector<16xf32>
      %parallel_loop3A_270 = arith.mulf %parallel_loop3A_265, %parallel_loop3A_123 : vector<16xf32>
      tpu.vector_store_idx %arg12[%parallel_loop3A_129], %parallel_loop3A_270 {add = true} : memref<10000xf32, #tpu.memory_space<vmem>>[vector<16xi32>], vector<16xf32>,
      %parallel_loop3A_271 = arith.mulf %parallel_loop3A_269, %parallel_loop3A_123 : vector<16xf32>
      tpu.vector_store_idx %arg16[%parallel_loop3A_129], %parallel_loop3A_271 {add = true} : memref<10000xf32, #tpu.memory_space<vmem>>[vector<16xi32>], vector<16xf32>,
      %parallel_loop3A_272 = arith.constant 16 : i32
      %parallel_loop3A_273 = vector.broadcast %parallel_loop3A_272 : i32 to vector<16xi32>
      %parallel_loop3A_274 = arith.shli %parallel_loop3A_159, %parallel_loop3A_273 : vector<16xi32>
      %parallel_loop3A_275 = vector.bitcast %parallel_loop3A_274 : vector<16xi32> to vector<16xf32>
      %parallel_loop3A_276 = arith.constant -65536 : i32
      %parallel_loop3A_277 = vector.broadcast %parallel_loop3A_276 : i32 to vector<16xi32>
      %parallel_loop3A_278 = arith.andi %parallel_loop3A_159, %parallel_loop3A_277 : vector<16xi32>
      %parallel_loop3A_279 = vector.bitcast %parallel_loop3A_278 : vector<16xi32> to vector<16xf32>
      %parallel_loop3A_280 = arith.mulf %parallel_loop3A_275, %parallel_loop3A_152 : vector<16xf32>
      tpu.vector_store_idx %arg9[%parallel_loop3A_158], %parallel_loop3A_280 {add = true} : memref<10000xf32, #tpu.memory_space<vmem>>[vector<16xi32>], vector<16xf32>,
      %parallel_loop3A_281 = arith.mulf %parallel_loop3A_279, %parallel_loop3A_152 : vector<16xf32>
      tpu.vector_store_idx %arg13[%parallel_loop3A_158], %parallel_loop3A_281 {add = true} : memref<10000xf32, #tpu.memory_space<vmem>>[vector<16xi32>], vector<16xf32>,
      %parallel_loop3A_282 = arith.constant 16 : i32
      %parallel_loop3A_283 = vector.broadcast %parallel_loop3A_282 : i32 to vector<16xi32>
      %parallel_loop3A_284 = arith.shli %parallel_loop3A_160, %parallel_loop3A_283 : vector<16xi32>
      %parallel_loop3A_285 = vector.bitcast %parallel_loop3A_284 : vector<16xi32> to vector<16xf32>
      %parallel_loop3A_286 = arith.constant -65536 : i32
      %parallel_loop3A_287 = vector.broadcast %parallel_loop3A_286 : i32 to vector<16xi32>
      %parallel_loop3A_288 = arith.andi %parallel_loop3A_160, %parallel_loop3A_287 : vector<16xi32>
      %parallel_loop3A_289 = vector.bitcast %parallel_loop3A_288 : vector<16xi32> to vector<16xf32>
      %parallel_loop3A_290 = arith.mulf %parallel_loop3A_285, %parallel_loop3A_152 : vector<16xf32>
      tpu.vector_store_idx %arg10[%parallel_loop3A_158], %parallel_loop3A_290 {add = true} : memref<10000xf32, #tpu.memory_space<vmem>>[vector<16xi32>], vector<16xf32>,
      %parallel_loop3A_291 = arith.mulf %parallel_loop3A_289, %parallel_loop3A_152 : vector<16xf32>
      tpu.vector_store_idx %arg14[%parallel_loop3A_158], %parallel_loop3A_291 {add = true} : memref<10000xf32, #tpu.memory_space<vmem>>[vector<16xi32>], vector<16xf32>,
      %parallel_loop3A_292 = arith.constant 16 : i32
      %parallel_loop3A_293 = vector.broadcast %parallel_loop3A_292 : i32 to vector<16xi32>
      %parallel_loop3A_294 = arith.shli %parallel_loop3A_161, %parallel_loop3A_293 : vector<16xi32>
      %parallel_loop3A_295 = vector.bitcast %parallel_loop3A_294 : vector<16xi32> to vector<16xf32>
      %parallel_loop3A_296 = arith.constant -65536 : i32
      %parallel_loop3A_297 = vector.broadcast %parallel_loop3A_296 : i32 to vector<16xi32>
      %parallel_loop3A_298 = arith.andi %parallel_loop3A_161, %parallel_loop3A_297 : vector<16xi32>
      %parallel_loop3A_299 = vector.bitcast %parallel_loop3A_298 : vector<16xi32> to vector<16xf32>
      %parallel_loop3A_300 = arith.mulf %parallel_loop3A_295, %parallel_loop3A_152 : vector<16xf32>
      tpu.vector_store_idx %arg11[%parallel_loop3A_158], %parallel_loop3A_300 {add = true} : memref<10000xf32, #tpu.memory_space<vmem>>[vector<16xi32>], vector<16xf32>,
      %parallel_loop3A_301 = arith.mulf %parallel_loop3A_299, %parallel_loop3A_152 : vector<16xf32>
      tpu.vector_store_idx %arg15[%parallel_loop3A_158], %parallel_loop3A_301 {add = true} : memref<10000xf32, #tpu.memory_space<vmem>>[vector<16xi32>], vector<16xf32>,
      %parallel_loop3A_302 = arith.constant 16 : i32
      %parallel_loop3A_303 = vector.broadcast %parallel_loop3A_302 : i32 to vector<16xi32>
      %parallel_loop3A_304 = arith.shli %parallel_loop3A_162, %parallel_loop3A_303 : vector<16xi32>
      %parallel_loop3A_305 = vector.bitcast %parallel_loop3A_304 : vector<16xi32> to vector<16xf32>
      %parallel_loop3A_306 = arith.constant -65536 : i32
      %parallel_loop3A_307 = vector.broadcast %parallel_loop3A_306 : i32 to vector<16xi32>
      %parallel_loop3A_308 = arith.andi %parallel_loop3A_162, %parallel_loop3A_307 : vector<16xi32>
      %parallel_loop3A_309 = vector.bitcast %parallel_loop3A_308 : vector<16xi32> to vector<16xf32>
      %parallel_loop3A_310 = arith.mulf %parallel_loop3A_305, %parallel_loop3A_152 : vector<16xf32>
      tpu.vector_store_idx %arg12[%parallel_loop3A_158], %parallel_loop3A_310 {add = true} : memref<10000xf32, #tpu.memory_space<vmem>>[vector<16xi32>], vector<16xf32>,
      %parallel_loop3A_311 = arith.mulf %parallel_loop3A_309, %parallel_loop3A_152 : vector<16xf32>
      tpu.vector_store_idx %arg16[%parallel_loop3A_158], %parallel_loop3A_311 {add = true} : memref<10000xf32, #tpu.memory_space<vmem>>[vector<16xi32>], vector<16xf32>,
      %parallel_loop3A_312 = arith.constant 16 : i32
      %parallel_loop3A_313 = vector.broadcast %parallel_loop3A_312 : i32 to vector<16xi32>
      %parallel_loop3A_314 = arith.shli %parallel_loop3A_188, %parallel_loop3A_313 : vector<16xi32>
      %parallel_loop3A_315 = vector.bitcast %parallel_loop3A_314 : vector<16xi32> to vector<16xf32>
      %parallel_loop3A_316 = arith.constant -65536 : i32
      %parallel_loop3A_317 = vector.broadcast %parallel_loop3A_316 : i32 to vector<16xi32>
      %parallel_loop3A_318 = arith.andi %parallel_loop3A_188, %parallel_loop3A_317 : vector<16xi32>
      %parallel_loop3A_319 = vector.bitcast %parallel_loop3A_318 : vector<16xi32> to vector<16xf32>
      %parallel_loop3A_320 = arith.mulf %parallel_loop3A_315, %parallel_loop3A_181 : vector<16xf32>
      tpu.vector_store_idx %arg9[%parallel_loop3A_187], %parallel_loop3A_320 {add = true} : memref<10000xf32, #tpu.memory_space<vmem>>[vector<16xi32>], vector<16xf32>,
      %parallel_loop3A_321 = arith.mulf %parallel_loop3A_319, %parallel_loop3A_181 : vector<16xf32>
      tpu.vector_store_idx %arg13[%parallel_loop3A_187], %parallel_loop3A_321 {add = true} : memref<10000xf32, #tpu.memory_space<vmem>>[vector<16xi32>], vector<16xf32>,
      %parallel_loop3A_322 = arith.constant 16 : i32
      %parallel_loop3A_323 = vector.broadcast %parallel_loop3A_322 : i32 to vector<16xi32>
      %parallel_loop3A_324 = arith.shli %parallel_loop3A_189, %parallel_loop3A_323 : vector<16xi32>
      %parallel_loop3A_325 = vector.bitcast %parallel_loop3A_324 : vector<16xi32> to vector<16xf32>
      %parallel_loop3A_326 = arith.constant -65536 : i32
      %parallel_loop3A_327 = vector.broadcast %parallel_loop3A_326 : i32 to vector<16xi32>
      %parallel_loop3A_328 = arith.andi %parallel_loop3A_189, %parallel_loop3A_327 : vector<16xi32>
      %parallel_loop3A_329 = vector.bitcast %parallel_loop3A_328 : vector<16xi32> to vector<16xf32>
      %parallel_loop3A_330 = arith.mulf %parallel_loop3A_325, %parallel_loop3A_181 : vector<16xf32>
      tpu.vector_store_idx %arg10[%parallel_loop3A_187], %parallel_loop3A_330 {add = true} : memref<10000xf32, #tpu.memory_space<vmem>>[vector<16xi32>], vector<16xf32>,
      %parallel_loop3A_331 = arith.mulf %parallel_loop3A_329, %parallel_loop3A_181 : vector<16xf32>
      tpu.vector_store_idx %arg14[%parallel_loop3A_187], %parallel_loop3A_331 {add = true} : memref<10000xf32, #tpu.memory_space<vmem>>[vector<16xi32>], vector<16xf32>,
      %parallel_loop3A_332 = arith.constant 16 : i32
      %parallel_loop3A_333 = vector.broadcast %parallel_loop3A_332 : i32 to vector<16xi32>
      %parallel_loop3A_334 = arith.shli %parallel_loop3A_190, %parallel_loop3A_333 : vector<16xi32>
      %parallel_loop3A_335 = vector.bitcast %parallel_loop3A_334 : vector<16xi32> to vector<16xf32>
      %parallel_loop3A_336 = arith.constant -65536 : i32
      %parallel_loop3A_337 = vector.broadcast %parallel_loop3A_336 : i32 to vector<16xi32>
      %parallel_loop3A_338 = arith.andi %parallel_loop3A_190, %parallel_loop3A_337 : vector<16xi32>
      %parallel_loop3A_339 = vector.bitcast %parallel_loop3A_338 : vector<16xi32> to vector<16xf32>
      %parallel_loop3A_340 = arith.mulf %parallel_loop3A_335, %parallel_loop3A_181 : vector<16xf32>
      tpu.vector_store_idx %arg11[%parallel_loop3A_187], %parallel_loop3A_340 {add = true} : memref<10000xf32, #tpu.memory_space<vmem>>[vector<16xi32>], vector<16xf32>,
      %parallel_loop3A_341 = arith.mulf %parallel_loop3A_339, %parallel_loop3A_181 : vector<16xf32>
      tpu.vector_store_idx %arg15[%parallel_loop3A_187], %parallel_loop3A_341 {add = true} : memref<10000xf32, #tpu.memory_space<vmem>>[vector<16xi32>], vector<16xf32>,
      %parallel_loop3A_342 = arith.constant 16 : i32
      %parallel_loop3A_343 = vector.broadcast %parallel_loop3A_342 : i32 to vector<16xi32>
      %parallel_loop3A_344 = arith.shli %parallel_loop3A_191, %parallel_loop3A_343 : vector<16xi32>
      %parallel_loop3A_345 = vector.bitcast %parallel_loop3A_344 : vector<16xi32> to vector<16xf32>
      %parallel_loop3A_346 = arith.constant -65536 : i32
      %parallel_loop3A_347 = vector.broadcast %parallel_loop3A_346 : i32 to vector<16xi32>
      %parallel_loop3A_348 = arith.andi %parallel_loop3A_191, %parallel_loop3A_347 : vector<16xi32>
      %parallel_loop3A_349 = vector.bitcast %parallel_loop3A_348 : vector<16xi32> to vector<16xf32>
      %parallel_loop3A_350 = arith.mulf %parallel_loop3A_345, %parallel_loop3A_181 : vector<16xf32>
      tpu.vector_store_idx %arg12[%parallel_loop3A_187], %parallel_loop3A_350 {add = true} : memref<10000xf32, #tpu.memory_space<vmem>>[vector<16xi32>], vector<16xf32>,
      %parallel_loop3A_351 = arith.mulf %parallel_loop3A_349, %parallel_loop3A_181 : vector<16xf32>
      tpu.vector_store_idx %arg16[%parallel_loop3A_187], %parallel_loop3A_351 {add = true} : memref<10000xf32, #tpu.memory_space<vmem>>[vector<16xi32>], vector<16xf32>,
    } {sc.loop_unroll_factor = 1 : i64, sc.parallel_access}
    %add3A_51 = arith.constant 0 : i32
    %add3A_52 = arith.addi %mul3A_2, %add3A_51 : i32
    "tpu.region"() ({
      %run_scoped3A = tpu.sem_alloc : memref<!tpu.dma_semaphore, #tpu.memory_space<semaphore_mem>>
      %dma_start3A_75 = arith.constant 0 : i32
      %dma_start3A_76 = tpu.memref_slice %arg4[%add3A_52, %dma_start3A_75] : memref<256x10000xf32, #tpu.memory_space<hbm>> -> memref<1x10000xf32, #tpu.memory_space<hbm>>
      %dma_start3A_77 = tpu.memref_squeeze %dma_start3A_76 : memref<1x10000xf32, #tpu.memory_space<hbm>> -> memref<10000xf32, #tpu.memory_space<hbm>>
      %dma_start3A_78 = arith.constant 0 : i32
      %dma_start3A_79 = tpu.memref_slice %arg4[%add3A_52, %dma_start3A_78] : memref<256x10000xf32, #tpu.memory_space<hbm>> -> memref<1x10000xf32, #tpu.memory_space<hbm>>
      %dma_start3A_80 = tpu.memref_squeeze %dma_start3A_79 : memref<1x10000xf32, #tpu.memory_space<hbm>> -> memref<10000xf32, #tpu.memory_space<hbm>>
      tpu.enqueue_dma source(%arg9 : memref<10000xf32, #tpu.memory_space<vmem>>) target(%dma_start3A_80 : memref<10000xf32, #tpu.memory_space<hbm>>) target_semaphore(%run_scoped3A : memref<!tpu.dma_semaphore, #tpu.memory_space<semaphore_mem>>)
      %dma_wait3A_81 = arith.constant 0 : i32
      %dma_wait3A_82 = tpu.memref_slice %arg4[%add3A_52, %dma_wait3A_81] : memref<256x10000xf32, #tpu.memory_space<hbm>> -> memref<1x10000xf32, #tpu.memory_space<hbm>>
      %dma_wait3A_83 = tpu.memref_squeeze %dma_wait3A_82 : memref<1x10000xf32, #tpu.memory_space<hbm>> -> memref<10000xf32, #tpu.memory_space<hbm>>
      %dma_wait3A_84 = arith.constant 0 : i32
      %dma_wait3A_85 = tpu.memref_slice %arg4[%add3A_52, %dma_wait3A_84] : memref<256x10000xf32, #tpu.memory_space<hbm>> -> memref<1x10000xf32, #tpu.memory_space<hbm>>
      %dma_wait3A_86 = tpu.memref_squeeze %dma_wait3A_85 : memref<1x10000xf32, #tpu.memory_space<hbm>> -> memref<10000xf32, #tpu.memory_space<hbm>>
      tpu.wait_dma2 semaphore(%run_scoped3A : memref<!tpu.dma_semaphore, #tpu.memory_space<semaphore_mem>>) src(%arg9 : memref<10000xf32, #tpu.memory_space<vmem>>) dst(%dma_wait3A_86 : memref<10000xf32, #tpu.memory_space<hbm>>)
      tpu.yield
    }) : () -> ()
    %add3A_53 = arith.constant 0 : i32
    %add3A_54 = arith.addi %mul3A_2, %add3A_53 : i32
    %add3A_55 = arith.constant 128 : i32
    %add3A_56 = arith.addi %add3A_54, %add3A_55 : i32
    "tpu.region"() ({
      %run_scoped3A = tpu.sem_alloc : memref<!tpu.dma_semaphore, #tpu.memory_space<semaphore_mem>>
      %dma_start3A_75 = arith.constant 0 : i32
      %dma_start3A_76 = tpu.memref_slice %arg4[%add3A_56, %dma_start3A_75] : memref<256x10000xf32, #tpu.memory_space<hbm>> -> memref<1x10000xf32, #tpu.memory_space<hbm>>
      %dma_start3A_77 = tpu.memref_squeeze %dma_start3A_76 : memref<1x10000xf32, #tpu.memory_space<hbm>> -> memref<10000xf32, #tpu.memory_space<hbm>>
      %dma_start3A_78 = arith.constant 0 : i32
      %dma_start3A_79 = tpu.memref_slice %arg4[%add3A_56, %dma_start3A_78] : memref<256x10000xf32, #tpu.memory_space<hbm>> -> memref<1x10000xf32, #tpu.memory_space<hbm>>
      %dma_start3A_80 = tpu.memref_squeeze %dma_start3A_79 : memref<1x10000xf32, #tpu.memory_space<hbm>> -> memref<10000xf32, #tpu.memory_space<hbm>>
      tpu.enqueue_dma source(%arg13 : memref<10000xf32, #tpu.memory_space<vmem>>) target(%dma_start3A_80 : memref<10000xf32, #tpu.memory_space<hbm>>) target_semaphore(%run_scoped3A : memref<!tpu.dma_semaphore, #tpu.memory_space<semaphore_mem>>)
      %dma_wait3A_81 = arith.constant 0 : i32
      %dma_wait3A_82 = tpu.memref_slice %arg4[%add3A_56, %dma_wait3A_81] : memref<256x10000xf32, #tpu.memory_space<hbm>> -> memref<1x10000xf32, #tpu.memory_space<hbm>>
      %dma_wait3A_83 = tpu.memref_squeeze %dma_wait3A_82 : memref<1x10000xf32, #tpu.memory_space<hbm>> -> memref<10000xf32, #tpu.memory_space<hbm>>
      %dma_wait3A_84 = arith.constant 0 : i32
      %dma_wait3A_85 = tpu.memref_slice %arg4[%add3A_56, %dma_wait3A_84] : memref<256x10000xf32, #tpu.memory_space<hbm>> -> memref<1x10000xf32, #tpu.memory_space<hbm>>
      %dma_wait3A_86 = tpu.memref_squeeze %dma_wait3A_85 : memref<1x10000xf32, #tpu.memory_space<hbm>> -> memref<10000xf32, #tpu.memory_space<hbm>>
      tpu.wait_dma2 semaphore(%run_scoped3A : memref<!tpu.dma_semaphore, #tpu.memory_space<semaphore_mem>>) src(%arg13 : memref<10000xf32, #tpu.memory_space<vmem>>) dst(%dma_wait3A_86 : memref<10000xf32, #tpu.memory_space<hbm>>)
      tpu.yield
    }) : () -> ()
    %add3A_57 = arith.constant 1 : i32
    %add3A_58 = arith.addi %mul3A_2, %add3A_57 : i32
    "tpu.region"() ({
      %run_scoped3A = tpu.sem_alloc : memref<!tpu.dma_semaphore, #tpu.memory_space<semaphore_mem>>
      %dma_start3A_75 = arith.constant 0 : i32
      %dma_start3A_76 = tpu.memref_slice %arg4[%add3A_58, %dma_start3A_75] : memref<256x10000xf32, #tpu.memory_space<hbm>> -> memref<1x10000xf32, #tpu.memory_space<hbm>>
      %dma_start3A_77 = tpu.memref_squeeze %dma_start3A_76 : memref<1x10000xf32, #tpu.memory_space<hbm>> -> memref<10000xf32, #tpu.memory_space<hbm>>
      %dma_start3A_78 = arith.constant 0 : i32
      %dma_start3A_79 = tpu.memref_slice %arg4[%add3A_58, %dma_start3A_78] : memref<256x10000xf32, #tpu.memory_space<hbm>> -> memref<1x10000xf32, #tpu.memory_space<hbm>>
      %dma_start3A_80 = tpu.memref_squeeze %dma_start3A_79 : memref<1x10000xf32, #tpu.memory_space<hbm>> -> memref<10000xf32, #tpu.memory_space<hbm>>
      tpu.enqueue_dma source(%arg10 : memref<10000xf32, #tpu.memory_space<vmem>>) target(%dma_start3A_80 : memref<10000xf32, #tpu.memory_space<hbm>>) target_semaphore(%run_scoped3A : memref<!tpu.dma_semaphore, #tpu.memory_space<semaphore_mem>>)
      %dma_wait3A_81 = arith.constant 0 : i32
      %dma_wait3A_82 = tpu.memref_slice %arg4[%add3A_58, %dma_wait3A_81] : memref<256x10000xf32, #tpu.memory_space<hbm>> -> memref<1x10000xf32, #tpu.memory_space<hbm>>
      %dma_wait3A_83 = tpu.memref_squeeze %dma_wait3A_82 : memref<1x10000xf32, #tpu.memory_space<hbm>> -> memref<10000xf32, #tpu.memory_space<hbm>>
      %dma_wait3A_84 = arith.constant 0 : i32
      %dma_wait3A_85 = tpu.memref_slice %arg4[%add3A_58, %dma_wait3A_84] : memref<256x10000xf32, #tpu.memory_space<hbm>> -> memref<1x10000xf32, #tpu.memory_space<hbm>>
      %dma_wait3A_86 = tpu.memref_squeeze %dma_wait3A_85 : memref<1x10000xf32, #tpu.memory_space<hbm>> -> memref<10000xf32, #tpu.memory_space<hbm>>
      tpu.wait_dma2 semaphore(%run_scoped3A : memref<!tpu.dma_semaphore, #tpu.memory_space<semaphore_mem>>) src(%arg10 : memref<10000xf32, #tpu.memory_space<vmem>>) dst(%dma_wait3A_86 : memref<10000xf32, #tpu.memory_space<hbm>>)
      tpu.yield
    }) : () -> ()
    %add3A_59 = arith.constant 1 : i32
    %add3A_60 = arith.addi %mul3A_2, %add3A_59 : i32
    %add3A_61 = arith.constant 128 : i32
    %add3A_62 = arith.addi %add3A_60, %add3A_61 : i32
    "tpu.region"() ({
      %run_scoped3A = tpu.sem_alloc : memref<!tpu.dma_semaphore, #tpu.memory_space<semaphore_mem>>
      %dma_start3A_75 = arith.constant 0 : i32
      %dma_start3A_76 = tpu.memref_slice %arg4[%add3A_62, %dma_start3A_75] : memref<256x10000xf32, #tpu.memory_space<hbm>> -> memref<1x10000xf32, #tpu.memory_space<hbm>>
      %dma_start3A_77 = tpu.memref_squeeze %dma_start3A_76 : memref<1x10000xf32, #tpu.memory_space<hbm>> -> memref<10000xf32, #tpu.memory_space<hbm>>
      %dma_start3A_78 = arith.constant 0 : i32
      %dma_start3A_79 = tpu.memref_slice %arg4[%add3A_62, %dma_start3A_78] : memref<256x10000xf32, #tpu.memory_space<hbm>> -> memref<1x10000xf32, #tpu.memory_space<hbm>>
      %dma_start3A_80 = tpu.memref_squeeze %dma_start3A_79 : memref<1x10000xf32, #tpu.memory_space<hbm>> -> memref<10000xf32, #tpu.memory_space<hbm>>
      tpu.enqueue_dma source(%arg14 : memref<10000xf32, #tpu.memory_space<vmem>>) target(%dma_start3A_80 : memref<10000xf32, #tpu.memory_space<hbm>>) target_semaphore(%run_scoped3A : memref<!tpu.dma_semaphore, #tpu.memory_space<semaphore_mem>>)
      %dma_wait3A_81 = arith.constant 0 : i32
      %dma_wait3A_82 = tpu.memref_slice %arg4[%add3A_62, %dma_wait3A_81] : memref<256x10000xf32, #tpu.memory_space<hbm>> -> memref<1x10000xf32, #tpu.memory_space<hbm>>
      %dma_wait3A_83 = tpu.memref_squeeze %dma_wait3A_82 : memref<1x10000xf32, #tpu.memory_space<hbm>> -> memref<10000xf32, #tpu.memory_space<hbm>>
      %dma_wait3A_84 = arith.constant 0 : i32
      %dma_wait3A_85 = tpu.memref_slice %arg4[%add3A_62, %dma_wait3A_84] : memref<256x10000xf32, #tpu.memory_space<hbm>> -> memref<1x10000xf32, #tpu.memory_space<hbm>>
      %dma_wait3A_86 = tpu.memref_squeeze %dma_wait3A_85 : memref<1x10000xf32, #tpu.memory_space<hbm>> -> memref<10000xf32, #tpu.memory_space<hbm>>
      tpu.wait_dma2 semaphore(%run_scoped3A : memref<!tpu.dma_semaphore, #tpu.memory_space<semaphore_mem>>) src(%arg14 : memref<10000xf32, #tpu.memory_space<vmem>>) dst(%dma_wait3A_86 : memref<10000xf32, #tpu.memory_space<hbm>>)
      tpu.yield
    }) : () -> ()
    %add3A_63 = arith.constant 2 : i32
    %add3A_64 = arith.addi %mul3A_2, %add3A_63 : i32
    "tpu.region"() ({
      %run_scoped3A = tpu.sem_alloc : memref<!tpu.dma_semaphore, #tpu.memory_space<semaphore_mem>>
      %dma_start3A_75 = arith.constant 0 : i32
      %dma_start3A_76 = tpu.memref_slice %arg4[%add3A_64, %dma_start3A_75] : memref<256x10000xf32, #tpu.memory_space<hbm>> -> memref<1x10000xf32, #tpu.memory_space<hbm>>
      %dma_start3A_77 = tpu.memref_squeeze %dma_start3A_76 : memref<1x10000xf32, #tpu.memory_space<hbm>> -> memref<10000xf32, #tpu.memory_space<hbm>>
      %dma_start3A_78 = arith.constant 0 : i32
      %dma_start3A_79 = tpu.memref_slice %arg4[%add3A_64, %dma_start3A_78] : memref<256x10000xf32, #tpu.memory_space<hbm>> -> memref<1x10000xf32, #tpu.memory_space<hbm>>
      %dma_start3A_80 = tpu.memref_squeeze %dma_start3A_79 : memref<1x10000xf32, #tpu.memory_space<hbm>> -> memref<10000xf32, #tpu.memory_space<hbm>>
      tpu.enqueue_dma source(%arg11 : memref<10000xf32, #tpu.memory_space<vmem>>) target(%dma_start3A_80 : memref<10000xf32, #tpu.memory_space<hbm>>) target_semaphore(%run_scoped3A : memref<!tpu.dma_semaphore, #tpu.memory_space<semaphore_mem>>)
      %dma_wait3A_81 = arith.constant 0 : i32
      %dma_wait3A_82 = tpu.memref_slice %arg4[%add3A_64, %dma_wait3A_81] : memref<256x10000xf32, #tpu.memory_space<hbm>> -> memref<1x10000xf32, #tpu.memory_space<hbm>>
      %dma_wait3A_83 = tpu.memref_squeeze %dma_wait3A_82 : memref<1x10000xf32, #tpu.memory_space<hbm>> -> memref<10000xf32, #tpu.memory_space<hbm>>
      %dma_wait3A_84 = arith.constant 0 : i32
      %dma_wait3A_85 = tpu.memref_slice %arg4[%add3A_64, %dma_wait3A_84] : memref<256x10000xf32, #tpu.memory_space<hbm>> -> memref<1x10000xf32, #tpu.memory_space<hbm>>
      %dma_wait3A_86 = tpu.memref_squeeze %dma_wait3A_85 : memref<1x10000xf32, #tpu.memory_space<hbm>> -> memref<10000xf32, #tpu.memory_space<hbm>>
      tpu.wait_dma2 semaphore(%run_scoped3A : memref<!tpu.dma_semaphore, #tpu.memory_space<semaphore_mem>>) src(%arg11 : memref<10000xf32, #tpu.memory_space<vmem>>) dst(%dma_wait3A_86 : memref<10000xf32, #tpu.memory_space<hbm>>)
      tpu.yield
    }) : () -> ()
    %add3A_65 = arith.constant 2 : i32
    %add3A_66 = arith.addi %mul3A_2, %add3A_65 : i32
    %add3A_67 = arith.constant 128 : i32
    %add3A_68 = arith.addi %add3A_66, %add3A_67 : i32
    "tpu.region"() ({
      %run_scoped3A = tpu.sem_alloc : memref<!tpu.dma_semaphore, #tpu.memory_space<semaphore_mem>>
      %dma_start3A_75 = arith.constant 0 : i32
      %dma_start3A_76 = tpu.memref_slice %arg4[%add3A_68, %dma_start3A_75] : memref<256x10000xf32, #tpu.memory_space<hbm>> -> memref<1x10000xf32, #tpu.memory_space<hbm>>
      %dma_start3A_77 = tpu.memref_squeeze %dma_start3A_76 : memref<1x10000xf32, #tpu.memory_space<hbm>> -> memref<10000xf32, #tpu.memory_space<hbm>>
      %dma_start3A_78 = arith.constant 0 : i32
      %dma_start3A_79 = tpu.memref_slice %arg4[%add3A_68, %dma_start3A_78] : memref<256x10000xf32, #tpu.memory_space<hbm>> -> memref<1x10000xf32, #tpu.memory_space<hbm>>
      %dma_start3A_80 = tpu.memref_squeeze %dma_start3A_79 : memref<1x10000xf32, #tpu.memory_space<hbm>> -> memref<10000xf32, #tpu.memory_space<hbm>>
      tpu.enqueue_dma source(%arg15 : memref<10000xf32, #tpu.memory_space<vmem>>) target(%dma_start3A_80 : memref<10000xf32, #tpu.memory_space<hbm>>) target_semaphore(%run_scoped3A : memref<!tpu.dma_semaphore, #tpu.memory_space<semaphore_mem>>)
      %dma_wait3A_81 = arith.constant 0 : i32
      %dma_wait3A_82 = tpu.memref_slice %arg4[%add3A_68, %dma_wait3A_81] : memref<256x10000xf32, #tpu.memory_space<hbm>> -> memref<1x10000xf32, #tpu.memory_space<hbm>>
      %dma_wait3A_83 = tpu.memref_squeeze %dma_wait3A_82 : memref<1x10000xf32, #tpu.memory_space<hbm>> -> memref<10000xf32, #tpu.memory_space<hbm>>
      %dma_wait3A_84 = arith.constant 0 : i32
      %dma_wait3A_85 = tpu.memref_slice %arg4[%add3A_68, %dma_wait3A_84] : memref<256x10000xf32, #tpu.memory_space<hbm>> -> memref<1x10000xf32, #tpu.memory_space<hbm>>
      %dma_wait3A_86 = tpu.memref_squeeze %dma_wait3A_85 : memref<1x10000xf32, #tpu.memory_space<hbm>> -> memref<10000xf32, #tpu.memory_space<hbm>>
      tpu.wait_dma2 semaphore(%run_scoped3A : memref<!tpu.dma_semaphore, #tpu.memory_space<semaphore_mem>>) src(%arg15 : memref<10000xf32, #tpu.memory_space<vmem>>) dst(%dma_wait3A_86 : memref<10000xf32, #tpu.memory_space<hbm>>)
      tpu.yield
    }) : () -> ()
    %add3A_69 = arith.constant 3 : i32
    %add3A_70 = arith.addi %mul3A_2, %add3A_69 : i32
    "tpu.region"() ({
      %run_scoped3A = tpu.sem_alloc : memref<!tpu.dma_semaphore, #tpu.memory_space<semaphore_mem>>
      %dma_start3A_75 = arith.constant 0 : i32
      %dma_start3A_76 = tpu.memref_slice %arg4[%add3A_70, %dma_start3A_75] : memref<256x10000xf32, #tpu.memory_space<hbm>> -> memref<1x10000xf32, #tpu.memory_space<hbm>>
      %dma_start3A_77 = tpu.memref_squeeze %dma_start3A_76 : memref<1x10000xf32, #tpu.memory_space<hbm>> -> memref<10000xf32, #tpu.memory_space<hbm>>
      %dma_start3A_78 = arith.constant 0 : i32
      %dma_start3A_79 = tpu.memref_slice %arg4[%add3A_70, %dma_start3A_78] : memref<256x10000xf32, #tpu.memory_space<hbm>> -> memref<1x10000xf32, #tpu.memory_space<hbm>>
      %dma_start3A_80 = tpu.memref_squeeze %dma_start3A_79 : memref<1x10000xf32, #tpu.memory_space<hbm>> -> memref<10000xf32, #tpu.memory_space<hbm>>
      tpu.enqueue_dma source(%arg12 : memref<10000xf32, #tpu.memory_space<vmem>>) target(%dma_start3A_80 : memref<10000xf32, #tpu.memory_space<hbm>>) target_semaphore(%run_scoped3A : memref<!tpu.dma_semaphore, #tpu.memory_space<semaphore_mem>>)
      %dma_wait3A_81 = arith.constant 0 : i32
      %dma_wait3A_82 = tpu.memref_slice %arg4[%add3A_70, %dma_wait3A_81] : memref<256x10000xf32, #tpu.memory_space<hbm>> -> memref<1x10000xf32, #tpu.memory_space<hbm>>
      %dma_wait3A_83 = tpu.memref_squeeze %dma_wait3A_82 : memref<1x10000xf32, #tpu.memory_space<hbm>> -> memref<10000xf32, #tpu.memory_space<hbm>>
      %dma_wait3A_84 = arith.constant 0 : i32
      %dma_wait3A_85 = tpu.memref_slice %arg4[%add3A_70, %dma_wait3A_84] : memref<256x10000xf32, #tpu.memory_space<hbm>> -> memref<1x10000xf32, #tpu.memory_space<hbm>>
      %dma_wait3A_86 = tpu.memref_squeeze %dma_wait3A_85 : memref<1x10000xf32, #tpu.memory_space<hbm>> -> memref<10000xf32, #tpu.memory_space<hbm>>
      tpu.wait_dma2 semaphore(%run_scoped3A : memref<!tpu.dma_semaphore, #tpu.memory_space<semaphore_mem>>) src(%arg12 : memref<10000xf32, #tpu.memory_space<vmem>>) dst(%dma_wait3A_86 : memref<10000xf32, #tpu.memory_space<hbm>>)
      tpu.yield
    }) : () -> ()
    %add3A_71 = arith.constant 3 : i32
    %add3A_72 = arith.addi %mul3A_2, %add3A_71 : i32
    %add3A_73 = arith.constant 128 : i32
    %add3A_74 = arith.addi %add3A_72, %add3A_73 : i32
    "tpu.region"() ({
      %run_scoped3A = tpu.sem_alloc : memref<!tpu.dma_semaphore, #tpu.memory_space<semaphore_mem>>
      %dma_start3A_75 = arith.constant 0 : i32
      %dma_start3A_76 = tpu.memref_slice %arg4[%add3A_74, %dma_start3A_75] : memref<256x10000xf32, #tpu.memory_space<hbm>> -> memref<1x10000xf32, #tpu.memory_space<hbm>>
      %dma_start3A_77 = tpu.memref_squeeze %dma_start3A_76 : memref<1x10000xf32, #tpu.memory_space<hbm>> -> memref<10000xf32, #tpu.memory_space<hbm>>
      %dma_start3A_78 = arith.constant 0 : i32
      %dma_start3A_79 = tpu.memref_slice %arg4[%add3A_74, %dma_start3A_78] : memref<256x10000xf32, #tpu.memory_space<hbm>> -> memref<1x10000xf32, #tpu.memory_space<hbm>>
      %dma_start3A_80 = tpu.memref_squeeze %dma_start3A_79 : memref<1x10000xf32, #tpu.memory_space<hbm>> -> memref<10000xf32, #tpu.memory_space<hbm>>
      tpu.enqueue_dma source(%arg16 : memref<10000xf32, #tpu.memory_space<vmem>>) target(%dma_start3A_80 : memref<10000xf32, #tpu.memory_space<hbm>>) target_semaphore(%run_scoped3A : memref<!tpu.dma_semaphore, #tpu.memory_space<semaphore_mem>>)
      %dma_wait3A_81 = arith.constant 0 : i32
      %dma_wait3A_82 = tpu.memref_slice %arg4[%add3A_74, %dma_wait3A_81] : memref<256x10000xf32, #tpu.memory_space<hbm>> -> memref<1x10000xf32, #tpu.memory_space<hbm>>
      %dma_wait3A_83 = tpu.memref_squeeze %dma_wait3A_82 : memref<1x10000xf32, #tpu.memory_space<hbm>> -> memref<10000xf32, #tpu.memory_space<hbm>>
      %dma_wait3A_84 = arith.constant 0 : i32
      %dma_wait3A_85 = tpu.memref_slice %arg4[%add3A_74, %dma_wait3A_84] : memref<256x10000xf32, #tpu.memory_space<hbm>> -> memref<1x10000xf32, #tpu.memory_space<hbm>>
      %dma_wait3A_86 = tpu.memref_squeeze %dma_wait3A_85 : memref<1x10000xf32, #tpu.memory_space<hbm>> -> memref<10000xf32, #tpu.memory_space<hbm>>
      tpu.wait_dma2 semaphore(%run_scoped3A : memref<!tpu.dma_semaphore, #tpu.memory_space<semaphore_mem>>) src(%arg16 : memref<10000xf32, #tpu.memory_space<vmem>>) dst(%dma_wait3A_86 : memref<10000xf32, #tpu.memory_space<hbm>>)
      tpu.yield
    }) : () -> ()
    return
  }
}

#map = affine_map<(d0, d1) -> (0, 0)>
module attributes {stable_mosaic.version = 14 : i64} {
  func.func @k(%arg0: i32, %arg1: i32, %arg2: memref<128x10000xi32, #tpu.memory_space<hbm>>, %arg3: memref<2x160000xi32, #tpu.memory_space<hbm>>, %arg4: memref<256x10000xf32, #tpu.memory_space<hbm>>, %arg5: memref<10000xi32, #tpu.memory_space<vmem>>, %arg6: memref<10000xi32, #tpu.memory_space<vmem>>, %arg7: memref<10000xi32, #tpu.memory_space<vmem>>, %arg8: memref<10000xi32, #tpu.memory_space<vmem>>, %arg9: memref<10000xf32, #tpu.memory_space<vmem>>, %arg10: memref<10000xf32, #tpu.memory_space<vmem>>, %arg11: memref<10000xf32, #tpu.memory_space<vmem>>, %arg12: memref<10000xf32, #tpu.memory_space<vmem>>, %arg13: memref<10000xf32, #tpu.memory_space<vmem>>, %arg14: memref<10000xf32, #tpu.memory_space<vmem>>, %arg15: memref<10000xf32, #tpu.memory_space<vmem>>, %arg16: memref<10000xf32, #tpu.memory_space<vmem>>, %arg17: memref<2x2x1280xi32, #tpu.memory_space<vmem>>, %arg18: memref<!tpu.dma_semaphore, #tpu.memory_space<semaphore_mem>>, %arg19: memref<!tpu.dma_semaphore, #tpu.memory_space<semaphore_mem>>) attributes {dimension_semantics = [#tpu.dimension_semantics<core_parallel>, #tpu.dimension_semantics<subcore_parallel>], iteration_bounds = array<i64: 2, 16>, scalar_prefetch = 0 : i64, scratch_operands = 15 : i64, tpu.core_type = #tpu.core_type<sc_vector_subcore>, window_params = [{transform_indices = #map}, {transform_indices = #map}, {transform_indices = #map}]} {
    %mul3A = arith.constant 2 : i32
    %mul3A_0 = arith.muli %arg1, %mul3A : i32
    %add3A = arith.addi %mul3A_0, %arg0 : i32
    %mul3A_1 = arith.constant 4 : i32
    %mul3A_2 = arith.muli %add3A, %mul3A_1 : i32
    %add3A_3 = arith.constant 0 : i32
    %add3A_4 = arith.addi %mul3A_2, %add3A_3 : i32
    "tpu.region"() ({
      %run_scoped3A = tpu.sem_alloc : memref<!tpu.dma_semaphore, #tpu.memory_space<semaphore_mem>>
      %dma_start3A_75 = arith.constant 0 : i32
      %dma_start3A_76 = tpu.memref_slice %arg2[%add3A_4, %dma_start3A_75] : memref<128x10000xi32, #tpu.memory_space<hbm>> -> memref<1x10000xi32, #tpu.memory_space<hbm>>
      %dma_start3A_77 = tpu.memref_squeeze %dma_start3A_76 : memref<1x10000xi32, #tpu.memory_space<hbm>> -> memref<10000xi32, #tpu.memory_space<hbm>>
      %dma_start3A_78 = arith.constant 0 : i32
      %dma_start3A_79 = tpu.memref_slice %arg2[%add3A_4, %dma_start3A_78] : memref<128x10000xi32, #tpu.memory_space<hbm>> -> memref<1x10000xi32, #tpu.memory_space<hbm>>
      %dma_start3A_80 = tpu.memref_squeeze %dma_start3A_79 : memref<1x10000xi32, #tpu.memory_space<hbm>> -> memref<10000xi32, #tpu.memory_space<hbm>>
      tpu.enqueue_dma source(%dma_start3A_80 : memref<10000xi32, #tpu.memory_space<hbm>>) target(%arg5 : memref<10000xi32, #tpu.memory_space<vmem>>) target_semaphore(%run_scoped3A : memref<!tpu.dma_semaphore, #tpu.memory_space<semaphore_mem>>)
      %dma_wait3A_81 = arith.constant 0 : i32
      %dma_wait3A_82 = tpu.memref_slice %arg2[%add3A_4, %dma_wait3A_81] : memref<128x10000xi32, #tpu.memory_space<hbm>> -> memref<1x10000xi32, #tpu.memory_space<hbm>>
      %dma_wait3A_83 = tpu.memref_squeeze %dma_wait3A_82 : memref<1x10000xi32, #tpu.memory_space<hbm>> -> memref<10000xi32, #tpu.memory_space<hbm>>
      %dma_wait3A_84 = arith.constant 0 : i32
      %dma_wait3A_85 = tpu.memref_slice %arg2[%add3A_4, %dma_wait3A_84] : memref<128x10000xi32, #tpu.memory_space<hbm>> -> memref<1x10000xi32, #tpu.memory_space<hbm>>
      %dma_wait3A_86 = tpu.memref_squeeze %dma_wait3A_85 : memref<1x10000xi32, #tpu.memory_space<hbm>> -> memref<10000xi32, #tpu.memory_space<hbm>>
      tpu.wait_dma2 semaphore(%run_scoped3A : memref<!tpu.dma_semaphore, #tpu.memory_space<semaphore_mem>>) src(%dma_wait3A_86 : memref<10000xi32, #tpu.memory_space<hbm>>) dst(%arg5 : memref<10000xi32, #tpu.memory_space<vmem>>)
      tpu.yield
    }) : () -> ()
    %add3A_5 = arith.constant 1 : i32
    %add3A_6 = arith.addi %mul3A_2, %add3A_5 : i32
    "tpu.region"() ({
      %run_scoped3A = tpu.sem_alloc : memref<!tpu.dma_semaphore, #tpu.memory_space<semaphore_mem>>
      %dma_start3A_75 = arith.constant 0 : i32
      %dma_start3A_76 = tpu.memref_slice %arg2[%add3A_6, %dma_start3A_75] : memref<128x10000xi32, #tpu.memory_space<hbm>> -> memref<1x10000xi32, #tpu.memory_space<hbm>>
      %dma_start3A_77 = tpu.memref_squeeze %dma_start3A_76 : memref<1x10000xi32, #tpu.memory_space<hbm>> -> memref<10000xi32, #tpu.memory_space<hbm>>
      %dma_start3A_78 = arith.constant 0 : i32
      %dma_start3A_79 = tpu.memref_slice %arg2[%add3A_6, %dma_start3A_78] : memref<128x10000xi32, #tpu.memory_space<hbm>> -> memref<1x10000xi32, #tpu.memory_space<hbm>>
      %dma_start3A_80 = tpu.memref_squeeze %dma_start3A_79 : memref<1x10000xi32, #tpu.memory_space<hbm>> -> memref<10000xi32, #tpu.memory_space<hbm>>
      tpu.enqueue_dma source(%dma_start3A_80 : memref<10000xi32, #tpu.memory_space<hbm>>) target(%arg6 : memref<10000xi32, #tpu.memory_space<vmem>>) target_semaphore(%run_scoped3A : memref<!tpu.dma_semaphore, #tpu.memory_space<semaphore_mem>>)
      %dma_wait3A_81 = arith.constant 0 : i32
      %dma_wait3A_82 = tpu.memref_slice %arg2[%add3A_6, %dma_wait3A_81] : memref<128x10000xi32, #tpu.memory_space<hbm>> -> memref<1x10000xi32, #tpu.memory_space<hbm>>
      %dma_wait3A_83 = tpu.memref_squeeze %dma_wait3A_82 : memref<1x10000xi32, #tpu.memory_space<hbm>> -> memref<10000xi32, #tpu.memory_space<hbm>>
      %dma_wait3A_84 = arith.constant 0 : i32
      %dma_wait3A_85 = tpu.memref_slice %arg2[%add3A_6, %dma_wait3A_84] : memref<128x10000xi32, #tpu.memory_space<hbm>> -> memref<1x10000xi32, #tpu.memory_space<hbm>>
      %dma_wait3A_86 = tpu.memref_squeeze %dma_wait3A_85 : memref<1x10000xi32, #tpu.memory_space<hbm>> -> memref<10000xi32, #tpu.memory_space<hbm>>
      tpu.wait_dma2 semaphore(%run_scoped3A : memref<!tpu.dma_semaphore, #tpu.memory_space<semaphore_mem>>) src(%dma_wait3A_86 : memref<10000xi32, #tpu.memory_space<hbm>>) dst(%arg6 : memref<10000xi32, #tpu.memory_space<vmem>>)
      tpu.yield
    }) : () -> ()
    %add3A_7 = arith.constant 2 : i32
    %add3A_8 = arith.addi %mul3A_2, %add3A_7 : i32
    "tpu.region"() ({
      %run_scoped3A = tpu.sem_alloc : memref<!tpu.dma_semaphore, #tpu.memory_space<semaphore_mem>>
      %dma_start3A_75 = arith.constant 0 : i32
      %dma_start3A_76 = tpu.memref_slice %arg2[%add3A_8, %dma_start3A_75] : memref<128x10000xi32, #tpu.memory_space<hbm>> -> memref<1x10000xi32, #tpu.memory_space<hbm>>
      %dma_start3A_77 = tpu.memref_squeeze %dma_start3A_76 : memref<1x10000xi32, #tpu.memory_space<hbm>> -> memref<10000xi32, #tpu.memory_space<hbm>>
      %dma_start3A_78 = arith.constant 0 : i32
      %dma_start3A_79 = tpu.memref_slice %arg2[%add3A_8, %dma_start3A_78] : memref<128x10000xi32, #tpu.memory_space<hbm>> -> memref<1x10000xi32, #tpu.memory_space<hbm>>
      %dma_start3A_80 = tpu.memref_squeeze %dma_start3A_79 : memref<1x10000xi32, #tpu.memory_space<hbm>> -> memref<10000xi32, #tpu.memory_space<hbm>>
      tpu.enqueue_dma source(%dma_start3A_80 : memref<10000xi32, #tpu.memory_space<hbm>>) target(%arg7 : memref<10000xi32, #tpu.memory_space<vmem>>) target_semaphore(%run_scoped3A : memref<!tpu.dma_semaphore, #tpu.memory_space<semaphore_mem>>)
      %dma_wait3A_81 = arith.constant 0 : i32
      %dma_wait3A_82 = tpu.memref_slice %arg2[%add3A_8, %dma_wait3A_81] : memref<128x10000xi32, #tpu.memory_space<hbm>> -> memref<1x10000xi32, #tpu.memory_space<hbm>>
      %dma_wait3A_83 = tpu.memref_squeeze %dma_wait3A_82 : memref<1x10000xi32, #tpu.memory_space<hbm>> -> memref<10000xi32, #tpu.memory_space<hbm>>
      %dma_wait3A_84 = arith.constant 0 : i32
      %dma_wait3A_85 = tpu.memref_slice %arg2[%add3A_8, %dma_wait3A_84] : memref<128x10000xi32, #tpu.memory_space<hbm>> -> memref<1x10000xi32, #tpu.memory_space<hbm>>
      %dma_wait3A_86 = tpu.memref_squeeze %dma_wait3A_85 : memref<1x10000xi32, #tpu.memory_space<hbm>> -> memref<10000xi32, #tpu.memory_space<hbm>>
      tpu.wait_dma2 semaphore(%run_scoped3A : memref<!tpu.dma_semaphore, #tpu.memory_space<semaphore_mem>>) src(%dma_wait3A_86 : memref<10000xi32, #tpu.memory_space<hbm>>) dst(%arg7 : memref<10000xi32, #tpu.memory_space<vmem>>)
      tpu.yield
    }) : () -> ()
    %add3A_9 = arith.constant 3 : i32
    %add3A_10 = arith.addi %mul3A_2, %add3A_9 : i32
    "tpu.region"() ({
      %run_scoped3A = tpu.sem_alloc : memref<!tpu.dma_semaphore, #tpu.memory_space<semaphore_mem>>
      %dma_start3A_75 = arith.constant 0 : i32
      %dma_start3A_76 = tpu.memref_slice %arg2[%add3A_10, %dma_start3A_75] : memref<128x10000xi32, #tpu.memory_space<hbm>> -> memref<1x10000xi32, #tpu.memory_space<hbm>>
      %dma_start3A_77 = tpu.memref_squeeze %dma_start3A_76 : memref<1x10000xi32, #tpu.memory_space<hbm>> -> memref<10000xi32, #tpu.memory_space<hbm>>
      %dma_start3A_78 = arith.constant 0 : i32
      %dma_start3A_79 = tpu.memref_slice %arg2[%add3A_10, %dma_start3A_78] : memref<128x10000xi32, #tpu.memory_space<hbm>> -> memref<1x10000xi32, #tpu.memory_space<hbm>>
      %dma_start3A_80 = tpu.memref_squeeze %dma_start3A_79 : memref<1x10000xi32, #tpu.memory_space<hbm>> -> memref<10000xi32, #tpu.memory_space<hbm>>
      tpu.enqueue_dma source(%dma_start3A_80 : memref<10000xi32, #tpu.memory_space<hbm>>) target(%arg8 : memref<10000xi32, #tpu.memory_space<vmem>>) target_semaphore(%run_scoped3A : memref<!tpu.dma_semaphore, #tpu.memory_space<semaphore_mem>>)
      %dma_wait3A_81 = arith.constant 0 : i32
      %dma_wait3A_82 = tpu.memref_slice %arg2[%add3A_10, %dma_wait3A_81] : memref<128x10000xi32, #tpu.memory_space<hbm>> -> memref<1x10000xi32, #tpu.memory_space<hbm>>
      %dma_wait3A_83 = tpu.memref_squeeze %dma_wait3A_82 : memref<1x10000xi32, #tpu.memory_space<hbm>> -> memref<10000xi32, #tpu.memory_space<hbm>>
      %dma_wait3A_84 = arith.constant 0 : i32
      %dma_wait3A_85 = tpu.memref_slice %arg2[%add3A_10, %dma_wait3A_84] : memref<128x10000xi32, #tpu.memory_space<hbm>> -> memref<1x10000xi32, #tpu.memory_space<hbm>>
      %dma_wait3A_86 = tpu.memref_squeeze %dma_wait3A_85 : memref<1x10000xi32, #tpu.memory_space<hbm>> -> memref<10000xi32, #tpu.memory_space<hbm>>
      tpu.wait_dma2 semaphore(%run_scoped3A : memref<!tpu.dma_semaphore, #tpu.memory_space<semaphore_mem>>) src(%dma_wait3A_86 : memref<10000xi32, #tpu.memory_space<hbm>>) dst(%arg8 : memref<10000xi32, #tpu.memory_space<vmem>>)
      tpu.yield
    }) : () -> ()
    %scan3A = arith.constant 0 : i32
    %scan3A_11 = arith.constant 0 : i32
    %scan3A_12 = arith.constant 625 : i32
    %scan3A_13 = arith.addi %scan3A_11, %scan3A_12 : i32
    %scan3A_14 = arith.constant 5 : i32
    scf.for %scan3A_75 = %scan3A_11 to %scan3A_13 step %scan3A_14  : i32 {
      %broadcast_in_dim3A = arith.constant 0.000000e+00 : f32
      %broadcast_in_dim3A_76 = vector.broadcast %broadcast_in_dim3A : f32 to vector<16xf32>
      %mul3A_77 = arith.constant 16 : i32
      %mul3A_78 = arith.muli %scan3A_75, %mul3A_77 : i32
      %swap3A = arith.index_cast %mul3A_78 : i32 to index
      %swap3A_79 = tpu.vector_load %arg9[%swap3A] {strides = array<i32>} : memref<10000xf32, #tpu.memory_space<vmem>>, vector<16xf32>,
      tpu.vector_store %arg9[%swap3A], %broadcast_in_dim3A_76 {strides = array<i32>} : memref<10000xf32, #tpu.memory_space<vmem>>, vector<16xf32>,
      %mul3A_80 = arith.constant 16 : i32
      %mul3A_81 = arith.muli %scan3A_75, %mul3A_80 : i32
      %swap3A_82 = arith.index_cast %mul3A_81 : i32 to index
      %swap3A_83 = tpu.vector_load %arg10[%swap3A_82] {strides = array<i32>} : memref<10000xf32, #tpu.memory_space<vmem>>, vector<16xf32>,
      tpu.vector_store %arg10[%swap3A_82], %broadcast_in_dim3A_76 {strides = array<i32>} : memref<10000xf32, #tpu.memory_space<vmem>>, vector<16xf32>,
      %mul3A_84 = arith.constant 16 : i32
      %mul3A_85 = arith.muli %scan3A_75, %mul3A_84 : i32
      %swap3A_86 = arith.index_cast %mul3A_85 : i32 to index
      %swap3A_87 = tpu.vector_load %arg11[%swap3A_86] {strides = array<i32>} : memref<10000xf32, #tpu.memory_space<vmem>>, vector<16xf32>,
      tpu.vector_store %arg11[%swap3A_86], %broadcast_in_dim3A_76 {strides = array<i32>} : memref<10000xf32, #tpu.memory_space<vmem>>, vector<16xf32>,
      %mul3A_88 = arith.constant 16 : i32
      %mul3A_89 = arith.muli %scan3A_75, %mul3A_88 : i32
      %swap3A_90 = arith.index_cast %mul3A_89 : i32 to index
      %swap3A_91 = tpu.vector_load %arg12[%swap3A_90] {strides = array<i32>} : memref<10000xf32, #tpu.memory_space<vmem>>, vector<16xf32>,
      tpu.vector_store %arg12[%swap3A_90], %broadcast_in_dim3A_76 {strides = array<i32>} : memref<10000xf32, #tpu.memory_space<vmem>>, vector<16xf32>,
      %mul3A_92 = arith.constant 16 : i32
      %mul3A_93 = arith.muli %scan3A_75, %mul3A_92 : i32
      %swap3A_94 = arith.index_cast %mul3A_93 : i32 to index
      %swap3A_95 = tpu.vector_load %arg13[%swap3A_94] {strides = array<i32>} : memref<10000xf32, #tpu.memory_space<vmem>>, vector<16xf32>,
      tpu.vector_store %arg13[%swap3A_94], %broadcast_in_dim3A_76 {strides = array<i32>} : memref<10000xf32, #tpu.memory_space<vmem>>, vector<16xf32>,
      %mul3A_96 = arith.constant 16 : i32
      %mul3A_97 = arith.muli %scan3A_75, %mul3A_96 : i32
      %swap3A_98 = arith.index_cast %mul3A_97 : i32 to index
      %swap3A_99 = tpu.vector_load %arg14[%swap3A_98] {strides = array<i32>} : memref<10000xf32, #tpu.memory_space<vmem>>, vector<16xf32>,
      tpu.vector_store %arg14[%swap3A_98], %broadcast_in_dim3A_76 {strides = array<i32>} : memref<10000xf32, #tpu.memory_space<vmem>>, vector<16xf32>,
      %mul3A_100 = arith.constant 16 : i32
      %mul3A_101 = arith.muli %scan3A_75, %mul3A_100 : i32
      %swap3A_102 = arith.index_cast %mul3A_101 : i32 to index
      %swap3A_103 = tpu.vector_load %arg15[%swap3A_102] {strides = array<i32>} : memref<10000xf32, #tpu.memory_space<vmem>>, vector<16xf32>,
      tpu.vector_store %arg15[%swap3A_102], %broadcast_in_dim3A_76 {strides = array<i32>} : memref<10000xf32, #tpu.memory_space<vmem>>, vector<16xf32>,
      %mul3A_104 = arith.constant 16 : i32
      %mul3A_105 = arith.muli %scan3A_75, %mul3A_104 : i32
      %swap3A_106 = arith.index_cast %mul3A_105 : i32 to index
      %swap3A_107 = tpu.vector_load %arg16[%swap3A_106] {strides = array<i32>} : memref<10000xf32, #tpu.memory_space<vmem>>, vector<16xf32>,
      tpu.vector_store %arg16[%swap3A_106], %broadcast_in_dim3A_76 {strides = array<i32>} : memref<10000xf32, #tpu.memory_space<vmem>>, vector<16xf32>,
      %scan3A_108 = arith.constant 1 : i32
      %scan3A_109 = arith.addi %scan3A_75, %scan3A_108 : i32
      %broadcast_in_dim3A_110 = arith.constant 0.000000e+00 : f32
      %broadcast_in_dim3A_111 = vector.broadcast %broadcast_in_dim3A_110 : f32 to vector<16xf32>
      %mul3A_112 = arith.constant 16 : i32
      %mul3A_113 = arith.muli %scan3A_109, %mul3A_112 : i32
      %swap3A_114 = arith.index_cast %mul3A_113 : i32 to index
      %swap3A_115 = tpu.vector_load %arg9[%swap3A_114] {strides = array<i32>} : memref<10000xf32, #tpu.memory_space<vmem>>, vector<16xf32>,
      tpu.vector_store %arg9[%swap3A_114], %broadcast_in_dim3A_111 {strides = array<i32>} : memref<10000xf32, #tpu.memory_space<vmem>>, vector<16xf32>,
      %mul3A_116 = arith.constant 16 : i32
      %mul3A_117 = arith.muli %scan3A_109, %mul3A_116 : i32
      %swap3A_118 = arith.index_cast %mul3A_117 : i32 to index
      %swap3A_119 = tpu.vector_load %arg10[%swap3A_118] {strides = array<i32>} : memref<10000xf32, #tpu.memory_space<vmem>>, vector<16xf32>,
      tpu.vector_store %arg10[%swap3A_118], %broadcast_in_dim3A_111 {strides = array<i32>} : memref<10000xf32, #tpu.memory_space<vmem>>, vector<16xf32>,
      %mul3A_120 = arith.constant 16 : i32
      %mul3A_121 = arith.muli %scan3A_109, %mul3A_120 : i32
      %swap3A_122 = arith.index_cast %mul3A_121 : i32 to index
      %swap3A_123 = tpu.vector_load %arg11[%swap3A_122] {strides = array<i32>} : memref<10000xf32, #tpu.memory_space<vmem>>, vector<16xf32>,
      tpu.vector_store %arg11[%swap3A_122], %broadcast_in_dim3A_111 {strides = array<i32>} : memref<10000xf32, #tpu.memory_space<vmem>>, vector<16xf32>,
      %mul3A_124 = arith.constant 16 : i32
      %mul3A_125 = arith.muli %scan3A_109, %mul3A_124 : i32
      %swap3A_126 = arith.index_cast %mul3A_125 : i32 to index
      %swap3A_127 = tpu.vector_load %arg12[%swap3A_126] {strides = array<i32>} : memref<10000xf32, #tpu.memory_space<vmem>>, vector<16xf32>,
      tpu.vector_store %arg12[%swap3A_126], %broadcast_in_dim3A_111 {strides = array<i32>} : memref<10000xf32, #tpu.memory_space<vmem>>, vector<16xf32>,
      %mul3A_128 = arith.constant 16 : i32
      %mul3A_129 = arith.muli %scan3A_109, %mul3A_128 : i32
      %swap3A_130 = arith.index_cast %mul3A_129 : i32 to index
      %swap3A_131 = tpu.vector_load %arg13[%swap3A_130] {strides = array<i32>} : memref<10000xf32, #tpu.memory_space<vmem>>, vector<16xf32>,
      tpu.vector_store %arg13[%swap3A_130], %broadcast_in_dim3A_111 {strides = array<i32>} : memref<10000xf32, #tpu.memory_space<vmem>>, vector<16xf32>,
      %mul3A_132 = arith.constant 16 : i32
      %mul3A_133 = arith.muli %scan3A_109, %mul3A_132 : i32
      %swap3A_134 = arith.index_cast %mul3A_133 : i32 to index
      %swap3A_135 = tpu.vector_load %arg14[%swap3A_134] {strides = array<i32>} : memref<10000xf32, #tpu.memory_space<vmem>>, vector<16xf32>,
      tpu.vector_store %arg14[%swap3A_134], %broadcast_in_dim3A_111 {strides = array<i32>} : memref<10000xf32, #tpu.memory_space<vmem>>, vector<16xf32>,
      %mul3A_136 = arith.constant 16 : i32
      %mul3A_137 = arith.muli %scan3A_109, %mul3A_136 : i32
      %swap3A_138 = arith.index_cast %mul3A_137 : i32 to index
      %swap3A_139 = tpu.vector_load %arg15[%swap3A_138] {strides = array<i32>} : memref<10000xf32, #tpu.memory_space<vmem>>, vector<16xf32>,
      tpu.vector_store %arg15[%swap3A_138], %broadcast_in_dim3A_111 {strides = array<i32>} : memref<10000xf32, #tpu.memory_space<vmem>>, vector<16xf32>,
      %mul3A_140 = arith.constant 16 : i32
      %mul3A_141 = arith.muli %scan3A_109, %mul3A_140 : i32
      %swap3A_142 = arith.index_cast %mul3A_141 : i32 to index
      %swap3A_143 = tpu.vector_load %arg16[%swap3A_142] {strides = array<i32>} : memref<10000xf32, #tpu.memory_space<vmem>>, vector<16xf32>,
      tpu.vector_store %arg16[%swap3A_142], %broadcast_in_dim3A_111 {strides = array<i32>} : memref<10000xf32, #tpu.memory_space<vmem>>, vector<16xf32>,
      %scan3A_144 = arith.constant 2 : i32
      %scan3A_145 = arith.addi %scan3A_75, %scan3A_144 : i32
      %broadcast_in_dim3A_146 = arith.constant 0.000000e+00 : f32
      %broadcast_in_dim3A_147 = vector.broadcast %broadcast_in_dim3A_146 : f32 to vector<16xf32>
      %mul3A_148 = arith.constant 16 : i32
      %mul3A_149 = arith.muli %scan3A_145, %mul3A_148 : i32
      %swap3A_150 = arith.index_cast %mul3A_149 : i32 to index
      %swap3A_151 = tpu.vector_load %arg9[%swap3A_150] {strides = array<i32>} : memref<10000xf32, #tpu.memory_space<vmem>>, vector<16xf32>,
      tpu.vector_store %arg9[%swap3A_150], %broadcast_in_dim3A_147 {strides = array<i32>} : memref<10000xf32, #tpu.memory_space<vmem>>, vector<16xf32>,
      %mul3A_152 = arith.constant 16 : i32
      %mul3A_153 = arith.muli %scan3A_145, %mul3A_152 : i32
      %swap3A_154 = arith.index_cast %mul3A_153 : i32 to index
      %swap3A_155 = tpu.vector_load %arg10[%swap3A_154] {strides = array<i32>} : memref<10000xf32, #tpu.memory_space<vmem>>, vector<16xf32>,
      tpu.vector_store %arg10[%swap3A_154], %broadcast_in_dim3A_147 {strides = array<i32>} : memref<10000xf32, #tpu.memory_space<vmem>>, vector<16xf32>,
      %mul3A_156 = arith.constant 16 : i32
      %mul3A_157 = arith.muli %scan3A_145, %mul3A_156 : i32
      %swap3A_158 = arith.index_cast %mul3A_157 : i32 to index
      %swap3A_159 = tpu.vector_load %arg11[%swap3A_158] {strides = array<i32>} : memref<10000xf32, #tpu.memory_space<vmem>>, vector<16xf32>,
      tpu.vector_store %arg11[%swap3A_158], %broadcast_in_dim3A_147 {strides = array<i32>} : memref<10000xf32, #tpu.memory_space<vmem>>, vector<16xf32>,
      %mul3A_160 = arith.constant 16 : i32
      %mul3A_161 = arith.muli %scan3A_145, %mul3A_160 : i32
      %swap3A_162 = arith.index_cast %mul3A_161 : i32 to index
      %swap3A_163 = tpu.vector_load %arg12[%swap3A_162] {strides = array<i32>} : memref<10000xf32, #tpu.memory_space<vmem>>, vector<16xf32>,
      tpu.vector_store %arg12[%swap3A_162], %broadcast_in_dim3A_147 {strides = array<i32>} : memref<10000xf32, #tpu.memory_space<vmem>>, vector<16xf32>,
      %mul3A_164 = arith.constant 16 : i32
      %mul3A_165 = arith.muli %scan3A_145, %mul3A_164 : i32
      %swap3A_166 = arith.index_cast %mul3A_165 : i32 to index
      %swap3A_167 = tpu.vector_load %arg13[%swap3A_166] {strides = array<i32>} : memref<10000xf32, #tpu.memory_space<vmem>>, vector<16xf32>,
      tpu.vector_store %arg13[%swap3A_166], %broadcast_in_dim3A_147 {strides = array<i32>} : memref<10000xf32, #tpu.memory_space<vmem>>, vector<16xf32>,
      %mul3A_168 = arith.constant 16 : i32
      %mul3A_169 = arith.muli %scan3A_145, %mul3A_168 : i32
      %swap3A_170 = arith.index_cast %mul3A_169 : i32 to index
      %swap3A_171 = tpu.vector_load %arg14[%swap3A_170] {strides = array<i32>} : memref<10000xf32, #tpu.memory_space<vmem>>, vector<16xf32>,
      tpu.vector_store %arg14[%swap3A_170], %broadcast_in_dim3A_147 {strides = array<i32>} : memref<10000xf32, #tpu.memory_space<vmem>>, vector<16xf32>,
      %mul3A_172 = arith.constant 16 : i32
      %mul3A_173 = arith.muli %scan3A_145, %mul3A_172 : i32
      %swap3A_174 = arith.index_cast %mul3A_173 : i32 to index
      %swap3A_175 = tpu.vector_load %arg15[%swap3A_174] {strides = array<i32>} : memref<10000xf32, #tpu.memory_space<vmem>>, vector<16xf32>,
      tpu.vector_store %arg15[%swap3A_174], %broadcast_in_dim3A_147 {strides = array<i32>} : memref<10000xf32, #tpu.memory_space<vmem>>, vector<16xf32>,
      %mul3A_176 = arith.constant 16 : i32
      %mul3A_177 = arith.muli %scan3A_145, %mul3A_176 : i32
      %swap3A_178 = arith.index_cast %mul3A_177 : i32 to index
      %swap3A_179 = tpu.vector_load %arg16[%swap3A_178] {strides = array<i32>} : memref<10000xf32, #tpu.memory_space<vmem>>, vector<16xf32>,
      tpu.vector_store %arg16[%swap3A_178], %broadcast_in_dim3A_147 {strides = array<i32>} : memref<10000xf32, #tpu.memory_space<vmem>>, vector<16xf32>,
      %scan3A_180 = arith.constant 3 : i32
      %scan3A_181 = arith.addi %scan3A_75, %scan3A_180 : i32
      %broadcast_in_dim3A_182 = arith.constant 0.000000e+00 : f32
      %broadcast_in_dim3A_183 = vector.broadcast %broadcast_in_dim3A_182 : f32 to vector<16xf32>
      %mul3A_184 = arith.constant 16 : i32
      %mul3A_185 = arith.muli %scan3A_181, %mul3A_184 : i32
      %swap3A_186 = arith.index_cast %mul3A_185 : i32 to index
      %swap3A_187 = tpu.vector_load %arg9[%swap3A_186] {strides = array<i32>} : memref<10000xf32, #tpu.memory_space<vmem>>, vector<16xf32>,
      tpu.vector_store %arg9[%swap3A_186], %broadcast_in_dim3A_183 {strides = array<i32>} : memref<10000xf32, #tpu.memory_space<vmem>>, vector<16xf32>,
      %mul3A_188 = arith.constant 16 : i32
      %mul3A_189 = arith.muli %scan3A_181, %mul3A_188 : i32
      %swap3A_190 = arith.index_cast %mul3A_189 : i32 to index
      %swap3A_191 = tpu.vector_load %arg10[%swap3A_190] {strides = array<i32>} : memref<10000xf32, #tpu.memory_space<vmem>>, vector<16xf32>,
      tpu.vector_store %arg10[%swap3A_190], %broadcast_in_dim3A_183 {strides = array<i32>} : memref<10000xf32, #tpu.memory_space<vmem>>, vector<16xf32>,
      %mul3A_192 = arith.constant 16 : i32
      %mul3A_193 = arith.muli %scan3A_181, %mul3A_192 : i32
      %swap3A_194 = arith.index_cast %mul3A_193 : i32 to index
      %swap3A_195 = tpu.vector_load %arg11[%swap3A_194] {strides = array<i32>} : memref<10000xf32, #tpu.memory_space<vmem>>, vector<16xf32>,
      tpu.vector_store %arg11[%swap3A_194], %broadcast_in_dim3A_183 {strides = array<i32>} : memref<10000xf32, #tpu.memory_space<vmem>>, vector<16xf32>,
      %mul3A_196 = arith.constant 16 : i32
      %mul3A_197 = arith.muli %scan3A_181, %mul3A_196 : i32
      %swap3A_198 = arith.index_cast %mul3A_197 : i32 to index
      %swap3A_199 = tpu.vector_load %arg12[%swap3A_198] {strides = array<i32>} : memref<10000xf32, #tpu.memory_space<vmem>>, vector<16xf32>,
      tpu.vector_store %arg12[%swap3A_198], %broadcast_in_dim3A_183 {strides = array<i32>} : memref<10000xf32, #tpu.memory_space<vmem>>, vector<16xf32>,
      %mul3A_200 = arith.constant 16 : i32
      %mul3A_201 = arith.muli %scan3A_181, %mul3A_200 : i32
      %swap3A_202 = arith.index_cast %mul3A_201 : i32 to index
      %swap3A_203 = tpu.vector_load %arg13[%swap3A_202] {strides = array<i32>} : memref<10000xf32, #tpu.memory_space<vmem>>, vector<16xf32>,
      tpu.vector_store %arg13[%swap3A_202], %broadcast_in_dim3A_183 {strides = array<i32>} : memref<10000xf32, #tpu.memory_space<vmem>>, vector<16xf32>,
      %mul3A_204 = arith.constant 16 : i32
      %mul3A_205 = arith.muli %scan3A_181, %mul3A_204 : i32
      %swap3A_206 = arith.index_cast %mul3A_205 : i32 to index
      %swap3A_207 = tpu.vector_load %arg14[%swap3A_206] {strides = array<i32>} : memref<10000xf32, #tpu.memory_space<vmem>>, vector<16xf32>,
      tpu.vector_store %arg14[%swap3A_206], %broadcast_in_dim3A_183 {strides = array<i32>} : memref<10000xf32, #tpu.memory_space<vmem>>, vector<16xf32>,
      %mul3A_208 = arith.constant 16 : i32
      %mul3A_209 = arith.muli %scan3A_181, %mul3A_208 : i32
      %swap3A_210 = arith.index_cast %mul3A_209 : i32 to index
      %swap3A_211 = tpu.vector_load %arg15[%swap3A_210] {strides = array<i32>} : memref<10000xf32, #tpu.memory_space<vmem>>, vector<16xf32>,
      tpu.vector_store %arg15[%swap3A_210], %broadcast_in_dim3A_183 {strides = array<i32>} : memref<10000xf32, #tpu.memory_space<vmem>>, vector<16xf32>,
      %mul3A_212 = arith.constant 16 : i32
      %mul3A_213 = arith.muli %scan3A_181, %mul3A_212 : i32
      %swap3A_214 = arith.index_cast %mul3A_213 : i32 to index
      %swap3A_215 = tpu.vector_load %arg16[%swap3A_214] {strides = array<i32>} : memref<10000xf32, #tpu.memory_space<vmem>>, vector<16xf32>,
      tpu.vector_store %arg16[%swap3A_214], %broadcast_in_dim3A_183 {strides = array<i32>} : memref<10000xf32, #tpu.memory_space<vmem>>, vector<16xf32>,
      %scan3A_216 = arith.constant 4 : i32
      %scan3A_217 = arith.addi %scan3A_75, %scan3A_216 : i32
      %broadcast_in_dim3A_218 = arith.constant 0.000000e+00 : f32
      %broadcast_in_dim3A_219 = vector.broadcast %broadcast_in_dim3A_218 : f32 to vector<16xf32>
      %mul3A_220 = arith.constant 16 : i32
      %mul3A_221 = arith.muli %scan3A_217, %mul3A_220 : i32
      %swap3A_222 = arith.index_cast %mul3A_221 : i32 to index
      %swap3A_223 = tpu.vector_load %arg9[%swap3A_222] {strides = array<i32>} : memref<10000xf32, #tpu.memory_space<vmem>>, vector<16xf32>,
      tpu.vector_store %arg9[%swap3A_222], %broadcast_in_dim3A_219 {strides = array<i32>} : memref<10000xf32, #tpu.memory_space<vmem>>, vector<16xf32>,
      %mul3A_224 = arith.constant 16 : i32
      %mul3A_225 = arith.muli %scan3A_217, %mul3A_224 : i32
      %swap3A_226 = arith.index_cast %mul3A_225 : i32 to index
      %swap3A_227 = tpu.vector_load %arg10[%swap3A_226] {strides = array<i32>} : memref<10000xf32, #tpu.memory_space<vmem>>, vector<16xf32>,
      tpu.vector_store %arg10[%swap3A_226], %broadcast_in_dim3A_219 {strides = array<i32>} : memref<10000xf32, #tpu.memory_space<vmem>>, vector<16xf32>,
      %mul3A_228 = arith.constant 16 : i32
      %mul3A_229 = arith.muli %scan3A_217, %mul3A_228 : i32
      %swap3A_230 = arith.index_cast %mul3A_229 : i32 to index
      %swap3A_231 = tpu.vector_load %arg11[%swap3A_230] {strides = array<i32>} : memref<10000xf32, #tpu.memory_space<vmem>>, vector<16xf32>,
      tpu.vector_store %arg11[%swap3A_230], %broadcast_in_dim3A_219 {strides = array<i32>} : memref<10000xf32, #tpu.memory_space<vmem>>, vector<16xf32>,
      %mul3A_232 = arith.constant 16 : i32
      %mul3A_233 = arith.muli %scan3A_217, %mul3A_232 : i32
      %swap3A_234 = arith.index_cast %mul3A_233 : i32 to index
      %swap3A_235 = tpu.vector_load %arg12[%swap3A_234] {strides = array<i32>} : memref<10000xf32, #tpu.memory_space<vmem>>, vector<16xf32>,
      tpu.vector_store %arg12[%swap3A_234], %broadcast_in_dim3A_219 {strides = array<i32>} : memref<10000xf32, #tpu.memory_space<vmem>>, vector<16xf32>,
      %mul3A_236 = arith.constant 16 : i32
      %mul3A_237 = arith.muli %scan3A_217, %mul3A_236 : i32
      %swap3A_238 = arith.index_cast %mul3A_237 : i32 to index
      %swap3A_239 = tpu.vector_load %arg13[%swap3A_238] {strides = array<i32>} : memref<10000xf32, #tpu.memory_space<vmem>>, vector<16xf32>,
      tpu.vector_store %arg13[%swap3A_238], %broadcast_in_dim3A_219 {strides = array<i32>} : memref<10000xf32, #tpu.memory_space<vmem>>, vector<16xf32>,
      %mul3A_240 = arith.constant 16 : i32
      %mul3A_241 = arith.muli %scan3A_217, %mul3A_240 : i32
      %swap3A_242 = arith.index_cast %mul3A_241 : i32 to index
      %swap3A_243 = tpu.vector_load %arg14[%swap3A_242] {strides = array<i32>} : memref<10000xf32, #tpu.memory_space<vmem>>, vector<16xf32>,
      tpu.vector_store %arg14[%swap3A_242], %broadcast_in_dim3A_219 {strides = array<i32>} : memref<10000xf32, #tpu.memory_space<vmem>>, vector<16xf32>,
      %mul3A_244 = arith.constant 16 : i32
      %mul3A_245 = arith.muli %scan3A_217, %mul3A_244 : i32
      %swap3A_246 = arith.index_cast %mul3A_245 : i32 to index
      %swap3A_247 = tpu.vector_load %arg15[%swap3A_246] {strides = array<i32>} : memref<10000xf32, #tpu.memory_space<vmem>>, vector<16xf32>,
      tpu.vector_store %arg15[%swap3A_246], %broadcast_in_dim3A_219 {strides = array<i32>} : memref<10000xf32, #tpu.memory_space<vmem>>, vector<16xf32>,
      %mul3A_248 = arith.constant 16 : i32
      %mul3A_249 = arith.muli %scan3A_217, %mul3A_248 : i32
      %swap3A_250 = arith.index_cast %mul3A_249 : i32 to index
      %swap3A_251 = tpu.vector_load %arg16[%swap3A_250] {strides = array<i32>} : memref<10000xf32, #tpu.memory_space<vmem>>, vector<16xf32>,
      tpu.vector_store %arg16[%swap3A_250], %broadcast_in_dim3A_219 {strides = array<i32>} : memref<10000xf32, #tpu.memory_space<vmem>>, vector<16xf32>,
    }
    %scan3A_15 = arith.constant 625 : i32
    %multiple_of3A = arith.constant 0 : i32
    %multiple_of3A_16 = tpu.assume_multiple %multiple_of3A, 8 : i32
    %dma_start3A = arith.constant 0 : i32
    %dma_start3A_17 = arith.constant 0 : i32
    %dma_start3A_18 = arith.constant 0 : i32
    %dma_start3A_19 = tpu.memref_slice %arg17[%dma_start3A, %dma_start3A_17, %dma_start3A_18] : memref<2x2x1280xi32, #tpu.memory_space<vmem>> -> memref<1x2x1280xi32, #tpu.memory_space<vmem>>
    %dma_start3A_20 = tpu.memref_squeeze %dma_start3A_19 : memref<1x2x1280xi32, #tpu.memory_space<vmem>> -> memref<2x1280xi32, #tpu.memory_space<vmem>>
    %dma_start3A_21 = arith.constant 0 : i32
    %dma_start3A_22 = tpu.memref_slice %arg3[%dma_start3A_21, %multiple_of3A_16] : memref<2x160000xi32, #tpu.memory_space<hbm>> -> memref<2x1280xi32, #tpu.memory_space<hbm>>
    %dma_start3A_23 = arith.constant 0 : i32
    %dma_start3A_24 = arith.constant 0 : i32
    %dma_start3A_25 = tpu.memref_slice %arg17[%dma_start3A, %dma_start3A_23, %dma_start3A_24] : memref<2x2x1280xi32, #tpu.memory_space<vmem>> -> memref<1x2x1280xi32, #tpu.memory_space<vmem>>
    %dma_start3A_26 = tpu.memref_squeeze %dma_start3A_25 : memref<1x2x1280xi32, #tpu.memory_space<vmem>> -> memref<2x1280xi32, #tpu.memory_space<vmem>>
    %dma_start3A_27 = arith.constant 0 : i32
    %dma_start3A_28 = tpu.memref_slice %arg3[%dma_start3A_27, %multiple_of3A_16] : memref<2x160000xi32, #tpu.memory_space<hbm>> -> memref<2x1280xi32, #tpu.memory_space<hbm>>
    tpu.enqueue_dma source(%dma_start3A_28 : memref<2x1280xi32, #tpu.memory_space<hbm>>) target(%dma_start3A_26 : memref<2x1280xi32, #tpu.memory_space<vmem>>) target_semaphore(%arg18 : memref<!tpu.dma_semaphore, #tpu.memory_space<semaphore_mem>>)
    %scan3A_29 = arith.constant 0 : i32
    %scan3A_30 = arith.constant 0 : i32
    %scan3A_31 = arith.constant 62 : i32
    %scan3A_32 = arith.addi %scan3A_30, %scan3A_31 : i32
    %scan3A_33 = arith.constant 1 : i32
    scf.for %scan3A_75 = %scan3A_30 to %scan3A_32 step %scan3A_33  : i32 {
      %mul3A_76 = arith.constant 2 : i32
      %mul3A_77 = arith.muli %scan3A_75, %mul3A_76 : i32
      %add3A_78 = arith.constant 1 : i32
      %add3A_79 = arith.addi %mul3A_77, %add3A_78 : i32
      %mul3A_80 = arith.constant 1280 : i32
      %mul3A_81 = arith.muli %add3A_79, %mul3A_80 : i32
      %multiple_of3A_82 = tpu.assume_multiple %mul3A_81, 8 : i32
      %dma_start3A_83 = arith.constant 1 : i32
      %dma_start3A_84 = arith.constant 0 : i32
      %dma_start3A_85 = arith.constant 0 : i32
      %dma_start3A_86 = tpu.memref_slice %arg17[%dma_start3A_83, %dma_start3A_84, %dma_start3A_85] : memref<2x2x1280xi32, #tpu.memory_space<vmem>> -> memref<1x2x1280xi32, #tpu.memory_space<vmem>>
      %dma_start3A_87 = tpu.memref_squeeze %dma_start3A_86 : memref<1x2x1280xi32, #tpu.memory_space<vmem>> -> memref<2x1280xi32, #tpu.memory_space<vmem>>
      %dma_start3A_88 = arith.constant 0 : i32
      %dma_start3A_89 = tpu.memref_slice %arg3[%dma_start3A_88, %multiple_of3A_82] : memref<2x160000xi32, #tpu.memory_space<hbm>> -> memref<2x1280xi32, #tpu.memory_space<hbm>>
      %dma_start3A_90 = arith.constant 0 : i32
      %dma_start3A_91 = arith.constant 0 : i32
      %dma_start3A_92 = tpu.memref_slice %arg17[%dma_start3A_83, %dma_start3A_90, %dma_start3A_91] : memref<2x2x1280xi32, #tpu.memory_space<vmem>> -> memref<1x2x1280xi32, #tpu.memory_space<vmem>>
      %dma_start3A_93 = tpu.memref_squeeze %dma_start3A_92 : memref<1x2x1280xi32, #tpu.memory_space<vmem>> -> memref<2x1280xi32, #tpu.memory_space<vmem>>
      %dma_start3A_94 = arith.constant 0 : i32
      %dma_start3A_95 = tpu.memref_slice %arg3[%dma_start3A_94, %multiple_of3A_82] : memref<2x160000xi32, #tpu.memory_space<hbm>> -> memref<2x1280xi32, #tpu.memory_space<hbm>>
      tpu.enqueue_dma source(%dma_start3A_95 : memref<2x1280xi32, #tpu.memory_space<hbm>>) target(%dma_start3A_93 : memref<2x1280xi32, #tpu.memory_space<vmem>>) target_semaphore(%arg19 : memref<!tpu.dma_semaphore, #tpu.memory_space<semaphore_mem>>)
      %dma_wait3A_96 = arith.constant 0 : i32
      %dma_wait3A_97 = arith.constant 0 : i32
      %dma_wait3A_98 = arith.constant 0 : i32
      %dma_wait3A_99 = tpu.memref_slice %arg17[%dma_wait3A_96, %dma_wait3A_97, %dma_wait3A_98] : memref<2x2x1280xi32, #tpu.memory_space<vmem>> -> memref<1x2x1280xi32, #tpu.memory_space<vmem>>
      %dma_wait3A_100 = tpu.memref_squeeze %dma_wait3A_99 : memref<1x2x1280xi32, #tpu.memory_space<vmem>> -> memref<2x1280xi32, #tpu.memory_space<vmem>>
      %dma_wait3A_101 = arith.constant 0 : i32
      %dma_wait3A_102 = arith.constant 0 : i32
      %dma_wait3A_103 = tpu.memref_slice %arg3[%dma_wait3A_101, %dma_wait3A_102] : memref<2x160000xi32, #tpu.memory_space<hbm>> -> memref<2x1280xi32, #tpu.memory_space<hbm>>
      %dma_wait3A_104 = arith.constant 0 : i32
      %dma_wait3A_105 = arith.constant 0 : i32
      %dma_wait3A_106 = tpu.memref_slice %arg17[%dma_wait3A_96, %dma_wait3A_104, %dma_wait3A_105] : memref<2x2x1280xi32, #tpu.memory_space<vmem>> -> memref<1x2x1280xi32, #tpu.memory_space<vmem>>
      %dma_wait3A_107 = tpu.memref_squeeze %dma_wait3A_106 : memref<1x2x1280xi32, #tpu.memory_space<vmem>> -> memref<2x1280xi32, #tpu.memory_space<vmem>>
      %dma_wait3A_108 = arith.constant 0 : i32
      %dma_wait3A_109 = arith.constant 0 : i32
      %dma_wait3A_110 = tpu.memref_slice %arg3[%dma_wait3A_108, %dma_wait3A_109] : memref<2x160000xi32, #tpu.memory_space<hbm>> -> memref<2x1280xi32, #tpu.memory_space<hbm>>
      tpu.wait_dma2 semaphore(%arg18 : memref<!tpu.dma_semaphore, #tpu.memory_space<semaphore_mem>>) src(%dma_wait3A_110 : memref<2x1280xi32, #tpu.memory_space<hbm>>) dst(%dma_wait3A_107 : memref<2x1280xi32, #tpu.memory_space<vmem>>)
      %parallel_loop3A_111 = arith.constant 0 : i32
      %parallel_loop3A_112 = arith.constant 20 : i32
      %parallel_loop3A_113 = arith.constant 1 : i32
      scf.for %parallel_loop3A_136 = %parallel_loop3A_111 to %parallel_loop3A_112 step %parallel_loop3A_113  : i32 {
        %parallel_loop3A_137 = arith.constant 4 : i32
        %parallel_loop3A_138 = arith.muli %parallel_loop3A_136, %parallel_loop3A_137 : i32
        %parallel_loop3A_139 = arith.constant 0 : i32
        %parallel_loop3A_140 = arith.addi %parallel_loop3A_138, %parallel_loop3A_139 : i32
        %parallel_loop3A_141 = arith.constant 16 : i32
        %parallel_loop3A_142 = arith.muli %parallel_loop3A_140, %parallel_loop3A_141 : i32
        %parallel_loop3A_143 = arith.constant 0 : i32
        %parallel_loop3A_144 = arith.constant 0 : i32
        %parallel_loop3A_145 = arith.index_cast %parallel_loop3A_143 : i32 to index
        %parallel_loop3A_146 = arith.index_cast %parallel_loop3A_144 : i32 to index
        %parallel_loop3A_147 = arith.index_cast %parallel_loop3A_142 : i32 to index
        %parallel_loop3A_148 = tpu.vector_load %arg17[%parallel_loop3A_145, %parallel_loop3A_146, %parallel_loop3A_147] {strides = array<i32>} : memref<2x2x1280xi32, #tpu.memory_space<vmem>>, vector<16xi32>,
        %parallel_loop3A_149 = arith.constant 0 : i32
        %parallel_loop3A_150 = arith.constant 1 : i32
        %parallel_loop3A_151 = arith.index_cast %parallel_loop3A_149 : i32 to index
        %parallel_loop3A_152 = arith.index_cast %parallel_loop3A_150 : i32 to index
        %parallel_loop3A_153 = arith.index_cast %parallel_loop3A_142 : i32 to index
        %parallel_loop3A_154 = tpu.vector_load %arg17[%parallel_loop3A_151, %parallel_loop3A_152, %parallel_loop3A_153] {strides = array<i32>} : memref<2x2x1280xi32, #tpu.memory_space<vmem>>, vector<16xi32>,
        %parallel_loop3A_155 = vector.bitcast %parallel_loop3A_154 : vector<16xi32> to vector<16xf32>
        %parallel_loop3A_156 = arith.constant 65535 : i32
        %parallel_loop3A_157 = vector.broadcast %parallel_loop3A_156 : i32 to vector<16xi32>
        %parallel_loop3A_158 = arith.andi %parallel_loop3A_148, %parallel_loop3A_157 : vector<16xi32>
        %parallel_loop3A_159 = arith.constant 16 : i32
        %parallel_loop3A_160 = vector.broadcast %parallel_loop3A_159 : i32 to vector<16xi32>
        %parallel_loop3A_161 = arith.shrui %parallel_loop3A_148, %parallel_loop3A_160 : vector<16xi32>
        %parallel_loop3A_162 = tpu.vector_load_idx %arg5[%parallel_loop3A_158] : memref<10000xi32, #tpu.memory_space<vmem>>[vector<16xi32>], vector<16xi32>,
        %parallel_loop3A_163 = tpu.vector_load_idx %arg6[%parallel_loop3A_158] : memref<10000xi32, #tpu.memory_space<vmem>>[vector<16xi32>], vector<16xi32>,
        %parallel_loop3A_164 = tpu.vector_load_idx %arg7[%parallel_loop3A_158] : memref<10000xi32, #tpu.memory_space<vmem>>[vector<16xi32>], vector<16xi32>,
        %parallel_loop3A_165 = tpu.vector_load_idx %arg8[%parallel_loop3A_158] : memref<10000xi32, #tpu.memory_space<vmem>>[vector<16xi32>], vector<16xi32>,
        %parallel_loop3A_166 = arith.constant 4 : i32
        %parallel_loop3A_167 = arith.muli %parallel_loop3A_136, %parallel_loop3A_166 : i32
        %parallel_loop3A_168 = arith.constant 1 : i32
        %parallel_loop3A_169 = arith.addi %parallel_loop3A_167, %parallel_loop3A_168 : i32
        %parallel_loop3A_170 = arith.constant 16 : i32
        %parallel_loop3A_171 = arith.muli %parallel_loop3A_169, %parallel_loop3A_170 : i32
        %parallel_loop3A_172 = arith.constant 0 : i32
        %parallel_loop3A_173 = arith.constant 0 : i32
        %parallel_loop3A_174 = arith.index_cast %parallel_loop3A_172 : i32 to index
        %parallel_loop3A_175 = arith.index_cast %parallel_loop3A_173 : i32 to index
        %parallel_loop3A_176 = arith.index_cast %parallel_loop3A_171 : i32 to index
        %parallel_loop3A_177 = tpu.vector_load %arg17[%parallel_loop3A_174, %parallel_loop3A_175, %parallel_loop3A_176] {strides = array<i32>} : memref<2x2x1280xi32, #tpu.memory_space<vmem>>, vector<16xi32>,
        %parallel_loop3A_178 = arith.constant 0 : i32
        %parallel_loop3A_179 = arith.constant 1 : i32
        %parallel_loop3A_180 = arith.index_cast %parallel_loop3A_178 : i32 to index
        %parallel_loop3A_181 = arith.index_cast %parallel_loop3A_179 : i32 to index
        %parallel_loop3A_182 = arith.index_cast %parallel_loop3A_171 : i32 to index
        %parallel_loop3A_183 = tpu.vector_load %arg17[%parallel_loop3A_180, %parallel_loop3A_181, %parallel_loop3A_182] {strides = array<i32>} : memref<2x2x1280xi32, #tpu.memory_space<vmem>>, vector<16xi32>,
        %parallel_loop3A_184 = vector.bitcast %parallel_loop3A_183 : vector<16xi32> to vector<16xf32>
        %parallel_loop3A_185 = arith.constant 65535 : i32
        %parallel_loop3A_186 = vector.broadcast %parallel_loop3A_185 : i32 to vector<16xi32>
        %parallel_loop3A_187 = arith.andi %parallel_loop3A_177, %parallel_loop3A_186 : vector<16xi32>
        %parallel_loop3A_188 = arith.constant 16 : i32
        %parallel_loop3A_189 = vector.broadcast %parallel_loop3A_188 : i32 to vector<16xi32>
        %parallel_loop3A_190 = arith.shrui %parallel_loop3A_177, %parallel_loop3A_189 : vector<16xi32>
        %parallel_loop3A_191 = tpu.vector_load_idx %arg5[%parallel_loop3A_187] : memref<10000xi32, #tpu.memory_space<vmem>>[vector<16xi32>], vector<16xi32>,
        %parallel_loop3A_192 = tpu.vector_load_idx %arg6[%parallel_loop3A_187] : memref<10000xi32, #tpu.memory_space<vmem>>[vector<16xi32>], vector<16xi32>,
        %parallel_loop3A_193 = tpu.vector_load_idx %arg7[%parallel_loop3A_187] : memref<10000xi32, #tpu.memory_space<vmem>>[vector<16xi32>], vector<16xi32>,
        %parallel_loop3A_194 = tpu.vector_load_idx %arg8[%parallel_loop3A_187] : memref<10000xi32, #tpu.memory_space<vmem>>[vector<16xi32>], vector<16xi32>,
        %parallel_loop3A_195 = arith.constant 4 : i32
        %parallel_loop3A_196 = arith.muli %parallel_loop3A_136, %parallel_loop3A_195 : i32
        %parallel_loop3A_197 = arith.constant 2 : i32
        %parallel_loop3A_198 = arith.addi %parallel_loop3A_196, %parallel_loop3A_197 : i32
        %parallel_loop3A_199 = arith.constant 16 : i32
        %parallel_loop3A_200 = arith.muli %parallel_loop3A_198, %parallel_loop3A_199 : i32
        %parallel_loop3A_201 = arith.constant 0 : i32
        %parallel_loop3A_202 = arith.constant 0 : i32
        %parallel_loop3A_203 = arith.index_cast %parallel_loop3A_201 : i32 to index
        %parallel_loop3A_204 = arith.index_cast %parallel_loop3A_202 : i32 to index
        %parallel_loop3A_205 = arith.index_cast %parallel_loop3A_200 : i32 to index
        %parallel_loop3A_206 = tpu.vector_load %arg17[%parallel_loop3A_203, %parallel_loop3A_204, %parallel_loop3A_205] {strides = array<i32>} : memref<2x2x1280xi32, #tpu.memory_space<vmem>>, vector<16xi32>,
        %parallel_loop3A_207 = arith.constant 0 : i32
        %parallel_loop3A_208 = arith.constant 1 : i32
        %parallel_loop3A_209 = arith.index_cast %parallel_loop3A_207 : i32 to index
        %parallel_loop3A_210 = arith.index_cast %parallel_loop3A_208 : i32 to index
        %parallel_loop3A_211 = arith.index_cast %parallel_loop3A_200 : i32 to index
        %parallel_loop3A_212 = tpu.vector_load %arg17[%parallel_loop3A_209, %parallel_loop3A_210, %parallel_loop3A_211] {strides = array<i32>} : memref<2x2x1280xi32, #tpu.memory_space<vmem>>, vector<16xi32>,
        %parallel_loop3A_213 = vector.bitcast %parallel_loop3A_212 : vector<16xi32> to vector<16xf32>
        %parallel_loop3A_214 = arith.constant 65535 : i32
        %parallel_loop3A_215 = vector.broadcast %parallel_loop3A_214 : i32 to vector<16xi32>
        %parallel_loop3A_216 = arith.andi %parallel_loop3A_206, %parallel_loop3A_215 : vector<16xi32>
        %parallel_loop3A_217 = arith.constant 16 : i32
        %parallel_loop3A_218 = vector.broadcast %parallel_loop3A_217 : i32 to vector<16xi32>
        %parallel_loop3A_219 = arith.shrui %parallel_loop3A_206, %parallel_loop3A_218 : vector<16xi32>
        %parallel_loop3A_220 = tpu.vector_load_idx %arg5[%parallel_loop3A_216] : memref<10000xi32, #tpu.memory_space<vmem>>[vector<16xi32>], vector<16xi32>,
        %parallel_loop3A_221 = tpu.vector_load_idx %arg6[%parallel_loop3A_216] : memref<10000xi32, #tpu.memory_space<vmem>>[vector<16xi32>], vector<16xi32>,
        %parallel_loop3A_222 = tpu.vector_load_idx %arg7[%parallel_loop3A_216] : memref<10000xi32, #tpu.memory_space<vmem>>[vector<16xi32>], vector<16xi32>,
        %parallel_loop3A_223 = tpu.vector_load_idx %arg8[%parallel_loop3A_216] : memref<10000xi32, #tpu.memory_space<vmem>>[vector<16xi32>], vector<16xi32>,
        %parallel_loop3A_224 = arith.constant 4 : i32
        %parallel_loop3A_225 = arith.muli %parallel_loop3A_136, %parallel_loop3A_224 : i32
        %parallel_loop3A_226 = arith.constant 3 : i32
        %parallel_loop3A_227 = arith.addi %parallel_loop3A_225, %parallel_loop3A_226 : i32
        %parallel_loop3A_228 = arith.constant 16 : i32
        %parallel_loop3A_229 = arith.muli %parallel_loop3A_227, %parallel_loop3A_228 : i32
        %parallel_loop3A_230 = arith.constant 0 : i32
        %parallel_loop3A_231 = arith.constant 0 : i32
        %parallel_loop3A_232 = arith.index_cast %parallel_loop3A_230 : i32 to index
        %parallel_loop3A_233 = arith.index_cast %parallel_loop3A_231 : i32 to index
        %parallel_loop3A_234 = arith.index_cast %parallel_loop3A_229 : i32 to index
        %parallel_loop3A_235 = tpu.vector_load %arg17[%parallel_loop3A_232, %parallel_loop3A_233, %parallel_loop3A_234] {strides = array<i32>} : memref<2x2x1280xi32, #tpu.memory_space<vmem>>, vector<16xi32>,
        %parallel_loop3A_236 = arith.constant 0 : i32
        %parallel_loop3A_237 = arith.constant 1 : i32
        %parallel_loop3A_238 = arith.index_cast %parallel_loop3A_236 : i32 to index
        %parallel_loop3A_239 = arith.index_cast %parallel_loop3A_237 : i32 to index
        %parallel_loop3A_240 = arith.index_cast %parallel_loop3A_229 : i32 to index
        %parallel_loop3A_241 = tpu.vector_load %arg17[%parallel_loop3A_238, %parallel_loop3A_239, %parallel_loop3A_240] {strides = array<i32>} : memref<2x2x1280xi32, #tpu.memory_space<vmem>>, vector<16xi32>,
        %parallel_loop3A_242 = vector.bitcast %parallel_loop3A_241 : vector<16xi32> to vector<16xf32>
        %parallel_loop3A_243 = arith.constant 65535 : i32
        %parallel_loop3A_244 = vector.broadcast %parallel_loop3A_243 : i32 to vector<16xi32>
        %parallel_loop3A_245 = arith.andi %parallel_loop3A_235, %parallel_loop3A_244 : vector<16xi32>
        %parallel_loop3A_246 = arith.constant 16 : i32
        %parallel_loop3A_247 = vector.broadcast %parallel_loop3A_246 : i32 to vector<16xi32>
        %parallel_loop3A_248 = arith.shrui %parallel_loop3A_235, %parallel_loop3A_247 : vector<16xi32>
        %parallel_loop3A_249 = tpu.vector_load_idx %arg5[%parallel_loop3A_245] : memref<10000xi32, #tpu.memory_space<vmem>>[vector<16xi32>], vector<16xi32>,
        %parallel_loop3A_250 = tpu.vector_load_idx %arg6[%parallel_loop3A_245] : memref<10000xi32, #tpu.memory_space<vmem>>[vector<16xi32>], vector<16xi32>,
        %parallel_loop3A_251 = tpu.vector_load_idx %arg7[%parallel_loop3A_245] : memref<10000xi32, #tpu.memory_space<vmem>>[vector<16xi32>], vector<16xi32>,
        %parallel_loop3A_252 = tpu.vector_load_idx %arg8[%parallel_loop3A_245] : memref<10000xi32, #tpu.memory_space<vmem>>[vector<16xi32>], vector<16xi32>,
        %parallel_loop3A_253 = arith.constant 16 : i32
        %parallel_loop3A_254 = vector.broadcast %parallel_loop3A_253 : i32 to vector<16xi32>
        %parallel_loop3A_255 = arith.shli %parallel_loop3A_162, %parallel_loop3A_254 : vector<16xi32>
        %parallel_loop3A_256 = vector.bitcast %parallel_loop3A_255 : vector<16xi32> to vector<16xf32>
        %parallel_loop3A_257 = arith.constant -65536 : i32
        %parallel_loop3A_258 = vector.broadcast %parallel_loop3A_257 : i32 to vector<16xi32>
        %parallel_loop3A_259 = arith.andi %parallel_loop3A_162, %parallel_loop3A_258 : vector<16xi32>
        %parallel_loop3A_260 = vector.bitcast %parallel_loop3A_259 : vector<16xi32> to vector<16xf32>
        %parallel_loop3A_261 = arith.mulf %parallel_loop3A_256, %parallel_loop3A_155 : vector<16xf32>
        tpu.vector_store_idx %arg9[%parallel_loop3A_161], %parallel_loop3A_261 {add = true} : memref<10000xf32, #tpu.memory_space<vmem>>[vector<16xi32>], vector<16xf32>,
        %parallel_loop3A_262 = arith.mulf %parallel_loop3A_260, %parallel_loop3A_155 : vector<16xf32>
        tpu.vector_store_idx %arg13[%parallel_loop3A_161], %parallel_loop3A_262 {add = true} : memref<10000xf32, #tpu.memory_space<vmem>>[vector<16xi32>], vector<16xf32>,
        %parallel_loop3A_263 = arith.constant 16 : i32
        %parallel_loop3A_264 = vector.broadcast %parallel_loop3A_263 : i32 to vector<16xi32>
        %parallel_loop3A_265 = arith.shli %parallel_loop3A_163, %parallel_loop3A_264 : vector<16xi32>
        %parallel_loop3A_266 = vector.bitcast %parallel_loop3A_265 : vector<16xi32> to vector<16xf32>
        %parallel_loop3A_267 = arith.constant -65536 : i32
        %parallel_loop3A_268 = vector.broadcast %parallel_loop3A_267 : i32 to vector<16xi32>
        %parallel_loop3A_269 = arith.andi %parallel_loop3A_163, %parallel_loop3A_268 : vector<16xi32>
        %parallel_loop3A_270 = vector.bitcast %parallel_loop3A_269 : vector<16xi32> to vector<16xf32>
        %parallel_loop3A_271 = arith.mulf %parallel_loop3A_266, %parallel_loop3A_155 : vector<16xf32>
        tpu.vector_store_idx %arg10[%parallel_loop3A_161], %parallel_loop3A_271 {add = true} : memref<10000xf32, #tpu.memory_space<vmem>>[vector<16xi32>], vector<16xf32>,
        %parallel_loop3A_272 = arith.mulf %parallel_loop3A_270, %parallel_loop3A_155 : vector<16xf32>
        tpu.vector_store_idx %arg14[%parallel_loop3A_161], %parallel_loop3A_272 {add = true} : memref<10000xf32, #tpu.memory_space<vmem>>[vector<16xi32>], vector<16xf32>,
        %parallel_loop3A_273 = arith.constant 16 : i32
        %parallel_loop3A_274 = vector.broadcast %parallel_loop3A_273 : i32 to vector<16xi32>
        %parallel_loop3A_275 = arith.shli %parallel_loop3A_164, %parallel_loop3A_274 : vector<16xi32>
        %parallel_loop3A_276 = vector.bitcast %parallel_loop3A_275 : vector<16xi32> to vector<16xf32>
        %parallel_loop3A_277 = arith.constant -65536 : i32
        %parallel_loop3A_278 = vector.broadcast %parallel_loop3A_277 : i32 to vector<16xi32>
        %parallel_loop3A_279 = arith.andi %parallel_loop3A_164, %parallel_loop3A_278 : vector<16xi32>
        %parallel_loop3A_280 = vector.bitcast %parallel_loop3A_279 : vector<16xi32> to vector<16xf32>
        %parallel_loop3A_281 = arith.mulf %parallel_loop3A_276, %parallel_loop3A_155 : vector<16xf32>
        tpu.vector_store_idx %arg11[%parallel_loop3A_161], %parallel_loop3A_281 {add = true} : memref<10000xf32, #tpu.memory_space<vmem>>[vector<16xi32>], vector<16xf32>,
        %parallel_loop3A_282 = arith.mulf %parallel_loop3A_280, %parallel_loop3A_155 : vector<16xf32>
        tpu.vector_store_idx %arg15[%parallel_loop3A_161], %parallel_loop3A_282 {add = true} : memref<10000xf32, #tpu.memory_space<vmem>>[vector<16xi32>], vector<16xf32>,
        %parallel_loop3A_283 = arith.constant 16 : i32
        %parallel_loop3A_284 = vector.broadcast %parallel_loop3A_283 : i32 to vector<16xi32>
        %parallel_loop3A_285 = arith.shli %parallel_loop3A_165, %parallel_loop3A_284 : vector<16xi32>
        %parallel_loop3A_286 = vector.bitcast %parallel_loop3A_285 : vector<16xi32> to vector<16xf32>
        %parallel_loop3A_287 = arith.constant -65536 : i32
        %parallel_loop3A_288 = vector.broadcast %parallel_loop3A_287 : i32 to vector<16xi32>
        %parallel_loop3A_289 = arith.andi %parallel_loop3A_165, %parallel_loop3A_288 : vector<16xi32>
        %parallel_loop3A_290 = vector.bitcast %parallel_loop3A_289 : vector<16xi32> to vector<16xf32>
        %parallel_loop3A_291 = arith.mulf %parallel_loop3A_286, %parallel_loop3A_155 : vector<16xf32>
        tpu.vector_store_idx %arg12[%parallel_loop3A_161], %parallel_loop3A_291 {add = true} : memref<10000xf32, #tpu.memory_space<vmem>>[vector<16xi32>], vector<16xf32>,
        %parallel_loop3A_292 = arith.mulf %parallel_loop3A_290, %parallel_loop3A_155 : vector<16xf32>
        tpu.vector_store_idx %arg16[%parallel_loop3A_161], %parallel_loop3A_292 {add = true} : memref<10000xf32, #tpu.memory_space<vmem>>[vector<16xi32>], vector<16xf32>,
        %parallel_loop3A_293 = arith.constant 16 : i32
        %parallel_loop3A_294 = vector.broadcast %parallel_loop3A_293 : i32 to vector<16xi32>
        %parallel_loop3A_295 = arith.shli %parallel_loop3A_191, %parallel_loop3A_294 : vector<16xi32>
        %parallel_loop3A_296 = vector.bitcast %parallel_loop3A_295 : vector<16xi32> to vector<16xf32>
        %parallel_loop3A_297 = arith.constant -65536 : i32
        %parallel_loop3A_298 = vector.broadcast %parallel_loop3A_297 : i32 to vector<16xi32>
        %parallel_loop3A_299 = arith.andi %parallel_loop3A_191, %parallel_loop3A_298 : vector<16xi32>
        %parallel_loop3A_300 = vector.bitcast %parallel_loop3A_299 : vector<16xi32> to vector<16xf32>
        %parallel_loop3A_301 = arith.mulf %parallel_loop3A_296, %parallel_loop3A_184 : vector<16xf32>
        tpu.vector_store_idx %arg9[%parallel_loop3A_190], %parallel_loop3A_301 {add = true} : memref<10000xf32, #tpu.memory_space<vmem>>[vector<16xi32>], vector<16xf32>,
        %parallel_loop3A_302 = arith.mulf %parallel_loop3A_300, %parallel_loop3A_184 : vector<16xf32>
        tpu.vector_store_idx %arg13[%parallel_loop3A_190], %parallel_loop3A_302 {add = true} : memref<10000xf32, #tpu.memory_space<vmem>>[vector<16xi32>], vector<16xf32>,
        %parallel_loop3A_303 = arith.constant 16 : i32
        %parallel_loop3A_304 = vector.broadcast %parallel_loop3A_303 : i32 to vector<16xi32>
        %parallel_loop3A_305 = arith.shli %parallel_loop3A_192, %parallel_loop3A_304 : vector<16xi32>
        %parallel_loop3A_306 = vector.bitcast %parallel_loop3A_305 : vector<16xi32> to vector<16xf32>
        %parallel_loop3A_307 = arith.constant -65536 : i32
        %parallel_loop3A_308 = vector.broadcast %parallel_loop3A_307 : i32 to vector<16xi32>
        %parallel_loop3A_309 = arith.andi %parallel_loop3A_192, %parallel_loop3A_308 : vector<16xi32>
        %parallel_loop3A_310 = vector.bitcast %parallel_loop3A_309 : vector<16xi32> to vector<16xf32>
        %parallel_loop3A_311 = arith.mulf %parallel_loop3A_306, %parallel_loop3A_184 : vector<16xf32>
        tpu.vector_store_idx %arg10[%parallel_loop3A_190], %parallel_loop3A_311 {add = true} : memref<10000xf32, #tpu.memory_space<vmem>>[vector<16xi32>], vector<16xf32>,
        %parallel_loop3A_312 = arith.mulf %parallel_loop3A_310, %parallel_loop3A_184 : vector<16xf32>
        tpu.vector_store_idx %arg14[%parallel_loop3A_190], %parallel_loop3A_312 {add = true} : memref<10000xf32, #tpu.memory_space<vmem>>[vector<16xi32>], vector<16xf32>,
        %parallel_loop3A_313 = arith.constant 16 : i32
        %parallel_loop3A_314 = vector.broadcast %parallel_loop3A_313 : i32 to vector<16xi32>
        %parallel_loop3A_315 = arith.shli %parallel_loop3A_193, %parallel_loop3A_314 : vector<16xi32>
        %parallel_loop3A_316 = vector.bitcast %parallel_loop3A_315 : vector<16xi32> to vector<16xf32>
        %parallel_loop3A_317 = arith.constant -65536 : i32
        %parallel_loop3A_318 = vector.broadcast %parallel_loop3A_317 : i32 to vector<16xi32>
        %parallel_loop3A_319 = arith.andi %parallel_loop3A_193, %parallel_loop3A_318 : vector<16xi32>
        %parallel_loop3A_320 = vector.bitcast %parallel_loop3A_319 : vector<16xi32> to vector<16xf32>
        %parallel_loop3A_321 = arith.mulf %parallel_loop3A_316, %parallel_loop3A_184 : vector<16xf32>
        tpu.vector_store_idx %arg11[%parallel_loop3A_190], %parallel_loop3A_321 {add = true} : memref<10000xf32, #tpu.memory_space<vmem>>[vector<16xi32>], vector<16xf32>,
        %parallel_loop3A_322 = arith.mulf %parallel_loop3A_320, %parallel_loop3A_184 : vector<16xf32>
        tpu.vector_store_idx %arg15[%parallel_loop3A_190], %parallel_loop3A_322 {add = true} : memref<10000xf32, #tpu.memory_space<vmem>>[vector<16xi32>], vector<16xf32>,
        %parallel_loop3A_323 = arith.constant 16 : i32
        %parallel_loop3A_324 = vector.broadcast %parallel_loop3A_323 : i32 to vector<16xi32>
        %parallel_loop3A_325 = arith.shli %parallel_loop3A_194, %parallel_loop3A_324 : vector<16xi32>
        %parallel_loop3A_326 = vector.bitcast %parallel_loop3A_325 : vector<16xi32> to vector<16xf32>
        %parallel_loop3A_327 = arith.constant -65536 : i32
        %parallel_loop3A_328 = vector.broadcast %parallel_loop3A_327 : i32 to vector<16xi32>
        %parallel_loop3A_329 = arith.andi %parallel_loop3A_194, %parallel_loop3A_328 : vector<16xi32>
        %parallel_loop3A_330 = vector.bitcast %parallel_loop3A_329 : vector<16xi32> to vector<16xf32>
        %parallel_loop3A_331 = arith.mulf %parallel_loop3A_326, %parallel_loop3A_184 : vector<16xf32>
        tpu.vector_store_idx %arg12[%parallel_loop3A_190], %parallel_loop3A_331 {add = true} : memref<10000xf32, #tpu.memory_space<vmem>>[vector<16xi32>], vector<16xf32>,
        %parallel_loop3A_332 = arith.mulf %parallel_loop3A_330, %parallel_loop3A_184 : vector<16xf32>
        tpu.vector_store_idx %arg16[%parallel_loop3A_190], %parallel_loop3A_332 {add = true} : memref<10000xf32, #tpu.memory_space<vmem>>[vector<16xi32>], vector<16xf32>,
        %parallel_loop3A_333 = arith.constant 16 : i32
        %parallel_loop3A_334 = vector.broadcast %parallel_loop3A_333 : i32 to vector<16xi32>
        %parallel_loop3A_335 = arith.shli %parallel_loop3A_220, %parallel_loop3A_334 : vector<16xi32>
        %parallel_loop3A_336 = vector.bitcast %parallel_loop3A_335 : vector<16xi32> to vector<16xf32>
        %parallel_loop3A_337 = arith.constant -65536 : i32
        %parallel_loop3A_338 = vector.broadcast %parallel_loop3A_337 : i32 to vector<16xi32>
        %parallel_loop3A_339 = arith.andi %parallel_loop3A_220, %parallel_loop3A_338 : vector<16xi32>
        %parallel_loop3A_340 = vector.bitcast %parallel_loop3A_339 : vector<16xi32> to vector<16xf32>
        %parallel_loop3A_341 = arith.mulf %parallel_loop3A_336, %parallel_loop3A_213 : vector<16xf32>
        tpu.vector_store_idx %arg9[%parallel_loop3A_219], %parallel_loop3A_341 {add = true} : memref<10000xf32, #tpu.memory_space<vmem>>[vector<16xi32>], vector<16xf32>,
        %parallel_loop3A_342 = arith.mulf %parallel_loop3A_340, %parallel_loop3A_213 : vector<16xf32>
        tpu.vector_store_idx %arg13[%parallel_loop3A_219], %parallel_loop3A_342 {add = true} : memref<10000xf32, #tpu.memory_space<vmem>>[vector<16xi32>], vector<16xf32>,
        %parallel_loop3A_343 = arith.constant 16 : i32
        %parallel_loop3A_344 = vector.broadcast %parallel_loop3A_343 : i32 to vector<16xi32>
        %parallel_loop3A_345 = arith.shli %parallel_loop3A_221, %parallel_loop3A_344 : vector<16xi32>
        %parallel_loop3A_346 = vector.bitcast %parallel_loop3A_345 : vector<16xi32> to vector<16xf32>
        %parallel_loop3A_347 = arith.constant -65536 : i32
        %parallel_loop3A_348 = vector.broadcast %parallel_loop3A_347 : i32 to vector<16xi32>
        %parallel_loop3A_349 = arith.andi %parallel_loop3A_221, %parallel_loop3A_348 : vector<16xi32>
        %parallel_loop3A_350 = vector.bitcast %parallel_loop3A_349 : vector<16xi32> to vector<16xf32>
        %parallel_loop3A_351 = arith.mulf %parallel_loop3A_346, %parallel_loop3A_213 : vector<16xf32>
        tpu.vector_store_idx %arg10[%parallel_loop3A_219], %parallel_loop3A_351 {add = true} : memref<10000xf32, #tpu.memory_space<vmem>>[vector<16xi32>], vector<16xf32>,
        %parallel_loop3A_352 = arith.mulf %parallel_loop3A_350, %parallel_loop3A_213 : vector<16xf32>
        tpu.vector_store_idx %arg14[%parallel_loop3A_219], %parallel_loop3A_352 {add = true} : memref<10000xf32, #tpu.memory_space<vmem>>[vector<16xi32>], vector<16xf32>,
        %parallel_loop3A_353 = arith.constant 16 : i32
        %parallel_loop3A_354 = vector.broadcast %parallel_loop3A_353 : i32 to vector<16xi32>
        %parallel_loop3A_355 = arith.shli %parallel_loop3A_222, %parallel_loop3A_354 : vector<16xi32>
        %parallel_loop3A_356 = vector.bitcast %parallel_loop3A_355 : vector<16xi32> to vector<16xf32>
        %parallel_loop3A_357 = arith.constant -65536 : i32
        %parallel_loop3A_358 = vector.broadcast %parallel_loop3A_357 : i32 to vector<16xi32>
        %parallel_loop3A_359 = arith.andi %parallel_loop3A_222, %parallel_loop3A_358 : vector<16xi32>
        %parallel_loop3A_360 = vector.bitcast %parallel_loop3A_359 : vector<16xi32> to vector<16xf32>
        %parallel_loop3A_361 = arith.mulf %parallel_loop3A_356, %parallel_loop3A_213 : vector<16xf32>
        tpu.vector_store_idx %arg11[%parallel_loop3A_219], %parallel_loop3A_361 {add = true} : memref<10000xf32, #tpu.memory_space<vmem>>[vector<16xi32>], vector<16xf32>,
        %parallel_loop3A_362 = arith.mulf %parallel_loop3A_360, %parallel_loop3A_213 : vector<16xf32>
        tpu.vector_store_idx %arg15[%parallel_loop3A_219], %parallel_loop3A_362 {add = true} : memref<10000xf32, #tpu.memory_space<vmem>>[vector<16xi32>], vector<16xf32>,
        %parallel_loop3A_363 = arith.constant 16 : i32
        %parallel_loop3A_364 = vector.broadcast %parallel_loop3A_363 : i32 to vector<16xi32>
        %parallel_loop3A_365 = arith.shli %parallel_loop3A_223, %parallel_loop3A_364 : vector<16xi32>
        %parallel_loop3A_366 = vector.bitcast %parallel_loop3A_365 : vector<16xi32> to vector<16xf32>
        %parallel_loop3A_367 = arith.constant -65536 : i32
        %parallel_loop3A_368 = vector.broadcast %parallel_loop3A_367 : i32 to vector<16xi32>
        %parallel_loop3A_369 = arith.andi %parallel_loop3A_223, %parallel_loop3A_368 : vector<16xi32>
        %parallel_loop3A_370 = vector.bitcast %parallel_loop3A_369 : vector<16xi32> to vector<16xf32>
        %parallel_loop3A_371 = arith.mulf %parallel_loop3A_366, %parallel_loop3A_213 : vector<16xf32>
        tpu.vector_store_idx %arg12[%parallel_loop3A_219], %parallel_loop3A_371 {add = true} : memref<10000xf32, #tpu.memory_space<vmem>>[vector<16xi32>], vector<16xf32>,
        %parallel_loop3A_372 = arith.mulf %parallel_loop3A_370, %parallel_loop3A_213 : vector<16xf32>
        tpu.vector_store_idx %arg16[%parallel_loop3A_219], %parallel_loop3A_372 {add = true} : memref<10000xf32, #tpu.memory_space<vmem>>[vector<16xi32>], vector<16xf32>,
        %parallel_loop3A_373 = arith.constant 16 : i32
        %parallel_loop3A_374 = vector.broadcast %parallel_loop3A_373 : i32 to vector<16xi32>
        %parallel_loop3A_375 = arith.shli %parallel_loop3A_249, %parallel_loop3A_374 : vector<16xi32>
        %parallel_loop3A_376 = vector.bitcast %parallel_loop3A_375 : vector<16xi32> to vector<16xf32>
        %parallel_loop3A_377 = arith.constant -65536 : i32
        %parallel_loop3A_378 = vector.broadcast %parallel_loop3A_377 : i32 to vector<16xi32>
        %parallel_loop3A_379 = arith.andi %parallel_loop3A_249, %parallel_loop3A_378 : vector<16xi32>
        %parallel_loop3A_380 = vector.bitcast %parallel_loop3A_379 : vector<16xi32> to vector<16xf32>
        %parallel_loop3A_381 = arith.mulf %parallel_loop3A_376, %parallel_loop3A_242 : vector<16xf32>
        tpu.vector_store_idx %arg9[%parallel_loop3A_248], %parallel_loop3A_381 {add = true} : memref<10000xf32, #tpu.memory_space<vmem>>[vector<16xi32>], vector<16xf32>,
        %parallel_loop3A_382 = arith.mulf %parallel_loop3A_380, %parallel_loop3A_242 : vector<16xf32>
        tpu.vector_store_idx %arg13[%parallel_loop3A_248], %parallel_loop3A_382 {add = true} : memref<10000xf32, #tpu.memory_space<vmem>>[vector<16xi32>], vector<16xf32>,
        %parallel_loop3A_383 = arith.constant 16 : i32
        %parallel_loop3A_384 = vector.broadcast %parallel_loop3A_383 : i32 to vector<16xi32>
        %parallel_loop3A_385 = arith.shli %parallel_loop3A_250, %parallel_loop3A_384 : vector<16xi32>
        %parallel_loop3A_386 = vector.bitcast %parallel_loop3A_385 : vector<16xi32> to vector<16xf32>
        %parallel_loop3A_387 = arith.constant -65536 : i32
        %parallel_loop3A_388 = vector.broadcast %parallel_loop3A_387 : i32 to vector<16xi32>
        %parallel_loop3A_389 = arith.andi %parallel_loop3A_250, %parallel_loop3A_388 : vector<16xi32>
        %parallel_loop3A_390 = vector.bitcast %parallel_loop3A_389 : vector<16xi32> to vector<16xf32>
        %parallel_loop3A_391 = arith.mulf %parallel_loop3A_386, %parallel_loop3A_242 : vector<16xf32>
        tpu.vector_store_idx %arg10[%parallel_loop3A_248], %parallel_loop3A_391 {add = true} : memref<10000xf32, #tpu.memory_space<vmem>>[vector<16xi32>], vector<16xf32>,
        %parallel_loop3A_392 = arith.mulf %parallel_loop3A_390, %parallel_loop3A_242 : vector<16xf32>
        tpu.vector_store_idx %arg14[%parallel_loop3A_248], %parallel_loop3A_392 {add = true} : memref<10000xf32, #tpu.memory_space<vmem>>[vector<16xi32>], vector<16xf32>,
        %parallel_loop3A_393 = arith.constant 16 : i32
        %parallel_loop3A_394 = vector.broadcast %parallel_loop3A_393 : i32 to vector<16xi32>
        %parallel_loop3A_395 = arith.shli %parallel_loop3A_251, %parallel_loop3A_394 : vector<16xi32>
        %parallel_loop3A_396 = vector.bitcast %parallel_loop3A_395 : vector<16xi32> to vector<16xf32>
        %parallel_loop3A_397 = arith.constant -65536 : i32
        %parallel_loop3A_398 = vector.broadcast %parallel_loop3A_397 : i32 to vector<16xi32>
        %parallel_loop3A_399 = arith.andi %parallel_loop3A_251, %parallel_loop3A_398 : vector<16xi32>
        %parallel_loop3A_400 = vector.bitcast %parallel_loop3A_399 : vector<16xi32> to vector<16xf32>
        %parallel_loop3A_401 = arith.mulf %parallel_loop3A_396, %parallel_loop3A_242 : vector<16xf32>
        tpu.vector_store_idx %arg11[%parallel_loop3A_248], %parallel_loop3A_401 {add = true} : memref<10000xf32, #tpu.memory_space<vmem>>[vector<16xi32>], vector<16xf32>,
        %parallel_loop3A_402 = arith.mulf %parallel_loop3A_400, %parallel_loop3A_242 : vector<16xf32>
        tpu.vector_store_idx %arg15[%parallel_loop3A_248], %parallel_loop3A_402 {add = true} : memref<10000xf32, #tpu.memory_space<vmem>>[vector<16xi32>], vector<16xf32>,
        %parallel_loop3A_403 = arith.constant 16 : i32
        %parallel_loop3A_404 = vector.broadcast %parallel_loop3A_403 : i32 to vector<16xi32>
        %parallel_loop3A_405 = arith.shli %parallel_loop3A_252, %parallel_loop3A_404 : vector<16xi32>
        %parallel_loop3A_406 = vector.bitcast %parallel_loop3A_405 : vector<16xi32> to vector<16xf32>
        %parallel_loop3A_407 = arith.constant -65536 : i32
        %parallel_loop3A_408 = vector.broadcast %parallel_loop3A_407 : i32 to vector<16xi32>
        %parallel_loop3A_409 = arith.andi %parallel_loop3A_252, %parallel_loop3A_408 : vector<16xi32>
        %parallel_loop3A_410 = vector.bitcast %parallel_loop3A_409 : vector<16xi32> to vector<16xf32>
        %parallel_loop3A_411 = arith.mulf %parallel_loop3A_406, %parallel_loop3A_242 : vector<16xf32>
        tpu.vector_store_idx %arg12[%parallel_loop3A_248], %parallel_loop3A_411 {add = true} : memref<10000xf32, #tpu.memory_space<vmem>>[vector<16xi32>], vector<16xf32>,
        %parallel_loop3A_412 = arith.mulf %parallel_loop3A_410, %parallel_loop3A_242 : vector<16xf32>
        tpu.vector_store_idx %arg16[%parallel_loop3A_248], %parallel_loop3A_412 {add = true} : memref<10000xf32, #tpu.memory_space<vmem>>[vector<16xi32>], vector<16xf32>,
      } {sc.loop_unroll_factor = 1 : i64, sc.parallel_access}
      %add3A_114 = arith.constant 2 : i32
      %add3A_115 = arith.addi %mul3A_77, %add3A_114 : i32
      %lt3A = arith.constant 125 : i32
      %lt3A_116 = arith.cmpi slt, %add3A_115, %lt3A : i32
      %convert_element_type3A = arith.extui %lt3A_116 : i1 to i32
      %cond3A = arith.constant 0 : i32
      %cond3A_117 = arith.cmpi ne, %convert_element_type3A, %cond3A : i32
      scf.if %cond3A_117 {
        %add3A_136 = arith.constant 2 : i32
        %add3A_137 = arith.addi %mul3A_77, %add3A_136 : i32
        %mul3A_138 = arith.constant 1280 : i32
        %mul3A_139 = arith.muli %add3A_137, %mul3A_138 : i32
        %multiple_of3A_140 = tpu.assume_multiple %mul3A_139, 8 : i32
        %dma_start3A_141 = arith.constant 0 : i32
        %dma_start3A_142 = arith.constant 0 : i32
        %dma_start3A_143 = arith.constant 0 : i32
        %dma_start3A_144 = tpu.memref_slice %arg17[%dma_start3A_141, %dma_start3A_142, %dma_start3A_143] : memref<2x2x1280xi32, #tpu.memory_space<vmem>> -> memref<1x2x1280xi32, #tpu.memory_space<vmem>>
        %dma_start3A_145 = tpu.memref_squeeze %dma_start3A_144 : memref<1x2x1280xi32, #tpu.memory_space<vmem>> -> memref<2x1280xi32, #tpu.memory_space<vmem>>
        %dma_start3A_146 = arith.constant 0 : i32
        %dma_start3A_147 = tpu.memref_slice %arg3[%dma_start3A_146, %multiple_of3A_140] : memref<2x160000xi32, #tpu.memory_space<hbm>> -> memref<2x1280xi32, #tpu.memory_space<hbm>>
        %dma_start3A_148 = arith.constant 0 : i32
        %dma_start3A_149 = arith.constant 0 : i32
        %dma_start3A_150 = tpu.memref_slice %arg17[%dma_start3A_141, %dma_start3A_148, %dma_start3A_149] : memref<2x2x1280xi32, #tpu.memory_space<vmem>> -> memref<1x2x1280xi32, #tpu.memory_space<vmem>>
        %dma_start3A_151 = tpu.memref_squeeze %dma_start3A_150 : memref<1x2x1280xi32, #tpu.memory_space<vmem>> -> memref<2x1280xi32, #tpu.memory_space<vmem>>
        %dma_start3A_152 = arith.constant 0 : i32
        %dma_start3A_153 = tpu.memref_slice %arg3[%dma_start3A_152, %multiple_of3A_140] : memref<2x160000xi32, #tpu.memory_space<hbm>> -> memref<2x1280xi32, #tpu.memory_space<hbm>>
        tpu.enqueue_dma source(%dma_start3A_153 : memref<2x1280xi32, #tpu.memory_space<hbm>>) target(%dma_start3A_151 : memref<2x1280xi32, #tpu.memory_space<vmem>>) target_semaphore(%arg18 : memref<!tpu.dma_semaphore, #tpu.memory_space<semaphore_mem>>)
      } else {
      }
      %dma_wait3A_118 = arith.constant 1 : i32
      %dma_wait3A_119 = arith.constant 0 : i32
      %dma_wait3A_120 = arith.constant 0 : i32
      %dma_wait3A_121 = tpu.memref_slice %arg17[%dma_wait3A_118, %dma_wait3A_119, %dma_wait3A_120] : memref<2x2x1280xi32, #tpu.memory_space<vmem>> -> memref<1x2x1280xi32, #tpu.memory_space<vmem>>
      %dma_wait3A_122 = tpu.memref_squeeze %dma_wait3A_121 : memref<1x2x1280xi32, #tpu.memory_space<vmem>> -> memref<2x1280xi32, #tpu.memory_space<vmem>>
      %dma_wait3A_123 = arith.constant 0 : i32
      %dma_wait3A_124 = arith.constant 0 : i32
      %dma_wait3A_125 = tpu.memref_slice %arg3[%dma_wait3A_123, %dma_wait3A_124] : memref<2x160000xi32, #tpu.memory_space<hbm>> -> memref<2x1280xi32, #tpu.memory_space<hbm>>
      %dma_wait3A_126 = arith.constant 0 : i32
      %dma_wait3A_127 = arith.constant 0 : i32
      %dma_wait3A_128 = tpu.memref_slice %arg17[%dma_wait3A_118, %dma_wait3A_126, %dma_wait3A_127] : memref<2x2x1280xi32, #tpu.memory_space<vmem>> -> memref<1x2x1280xi32, #tpu.memory_space<vmem>>
      %dma_wait3A_129 = tpu.memref_squeeze %dma_wait3A_128 : memref<1x2x1280xi32, #tpu.memory_space<vmem>> -> memref<2x1280xi32, #tpu.memory_space<vmem>>
      %dma_wait3A_130 = arith.constant 0 : i32
      %dma_wait3A_131 = arith.constant 0 : i32
      %dma_wait3A_132 = tpu.memref_slice %arg3[%dma_wait3A_130, %dma_wait3A_131] : memref<2x160000xi32, #tpu.memory_space<hbm>> -> memref<2x1280xi32, #tpu.memory_space<hbm>>
      tpu.wait_dma2 semaphore(%arg19 : memref<!tpu.dma_semaphore, #tpu.memory_space<semaphore_mem>>) src(%dma_wait3A_132 : memref<2x1280xi32, #tpu.memory_space<hbm>>) dst(%dma_wait3A_129 : memref<2x1280xi32, #tpu.memory_space<vmem>>)
      %parallel_loop3A_133 = arith.constant 0 : i32
      %parallel_loop3A_134 = arith.constant 20 : i32
      %parallel_loop3A_135 = arith.constant 1 : i32
      scf.for %parallel_loop3A_136 = %parallel_loop3A_133 to %parallel_loop3A_134 step %parallel_loop3A_135  : i32 {
        %parallel_loop3A_137 = arith.constant 4 : i32
        %parallel_loop3A_138 = arith.muli %parallel_loop3A_136, %parallel_loop3A_137 : i32
        %parallel_loop3A_139 = arith.constant 0 : i32
        %parallel_loop3A_140 = arith.addi %parallel_loop3A_138, %parallel_loop3A_139 : i32
        %parallel_loop3A_141 = arith.constant 16 : i32
        %parallel_loop3A_142 = arith.muli %parallel_loop3A_140, %parallel_loop3A_141 : i32
        %parallel_loop3A_143 = arith.constant 1 : i32
        %parallel_loop3A_144 = arith.constant 0 : i32
        %parallel_loop3A_145 = arith.index_cast %parallel_loop3A_143 : i32 to index
        %parallel_loop3A_146 = arith.index_cast %parallel_loop3A_144 : i32 to index
        %parallel_loop3A_147 = arith.index_cast %parallel_loop3A_142 : i32 to index
        %parallel_loop3A_148 = tpu.vector_load %arg17[%parallel_loop3A_145, %parallel_loop3A_146, %parallel_loop3A_147] {strides = array<i32>} : memref<2x2x1280xi32, #tpu.memory_space<vmem>>, vector<16xi32>,
        %parallel_loop3A_149 = arith.constant 1 : i32
        %parallel_loop3A_150 = arith.constant 1 : i32
        %parallel_loop3A_151 = arith.index_cast %parallel_loop3A_149 : i32 to index
        %parallel_loop3A_152 = arith.index_cast %parallel_loop3A_150 : i32 to index
        %parallel_loop3A_153 = arith.index_cast %parallel_loop3A_142 : i32 to index
        %parallel_loop3A_154 = tpu.vector_load %arg17[%parallel_loop3A_151, %parallel_loop3A_152, %parallel_loop3A_153] {strides = array<i32>} : memref<2x2x1280xi32, #tpu.memory_space<vmem>>, vector<16xi32>,
        %parallel_loop3A_155 = vector.bitcast %parallel_loop3A_154 : vector<16xi32> to vector<16xf32>
        %parallel_loop3A_156 = arith.constant 65535 : i32
        %parallel_loop3A_157 = vector.broadcast %parallel_loop3A_156 : i32 to vector<16xi32>
        %parallel_loop3A_158 = arith.andi %parallel_loop3A_148, %parallel_loop3A_157 : vector<16xi32>
        %parallel_loop3A_159 = arith.constant 16 : i32
        %parallel_loop3A_160 = vector.broadcast %parallel_loop3A_159 : i32 to vector<16xi32>
        %parallel_loop3A_161 = arith.shrui %parallel_loop3A_148, %parallel_loop3A_160 : vector<16xi32>
        %parallel_loop3A_162 = tpu.vector_load_idx %arg5[%parallel_loop3A_158] : memref<10000xi32, #tpu.memory_space<vmem>>[vector<16xi32>], vector<16xi32>,
        %parallel_loop3A_163 = tpu.vector_load_idx %arg6[%parallel_loop3A_158] : memref<10000xi32, #tpu.memory_space<vmem>>[vector<16xi32>], vector<16xi32>,
        %parallel_loop3A_164 = tpu.vector_load_idx %arg7[%parallel_loop3A_158] : memref<10000xi32, #tpu.memory_space<vmem>>[vector<16xi32>], vector<16xi32>,
        %parallel_loop3A_165 = tpu.vector_load_idx %arg8[%parallel_loop3A_158] : memref<10000xi32, #tpu.memory_space<vmem>>[vector<16xi32>], vector<16xi32>,
        %parallel_loop3A_166 = arith.constant 4 : i32
        %parallel_loop3A_167 = arith.muli %parallel_loop3A_136, %parallel_loop3A_166 : i32
        %parallel_loop3A_168 = arith.constant 1 : i32
        %parallel_loop3A_169 = arith.addi %parallel_loop3A_167, %parallel_loop3A_168 : i32
        %parallel_loop3A_170 = arith.constant 16 : i32
        %parallel_loop3A_171 = arith.muli %parallel_loop3A_169, %parallel_loop3A_170 : i32
        %parallel_loop3A_172 = arith.constant 1 : i32
        %parallel_loop3A_173 = arith.constant 0 : i32
        %parallel_loop3A_174 = arith.index_cast %parallel_loop3A_172 : i32 to index
        %parallel_loop3A_175 = arith.index_cast %parallel_loop3A_173 : i32 to index
        %parallel_loop3A_176 = arith.index_cast %parallel_loop3A_171 : i32 to index
        %parallel_loop3A_177 = tpu.vector_load %arg17[%parallel_loop3A_174, %parallel_loop3A_175, %parallel_loop3A_176] {strides = array<i32>} : memref<2x2x1280xi32, #tpu.memory_space<vmem>>, vector<16xi32>,
        %parallel_loop3A_178 = arith.constant 1 : i32
        %parallel_loop3A_179 = arith.constant 1 : i32
        %parallel_loop3A_180 = arith.index_cast %parallel_loop3A_178 : i32 to index
        %parallel_loop3A_181 = arith.index_cast %parallel_loop3A_179 : i32 to index
        %parallel_loop3A_182 = arith.index_cast %parallel_loop3A_171 : i32 to index
        %parallel_loop3A_183 = tpu.vector_load %arg17[%parallel_loop3A_180, %parallel_loop3A_181, %parallel_loop3A_182] {strides = array<i32>} : memref<2x2x1280xi32, #tpu.memory_space<vmem>>, vector<16xi32>,
        %parallel_loop3A_184 = vector.bitcast %parallel_loop3A_183 : vector<16xi32> to vector<16xf32>
        %parallel_loop3A_185 = arith.constant 65535 : i32
        %parallel_loop3A_186 = vector.broadcast %parallel_loop3A_185 : i32 to vector<16xi32>
        %parallel_loop3A_187 = arith.andi %parallel_loop3A_177, %parallel_loop3A_186 : vector<16xi32>
        %parallel_loop3A_188 = arith.constant 16 : i32
        %parallel_loop3A_189 = vector.broadcast %parallel_loop3A_188 : i32 to vector<16xi32>
        %parallel_loop3A_190 = arith.shrui %parallel_loop3A_177, %parallel_loop3A_189 : vector<16xi32>
        %parallel_loop3A_191 = tpu.vector_load_idx %arg5[%parallel_loop3A_187] : memref<10000xi32, #tpu.memory_space<vmem>>[vector<16xi32>], vector<16xi32>,
        %parallel_loop3A_192 = tpu.vector_load_idx %arg6[%parallel_loop3A_187] : memref<10000xi32, #tpu.memory_space<vmem>>[vector<16xi32>], vector<16xi32>,
        %parallel_loop3A_193 = tpu.vector_load_idx %arg7[%parallel_loop3A_187] : memref<10000xi32, #tpu.memory_space<vmem>>[vector<16xi32>], vector<16xi32>,
        %parallel_loop3A_194 = tpu.vector_load_idx %arg8[%parallel_loop3A_187] : memref<10000xi32, #tpu.memory_space<vmem>>[vector<16xi32>], vector<16xi32>,
        %parallel_loop3A_195 = arith.constant 4 : i32
        %parallel_loop3A_196 = arith.muli %parallel_loop3A_136, %parallel_loop3A_195 : i32
        %parallel_loop3A_197 = arith.constant 2 : i32
        %parallel_loop3A_198 = arith.addi %parallel_loop3A_196, %parallel_loop3A_197 : i32
        %parallel_loop3A_199 = arith.constant 16 : i32
        %parallel_loop3A_200 = arith.muli %parallel_loop3A_198, %parallel_loop3A_199 : i32
        %parallel_loop3A_201 = arith.constant 1 : i32
        %parallel_loop3A_202 = arith.constant 0 : i32
        %parallel_loop3A_203 = arith.index_cast %parallel_loop3A_201 : i32 to index
        %parallel_loop3A_204 = arith.index_cast %parallel_loop3A_202 : i32 to index
        %parallel_loop3A_205 = arith.index_cast %parallel_loop3A_200 : i32 to index
        %parallel_loop3A_206 = tpu.vector_load %arg17[%parallel_loop3A_203, %parallel_loop3A_204, %parallel_loop3A_205] {strides = array<i32>} : memref<2x2x1280xi32, #tpu.memory_space<vmem>>, vector<16xi32>,
        %parallel_loop3A_207 = arith.constant 1 : i32
        %parallel_loop3A_208 = arith.constant 1 : i32
        %parallel_loop3A_209 = arith.index_cast %parallel_loop3A_207 : i32 to index
        %parallel_loop3A_210 = arith.index_cast %parallel_loop3A_208 : i32 to index
        %parallel_loop3A_211 = arith.index_cast %parallel_loop3A_200 : i32 to index
        %parallel_loop3A_212 = tpu.vector_load %arg17[%parallel_loop3A_209, %parallel_loop3A_210, %parallel_loop3A_211] {strides = array<i32>} : memref<2x2x1280xi32, #tpu.memory_space<vmem>>, vector<16xi32>,
        %parallel_loop3A_213 = vector.bitcast %parallel_loop3A_212 : vector<16xi32> to vector<16xf32>
        %parallel_loop3A_214 = arith.constant 65535 : i32
        %parallel_loop3A_215 = vector.broadcast %parallel_loop3A_214 : i32 to vector<16xi32>
        %parallel_loop3A_216 = arith.andi %parallel_loop3A_206, %parallel_loop3A_215 : vector<16xi32>
        %parallel_loop3A_217 = arith.constant 16 : i32
        %parallel_loop3A_218 = vector.broadcast %parallel_loop3A_217 : i32 to vector<16xi32>
        %parallel_loop3A_219 = arith.shrui %parallel_loop3A_206, %parallel_loop3A_218 : vector<16xi32>
        %parallel_loop3A_220 = tpu.vector_load_idx %arg5[%parallel_loop3A_216] : memref<10000xi32, #tpu.memory_space<vmem>>[vector<16xi32>], vector<16xi32>,
        %parallel_loop3A_221 = tpu.vector_load_idx %arg6[%parallel_loop3A_216] : memref<10000xi32, #tpu.memory_space<vmem>>[vector<16xi32>], vector<16xi32>,
        %parallel_loop3A_222 = tpu.vector_load_idx %arg7[%parallel_loop3A_216] : memref<10000xi32, #tpu.memory_space<vmem>>[vector<16xi32>], vector<16xi32>,
        %parallel_loop3A_223 = tpu.vector_load_idx %arg8[%parallel_loop3A_216] : memref<10000xi32, #tpu.memory_space<vmem>>[vector<16xi32>], vector<16xi32>,
        %parallel_loop3A_224 = arith.constant 4 : i32
        %parallel_loop3A_225 = arith.muli %parallel_loop3A_136, %parallel_loop3A_224 : i32
        %parallel_loop3A_226 = arith.constant 3 : i32
        %parallel_loop3A_227 = arith.addi %parallel_loop3A_225, %parallel_loop3A_226 : i32
        %parallel_loop3A_228 = arith.constant 16 : i32
        %parallel_loop3A_229 = arith.muli %parallel_loop3A_227, %parallel_loop3A_228 : i32
        %parallel_loop3A_230 = arith.constant 1 : i32
        %parallel_loop3A_231 = arith.constant 0 : i32
        %parallel_loop3A_232 = arith.index_cast %parallel_loop3A_230 : i32 to index
        %parallel_loop3A_233 = arith.index_cast %parallel_loop3A_231 : i32 to index
        %parallel_loop3A_234 = arith.index_cast %parallel_loop3A_229 : i32 to index
        %parallel_loop3A_235 = tpu.vector_load %arg17[%parallel_loop3A_232, %parallel_loop3A_233, %parallel_loop3A_234] {strides = array<i32>} : memref<2x2x1280xi32, #tpu.memory_space<vmem>>, vector<16xi32>,
        %parallel_loop3A_236 = arith.constant 1 : i32
        %parallel_loop3A_237 = arith.constant 1 : i32
        %parallel_loop3A_238 = arith.index_cast %parallel_loop3A_236 : i32 to index
        %parallel_loop3A_239 = arith.index_cast %parallel_loop3A_237 : i32 to index
        %parallel_loop3A_240 = arith.index_cast %parallel_loop3A_229 : i32 to index
        %parallel_loop3A_241 = tpu.vector_load %arg17[%parallel_loop3A_238, %parallel_loop3A_239, %parallel_loop3A_240] {strides = array<i32>} : memref<2x2x1280xi32, #tpu.memory_space<vmem>>, vector<16xi32>,
        %parallel_loop3A_242 = vector.bitcast %parallel_loop3A_241 : vector<16xi32> to vector<16xf32>
        %parallel_loop3A_243 = arith.constant 65535 : i32
        %parallel_loop3A_244 = vector.broadcast %parallel_loop3A_243 : i32 to vector<16xi32>
        %parallel_loop3A_245 = arith.andi %parallel_loop3A_235, %parallel_loop3A_244 : vector<16xi32>
        %parallel_loop3A_246 = arith.constant 16 : i32
        %parallel_loop3A_247 = vector.broadcast %parallel_loop3A_246 : i32 to vector<16xi32>
        %parallel_loop3A_248 = arith.shrui %parallel_loop3A_235, %parallel_loop3A_247 : vector<16xi32>
        %parallel_loop3A_249 = tpu.vector_load_idx %arg5[%parallel_loop3A_245] : memref<10000xi32, #tpu.memory_space<vmem>>[vector<16xi32>], vector<16xi32>,
        %parallel_loop3A_250 = tpu.vector_load_idx %arg6[%parallel_loop3A_245] : memref<10000xi32, #tpu.memory_space<vmem>>[vector<16xi32>], vector<16xi32>,
        %parallel_loop3A_251 = tpu.vector_load_idx %arg7[%parallel_loop3A_245] : memref<10000xi32, #tpu.memory_space<vmem>>[vector<16xi32>], vector<16xi32>,
        %parallel_loop3A_252 = tpu.vector_load_idx %arg8[%parallel_loop3A_245] : memref<10000xi32, #tpu.memory_space<vmem>>[vector<16xi32>], vector<16xi32>,
        %parallel_loop3A_253 = arith.constant 16 : i32
        %parallel_loop3A_254 = vector.broadcast %parallel_loop3A_253 : i32 to vector<16xi32>
        %parallel_loop3A_255 = arith.shli %parallel_loop3A_162, %parallel_loop3A_254 : vector<16xi32>
        %parallel_loop3A_256 = vector.bitcast %parallel_loop3A_255 : vector<16xi32> to vector<16xf32>
        %parallel_loop3A_257 = arith.constant -65536 : i32
        %parallel_loop3A_258 = vector.broadcast %parallel_loop3A_257 : i32 to vector<16xi32>
        %parallel_loop3A_259 = arith.andi %parallel_loop3A_162, %parallel_loop3A_258 : vector<16xi32>
        %parallel_loop3A_260 = vector.bitcast %parallel_loop3A_259 : vector<16xi32> to vector<16xf32>
        %parallel_loop3A_261 = arith.mulf %parallel_loop3A_256, %parallel_loop3A_155 : vector<16xf32>
        tpu.vector_store_idx %arg9[%parallel_loop3A_161], %parallel_loop3A_261 {add = true} : memref<10000xf32, #tpu.memory_space<vmem>>[vector<16xi32>], vector<16xf32>,
        %parallel_loop3A_262 = arith.mulf %parallel_loop3A_260, %parallel_loop3A_155 : vector<16xf32>
        tpu.vector_store_idx %arg13[%parallel_loop3A_161], %parallel_loop3A_262 {add = true} : memref<10000xf32, #tpu.memory_space<vmem>>[vector<16xi32>], vector<16xf32>,
        %parallel_loop3A_263 = arith.constant 16 : i32
        %parallel_loop3A_264 = vector.broadcast %parallel_loop3A_263 : i32 to vector<16xi32>
        %parallel_loop3A_265 = arith.shli %parallel_loop3A_163, %parallel_loop3A_264 : vector<16xi32>
        %parallel_loop3A_266 = vector.bitcast %parallel_loop3A_265 : vector<16xi32> to vector<16xf32>
        %parallel_loop3A_267 = arith.constant -65536 : i32
        %parallel_loop3A_268 = vector.broadcast %parallel_loop3A_267 : i32 to vector<16xi32>
        %parallel_loop3A_269 = arith.andi %parallel_loop3A_163, %parallel_loop3A_268 : vector<16xi32>
        %parallel_loop3A_270 = vector.bitcast %parallel_loop3A_269 : vector<16xi32> to vector<16xf32>
        %parallel_loop3A_271 = arith.mulf %parallel_loop3A_266, %parallel_loop3A_155 : vector<16xf32>
        tpu.vector_store_idx %arg10[%parallel_loop3A_161], %parallel_loop3A_271 {add = true} : memref<10000xf32, #tpu.memory_space<vmem>>[vector<16xi32>], vector<16xf32>,
        %parallel_loop3A_272 = arith.mulf %parallel_loop3A_270, %parallel_loop3A_155 : vector<16xf32>
        tpu.vector_store_idx %arg14[%parallel_loop3A_161], %parallel_loop3A_272 {add = true} : memref<10000xf32, #tpu.memory_space<vmem>>[vector<16xi32>], vector<16xf32>,
        %parallel_loop3A_273 = arith.constant 16 : i32
        %parallel_loop3A_274 = vector.broadcast %parallel_loop3A_273 : i32 to vector<16xi32>
        %parallel_loop3A_275 = arith.shli %parallel_loop3A_164, %parallel_loop3A_274 : vector<16xi32>
        %parallel_loop3A_276 = vector.bitcast %parallel_loop3A_275 : vector<16xi32> to vector<16xf32>
        %parallel_loop3A_277 = arith.constant -65536 : i32
        %parallel_loop3A_278 = vector.broadcast %parallel_loop3A_277 : i32 to vector<16xi32>
        %parallel_loop3A_279 = arith.andi %parallel_loop3A_164, %parallel_loop3A_278 : vector<16xi32>
        %parallel_loop3A_280 = vector.bitcast %parallel_loop3A_279 : vector<16xi32> to vector<16xf32>
        %parallel_loop3A_281 = arith.mulf %parallel_loop3A_276, %parallel_loop3A_155 : vector<16xf32>
        tpu.vector_store_idx %arg11[%parallel_loop3A_161], %parallel_loop3A_281 {add = true} : memref<10000xf32, #tpu.memory_space<vmem>>[vector<16xi32>], vector<16xf32>,
        %parallel_loop3A_282 = arith.mulf %parallel_loop3A_280, %parallel_loop3A_155 : vector<16xf32>
        tpu.vector_store_idx %arg15[%parallel_loop3A_161], %parallel_loop3A_282 {add = true} : memref<10000xf32, #tpu.memory_space<vmem>>[vector<16xi32>], vector<16xf32>,
        %parallel_loop3A_283 = arith.constant 16 : i32
        %parallel_loop3A_284 = vector.broadcast %parallel_loop3A_283 : i32 to vector<16xi32>
        %parallel_loop3A_285 = arith.shli %parallel_loop3A_165, %parallel_loop3A_284 : vector<16xi32>
        %parallel_loop3A_286 = vector.bitcast %parallel_loop3A_285 : vector<16xi32> to vector<16xf32>
        %parallel_loop3A_287 = arith.constant -65536 : i32
        %parallel_loop3A_288 = vector.broadcast %parallel_loop3A_287 : i32 to vector<16xi32>
        %parallel_loop3A_289 = arith.andi %parallel_loop3A_165, %parallel_loop3A_288 : vector<16xi32>
        %parallel_loop3A_290 = vector.bitcast %parallel_loop3A_289 : vector<16xi32> to vector<16xf32>
        %parallel_loop3A_291 = arith.mulf %parallel_loop3A_286, %parallel_loop3A_155 : vector<16xf32>
        tpu.vector_store_idx %arg12[%parallel_loop3A_161], %parallel_loop3A_291 {add = true} : memref<10000xf32, #tpu.memory_space<vmem>>[vector<16xi32>], vector<16xf32>,
        %parallel_loop3A_292 = arith.mulf %parallel_loop3A_290, %parallel_loop3A_155 : vector<16xf32>
        tpu.vector_store_idx %arg16[%parallel_loop3A_161], %parallel_loop3A_292 {add = true} : memref<10000xf32, #tpu.memory_space<vmem>>[vector<16xi32>], vector<16xf32>,
        %parallel_loop3A_293 = arith.constant 16 : i32
        %parallel_loop3A_294 = vector.broadcast %parallel_loop3A_293 : i32 to vector<16xi32>
        %parallel_loop3A_295 = arith.shli %parallel_loop3A_191, %parallel_loop3A_294 : vector<16xi32>
        %parallel_loop3A_296 = vector.bitcast %parallel_loop3A_295 : vector<16xi32> to vector<16xf32>
        %parallel_loop3A_297 = arith.constant -65536 : i32
        %parallel_loop3A_298 = vector.broadcast %parallel_loop3A_297 : i32 to vector<16xi32>
        %parallel_loop3A_299 = arith.andi %parallel_loop3A_191, %parallel_loop3A_298 : vector<16xi32>
        %parallel_loop3A_300 = vector.bitcast %parallel_loop3A_299 : vector<16xi32> to vector<16xf32>
        %parallel_loop3A_301 = arith.mulf %parallel_loop3A_296, %parallel_loop3A_184 : vector<16xf32>
        tpu.vector_store_idx %arg9[%parallel_loop3A_190], %parallel_loop3A_301 {add = true} : memref<10000xf32, #tpu.memory_space<vmem>>[vector<16xi32>], vector<16xf32>,
        %parallel_loop3A_302 = arith.mulf %parallel_loop3A_300, %parallel_loop3A_184 : vector<16xf32>
        tpu.vector_store_idx %arg13[%parallel_loop3A_190], %parallel_loop3A_302 {add = true} : memref<10000xf32, #tpu.memory_space<vmem>>[vector<16xi32>], vector<16xf32>,
        %parallel_loop3A_303 = arith.constant 16 : i32
        %parallel_loop3A_304 = vector.broadcast %parallel_loop3A_303 : i32 to vector<16xi32>
        %parallel_loop3A_305 = arith.shli %parallel_loop3A_192, %parallel_loop3A_304 : vector<16xi32>
        %parallel_loop3A_306 = vector.bitcast %parallel_loop3A_305 : vector<16xi32> to vector<16xf32>
        %parallel_loop3A_307 = arith.constant -65536 : i32
        %parallel_loop3A_308 = vector.broadcast %parallel_loop3A_307 : i32 to vector<16xi32>
        %parallel_loop3A_309 = arith.andi %parallel_loop3A_192, %parallel_loop3A_308 : vector<16xi32>
        %parallel_loop3A_310 = vector.bitcast %parallel_loop3A_309 : vector<16xi32> to vector<16xf32>
        %parallel_loop3A_311 = arith.mulf %parallel_loop3A_306, %parallel_loop3A_184 : vector<16xf32>
        tpu.vector_store_idx %arg10[%parallel_loop3A_190], %parallel_loop3A_311 {add = true} : memref<10000xf32, #tpu.memory_space<vmem>>[vector<16xi32>], vector<16xf32>,
        %parallel_loop3A_312 = arith.mulf %parallel_loop3A_310, %parallel_loop3A_184 : vector<16xf32>
        tpu.vector_store_idx %arg14[%parallel_loop3A_190], %parallel_loop3A_312 {add = true} : memref<10000xf32, #tpu.memory_space<vmem>>[vector<16xi32>], vector<16xf32>,
        %parallel_loop3A_313 = arith.constant 16 : i32
        %parallel_loop3A_314 = vector.broadcast %parallel_loop3A_313 : i32 to vector<16xi32>
        %parallel_loop3A_315 = arith.shli %parallel_loop3A_193, %parallel_loop3A_314 : vector<16xi32>
        %parallel_loop3A_316 = vector.bitcast %parallel_loop3A_315 : vector<16xi32> to vector<16xf32>
        %parallel_loop3A_317 = arith.constant -65536 : i32
        %parallel_loop3A_318 = vector.broadcast %parallel_loop3A_317 : i32 to vector<16xi32>
        %parallel_loop3A_319 = arith.andi %parallel_loop3A_193, %parallel_loop3A_318 : vector<16xi32>
        %parallel_loop3A_320 = vector.bitcast %parallel_loop3A_319 : vector<16xi32> to vector<16xf32>
        %parallel_loop3A_321 = arith.mulf %parallel_loop3A_316, %parallel_loop3A_184 : vector<16xf32>
        tpu.vector_store_idx %arg11[%parallel_loop3A_190], %parallel_loop3A_321 {add = true} : memref<10000xf32, #tpu.memory_space<vmem>>[vector<16xi32>], vector<16xf32>,
        %parallel_loop3A_322 = arith.mulf %parallel_loop3A_320, %parallel_loop3A_184 : vector<16xf32>
        tpu.vector_store_idx %arg15[%parallel_loop3A_190], %parallel_loop3A_322 {add = true} : memref<10000xf32, #tpu.memory_space<vmem>>[vector<16xi32>], vector<16xf32>,
        %parallel_loop3A_323 = arith.constant 16 : i32
        %parallel_loop3A_324 = vector.broadcast %parallel_loop3A_323 : i32 to vector<16xi32>
        %parallel_loop3A_325 = arith.shli %parallel_loop3A_194, %parallel_loop3A_324 : vector<16xi32>
        %parallel_loop3A_326 = vector.bitcast %parallel_loop3A_325 : vector<16xi32> to vector<16xf32>
        %parallel_loop3A_327 = arith.constant -65536 : i32
        %parallel_loop3A_328 = vector.broadcast %parallel_loop3A_327 : i32 to vector<16xi32>
        %parallel_loop3A_329 = arith.andi %parallel_loop3A_194, %parallel_loop3A_328 : vector<16xi32>
        %parallel_loop3A_330 = vector.bitcast %parallel_loop3A_329 : vector<16xi32> to vector<16xf32>
        %parallel_loop3A_331 = arith.mulf %parallel_loop3A_326, %parallel_loop3A_184 : vector<16xf32>
        tpu.vector_store_idx %arg12[%parallel_loop3A_190], %parallel_loop3A_331 {add = true} : memref<10000xf32, #tpu.memory_space<vmem>>[vector<16xi32>], vector<16xf32>,
        %parallel_loop3A_332 = arith.mulf %parallel_loop3A_330, %parallel_loop3A_184 : vector<16xf32>
        tpu.vector_store_idx %arg16[%parallel_loop3A_190], %parallel_loop3A_332 {add = true} : memref<10000xf32, #tpu.memory_space<vmem>>[vector<16xi32>], vector<16xf32>,
        %parallel_loop3A_333 = arith.constant 16 : i32
        %parallel_loop3A_334 = vector.broadcast %parallel_loop3A_333 : i32 to vector<16xi32>
        %parallel_loop3A_335 = arith.shli %parallel_loop3A_220, %parallel_loop3A_334 : vector<16xi32>
        %parallel_loop3A_336 = vector.bitcast %parallel_loop3A_335 : vector<16xi32> to vector<16xf32>
        %parallel_loop3A_337 = arith.constant -65536 : i32
        %parallel_loop3A_338 = vector.broadcast %parallel_loop3A_337 : i32 to vector<16xi32>
        %parallel_loop3A_339 = arith.andi %parallel_loop3A_220, %parallel_loop3A_338 : vector<16xi32>
        %parallel_loop3A_340 = vector.bitcast %parallel_loop3A_339 : vector<16xi32> to vector<16xf32>
        %parallel_loop3A_341 = arith.mulf %parallel_loop3A_336, %parallel_loop3A_213 : vector<16xf32>
        tpu.vector_store_idx %arg9[%parallel_loop3A_219], %parallel_loop3A_341 {add = true} : memref<10000xf32, #tpu.memory_space<vmem>>[vector<16xi32>], vector<16xf32>,
        %parallel_loop3A_342 = arith.mulf %parallel_loop3A_340, %parallel_loop3A_213 : vector<16xf32>
        tpu.vector_store_idx %arg13[%parallel_loop3A_219], %parallel_loop3A_342 {add = true} : memref<10000xf32, #tpu.memory_space<vmem>>[vector<16xi32>], vector<16xf32>,
        %parallel_loop3A_343 = arith.constant 16 : i32
        %parallel_loop3A_344 = vector.broadcast %parallel_loop3A_343 : i32 to vector<16xi32>
        %parallel_loop3A_345 = arith.shli %parallel_loop3A_221, %parallel_loop3A_344 : vector<16xi32>
        %parallel_loop3A_346 = vector.bitcast %parallel_loop3A_345 : vector<16xi32> to vector<16xf32>
        %parallel_loop3A_347 = arith.constant -65536 : i32
        %parallel_loop3A_348 = vector.broadcast %parallel_loop3A_347 : i32 to vector<16xi32>
        %parallel_loop3A_349 = arith.andi %parallel_loop3A_221, %parallel_loop3A_348 : vector<16xi32>
        %parallel_loop3A_350 = vector.bitcast %parallel_loop3A_349 : vector<16xi32> to vector<16xf32>
        %parallel_loop3A_351 = arith.mulf %parallel_loop3A_346, %parallel_loop3A_213 : vector<16xf32>
        tpu.vector_store_idx %arg10[%parallel_loop3A_219], %parallel_loop3A_351 {add = true} : memref<10000xf32, #tpu.memory_space<vmem>>[vector<16xi32>], vector<16xf32>,
        %parallel_loop3A_352 = arith.mulf %parallel_loop3A_350, %parallel_loop3A_213 : vector<16xf32>
        tpu.vector_store_idx %arg14[%parallel_loop3A_219], %parallel_loop3A_352 {add = true} : memref<10000xf32, #tpu.memory_space<vmem>>[vector<16xi32>], vector<16xf32>,
        %parallel_loop3A_353 = arith.constant 16 : i32
        %parallel_loop3A_354 = vector.broadcast %parallel_loop3A_353 : i32 to vector<16xi32>
        %parallel_loop3A_355 = arith.shli %parallel_loop3A_222, %parallel_loop3A_354 : vector<16xi32>
        %parallel_loop3A_356 = vector.bitcast %parallel_loop3A_355 : vector<16xi32> to vector<16xf32>
        %parallel_loop3A_357 = arith.constant -65536 : i32
        %parallel_loop3A_358 = vector.broadcast %parallel_loop3A_357 : i32 to vector<16xi32>
        %parallel_loop3A_359 = arith.andi %parallel_loop3A_222, %parallel_loop3A_358 : vector<16xi32>
        %parallel_loop3A_360 = vector.bitcast %parallel_loop3A_359 : vector<16xi32> to vector<16xf32>
        %parallel_loop3A_361 = arith.mulf %parallel_loop3A_356, %parallel_loop3A_213 : vector<16xf32>
        tpu.vector_store_idx %arg11[%parallel_loop3A_219], %parallel_loop3A_361 {add = true} : memref<10000xf32, #tpu.memory_space<vmem>>[vector<16xi32>], vector<16xf32>,
        %parallel_loop3A_362 = arith.mulf %parallel_loop3A_360, %parallel_loop3A_213 : vector<16xf32>
        tpu.vector_store_idx %arg15[%parallel_loop3A_219], %parallel_loop3A_362 {add = true} : memref<10000xf32, #tpu.memory_space<vmem>>[vector<16xi32>], vector<16xf32>,
        %parallel_loop3A_363 = arith.constant 16 : i32
        %parallel_loop3A_364 = vector.broadcast %parallel_loop3A_363 : i32 to vector<16xi32>
        %parallel_loop3A_365 = arith.shli %parallel_loop3A_223, %parallel_loop3A_364 : vector<16xi32>
        %parallel_loop3A_366 = vector.bitcast %parallel_loop3A_365 : vector<16xi32> to vector<16xf32>
        %parallel_loop3A_367 = arith.constant -65536 : i32
        %parallel_loop3A_368 = vector.broadcast %parallel_loop3A_367 : i32 to vector<16xi32>
        %parallel_loop3A_369 = arith.andi %parallel_loop3A_223, %parallel_loop3A_368 : vector<16xi32>
        %parallel_loop3A_370 = vector.bitcast %parallel_loop3A_369 : vector<16xi32> to vector<16xf32>
        %parallel_loop3A_371 = arith.mulf %parallel_loop3A_366, %parallel_loop3A_213 : vector<16xf32>
        tpu.vector_store_idx %arg12[%parallel_loop3A_219], %parallel_loop3A_371 {add = true} : memref<10000xf32, #tpu.memory_space<vmem>>[vector<16xi32>], vector<16xf32>,
        %parallel_loop3A_372 = arith.mulf %parallel_loop3A_370, %parallel_loop3A_213 : vector<16xf32>
        tpu.vector_store_idx %arg16[%parallel_loop3A_219], %parallel_loop3A_372 {add = true} : memref<10000xf32, #tpu.memory_space<vmem>>[vector<16xi32>], vector<16xf32>,
        %parallel_loop3A_373 = arith.constant 16 : i32
        %parallel_loop3A_374 = vector.broadcast %parallel_loop3A_373 : i32 to vector<16xi32>
        %parallel_loop3A_375 = arith.shli %parallel_loop3A_249, %parallel_loop3A_374 : vector<16xi32>
        %parallel_loop3A_376 = vector.bitcast %parallel_loop3A_375 : vector<16xi32> to vector<16xf32>
        %parallel_loop3A_377 = arith.constant -65536 : i32
        %parallel_loop3A_378 = vector.broadcast %parallel_loop3A_377 : i32 to vector<16xi32>
        %parallel_loop3A_379 = arith.andi %parallel_loop3A_249, %parallel_loop3A_378 : vector<16xi32>
        %parallel_loop3A_380 = vector.bitcast %parallel_loop3A_379 : vector<16xi32> to vector<16xf32>
        %parallel_loop3A_381 = arith.mulf %parallel_loop3A_376, %parallel_loop3A_242 : vector<16xf32>
        tpu.vector_store_idx %arg9[%parallel_loop3A_248], %parallel_loop3A_381 {add = true} : memref<10000xf32, #tpu.memory_space<vmem>>[vector<16xi32>], vector<16xf32>,
        %parallel_loop3A_382 = arith.mulf %parallel_loop3A_380, %parallel_loop3A_242 : vector<16xf32>
        tpu.vector_store_idx %arg13[%parallel_loop3A_248], %parallel_loop3A_382 {add = true} : memref<10000xf32, #tpu.memory_space<vmem>>[vector<16xi32>], vector<16xf32>,
        %parallel_loop3A_383 = arith.constant 16 : i32
        %parallel_loop3A_384 = vector.broadcast %parallel_loop3A_383 : i32 to vector<16xi32>
        %parallel_loop3A_385 = arith.shli %parallel_loop3A_250, %parallel_loop3A_384 : vector<16xi32>
        %parallel_loop3A_386 = vector.bitcast %parallel_loop3A_385 : vector<16xi32> to vector<16xf32>
        %parallel_loop3A_387 = arith.constant -65536 : i32
        %parallel_loop3A_388 = vector.broadcast %parallel_loop3A_387 : i32 to vector<16xi32>
        %parallel_loop3A_389 = arith.andi %parallel_loop3A_250, %parallel_loop3A_388 : vector<16xi32>
        %parallel_loop3A_390 = vector.bitcast %parallel_loop3A_389 : vector<16xi32> to vector<16xf32>
        %parallel_loop3A_391 = arith.mulf %parallel_loop3A_386, %parallel_loop3A_242 : vector<16xf32>
        tpu.vector_store_idx %arg10[%parallel_loop3A_248], %parallel_loop3A_391 {add = true} : memref<10000xf32, #tpu.memory_space<vmem>>[vector<16xi32>], vector<16xf32>,
        %parallel_loop3A_392 = arith.mulf %parallel_loop3A_390, %parallel_loop3A_242 : vector<16xf32>
        tpu.vector_store_idx %arg14[%parallel_loop3A_248], %parallel_loop3A_392 {add = true} : memref<10000xf32, #tpu.memory_space<vmem>>[vector<16xi32>], vector<16xf32>,
        %parallel_loop3A_393 = arith.constant 16 : i32
        %parallel_loop3A_394 = vector.broadcast %parallel_loop3A_393 : i32 to vector<16xi32>
        %parallel_loop3A_395 = arith.shli %parallel_loop3A_251, %parallel_loop3A_394 : vector<16xi32>
        %parallel_loop3A_396 = vector.bitcast %parallel_loop3A_395 : vector<16xi32> to vector<16xf32>
        %parallel_loop3A_397 = arith.constant -65536 : i32
        %parallel_loop3A_398 = vector.broadcast %parallel_loop3A_397 : i32 to vector<16xi32>
        %parallel_loop3A_399 = arith.andi %parallel_loop3A_251, %parallel_loop3A_398 : vector<16xi32>
        %parallel_loop3A_400 = vector.bitcast %parallel_loop3A_399 : vector<16xi32> to vector<16xf32>
        %parallel_loop3A_401 = arith.mulf %parallel_loop3A_396, %parallel_loop3A_242 : vector<16xf32>
        tpu.vector_store_idx %arg11[%parallel_loop3A_248], %parallel_loop3A_401 {add = true} : memref<10000xf32, #tpu.memory_space<vmem>>[vector<16xi32>], vector<16xf32>,
        %parallel_loop3A_402 = arith.mulf %parallel_loop3A_400, %parallel_loop3A_242 : vector<16xf32>
        tpu.vector_store_idx %arg15[%parallel_loop3A_248], %parallel_loop3A_402 {add = true} : memref<10000xf32, #tpu.memory_space<vmem>>[vector<16xi32>], vector<16xf32>,
        %parallel_loop3A_403 = arith.constant 16 : i32
        %parallel_loop3A_404 = vector.broadcast %parallel_loop3A_403 : i32 to vector<16xi32>
        %parallel_loop3A_405 = arith.shli %parallel_loop3A_252, %parallel_loop3A_404 : vector<16xi32>
        %parallel_loop3A_406 = vector.bitcast %parallel_loop3A_405 : vector<16xi32> to vector<16xf32>
        %parallel_loop3A_407 = arith.constant -65536 : i32
        %parallel_loop3A_408 = vector.broadcast %parallel_loop3A_407 : i32 to vector<16xi32>
        %parallel_loop3A_409 = arith.andi %parallel_loop3A_252, %parallel_loop3A_408 : vector<16xi32>
        %parallel_loop3A_410 = vector.bitcast %parallel_loop3A_409 : vector<16xi32> to vector<16xf32>
        %parallel_loop3A_411 = arith.mulf %parallel_loop3A_406, %parallel_loop3A_242 : vector<16xf32>
        tpu.vector_store_idx %arg12[%parallel_loop3A_248], %parallel_loop3A_411 {add = true} : memref<10000xf32, #tpu.memory_space<vmem>>[vector<16xi32>], vector<16xf32>,
        %parallel_loop3A_412 = arith.mulf %parallel_loop3A_410, %parallel_loop3A_242 : vector<16xf32>
        tpu.vector_store_idx %arg16[%parallel_loop3A_248], %parallel_loop3A_412 {add = true} : memref<10000xf32, #tpu.memory_space<vmem>>[vector<16xi32>], vector<16xf32>,
      } {sc.loop_unroll_factor = 1 : i64, sc.parallel_access}
    }
    %scan3A_34 = arith.constant 62 : i32
    %dma_wait3A = arith.constant 0 : i32
    %dma_wait3A_35 = arith.constant 0 : i32
    %dma_wait3A_36 = arith.constant 0 : i32
    %dma_wait3A_37 = tpu.memref_slice %arg17[%dma_wait3A, %dma_wait3A_35, %dma_wait3A_36] : memref<2x2x1280xi32, #tpu.memory_space<vmem>> -> memref<1x2x1280xi32, #tpu.memory_space<vmem>>
    %dma_wait3A_38 = tpu.memref_squeeze %dma_wait3A_37 : memref<1x2x1280xi32, #tpu.memory_space<vmem>> -> memref<2x1280xi32, #tpu.memory_space<vmem>>
    %dma_wait3A_39 = arith.constant 0 : i32
    %dma_wait3A_40 = arith.constant 0 : i32
    %dma_wait3A_41 = tpu.memref_slice %arg3[%dma_wait3A_39, %dma_wait3A_40] : memref<2x160000xi32, #tpu.memory_space<hbm>> -> memref<2x1280xi32, #tpu.memory_space<hbm>>
    %dma_wait3A_42 = arith.constant 0 : i32
    %dma_wait3A_43 = arith.constant 0 : i32
    %dma_wait3A_44 = tpu.memref_slice %arg17[%dma_wait3A, %dma_wait3A_42, %dma_wait3A_43] : memref<2x2x1280xi32, #tpu.memory_space<vmem>> -> memref<1x2x1280xi32, #tpu.memory_space<vmem>>
    %dma_wait3A_45 = tpu.memref_squeeze %dma_wait3A_44 : memref<1x2x1280xi32, #tpu.memory_space<vmem>> -> memref<2x1280xi32, #tpu.memory_space<vmem>>
    %dma_wait3A_46 = arith.constant 0 : i32
    %dma_wait3A_47 = arith.constant 0 : i32
    %dma_wait3A_48 = tpu.memref_slice %arg3[%dma_wait3A_46, %dma_wait3A_47] : memref<2x160000xi32, #tpu.memory_space<hbm>> -> memref<2x1280xi32, #tpu.memory_space<hbm>>
    tpu.wait_dma2 semaphore(%arg18 : memref<!tpu.dma_semaphore, #tpu.memory_space<semaphore_mem>>) src(%dma_wait3A_48 : memref<2x1280xi32, #tpu.memory_space<hbm>>) dst(%dma_wait3A_45 : memref<2x1280xi32, #tpu.memory_space<vmem>>)
    %parallel_loop3A = arith.constant 0 : i32
    %parallel_loop3A_49 = arith.constant 20 : i32
    %parallel_loop3A_50 = arith.constant 1 : i32
    scf.for %parallel_loop3A_75 = %parallel_loop3A to %parallel_loop3A_49 step %parallel_loop3A_50  : i32 {
      %parallel_loop3A_76 = arith.constant 4 : i32
      %parallel_loop3A_77 = arith.muli %parallel_loop3A_75, %parallel_loop3A_76 : i32
      %parallel_loop3A_78 = arith.constant 0 : i32
      %parallel_loop3A_79 = arith.addi %parallel_loop3A_77, %parallel_loop3A_78 : i32
      %parallel_loop3A_80 = arith.constant 16 : i32
      %parallel_loop3A_81 = arith.muli %parallel_loop3A_79, %parallel_loop3A_80 : i32
      %parallel_loop3A_82 = arith.constant 0 : i32
      %parallel_loop3A_83 = arith.constant 0 : i32
      %parallel_loop3A_84 = arith.index_cast %parallel_loop3A_82 : i32 to index
      %parallel_loop3A_85 = arith.index_cast %parallel_loop3A_83 : i32 to index
      %parallel_loop3A_86 = arith.index_cast %parallel_loop3A_81 : i32 to index
      %parallel_loop3A_87 = tpu.vector_load %arg17[%parallel_loop3A_84, %parallel_loop3A_85, %parallel_loop3A_86] {strides = array<i32>} : memref<2x2x1280xi32, #tpu.memory_space<vmem>>, vector<16xi32>,
      %parallel_loop3A_88 = arith.constant 0 : i32
      %parallel_loop3A_89 = arith.constant 1 : i32
      %parallel_loop3A_90 = arith.index_cast %parallel_loop3A_88 : i32 to index
      %parallel_loop3A_91 = arith.index_cast %parallel_loop3A_89 : i32 to index
      %parallel_loop3A_92 = arith.index_cast %parallel_loop3A_81 : i32 to index
      %parallel_loop3A_93 = tpu.vector_load %arg17[%parallel_loop3A_90, %parallel_loop3A_91, %parallel_loop3A_92] {strides = array<i32>} : memref<2x2x1280xi32, #tpu.memory_space<vmem>>, vector<16xi32>,
      %parallel_loop3A_94 = vector.bitcast %parallel_loop3A_93 : vector<16xi32> to vector<16xf32>
      %parallel_loop3A_95 = arith.constant 65535 : i32
      %parallel_loop3A_96 = vector.broadcast %parallel_loop3A_95 : i32 to vector<16xi32>
      %parallel_loop3A_97 = arith.andi %parallel_loop3A_87, %parallel_loop3A_96 : vector<16xi32>
      %parallel_loop3A_98 = arith.constant 16 : i32
      %parallel_loop3A_99 = vector.broadcast %parallel_loop3A_98 : i32 to vector<16xi32>
      %parallel_loop3A_100 = arith.shrui %parallel_loop3A_87, %parallel_loop3A_99 : vector<16xi32>
      %parallel_loop3A_101 = tpu.vector_load_idx %arg5[%parallel_loop3A_97] : memref<10000xi32, #tpu.memory_space<vmem>>[vector<16xi32>], vector<16xi32>,
      %parallel_loop3A_102 = tpu.vector_load_idx %arg6[%parallel_loop3A_97] : memref<10000xi32, #tpu.memory_space<vmem>>[vector<16xi32>], vector<16xi32>,
      %parallel_loop3A_103 = tpu.vector_load_idx %arg7[%parallel_loop3A_97] : memref<10000xi32, #tpu.memory_space<vmem>>[vector<16xi32>], vector<16xi32>,
      %parallel_loop3A_104 = tpu.vector_load_idx %arg8[%parallel_loop3A_97] : memref<10000xi32, #tpu.memory_space<vmem>>[vector<16xi32>], vector<16xi32>,
      %parallel_loop3A_105 = arith.constant 4 : i32
      %parallel_loop3A_106 = arith.muli %parallel_loop3A_75, %parallel_loop3A_105 : i32
      %parallel_loop3A_107 = arith.constant 1 : i32
      %parallel_loop3A_108 = arith.addi %parallel_loop3A_106, %parallel_loop3A_107 : i32
      %parallel_loop3A_109 = arith.constant 16 : i32
      %parallel_loop3A_110 = arith.muli %parallel_loop3A_108, %parallel_loop3A_109 : i32
      %parallel_loop3A_111 = arith.constant 0 : i32
      %parallel_loop3A_112 = arith.constant 0 : i32
      %parallel_loop3A_113 = arith.index_cast %parallel_loop3A_111 : i32 to index
      %parallel_loop3A_114 = arith.index_cast %parallel_loop3A_112 : i32 to index
      %parallel_loop3A_115 = arith.index_cast %parallel_loop3A_110 : i32 to index
      %parallel_loop3A_116 = tpu.vector_load %arg17[%parallel_loop3A_113, %parallel_loop3A_114, %parallel_loop3A_115] {strides = array<i32>} : memref<2x2x1280xi32, #tpu.memory_space<vmem>>, vector<16xi32>,
      %parallel_loop3A_117 = arith.constant 0 : i32
      %parallel_loop3A_118 = arith.constant 1 : i32
      %parallel_loop3A_119 = arith.index_cast %parallel_loop3A_117 : i32 to index
      %parallel_loop3A_120 = arith.index_cast %parallel_loop3A_118 : i32 to index
      %parallel_loop3A_121 = arith.index_cast %parallel_loop3A_110 : i32 to index
      %parallel_loop3A_122 = tpu.vector_load %arg17[%parallel_loop3A_119, %parallel_loop3A_120, %parallel_loop3A_121] {strides = array<i32>} : memref<2x2x1280xi32, #tpu.memory_space<vmem>>, vector<16xi32>,
      %parallel_loop3A_123 = vector.bitcast %parallel_loop3A_122 : vector<16xi32> to vector<16xf32>
      %parallel_loop3A_124 = arith.constant 65535 : i32
      %parallel_loop3A_125 = vector.broadcast %parallel_loop3A_124 : i32 to vector<16xi32>
      %parallel_loop3A_126 = arith.andi %parallel_loop3A_116, %parallel_loop3A_125 : vector<16xi32>
      %parallel_loop3A_127 = arith.constant 16 : i32
      %parallel_loop3A_128 = vector.broadcast %parallel_loop3A_127 : i32 to vector<16xi32>
      %parallel_loop3A_129 = arith.shrui %parallel_loop3A_116, %parallel_loop3A_128 : vector<16xi32>
      %parallel_loop3A_130 = tpu.vector_load_idx %arg5[%parallel_loop3A_126] : memref<10000xi32, #tpu.memory_space<vmem>>[vector<16xi32>], vector<16xi32>,
      %parallel_loop3A_131 = tpu.vector_load_idx %arg6[%parallel_loop3A_126] : memref<10000xi32, #tpu.memory_space<vmem>>[vector<16xi32>], vector<16xi32>,
      %parallel_loop3A_132 = tpu.vector_load_idx %arg7[%parallel_loop3A_126] : memref<10000xi32, #tpu.memory_space<vmem>>[vector<16xi32>], vector<16xi32>,
      %parallel_loop3A_133 = tpu.vector_load_idx %arg8[%parallel_loop3A_126] : memref<10000xi32, #tpu.memory_space<vmem>>[vector<16xi32>], vector<16xi32>,
      %parallel_loop3A_134 = arith.constant 4 : i32
      %parallel_loop3A_135 = arith.muli %parallel_loop3A_75, %parallel_loop3A_134 : i32
      %parallel_loop3A_136 = arith.constant 2 : i32
      %parallel_loop3A_137 = arith.addi %parallel_loop3A_135, %parallel_loop3A_136 : i32
      %parallel_loop3A_138 = arith.constant 16 : i32
      %parallel_loop3A_139 = arith.muli %parallel_loop3A_137, %parallel_loop3A_138 : i32
      %parallel_loop3A_140 = arith.constant 0 : i32
      %parallel_loop3A_141 = arith.constant 0 : i32
      %parallel_loop3A_142 = arith.index_cast %parallel_loop3A_140 : i32 to index
      %parallel_loop3A_143 = arith.index_cast %parallel_loop3A_141 : i32 to index
      %parallel_loop3A_144 = arith.index_cast %parallel_loop3A_139 : i32 to index
      %parallel_loop3A_145 = tpu.vector_load %arg17[%parallel_loop3A_142, %parallel_loop3A_143, %parallel_loop3A_144] {strides = array<i32>} : memref<2x2x1280xi32, #tpu.memory_space<vmem>>, vector<16xi32>,
      %parallel_loop3A_146 = arith.constant 0 : i32
      %parallel_loop3A_147 = arith.constant 1 : i32
      %parallel_loop3A_148 = arith.index_cast %parallel_loop3A_146 : i32 to index
      %parallel_loop3A_149 = arith.index_cast %parallel_loop3A_147 : i32 to index
      %parallel_loop3A_150 = arith.index_cast %parallel_loop3A_139 : i32 to index
      %parallel_loop3A_151 = tpu.vector_load %arg17[%parallel_loop3A_148, %parallel_loop3A_149, %parallel_loop3A_150] {strides = array<i32>} : memref<2x2x1280xi32, #tpu.memory_space<vmem>>, vector<16xi32>,
      %parallel_loop3A_152 = vector.bitcast %parallel_loop3A_151 : vector<16xi32> to vector<16xf32>
      %parallel_loop3A_153 = arith.constant 65535 : i32
      %parallel_loop3A_154 = vector.broadcast %parallel_loop3A_153 : i32 to vector<16xi32>
      %parallel_loop3A_155 = arith.andi %parallel_loop3A_145, %parallel_loop3A_154 : vector<16xi32>
      %parallel_loop3A_156 = arith.constant 16 : i32
      %parallel_loop3A_157 = vector.broadcast %parallel_loop3A_156 : i32 to vector<16xi32>
      %parallel_loop3A_158 = arith.shrui %parallel_loop3A_145, %parallel_loop3A_157 : vector<16xi32>
      %parallel_loop3A_159 = tpu.vector_load_idx %arg5[%parallel_loop3A_155] : memref<10000xi32, #tpu.memory_space<vmem>>[vector<16xi32>], vector<16xi32>,
      %parallel_loop3A_160 = tpu.vector_load_idx %arg6[%parallel_loop3A_155] : memref<10000xi32, #tpu.memory_space<vmem>>[vector<16xi32>], vector<16xi32>,
      %parallel_loop3A_161 = tpu.vector_load_idx %arg7[%parallel_loop3A_155] : memref<10000xi32, #tpu.memory_space<vmem>>[vector<16xi32>], vector<16xi32>,
      %parallel_loop3A_162 = tpu.vector_load_idx %arg8[%parallel_loop3A_155] : memref<10000xi32, #tpu.memory_space<vmem>>[vector<16xi32>], vector<16xi32>,
      %parallel_loop3A_163 = arith.constant 4 : i32
      %parallel_loop3A_164 = arith.muli %parallel_loop3A_75, %parallel_loop3A_163 : i32
      %parallel_loop3A_165 = arith.constant 3 : i32
      %parallel_loop3A_166 = arith.addi %parallel_loop3A_164, %parallel_loop3A_165 : i32
      %parallel_loop3A_167 = arith.constant 16 : i32
      %parallel_loop3A_168 = arith.muli %parallel_loop3A_166, %parallel_loop3A_167 : i32
      %parallel_loop3A_169 = arith.constant 0 : i32
      %parallel_loop3A_170 = arith.constant 0 : i32
      %parallel_loop3A_171 = arith.index_cast %parallel_loop3A_169 : i32 to index
      %parallel_loop3A_172 = arith.index_cast %parallel_loop3A_170 : i32 to index
      %parallel_loop3A_173 = arith.index_cast %parallel_loop3A_168 : i32 to index
      %parallel_loop3A_174 = tpu.vector_load %arg17[%parallel_loop3A_171, %parallel_loop3A_172, %parallel_loop3A_173] {strides = array<i32>} : memref<2x2x1280xi32, #tpu.memory_space<vmem>>, vector<16xi32>,
      %parallel_loop3A_175 = arith.constant 0 : i32
      %parallel_loop3A_176 = arith.constant 1 : i32
      %parallel_loop3A_177 = arith.index_cast %parallel_loop3A_175 : i32 to index
      %parallel_loop3A_178 = arith.index_cast %parallel_loop3A_176 : i32 to index
      %parallel_loop3A_179 = arith.index_cast %parallel_loop3A_168 : i32 to index
      %parallel_loop3A_180 = tpu.vector_load %arg17[%parallel_loop3A_177, %parallel_loop3A_178, %parallel_loop3A_179] {strides = array<i32>} : memref<2x2x1280xi32, #tpu.memory_space<vmem>>, vector<16xi32>,
      %parallel_loop3A_181 = vector.bitcast %parallel_loop3A_180 : vector<16xi32> to vector<16xf32>
      %parallel_loop3A_182 = arith.constant 65535 : i32
      %parallel_loop3A_183 = vector.broadcast %parallel_loop3A_182 : i32 to vector<16xi32>
      %parallel_loop3A_184 = arith.andi %parallel_loop3A_174, %parallel_loop3A_183 : vector<16xi32>
      %parallel_loop3A_185 = arith.constant 16 : i32
      %parallel_loop3A_186 = vector.broadcast %parallel_loop3A_185 : i32 to vector<16xi32>
      %parallel_loop3A_187 = arith.shrui %parallel_loop3A_174, %parallel_loop3A_186 : vector<16xi32>
      %parallel_loop3A_188 = tpu.vector_load_idx %arg5[%parallel_loop3A_184] : memref<10000xi32, #tpu.memory_space<vmem>>[vector<16xi32>], vector<16xi32>,
      %parallel_loop3A_189 = tpu.vector_load_idx %arg6[%parallel_loop3A_184] : memref<10000xi32, #tpu.memory_space<vmem>>[vector<16xi32>], vector<16xi32>,
      %parallel_loop3A_190 = tpu.vector_load_idx %arg7[%parallel_loop3A_184] : memref<10000xi32, #tpu.memory_space<vmem>>[vector<16xi32>], vector<16xi32>,
      %parallel_loop3A_191 = tpu.vector_load_idx %arg8[%parallel_loop3A_184] : memref<10000xi32, #tpu.memory_space<vmem>>[vector<16xi32>], vector<16xi32>,
      %parallel_loop3A_192 = arith.constant 16 : i32
      %parallel_loop3A_193 = vector.broadcast %parallel_loop3A_192 : i32 to vector<16xi32>
      %parallel_loop3A_194 = arith.shli %parallel_loop3A_101, %parallel_loop3A_193 : vector<16xi32>
      %parallel_loop3A_195 = vector.bitcast %parallel_loop3A_194 : vector<16xi32> to vector<16xf32>
      %parallel_loop3A_196 = arith.constant -65536 : i32
      %parallel_loop3A_197 = vector.broadcast %parallel_loop3A_196 : i32 to vector<16xi32>
      %parallel_loop3A_198 = arith.andi %parallel_loop3A_101, %parallel_loop3A_197 : vector<16xi32>
      %parallel_loop3A_199 = vector.bitcast %parallel_loop3A_198 : vector<16xi32> to vector<16xf32>
      %parallel_loop3A_200 = arith.mulf %parallel_loop3A_195, %parallel_loop3A_94 : vector<16xf32>
      tpu.vector_store_idx %arg9[%parallel_loop3A_100], %parallel_loop3A_200 {add = true} : memref<10000xf32, #tpu.memory_space<vmem>>[vector<16xi32>], vector<16xf32>,
      %parallel_loop3A_201 = arith.mulf %parallel_loop3A_199, %parallel_loop3A_94 : vector<16xf32>
      tpu.vector_store_idx %arg13[%parallel_loop3A_100], %parallel_loop3A_201 {add = true} : memref<10000xf32, #tpu.memory_space<vmem>>[vector<16xi32>], vector<16xf32>,
      %parallel_loop3A_202 = arith.constant 16 : i32
      %parallel_loop3A_203 = vector.broadcast %parallel_loop3A_202 : i32 to vector<16xi32>
      %parallel_loop3A_204 = arith.shli %parallel_loop3A_102, %parallel_loop3A_203 : vector<16xi32>
      %parallel_loop3A_205 = vector.bitcast %parallel_loop3A_204 : vector<16xi32> to vector<16xf32>
      %parallel_loop3A_206 = arith.constant -65536 : i32
      %parallel_loop3A_207 = vector.broadcast %parallel_loop3A_206 : i32 to vector<16xi32>
      %parallel_loop3A_208 = arith.andi %parallel_loop3A_102, %parallel_loop3A_207 : vector<16xi32>
      %parallel_loop3A_209 = vector.bitcast %parallel_loop3A_208 : vector<16xi32> to vector<16xf32>
      %parallel_loop3A_210 = arith.mulf %parallel_loop3A_205, %parallel_loop3A_94 : vector<16xf32>
      tpu.vector_store_idx %arg10[%parallel_loop3A_100], %parallel_loop3A_210 {add = true} : memref<10000xf32, #tpu.memory_space<vmem>>[vector<16xi32>], vector<16xf32>,
      %parallel_loop3A_211 = arith.mulf %parallel_loop3A_209, %parallel_loop3A_94 : vector<16xf32>
      tpu.vector_store_idx %arg14[%parallel_loop3A_100], %parallel_loop3A_211 {add = true} : memref<10000xf32, #tpu.memory_space<vmem>>[vector<16xi32>], vector<16xf32>,
      %parallel_loop3A_212 = arith.constant 16 : i32
      %parallel_loop3A_213 = vector.broadcast %parallel_loop3A_212 : i32 to vector<16xi32>
      %parallel_loop3A_214 = arith.shli %parallel_loop3A_103, %parallel_loop3A_213 : vector<16xi32>
      %parallel_loop3A_215 = vector.bitcast %parallel_loop3A_214 : vector<16xi32> to vector<16xf32>
      %parallel_loop3A_216 = arith.constant -65536 : i32
      %parallel_loop3A_217 = vector.broadcast %parallel_loop3A_216 : i32 to vector<16xi32>
      %parallel_loop3A_218 = arith.andi %parallel_loop3A_103, %parallel_loop3A_217 : vector<16xi32>
      %parallel_loop3A_219 = vector.bitcast %parallel_loop3A_218 : vector<16xi32> to vector<16xf32>
      %parallel_loop3A_220 = arith.mulf %parallel_loop3A_215, %parallel_loop3A_94 : vector<16xf32>
      tpu.vector_store_idx %arg11[%parallel_loop3A_100], %parallel_loop3A_220 {add = true} : memref<10000xf32, #tpu.memory_space<vmem>>[vector<16xi32>], vector<16xf32>,
      %parallel_loop3A_221 = arith.mulf %parallel_loop3A_219, %parallel_loop3A_94 : vector<16xf32>
      tpu.vector_store_idx %arg15[%parallel_loop3A_100], %parallel_loop3A_221 {add = true} : memref<10000xf32, #tpu.memory_space<vmem>>[vector<16xi32>], vector<16xf32>,
      %parallel_loop3A_222 = arith.constant 16 : i32
      %parallel_loop3A_223 = vector.broadcast %parallel_loop3A_222 : i32 to vector<16xi32>
      %parallel_loop3A_224 = arith.shli %parallel_loop3A_104, %parallel_loop3A_223 : vector<16xi32>
      %parallel_loop3A_225 = vector.bitcast %parallel_loop3A_224 : vector<16xi32> to vector<16xf32>
      %parallel_loop3A_226 = arith.constant -65536 : i32
      %parallel_loop3A_227 = vector.broadcast %parallel_loop3A_226 : i32 to vector<16xi32>
      %parallel_loop3A_228 = arith.andi %parallel_loop3A_104, %parallel_loop3A_227 : vector<16xi32>
      %parallel_loop3A_229 = vector.bitcast %parallel_loop3A_228 : vector<16xi32> to vector<16xf32>
      %parallel_loop3A_230 = arith.mulf %parallel_loop3A_225, %parallel_loop3A_94 : vector<16xf32>
      tpu.vector_store_idx %arg12[%parallel_loop3A_100], %parallel_loop3A_230 {add = true} : memref<10000xf32, #tpu.memory_space<vmem>>[vector<16xi32>], vector<16xf32>,
      %parallel_loop3A_231 = arith.mulf %parallel_loop3A_229, %parallel_loop3A_94 : vector<16xf32>
      tpu.vector_store_idx %arg16[%parallel_loop3A_100], %parallel_loop3A_231 {add = true} : memref<10000xf32, #tpu.memory_space<vmem>>[vector<16xi32>], vector<16xf32>,
      %parallel_loop3A_232 = arith.constant 16 : i32
      %parallel_loop3A_233 = vector.broadcast %parallel_loop3A_232 : i32 to vector<16xi32>
      %parallel_loop3A_234 = arith.shli %parallel_loop3A_130, %parallel_loop3A_233 : vector<16xi32>
      %parallel_loop3A_235 = vector.bitcast %parallel_loop3A_234 : vector<16xi32> to vector<16xf32>
      %parallel_loop3A_236 = arith.constant -65536 : i32
      %parallel_loop3A_237 = vector.broadcast %parallel_loop3A_236 : i32 to vector<16xi32>
      %parallel_loop3A_238 = arith.andi %parallel_loop3A_130, %parallel_loop3A_237 : vector<16xi32>
      %parallel_loop3A_239 = vector.bitcast %parallel_loop3A_238 : vector<16xi32> to vector<16xf32>
      %parallel_loop3A_240 = arith.mulf %parallel_loop3A_235, %parallel_loop3A_123 : vector<16xf32>
      tpu.vector_store_idx %arg9[%parallel_loop3A_129], %parallel_loop3A_240 {add = true} : memref<10000xf32, #tpu.memory_space<vmem>>[vector<16xi32>], vector<16xf32>,
      %parallel_loop3A_241 = arith.mulf %parallel_loop3A_239, %parallel_loop3A_123 : vector<16xf32>
      tpu.vector_store_idx %arg13[%parallel_loop3A_129], %parallel_loop3A_241 {add = true} : memref<10000xf32, #tpu.memory_space<vmem>>[vector<16xi32>], vector<16xf32>,
      %parallel_loop3A_242 = arith.constant 16 : i32
      %parallel_loop3A_243 = vector.broadcast %parallel_loop3A_242 : i32 to vector<16xi32>
      %parallel_loop3A_244 = arith.shli %parallel_loop3A_131, %parallel_loop3A_243 : vector<16xi32>
      %parallel_loop3A_245 = vector.bitcast %parallel_loop3A_244 : vector<16xi32> to vector<16xf32>
      %parallel_loop3A_246 = arith.constant -65536 : i32
      %parallel_loop3A_247 = vector.broadcast %parallel_loop3A_246 : i32 to vector<16xi32>
      %parallel_loop3A_248 = arith.andi %parallel_loop3A_131, %parallel_loop3A_247 : vector<16xi32>
      %parallel_loop3A_249 = vector.bitcast %parallel_loop3A_248 : vector<16xi32> to vector<16xf32>
      %parallel_loop3A_250 = arith.mulf %parallel_loop3A_245, %parallel_loop3A_123 : vector<16xf32>
      tpu.vector_store_idx %arg10[%parallel_loop3A_129], %parallel_loop3A_250 {add = true} : memref<10000xf32, #tpu.memory_space<vmem>>[vector<16xi32>], vector<16xf32>,
      %parallel_loop3A_251 = arith.mulf %parallel_loop3A_249, %parallel_loop3A_123 : vector<16xf32>
      tpu.vector_store_idx %arg14[%parallel_loop3A_129], %parallel_loop3A_251 {add = true} : memref<10000xf32, #tpu.memory_space<vmem>>[vector<16xi32>], vector<16xf32>,
      %parallel_loop3A_252 = arith.constant 16 : i32
      %parallel_loop3A_253 = vector.broadcast %parallel_loop3A_252 : i32 to vector<16xi32>
      %parallel_loop3A_254 = arith.shli %parallel_loop3A_132, %parallel_loop3A_253 : vector<16xi32>
      %parallel_loop3A_255 = vector.bitcast %parallel_loop3A_254 : vector<16xi32> to vector<16xf32>
      %parallel_loop3A_256 = arith.constant -65536 : i32
      %parallel_loop3A_257 = vector.broadcast %parallel_loop3A_256 : i32 to vector<16xi32>
      %parallel_loop3A_258 = arith.andi %parallel_loop3A_132, %parallel_loop3A_257 : vector<16xi32>
      %parallel_loop3A_259 = vector.bitcast %parallel_loop3A_258 : vector<16xi32> to vector<16xf32>
      %parallel_loop3A_260 = arith.mulf %parallel_loop3A_255, %parallel_loop3A_123 : vector<16xf32>
      tpu.vector_store_idx %arg11[%parallel_loop3A_129], %parallel_loop3A_260 {add = true} : memref<10000xf32, #tpu.memory_space<vmem>>[vector<16xi32>], vector<16xf32>,
      %parallel_loop3A_261 = arith.mulf %parallel_loop3A_259, %parallel_loop3A_123 : vector<16xf32>
      tpu.vector_store_idx %arg15[%parallel_loop3A_129], %parallel_loop3A_261 {add = true} : memref<10000xf32, #tpu.memory_space<vmem>>[vector<16xi32>], vector<16xf32>,
      %parallel_loop3A_262 = arith.constant 16 : i32
      %parallel_loop3A_263 = vector.broadcast %parallel_loop3A_262 : i32 to vector<16xi32>
      %parallel_loop3A_264 = arith.shli %parallel_loop3A_133, %parallel_loop3A_263 : vector<16xi32>
      %parallel_loop3A_265 = vector.bitcast %parallel_loop3A_264 : vector<16xi32> to vector<16xf32>
      %parallel_loop3A_266 = arith.constant -65536 : i32
      %parallel_loop3A_267 = vector.broadcast %parallel_loop3A_266 : i32 to vector<16xi32>
      %parallel_loop3A_268 = arith.andi %parallel_loop3A_133, %parallel_loop3A_267 : vector<16xi32>
      %parallel_loop3A_269 = vector.bitcast %parallel_loop3A_268 : vector<16xi32> to vector<16xf32>
      %parallel_loop3A_270 = arith.mulf %parallel_loop3A_265, %parallel_loop3A_123 : vector<16xf32>
      tpu.vector_store_idx %arg12[%parallel_loop3A_129], %parallel_loop3A_270 {add = true} : memref<10000xf32, #tpu.memory_space<vmem>>[vector<16xi32>], vector<16xf32>,
      %parallel_loop3A_271 = arith.mulf %parallel_loop3A_269, %parallel_loop3A_123 : vector<16xf32>
      tpu.vector_store_idx %arg16[%parallel_loop3A_129], %parallel_loop3A_271 {add = true} : memref<10000xf32, #tpu.memory_space<vmem>>[vector<16xi32>], vector<16xf32>,
      %parallel_loop3A_272 = arith.constant 16 : i32
      %parallel_loop3A_273 = vector.broadcast %parallel_loop3A_272 : i32 to vector<16xi32>
      %parallel_loop3A_274 = arith.shli %parallel_loop3A_159, %parallel_loop3A_273 : vector<16xi32>
      %parallel_loop3A_275 = vector.bitcast %parallel_loop3A_274 : vector<16xi32> to vector<16xf32>
      %parallel_loop3A_276 = arith.constant -65536 : i32
      %parallel_loop3A_277 = vector.broadcast %parallel_loop3A_276 : i32 to vector<16xi32>
      %parallel_loop3A_278 = arith.andi %parallel_loop3A_159, %parallel_loop3A_277 : vector<16xi32>
      %parallel_loop3A_279 = vector.bitcast %parallel_loop3A_278 : vector<16xi32> to vector<16xf32>
      %parallel_loop3A_280 = arith.mulf %parallel_loop3A_275, %parallel_loop3A_152 : vector<16xf32>
      tpu.vector_store_idx %arg9[%parallel_loop3A_158], %parallel_loop3A_280 {add = true} : memref<10000xf32, #tpu.memory_space<vmem>>[vector<16xi32>], vector<16xf32>,
      %parallel_loop3A_281 = arith.mulf %parallel_loop3A_279, %parallel_loop3A_152 : vector<16xf32>
      tpu.vector_store_idx %arg13[%parallel_loop3A_158], %parallel_loop3A_281 {add = true} : memref<10000xf32, #tpu.memory_space<vmem>>[vector<16xi32>], vector<16xf32>,
      %parallel_loop3A_282 = arith.constant 16 : i32
      %parallel_loop3A_283 = vector.broadcast %parallel_loop3A_282 : i32 to vector<16xi32>
      %parallel_loop3A_284 = arith.shli %parallel_loop3A_160, %parallel_loop3A_283 : vector<16xi32>
      %parallel_loop3A_285 = vector.bitcast %parallel_loop3A_284 : vector<16xi32> to vector<16xf32>
      %parallel_loop3A_286 = arith.constant -65536 : i32
      %parallel_loop3A_287 = vector.broadcast %parallel_loop3A_286 : i32 to vector<16xi32>
      %parallel_loop3A_288 = arith.andi %parallel_loop3A_160, %parallel_loop3A_287 : vector<16xi32>
      %parallel_loop3A_289 = vector.bitcast %parallel_loop3A_288 : vector<16xi32> to vector<16xf32>
      %parallel_loop3A_290 = arith.mulf %parallel_loop3A_285, %parallel_loop3A_152 : vector<16xf32>
      tpu.vector_store_idx %arg10[%parallel_loop3A_158], %parallel_loop3A_290 {add = true} : memref<10000xf32, #tpu.memory_space<vmem>>[vector<16xi32>], vector<16xf32>,
      %parallel_loop3A_291 = arith.mulf %parallel_loop3A_289, %parallel_loop3A_152 : vector<16xf32>
      tpu.vector_store_idx %arg14[%parallel_loop3A_158], %parallel_loop3A_291 {add = true} : memref<10000xf32, #tpu.memory_space<vmem>>[vector<16xi32>], vector<16xf32>,
      %parallel_loop3A_292 = arith.constant 16 : i32
      %parallel_loop3A_293 = vector.broadcast %parallel_loop3A_292 : i32 to vector<16xi32>
      %parallel_loop3A_294 = arith.shli %parallel_loop3A_161, %parallel_loop3A_293 : vector<16xi32>
      %parallel_loop3A_295 = vector.bitcast %parallel_loop3A_294 : vector<16xi32> to vector<16xf32>
      %parallel_loop3A_296 = arith.constant -65536 : i32
      %parallel_loop3A_297 = vector.broadcast %parallel_loop3A_296 : i32 to vector<16xi32>
      %parallel_loop3A_298 = arith.andi %parallel_loop3A_161, %parallel_loop3A_297 : vector<16xi32>
      %parallel_loop3A_299 = vector.bitcast %parallel_loop3A_298 : vector<16xi32> to vector<16xf32>
      %parallel_loop3A_300 = arith.mulf %parallel_loop3A_295, %parallel_loop3A_152 : vector<16xf32>
      tpu.vector_store_idx %arg11[%parallel_loop3A_158], %parallel_loop3A_300 {add = true} : memref<10000xf32, #tpu.memory_space<vmem>>[vector<16xi32>], vector<16xf32>,
      %parallel_loop3A_301 = arith.mulf %parallel_loop3A_299, %parallel_loop3A_152 : vector<16xf32>
      tpu.vector_store_idx %arg15[%parallel_loop3A_158], %parallel_loop3A_301 {add = true} : memref<10000xf32, #tpu.memory_space<vmem>>[vector<16xi32>], vector<16xf32>,
      %parallel_loop3A_302 = arith.constant 16 : i32
      %parallel_loop3A_303 = vector.broadcast %parallel_loop3A_302 : i32 to vector<16xi32>
      %parallel_loop3A_304 = arith.shli %parallel_loop3A_162, %parallel_loop3A_303 : vector<16xi32>
      %parallel_loop3A_305 = vector.bitcast %parallel_loop3A_304 : vector<16xi32> to vector<16xf32>
      %parallel_loop3A_306 = arith.constant -65536 : i32
      %parallel_loop3A_307 = vector.broadcast %parallel_loop3A_306 : i32 to vector<16xi32>
      %parallel_loop3A_308 = arith.andi %parallel_loop3A_162, %parallel_loop3A_307 : vector<16xi32>
      %parallel_loop3A_309 = vector.bitcast %parallel_loop3A_308 : vector<16xi32> to vector<16xf32>
      %parallel_loop3A_310 = arith.mulf %parallel_loop3A_305, %parallel_loop3A_152 : vector<16xf32>
      tpu.vector_store_idx %arg12[%parallel_loop3A_158], %parallel_loop3A_310 {add = true} : memref<10000xf32, #tpu.memory_space<vmem>>[vector<16xi32>], vector<16xf32>,
      %parallel_loop3A_311 = arith.mulf %parallel_loop3A_309, %parallel_loop3A_152 : vector<16xf32>
      tpu.vector_store_idx %arg16[%parallel_loop3A_158], %parallel_loop3A_311 {add = true} : memref<10000xf32, #tpu.memory_space<vmem>>[vector<16xi32>], vector<16xf32>,
      %parallel_loop3A_312 = arith.constant 16 : i32
      %parallel_loop3A_313 = vector.broadcast %parallel_loop3A_312 : i32 to vector<16xi32>
      %parallel_loop3A_314 = arith.shli %parallel_loop3A_188, %parallel_loop3A_313 : vector<16xi32>
      %parallel_loop3A_315 = vector.bitcast %parallel_loop3A_314 : vector<16xi32> to vector<16xf32>
      %parallel_loop3A_316 = arith.constant -65536 : i32
      %parallel_loop3A_317 = vector.broadcast %parallel_loop3A_316 : i32 to vector<16xi32>
      %parallel_loop3A_318 = arith.andi %parallel_loop3A_188, %parallel_loop3A_317 : vector<16xi32>
      %parallel_loop3A_319 = vector.bitcast %parallel_loop3A_318 : vector<16xi32> to vector<16xf32>
      %parallel_loop3A_320 = arith.mulf %parallel_loop3A_315, %parallel_loop3A_181 : vector<16xf32>
      tpu.vector_store_idx %arg9[%parallel_loop3A_187], %parallel_loop3A_320 {add = true} : memref<10000xf32, #tpu.memory_space<vmem>>[vector<16xi32>], vector<16xf32>,
      %parallel_loop3A_321 = arith.mulf %parallel_loop3A_319, %parallel_loop3A_181 : vector<16xf32>
      tpu.vector_store_idx %arg13[%parallel_loop3A_187], %parallel_loop3A_321 {add = true} : memref<10000xf32, #tpu.memory_space<vmem>>[vector<16xi32>], vector<16xf32>,
      %parallel_loop3A_322 = arith.constant 16 : i32
      %parallel_loop3A_323 = vector.broadcast %parallel_loop3A_322 : i32 to vector<16xi32>
      %parallel_loop3A_324 = arith.shli %parallel_loop3A_189, %parallel_loop3A_323 : vector<16xi32>
      %parallel_loop3A_325 = vector.bitcast %parallel_loop3A_324 : vector<16xi32> to vector<16xf32>
      %parallel_loop3A_326 = arith.constant -65536 : i32
      %parallel_loop3A_327 = vector.broadcast %parallel_loop3A_326 : i32 to vector<16xi32>
      %parallel_loop3A_328 = arith.andi %parallel_loop3A_189, %parallel_loop3A_327 : vector<16xi32>
      %parallel_loop3A_329 = vector.bitcast %parallel_loop3A_328 : vector<16xi32> to vector<16xf32>
      %parallel_loop3A_330 = arith.mulf %parallel_loop3A_325, %parallel_loop3A_181 : vector<16xf32>
      tpu.vector_store_idx %arg10[%parallel_loop3A_187], %parallel_loop3A_330 {add = true} : memref<10000xf32, #tpu.memory_space<vmem>>[vector<16xi32>], vector<16xf32>,
      %parallel_loop3A_331 = arith.mulf %parallel_loop3A_329, %parallel_loop3A_181 : vector<16xf32>
      tpu.vector_store_idx %arg14[%parallel_loop3A_187], %parallel_loop3A_331 {add = true} : memref<10000xf32, #tpu.memory_space<vmem>>[vector<16xi32>], vector<16xf32>,
      %parallel_loop3A_332 = arith.constant 16 : i32
      %parallel_loop3A_333 = vector.broadcast %parallel_loop3A_332 : i32 to vector<16xi32>
      %parallel_loop3A_334 = arith.shli %parallel_loop3A_190, %parallel_loop3A_333 : vector<16xi32>
      %parallel_loop3A_335 = vector.bitcast %parallel_loop3A_334 : vector<16xi32> to vector<16xf32>
      %parallel_loop3A_336 = arith.constant -65536 : i32
      %parallel_loop3A_337 = vector.broadcast %parallel_loop3A_336 : i32 to vector<16xi32>
      %parallel_loop3A_338 = arith.andi %parallel_loop3A_190, %parallel_loop3A_337 : vector<16xi32>
      %parallel_loop3A_339 = vector.bitcast %parallel_loop3A_338 : vector<16xi32> to vector<16xf32>
      %parallel_loop3A_340 = arith.mulf %parallel_loop3A_335, %parallel_loop3A_181 : vector<16xf32>
      tpu.vector_store_idx %arg11[%parallel_loop3A_187], %parallel_loop3A_340 {add = true} : memref<10000xf32, #tpu.memory_space<vmem>>[vector<16xi32>], vector<16xf32>,
      %parallel_loop3A_341 = arith.mulf %parallel_loop3A_339, %parallel_loop3A_181 : vector<16xf32>
      tpu.vector_store_idx %arg15[%parallel_loop3A_187], %parallel_loop3A_341 {add = true} : memref<10000xf32, #tpu.memory_space<vmem>>[vector<16xi32>], vector<16xf32>,
      %parallel_loop3A_342 = arith.constant 16 : i32
      %parallel_loop3A_343 = vector.broadcast %parallel_loop3A_342 : i32 to vector<16xi32>
      %parallel_loop3A_344 = arith.shli %parallel_loop3A_191, %parallel_loop3A_343 : vector<16xi32>
      %parallel_loop3A_345 = vector.bitcast %parallel_loop3A_344 : vector<16xi32> to vector<16xf32>
      %parallel_loop3A_346 = arith.constant -65536 : i32
      %parallel_loop3A_347 = vector.broadcast %parallel_loop3A_346 : i32 to vector<16xi32>
      %parallel_loop3A_348 = arith.andi %parallel_loop3A_191, %parallel_loop3A_347 : vector<16xi32>
      %parallel_loop3A_349 = vector.bitcast %parallel_loop3A_348 : vector<16xi32> to vector<16xf32>
      %parallel_loop3A_350 = arith.mulf %parallel_loop3A_345, %parallel_loop3A_181 : vector<16xf32>
      tpu.vector_store_idx %arg12[%parallel_loop3A_187], %parallel_loop3A_350 {add = true} : memref<10000xf32, #tpu.memory_space<vmem>>[vector<16xi32>], vector<16xf32>,
      %parallel_loop3A_351 = arith.mulf %parallel_loop3A_349, %parallel_loop3A_181 : vector<16xf32>
      tpu.vector_store_idx %arg16[%parallel_loop3A_187], %parallel_loop3A_351 {add = true} : memref<10000xf32, #tpu.memory_space<vmem>>[vector<16xi32>], vector<16xf32>,
    } {sc.loop_unroll_factor = 1 : i64, sc.parallel_access}
    %add3A_51 = arith.constant 0 : i32
    %add3A_52 = arith.addi %mul3A_2, %add3A_51 : i32
    "tpu.region"() ({
      %run_scoped3A = tpu.sem_alloc : memref<!tpu.dma_semaphore, #tpu.memory_space<semaphore_mem>>
      %dma_start3A_75 = arith.constant 0 : i32
      %dma_start3A_76 = tpu.memref_slice %arg4[%add3A_52, %dma_start3A_75] : memref<256x10000xf32, #tpu.memory_space<hbm>> -> memref<1x10000xf32, #tpu.memory_space<hbm>>
      %dma_start3A_77 = tpu.memref_squeeze %dma_start3A_76 : memref<1x10000xf32, #tpu.memory_space<hbm>> -> memref<10000xf32, #tpu.memory_space<hbm>>
      %dma_start3A_78 = arith.constant 0 : i32
      %dma_start3A_79 = tpu.memref_slice %arg4[%add3A_52, %dma_start3A_78] : memref<256x10000xf32, #tpu.memory_space<hbm>> -> memref<1x10000xf32, #tpu.memory_space<hbm>>
      %dma_start3A_80 = tpu.memref_squeeze %dma_start3A_79 : memref<1x10000xf32, #tpu.memory_space<hbm>> -> memref<10000xf32, #tpu.memory_space<hbm>>
      tpu.enqueue_dma source(%arg9 : memref<10000xf32, #tpu.memory_space<vmem>>) target(%dma_start3A_80 : memref<10000xf32, #tpu.memory_space<hbm>>) target_semaphore(%run_scoped3A : memref<!tpu.dma_semaphore, #tpu.memory_space<semaphore_mem>>)
      %dma_wait3A_81 = arith.constant 0 : i32
      %dma_wait3A_82 = tpu.memref_slice %arg4[%add3A_52, %dma_wait3A_81] : memref<256x10000xf32, #tpu.memory_space<hbm>> -> memref<1x10000xf32, #tpu.memory_space<hbm>>
      %dma_wait3A_83 = tpu.memref_squeeze %dma_wait3A_82 : memref<1x10000xf32, #tpu.memory_space<hbm>> -> memref<10000xf32, #tpu.memory_space<hbm>>
      %dma_wait3A_84 = arith.constant 0 : i32
      %dma_wait3A_85 = tpu.memref_slice %arg4[%add3A_52, %dma_wait3A_84] : memref<256x10000xf32, #tpu.memory_space<hbm>> -> memref<1x10000xf32, #tpu.memory_space<hbm>>
      %dma_wait3A_86 = tpu.memref_squeeze %dma_wait3A_85 : memref<1x10000xf32, #tpu.memory_space<hbm>> -> memref<10000xf32, #tpu.memory_space<hbm>>
      tpu.wait_dma2 semaphore(%run_scoped3A : memref<!tpu.dma_semaphore, #tpu.memory_space<semaphore_mem>>) src(%arg9 : memref<10000xf32, #tpu.memory_space<vmem>>) dst(%dma_wait3A_86 : memref<10000xf32, #tpu.memory_space<hbm>>)
      tpu.yield
    }) : () -> ()
    %add3A_53 = arith.constant 0 : i32
    %add3A_54 = arith.addi %mul3A_2, %add3A_53 : i32
    %add3A_55 = arith.constant 128 : i32
    %add3A_56 = arith.addi %add3A_54, %add3A_55 : i32
    "tpu.region"() ({
      %run_scoped3A = tpu.sem_alloc : memref<!tpu.dma_semaphore, #tpu.memory_space<semaphore_mem>>
      %dma_start3A_75 = arith.constant 0 : i32
      %dma_start3A_76 = tpu.memref_slice %arg4[%add3A_56, %dma_start3A_75] : memref<256x10000xf32, #tpu.memory_space<hbm>> -> memref<1x10000xf32, #tpu.memory_space<hbm>>
      %dma_start3A_77 = tpu.memref_squeeze %dma_start3A_76 : memref<1x10000xf32, #tpu.memory_space<hbm>> -> memref<10000xf32, #tpu.memory_space<hbm>>
      %dma_start3A_78 = arith.constant 0 : i32
      %dma_start3A_79 = tpu.memref_slice %arg4[%add3A_56, %dma_start3A_78] : memref<256x10000xf32, #tpu.memory_space<hbm>> -> memref<1x10000xf32, #tpu.memory_space<hbm>>
      %dma_start3A_80 = tpu.memref_squeeze %dma_start3A_79 : memref<1x10000xf32, #tpu.memory_space<hbm>> -> memref<10000xf32, #tpu.memory_space<hbm>>
      tpu.enqueue_dma source(%arg13 : memref<10000xf32, #tpu.memory_space<vmem>>) target(%dma_start3A_80 : memref<10000xf32, #tpu.memory_space<hbm>>) target_semaphore(%run_scoped3A : memref<!tpu.dma_semaphore, #tpu.memory_space<semaphore_mem>>)
      %dma_wait3A_81 = arith.constant 0 : i32
      %dma_wait3A_82 = tpu.memref_slice %arg4[%add3A_56, %dma_wait3A_81] : memref<256x10000xf32, #tpu.memory_space<hbm>> -> memref<1x10000xf32, #tpu.memory_space<hbm>>
      %dma_wait3A_83 = tpu.memref_squeeze %dma_wait3A_82 : memref<1x10000xf32, #tpu.memory_space<hbm>> -> memref<10000xf32, #tpu.memory_space<hbm>>
      %dma_wait3A_84 = arith.constant 0 : i32
      %dma_wait3A_85 = tpu.memref_slice %arg4[%add3A_56, %dma_wait3A_84] : memref<256x10000xf32, #tpu.memory_space<hbm>> -> memref<1x10000xf32, #tpu.memory_space<hbm>>
      %dma_wait3A_86 = tpu.memref_squeeze %dma_wait3A_85 : memref<1x10000xf32, #tpu.memory_space<hbm>> -> memref<10000xf32, #tpu.memory_space<hbm>>
      tpu.wait_dma2 semaphore(%run_scoped3A : memref<!tpu.dma_semaphore, #tpu.memory_space<semaphore_mem>>) src(%arg13 : memref<10000xf32, #tpu.memory_space<vmem>>) dst(%dma_wait3A_86 : memref<10000xf32, #tpu.memory_space<hbm>>)
      tpu.yield
    }) : () -> ()
    %add3A_57 = arith.constant 1 : i32
    %add3A_58 = arith.addi %mul3A_2, %add3A_57 : i32
    "tpu.region"() ({
      %run_scoped3A = tpu.sem_alloc : memref<!tpu.dma_semaphore, #tpu.memory_space<semaphore_mem>>
      %dma_start3A_75 = arith.constant 0 : i32
      %dma_start3A_76 = tpu.memref_slice %arg4[%add3A_58, %dma_start3A_75] : memref<256x10000xf32, #tpu.memory_space<hbm>> -> memref<1x10000xf32, #tpu.memory_space<hbm>>
      %dma_start3A_77 = tpu.memref_squeeze %dma_start3A_76 : memref<1x10000xf32, #tpu.memory_space<hbm>> -> memref<10000xf32, #tpu.memory_space<hbm>>
      %dma_start3A_78 = arith.constant 0 : i32
      %dma_start3A_79 = tpu.memref_slice %arg4[%add3A_58, %dma_start3A_78] : memref<256x10000xf32, #tpu.memory_space<hbm>> -> memref<1x10000xf32, #tpu.memory_space<hbm>>
      %dma_start3A_80 = tpu.memref_squeeze %dma_start3A_79 : memref<1x10000xf32, #tpu.memory_space<hbm>> -> memref<10000xf32, #tpu.memory_space<hbm>>
      tpu.enqueue_dma source(%arg10 : memref<10000xf32, #tpu.memory_space<vmem>>) target(%dma_start3A_80 : memref<10000xf32, #tpu.memory_space<hbm>>) target_semaphore(%run_scoped3A : memref<!tpu.dma_semaphore, #tpu.memory_space<semaphore_mem>>)
      %dma_wait3A_81 = arith.constant 0 : i32
      %dma_wait3A_82 = tpu.memref_slice %arg4[%add3A_58, %dma_wait3A_81] : memref<256x10000xf32, #tpu.memory_space<hbm>> -> memref<1x10000xf32, #tpu.memory_space<hbm>>
      %dma_wait3A_83 = tpu.memref_squeeze %dma_wait3A_82 : memref<1x10000xf32, #tpu.memory_space<hbm>> -> memref<10000xf32, #tpu.memory_space<hbm>>
      %dma_wait3A_84 = arith.constant 0 : i32
      %dma_wait3A_85 = tpu.memref_slice %arg4[%add3A_58, %dma_wait3A_84] : memref<256x10000xf32, #tpu.memory_space<hbm>> -> memref<1x10000xf32, #tpu.memory_space<hbm>>
      %dma_wait3A_86 = tpu.memref_squeeze %dma_wait3A_85 : memref<1x10000xf32, #tpu.memory_space<hbm>> -> memref<10000xf32, #tpu.memory_space<hbm>>
      tpu.wait_dma2 semaphore(%run_scoped3A : memref<!tpu.dma_semaphore, #tpu.memory_space<semaphore_mem>>) src(%arg10 : memref<10000xf32, #tpu.memory_space<vmem>>) dst(%dma_wait3A_86 : memref<10000xf32, #tpu.memory_space<hbm>>)
      tpu.yield
    }) : () -> ()
    %add3A_59 = arith.constant 1 : i32
    %add3A_60 = arith.addi %mul3A_2, %add3A_59 : i32
    %add3A_61 = arith.constant 128 : i32
    %add3A_62 = arith.addi %add3A_60, %add3A_61 : i32
    "tpu.region"() ({
      %run_scoped3A = tpu.sem_alloc : memref<!tpu.dma_semaphore, #tpu.memory_space<semaphore_mem>>
      %dma_start3A_75 = arith.constant 0 : i32
      %dma_start3A_76 = tpu.memref_slice %arg4[%add3A_62, %dma_start3A_75] : memref<256x10000xf32, #tpu.memory_space<hbm>> -> memref<1x10000xf32, #tpu.memory_space<hbm>>
      %dma_start3A_77 = tpu.memref_squeeze %dma_start3A_76 : memref<1x10000xf32, #tpu.memory_space<hbm>> -> memref<10000xf32, #tpu.memory_space<hbm>>
      %dma_start3A_78 = arith.constant 0 : i32
      %dma_start3A_79 = tpu.memref_slice %arg4[%add3A_62, %dma_start3A_78] : memref<256x10000xf32, #tpu.memory_space<hbm>> -> memref<1x10000xf32, #tpu.memory_space<hbm>>
      %dma_start3A_80 = tpu.memref_squeeze %dma_start3A_79 : memref<1x10000xf32, #tpu.memory_space<hbm>> -> memref<10000xf32, #tpu.memory_space<hbm>>
      tpu.enqueue_dma source(%arg14 : memref<10000xf32, #tpu.memory_space<vmem>>) target(%dma_start3A_80 : memref<10000xf32, #tpu.memory_space<hbm>>) target_semaphore(%run_scoped3A : memref<!tpu.dma_semaphore, #tpu.memory_space<semaphore_mem>>)
      %dma_wait3A_81 = arith.constant 0 : i32
      %dma_wait3A_82 = tpu.memref_slice %arg4[%add3A_62, %dma_wait3A_81] : memref<256x10000xf32, #tpu.memory_space<hbm>> -> memref<1x10000xf32, #tpu.memory_space<hbm>>
      %dma_wait3A_83 = tpu.memref_squeeze %dma_wait3A_82 : memref<1x10000xf32, #tpu.memory_space<hbm>> -> memref<10000xf32, #tpu.memory_space<hbm>>
      %dma_wait3A_84 = arith.constant 0 : i32
      %dma_wait3A_85 = tpu.memref_slice %arg4[%add3A_62, %dma_wait3A_84] : memref<256x10000xf32, #tpu.memory_space<hbm>> -> memref<1x10000xf32, #tpu.memory_space<hbm>>
      %dma_wait3A_86 = tpu.memref_squeeze %dma_wait3A_85 : memref<1x10000xf32, #tpu.memory_space<hbm>> -> memref<10000xf32, #tpu.memory_space<hbm>>
      tpu.wait_dma2 semaphore(%run_scoped3A : memref<!tpu.dma_semaphore, #tpu.memory_space<semaphore_mem>>) src(%arg14 : memref<10000xf32, #tpu.memory_space<vmem>>) dst(%dma_wait3A_86 : memref<10000xf32, #tpu.memory_space<hbm>>)
      tpu.yield
    }) : () -> ()
    %add3A_63 = arith.constant 2 : i32
    %add3A_64 = arith.addi %mul3A_2, %add3A_63 : i32
    "tpu.region"() ({
      %run_scoped3A = tpu.sem_alloc : memref<!tpu.dma_semaphore, #tpu.memory_space<semaphore_mem>>
      %dma_start3A_75 = arith.constant 0 : i32
      %dma_start3A_76 = tpu.memref_slice %arg4[%add3A_64, %dma_start3A_75] : memref<256x10000xf32, #tpu.memory_space<hbm>> -> memref<1x10000xf32, #tpu.memory_space<hbm>>
      %dma_start3A_77 = tpu.memref_squeeze %dma_start3A_76 : memref<1x10000xf32, #tpu.memory_space<hbm>> -> memref<10000xf32, #tpu.memory_space<hbm>>
      %dma_start3A_78 = arith.constant 0 : i32
      %dma_start3A_79 = tpu.memref_slice %arg4[%add3A_64, %dma_start3A_78] : memref<256x10000xf32, #tpu.memory_space<hbm>> -> memref<1x10000xf32, #tpu.memory_space<hbm>>
      %dma_start3A_80 = tpu.memref_squeeze %dma_start3A_79 : memref<1x10000xf32, #tpu.memory_space<hbm>> -> memref<10000xf32, #tpu.memory_space<hbm>>
      tpu.enqueue_dma source(%arg11 : memref<10000xf32, #tpu.memory_space<vmem>>) target(%dma_start3A_80 : memref<10000xf32, #tpu.memory_space<hbm>>) target_semaphore(%run_scoped3A : memref<!tpu.dma_semaphore, #tpu.memory_space<semaphore_mem>>)
      %dma_wait3A_81 = arith.constant 0 : i32
      %dma_wait3A_82 = tpu.memref_slice %arg4[%add3A_64, %dma_wait3A_81] : memref<256x10000xf32, #tpu.memory_space<hbm>> -> memref<1x10000xf32, #tpu.memory_space<hbm>>
      %dma_wait3A_83 = tpu.memref_squeeze %dma_wait3A_82 : memref<1x10000xf32, #tpu.memory_space<hbm>> -> memref<10000xf32, #tpu.memory_space<hbm>>
      %dma_wait3A_84 = arith.constant 0 : i32
      %dma_wait3A_85 = tpu.memref_slice %arg4[%add3A_64, %dma_wait3A_84] : memref<256x10000xf32, #tpu.memory_space<hbm>> -> memref<1x10000xf32, #tpu.memory_space<hbm>>
      %dma_wait3A_86 = tpu.memref_squeeze %dma_wait3A_85 : memref<1x10000xf32, #tpu.memory_space<hbm>> -> memref<10000xf32, #tpu.memory_space<hbm>>
      tpu.wait_dma2 semaphore(%run_scoped3A : memref<!tpu.dma_semaphore, #tpu.memory_space<semaphore_mem>>) src(%arg11 : memref<10000xf32, #tpu.memory_space<vmem>>) dst(%dma_wait3A_86 : memref<10000xf32, #tpu.memory_space<hbm>>)
      tpu.yield
    }) : () -> ()
    %add3A_65 = arith.constant 2 : i32
    %add3A_66 = arith.addi %mul3A_2, %add3A_65 : i32
    %add3A_67 = arith.constant 128 : i32
    %add3A_68 = arith.addi %add3A_66, %add3A_67 : i32
    "tpu.region"() ({
      %run_scoped3A = tpu.sem_alloc : memref<!tpu.dma_semaphore, #tpu.memory_space<semaphore_mem>>
      %dma_start3A_75 = arith.constant 0 : i32
      %dma_start3A_76 = tpu.memref_slice %arg4[%add3A_68, %dma_start3A_75] : memref<256x10000xf32, #tpu.memory_space<hbm>> -> memref<1x10000xf32, #tpu.memory_space<hbm>>
      %dma_start3A_77 = tpu.memref_squeeze %dma_start3A_76 : memref<1x10000xf32, #tpu.memory_space<hbm>> -> memref<10000xf32, #tpu.memory_space<hbm>>
      %dma_start3A_78 = arith.constant 0 : i32
      %dma_start3A_79 = tpu.memref_slice %arg4[%add3A_68, %dma_start3A_78] : memref<256x10000xf32, #tpu.memory_space<hbm>> -> memref<1x10000xf32, #tpu.memory_space<hbm>>
      %dma_start3A_80 = tpu.memref_squeeze %dma_start3A_79 : memref<1x10000xf32, #tpu.memory_space<hbm>> -> memref<10000xf32, #tpu.memory_space<hbm>>
      tpu.enqueue_dma source(%arg15 : memref<10000xf32, #tpu.memory_space<vmem>>) target(%dma_start3A_80 : memref<10000xf32, #tpu.memory_space<hbm>>) target_semaphore(%run_scoped3A : memref<!tpu.dma_semaphore, #tpu.memory_space<semaphore_mem>>)
      %dma_wait3A_81 = arith.constant 0 : i32
      %dma_wait3A_82 = tpu.memref_slice %arg4[%add3A_68, %dma_wait3A_81] : memref<256x10000xf32, #tpu.memory_space<hbm>> -> memref<1x10000xf32, #tpu.memory_space<hbm>>
      %dma_wait3A_83 = tpu.memref_squeeze %dma_wait3A_82 : memref<1x10000xf32, #tpu.memory_space<hbm>> -> memref<10000xf32, #tpu.memory_space<hbm>>
      %dma_wait3A_84 = arith.constant 0 : i32
      %dma_wait3A_85 = tpu.memref_slice %arg4[%add3A_68, %dma_wait3A_84] : memref<256x10000xf32, #tpu.memory_space<hbm>> -> memref<1x10000xf32, #tpu.memory_space<hbm>>
      %dma_wait3A_86 = tpu.memref_squeeze %dma_wait3A_85 : memref<1x10000xf32, #tpu.memory_space<hbm>> -> memref<10000xf32, #tpu.memory_space<hbm>>
      tpu.wait_dma2 semaphore(%run_scoped3A : memref<!tpu.dma_semaphore, #tpu.memory_space<semaphore_mem>>) src(%arg15 : memref<10000xf32, #tpu.memory_space<vmem>>) dst(%dma_wait3A_86 : memref<10000xf32, #tpu.memory_space<hbm>>)
      tpu.yield
    }) : () -> ()
    %add3A_69 = arith.constant 3 : i32
    %add3A_70 = arith.addi %mul3A_2, %add3A_69 : i32
    "tpu.region"() ({
      %run_scoped3A = tpu.sem_alloc : memref<!tpu.dma_semaphore, #tpu.memory_space<semaphore_mem>>
      %dma_start3A_75 = arith.constant 0 : i32
      %dma_start3A_76 = tpu.memref_slice %arg4[%add3A_70, %dma_start3A_75] : memref<256x10000xf32, #tpu.memory_space<hbm>> -> memref<1x10000xf32, #tpu.memory_space<hbm>>
      %dma_start3A_77 = tpu.memref_squeeze %dma_start3A_76 : memref<1x10000xf32, #tpu.memory_space<hbm>> -> memref<10000xf32, #tpu.memory_space<hbm>>
      %dma_start3A_78 = arith.constant 0 : i32
      %dma_start3A_79 = tpu.memref_slice %arg4[%add3A_70, %dma_start3A_78] : memref<256x10000xf32, #tpu.memory_space<hbm>> -> memref<1x10000xf32, #tpu.memory_space<hbm>>
      %dma_start3A_80 = tpu.memref_squeeze %dma_start3A_79 : memref<1x10000xf32, #tpu.memory_space<hbm>> -> memref<10000xf32, #tpu.memory_space<hbm>>
      tpu.enqueue_dma source(%arg12 : memref<10000xf32, #tpu.memory_space<vmem>>) target(%dma_start3A_80 : memref<10000xf32, #tpu.memory_space<hbm>>) target_semaphore(%run_scoped3A : memref<!tpu.dma_semaphore, #tpu.memory_space<semaphore_mem>>)
      %dma_wait3A_81 = arith.constant 0 : i32
      %dma_wait3A_82 = tpu.memref_slice %arg4[%add3A_70, %dma_wait3A_81] : memref<256x10000xf32, #tpu.memory_space<hbm>> -> memref<1x10000xf32, #tpu.memory_space<hbm>>
      %dma_wait3A_83 = tpu.memref_squeeze %dma_wait3A_82 : memref<1x10000xf32, #tpu.memory_space<hbm>> -> memref<10000xf32, #tpu.memory_space<hbm>>
      %dma_wait3A_84 = arith.constant 0 : i32
      %dma_wait3A_85 = tpu.memref_slice %arg4[%add3A_70, %dma_wait3A_84] : memref<256x10000xf32, #tpu.memory_space<hbm>> -> memref<1x10000xf32, #tpu.memory_space<hbm>>
      %dma_wait3A_86 = tpu.memref_squeeze %dma_wait3A_85 : memref<1x10000xf32, #tpu.memory_space<hbm>> -> memref<10000xf32, #tpu.memory_space<hbm>>
      tpu.wait_dma2 semaphore(%run_scoped3A : memref<!tpu.dma_semaphore, #tpu.memory_space<semaphore_mem>>) src(%arg12 : memref<10000xf32, #tpu.memory_space<vmem>>) dst(%dma_wait3A_86 : memref<10000xf32, #tpu.memory_space<hbm>>)
      tpu.yield
    }) : () -> ()
    %add3A_71 = arith.constant 3 : i32
    %add3A_72 = arith.addi %mul3A_2, %add3A_71 : i32
    %add3A_73 = arith.constant 128 : i32
    %add3A_74 = arith.addi %add3A_72, %add3A_73 : i32
    "tpu.region"() ({
      %run_scoped3A = tpu.sem_alloc : memref<!tpu.dma_semaphore, #tpu.memory_space<semaphore_mem>>
      %dma_start3A_75 = arith.constant 0 : i32
      %dma_start3A_76 = tpu.memref_slice %arg4[%add3A_74, %dma_start3A_75] : memref<256x10000xf32, #tpu.memory_space<hbm>> -> memref<1x10000xf32, #tpu.memory_space<hbm>>
      %dma_start3A_77 = tpu.memref_squeeze %dma_start3A_76 : memref<1x10000xf32, #tpu.memory_space<hbm>> -> memref<10000xf32, #tpu.memory_space<hbm>>
      %dma_start3A_78 = arith.constant 0 : i32
      %dma_start3A_79 = tpu.memref_slice %arg4[%add3A_74, %dma_start3A_78] : memref<256x10000xf32, #tpu.memory_space<hbm>> -> memref<1x10000xf32, #tpu.memory_space<hbm>>
      %dma_start3A_80 = tpu.memref_squeeze %dma_start3A_79 : memref<1x10000xf32, #tpu.memory_space<hbm>> -> memref<10000xf32, #tpu.memory_space<hbm>>
      tpu.enqueue_dma source(%arg16 : memref<10000xf32, #tpu.memory_space<vmem>>) target(%dma_start3A_80 : memref<10000xf32, #tpu.memory_space<hbm>>) target_semaphore(%run_scoped3A : memref<!tpu.dma_semaphore, #tpu.memory_space<semaphore_mem>>)
      %dma_wait3A_81 = arith.constant 0 : i32
      %dma_wait3A_82 = tpu.memref_slice %arg4[%add3A_74, %dma_wait3A_81] : memref<256x10000xf32, #tpu.memory_space<hbm>> -> memref<1x10000xf32, #tpu.memory_space<hbm>>
      %dma_wait3A_83 = tpu.memref_squeeze %dma_wait3A_82 : memref<1x10000xf32, #tpu.memory_space<hbm>> -> memref<10000xf32, #tpu.memory_space<hbm>>
      %dma_wait3A_84 = arith.constant 0 : i32
      %dma_wait3A_85 = tpu.memref_slice %arg4[%add3A_74, %dma_wait3A_84] : memref<256x10000xf32, #tpu.memory_space<hbm>> -> memref<1x10000xf32, #tpu.memory_space<hbm>>
      %dma_wait3A_86 = tpu.memref_squeeze %dma_wait3A_85 : memref<1x10000xf32, #tpu.memory_space<hbm>> -> memref<10000xf32, #tpu.memory_space<hbm>>
      tpu.wait_dma2 semaphore(%run_scoped3A : memref<!tpu.dma_semaphore, #tpu.memory_space<semaphore_mem>>) src(%arg16 : memref<10000xf32, #tpu.memory_space<vmem>>) dst(%dma_wait3A_86 : memref<10000xf32, #tpu.memory_space<hbm>>)
      tpu.yield
    }) : () -> ()
    return
  }
}

module attributes {stable_mosaic.version = 14 : i64} {
  func.func @_mm_in_body(%arg0: i32, %arg1: memref<32x256xf32, #tpu.memory_space<vmem>>, %arg2: memref<32x256xf32, #tpu.memory_space<vmem>>, %arg3: memref<10000x256xf32, #tpu.memory_space<vmem>>, %arg4: memref<32x10000xi32, #tpu.memory_space<vmem>>) attributes {dimension_semantics = [#tpu.dimension_semantics<arbitrary>], iteration_bounds = array<i64: 4>, scalar_prefetch = 0 : i64, scratch_operands = 0 : i64, tpu.core_type = #tpu.core_type<tc>, window_params = [{transform_indices = @transform_0, window_bounds = array<i64: 32, 256>}, {transform_indices = @transform_1, window_bounds = array<i64: 32, 256>}, {pipeline_mode = #tpu.pipeline_mode<synchronous>, transform_indices = @transform_2, window_bounds = array<i64: 10000, 256>}, {transform_indices = @transform_3, window_bounds = array<i64: 32, 10000>}]} {
    %get3A = arith.constant 0 : index
    %get3A_0 = arith.constant 0 : index
    %get3A_1 = vector.load %arg1[%get3A, %get3A_0] : memref<32x256xf32, #tpu.memory_space<vmem>>, vector<32x256xf32>
    %get3A_2 = arith.constant 0 : index
    %get3A_3 = arith.constant 0 : index
    %get3A_4 = vector.load %arg3[%get3A_2, %get3A_3] : memref<10000x256xf32, #tpu.memory_space<vmem>>, vector<10000x256xf32>
    %dot_general3A = arith.constant dense<0.000000e+00> : vector<32x10000xf32>
    %dot_general3A_5 = tpu.matmul %get3A_1, %get3A_4, %dot_general3A {dimension_numbers = #tpu.dot_dimension_numbers<[1], [1], [0], [0], [0, 0, 1, 0], [], []>, precision = #tpu.contract_precision<fp32>, transpose_lhs_hint = false} : vector<32x256xf32>, vector<10000x256xf32>, vector<32x10000xf32> -> vector<32x10000xf32>
    %get3A_6 = arith.constant 0 : index
    %get3A_7 = arith.constant 0 : index
    %get3A_8 = vector.load %arg2[%get3A_6, %get3A_7] : memref<32x256xf32, #tpu.memory_space<vmem>>, vector<32x256xf32>
    %get3A_9 = arith.constant 0 : index
    %get3A_10 = arith.constant 0 : index
    %get3A_11 = vector.load %arg3[%get3A_9, %get3A_10] : memref<10000x256xf32, #tpu.memory_space<vmem>>, vector<10000x256xf32>
    %dot_general3A_12 = arith.constant dense<0.000000e+00> : vector<32x10000xf32>
    %dot_general3A_13 = tpu.matmul %get3A_8, %get3A_11, %dot_general3A_12 {dimension_numbers = #tpu.dot_dimension_numbers<[1], [1], [0], [0], [0, 0, 1, 0], [], []>, precision = #tpu.contract_precision<fp32>, transpose_lhs_hint = false} : vector<32x256xf32>, vector<10000x256xf32>, vector<32x10000xf32> -> vector<32x10000xf32>
    %convert_element_type3A = arith.truncf %dot_general3A_5 : vector<32x10000xf32> to vector<32x10000xbf16>
    %bitcast_convert_type3A = tpu.bitcast %convert_element_type3A : vector<32x10000xbf16> -> vector<32x10000xi16>
    %convert_element_type3A_14 = arith.extui %bitcast_convert_type3A : vector<32x10000xi16> to vector<32x10000xi32>
    %convert_element_type3A_15 = arith.truncf %dot_general3A_13 : vector<32x10000xf32> to vector<32x10000xbf16>
    %bitcast_convert_type3A_16 = tpu.bitcast %convert_element_type3A_15 : vector<32x10000xbf16> -> vector<32x10000xi16>
    %convert_element_type3A_17 = arith.extui %bitcast_convert_type3A_16 : vector<32x10000xi16> to vector<32x10000xi32>
    %shift_left3A = arith.constant 16 : i32
    %shift_left3A_18 = vector.broadcast %shift_left3A : i32 to vector<32x10000xi32>
    %shift_left3A_19 = arith.shli %convert_element_type3A_17, %shift_left3A_18 : vector<32x10000xi32>
    %or3A = arith.ori %convert_element_type3A_14, %shift_left3A_19 : vector<32x10000xi32>
    %bitcast_convert_type3A_20 = tpu.bitcast %or3A : vector<32x10000xi32> -> vector<32x10000xi32>
    %swap3A = arith.constant 0 : index
    %swap3A_21 = arith.constant 0 : index
    %swap3A_22 = vector.load %arg4[%swap3A, %swap3A_21] : memref<32x10000xi32, #tpu.memory_space<vmem>>, vector<32x10000xi32>
    tpu.vector_store %arg4[%swap3A, %swap3A_21], %bitcast_convert_type3A_20 {strides = array<i32>} : memref<32x10000xi32, #tpu.memory_space<vmem>>, vector<32x10000xi32>,
    return
  }
  func.func @transform_0(%arg0: i32) -> (i32, i32) {
    %c0_i32 = arith.constant 0 : i32
    %c0_i32_0 = arith.constant 0 : i32
    return %arg0, %c0_i32 : i32, i32
  }
  func.func @transform_1(%arg0: i32) -> (i32, i32) {
    %c0_i32 = arith.constant 0 : i32
    %c0_i32_0 = arith.constant 0 : i32
    return %arg0, %c0_i32 : i32, i32
  }
  func.func @transform_2(%arg0: i32) -> (i32, i32) {
    %c0_i32 = arith.constant 0 : i32
    %c0_i32_0 = arith.constant 0 : i32
    %c0_i32_1 = arith.constant 0 : i32
    return %c0_i32, %c0_i32_0 : i32, i32
  }
  func.func @transform_3(%arg0: i32) -> (i32, i32) {
    %c0_i32 = arith.constant 0 : i32
    %c0_i32_0 = arith.constant 0 : i32
    return %arg0, %c0_i32 : i32, i32
  }
}

module attributes {stable_mosaic.version = 14 : i64} {
  func.func @_mid_body(%arg0: i32, %arg1: memref<64x10000xf32, #tpu.memory_space<vmem>>, %arg2: memref<64x1xf32, #tpu.memory_space<vmem>>, %arg3: memref<1x1xf32, #tpu.memory_space<smem>>, %arg4: memref<64x1xf32, #tpu.memory_space<vmem>>, %arg5: memref<64x1xf32, #tpu.memory_space<vmem>>, %arg6: memref<1x1xf32, #tpu.memory_space<smem>>, %arg7: memref<64x256xf32, #tpu.memory_space<vmem>>, %arg8: memref<128x10000xi32, #tpu.memory_space<vmem>>, %arg9: memref<256x10000xf32, #tpu.memory_space<vmem>>) attributes {dimension_semantics = [#tpu.dimension_semantics<arbitrary>], iteration_bounds = array<i64: 4>, scalar_prefetch = 0 : i64, scratch_operands = 1 : i64, tpu.core_type = #tpu.core_type<tc>, window_params = [{transform_indices = @transform_0, window_bounds = array<i64: 64, 10000>}, {transform_indices = @transform_1, window_bounds = array<i64: 64, 1>}, {transform_indices = @transform_2, window_bounds = array<i64: 1, 1>}, {transform_indices = @transform_3, window_bounds = array<i64: 64, 1>}, {transform_indices = @transform_4, window_bounds = array<i64: 64, 1>}, {transform_indices = @transform_5, window_bounds = array<i64: 1, 1>}, {transform_indices = @transform_6, window_bounds = array<i64: 64, 256>}, {pipeline_mode = #tpu.pipeline_mode<synchronous>, transform_indices = @transform_7, window_bounds = array<i64: 128, 10000>}]} {
    %get3A = arith.constant 0 : index
    %get3A_0 = arith.constant 0 : index
    %get3A_1 = vector.load %arg1[%get3A, %get3A_0] : memref<64x10000xf32, #tpu.memory_space<vmem>>, vector<64x10000xf32>
    %get3A_2 = arith.constant 0 : index
    %get3A_3 = arith.constant 0 : index
    %get3A_4 = vector.load %arg2[%get3A_2, %get3A_3] : memref<64x1xf32, #tpu.memory_space<vmem>>, vector<64x1xf32>
    %get3A_5 = arith.constant 0 : index
    %get3A_6 = arith.constant 0 : index
    %get3A_7 = memref.load %arg3[%get3A_5, %get3A_6] : memref<1x1xf32, #tpu.memory_space<smem>>
    %get3A_8 = arith.constant 0 : index
    %get3A_9 = arith.constant 0 : index
    %get3A_10 = vector.load %arg4[%get3A_8, %get3A_9] : memref<64x1xf32, #tpu.memory_space<vmem>>, vector<64x1xf32>
    %get3A_11 = arith.constant 0 : index
    %get3A_12 = arith.constant 0 : index
    %get3A_13 = vector.load %arg5[%get3A_11, %get3A_12] : memref<64x1xf32, #tpu.memory_space<vmem>>, vector<64x1xf32>
    %get3A_14 = arith.constant 0 : index
    %get3A_15 = arith.constant 0 : index
    %get3A_16 = memref.load %arg6[%get3A_14, %get3A_15] : memref<1x1xf32, #tpu.memory_space<smem>>
    %add3A = vector.broadcast %get3A_4 : vector<64x1xf32> to vector<64x10000xf32>
    %add3A_17 = arith.addf %get3A_1, %add3A : vector<64x10000xf32>
    %gt3A = arith.constant 0.000000e+00 : f32
    %gt3A_18 = vector.broadcast %gt3A : f32 to vector<64x10000xf32>
    %gt3A_19 = arith.cmpf ogt, %add3A_17, %gt3A_18 : vector<64x10000xf32>
    %mul3A = vector.broadcast %get3A_7 : f32 to vector<64x10000xf32>
    %mul3A_20 = arith.mulf %mul3A, %add3A_17 : vector<64x10000xf32>
    %select_n3A = arith.select %gt3A_19, %add3A_17, %mul3A_20 : vector<64x10000xi1>, vector<64x10000xf32>
    %reduce_sum3A = arith.constant dense<0.000000e+00> : vector<64xf32>
    %reduce_sum3A_21 = vector.multi_reduction <add>, %select_n3A, %reduce_sum3A [1] : vector<64x10000xf32> to vector<64xf32>
    %broadcast_in_dim3A = vector.shape_cast %reduce_sum3A_21 : vector<64xf32> to vector<64x1xf32>
    %div3A = arith.constant 1.000000e+04 : f32
    %div3A_22 = vector.broadcast %div3A : f32 to vector<64x1xf32>
    %div3A_23 = arith.divf %broadcast_in_dim3A, %div3A_22 : vector<64x1xf32>
    %sub3A = vector.broadcast %div3A_23 : vector<64x1xf32> to vector<64x10000xf32>
    %sub3A_24 = arith.subf %select_n3A, %sub3A : vector<64x10000xf32>
    %mul3A_25 = arith.mulf %sub3A_24, %sub3A_24 : vector<64x10000xf32>
    %reduce_sum3A_26 = arith.constant dense<0.000000e+00> : vector<64xf32>
    %reduce_sum3A_27 = vector.multi_reduction <add>, %mul3A_25, %reduce_sum3A_26 [1] : vector<64x10000xf32> to vector<64xf32>
    %broadcast_in_dim3A_28 = vector.shape_cast %reduce_sum3A_27 : vector<64xf32> to vector<64x1xf32>
    %div3A_29 = arith.constant 1.000000e+04 : f32
    %div3A_30 = vector.broadcast %div3A_29 : f32 to vector<64x1xf32>
    %div3A_31 = arith.divf %broadcast_in_dim3A_28, %div3A_30 : vector<64x1xf32>
    %mul3A_32 = vector.broadcast %get3A_10 : vector<64x1xf32> to vector<64x10000xf32>
    %mul3A_33 = arith.mulf %mul3A_32, %sub3A_24 : vector<64x10000xf32>
    %add3A_34 = arith.constant 9.99999974E-6 : f32
    %add3A_35 = vector.broadcast %add3A_34 : f32 to vector<64x1xf32>
    %add3A_36 = arith.addf %div3A_31, %add3A_35 : vector<64x1xf32>
    %rsqrt3A = math.rsqrt %add3A_36 : vector<64x1xf32>
    %mul3A_37 = vector.broadcast %rsqrt3A : vector<64x1xf32> to vector<64x10000xf32>
    %mul3A_38 = arith.mulf %mul3A_33, %mul3A_37 : vector<64x10000xf32>
    %add3A_39 = vector.broadcast %get3A_13 : vector<64x1xf32> to vector<64x10000xf32>
    %add3A_40 = arith.addf %mul3A_38, %add3A_39 : vector<64x10000xf32>
    %gt3A_41 = arith.constant 0.000000e+00 : f32
    %gt3A_42 = vector.broadcast %gt3A_41 : f32 to vector<64x10000xf32>
    %gt3A_43 = arith.cmpf ogt, %add3A_40, %gt3A_42 : vector<64x10000xf32>
    %mul3A_44 = vector.broadcast %get3A_16 : f32 to vector<64x10000xf32>
    %mul3A_45 = arith.mulf %mul3A_44, %add3A_40 : vector<64x10000xf32>
    %select_n3A_46 = arith.select %gt3A_43, %add3A_40, %mul3A_45 : vector<64x10000xi1>, vector<64x10000xf32>
    %get3A_47 = arith.constant 0 : index
    %get3A_48 = arith.constant 0 : index
    %get3A_49 = vector.load %arg7[%get3A_47, %get3A_48] : memref<64x256xf32, #tpu.memory_space<vmem>>, vector<64x256xf32>
    %dot_general3A = arith.constant dense<0.000000e+00> : vector<256x10000xf32>
    %dot_general3A_50 = tpu.matmul %get3A_49, %select_n3A_46, %dot_general3A {dimension_numbers = #tpu.dot_dimension_numbers<[0], [0], [1], [1], [0, 1, 1, 1], [], []>, precision = #tpu.contract_precision<fp32>, transpose_lhs_hint = false} : vector<64x256xf32>, vector<64x10000xf32>, vector<256x10000xf32> -> vector<256x10000xf32>
    %eq3A = arith.constant 0 : i32
    %eq3A_51 = arith.cmpi eq, %arg0, %eq3A : i32
    %convert_element_type3A = arith.extui %eq3A_51 : i1 to i32
    %cond3A = arith.constant 0 : i32
    %cond3A_52 = arith.cmpi ne, %convert_element_type3A, %cond3A : i32
    scf.if %cond3A_52 {
      %swap3A = arith.constant 0 : index
      %swap3A_63 = arith.constant 0 : index
      %swap3A_64 = vector.load %arg9[%swap3A, %swap3A_63] : memref<256x10000xf32, #tpu.memory_space<vmem>>, vector<256x10000xf32>
      tpu.vector_store %arg9[%swap3A, %swap3A_63], %dot_general3A_50 {strides = array<i32>} : memref<256x10000xf32, #tpu.memory_space<vmem>>, vector<256x10000xf32>,
    } else {
    }
    %gt3A_53 = arith.constant 0 : i32
    %gt3A_54 = arith.cmpi sgt, %arg0, %gt3A_53 : i32
    %convert_element_type3A_55 = arith.extui %gt3A_54 : i1 to i32
    %cond3A_56 = arith.constant 0 : i32
    %cond3A_57 = arith.cmpi ne, %convert_element_type3A_55, %cond3A_56 : i32
    scf.if %cond3A_57 {
      %get3A_63 = arith.constant 0 : index
      %get3A_64 = arith.constant 0 : index
      %get3A_65 = vector.load %arg9[%get3A_63, %get3A_64] : memref<256x10000xf32, #tpu.memory_space<vmem>>, vector<256x10000xf32>
      %add3A_66 = arith.addf %get3A_65, %dot_general3A_50 : vector<256x10000xf32>
      %swap3A = arith.constant 0 : index
      %swap3A_67 = arith.constant 0 : index
      %swap3A_68 = vector.load %arg9[%swap3A, %swap3A_67] : memref<256x10000xf32, #tpu.memory_space<vmem>>, vector<256x10000xf32>
      tpu.vector_store %arg9[%swap3A, %swap3A_67], %add3A_66 {strides = array<i32>} : memref<256x10000xf32, #tpu.memory_space<vmem>>, vector<256x10000xf32>,
    } else {
    }
    %eq3A_58 = arith.constant 3 : i32
    %eq3A_59 = arith.cmpi eq, %arg0, %eq3A_58 : i32
    %convert_element_type3A_60 = arith.extui %eq3A_59 : i1 to i32
    %cond3A_61 = arith.constant 0 : i32
    %cond3A_62 = arith.cmpi ne, %convert_element_type3A_60, %cond3A_61 : i32
    scf.if %cond3A_62 {
      %get3A_63 = arith.constant 0 : index
      %get3A_64 = arith.constant 0 : index
      %get3A_65 = vector.load %arg9[%get3A_63, %get3A_64] : memref<256x10000xf32, #tpu.memory_space<vmem>>, vector<256x10000xf32>
      %slice3A = vector.extract_strided_slice %get3A_65 {offsets = [0, 0], sizes = [128, 10000], strides = [1, 1]} : vector<256x10000xf32> to vector<128x10000xf32>
      %slice3A_66 = vector.extract_strided_slice %get3A_65 {offsets = [128, 0], sizes = [128, 10000], strides = [1, 1]} : vector<256x10000xf32> to vector<128x10000xf32>
      %convert_element_type3A_67 = arith.truncf %slice3A : vector<128x10000xf32> to vector<128x10000xbf16>
      %bitcast_convert_type3A = tpu.bitcast %convert_element_type3A_67 : vector<128x10000xbf16> -> vector<128x10000xi16>
      %convert_element_type3A_68 = arith.extui %bitcast_convert_type3A : vector<128x10000xi16> to vector<128x10000xi32>
      %convert_element_type3A_69 = arith.truncf %slice3A_66 : vector<128x10000xf32> to vector<128x10000xbf16>
      %bitcast_convert_type3A_70 = tpu.bitcast %convert_element_type3A_69 : vector<128x10000xbf16> -> vector<128x10000xi16>
      %convert_element_type3A_71 = arith.extui %bitcast_convert_type3A_70 : vector<128x10000xi16> to vector<128x10000xi32>
      %shift_left3A = arith.constant 16 : i32
      %shift_left3A_72 = vector.broadcast %shift_left3A : i32 to vector<128x10000xi32>
      %shift_left3A_73 = arith.shli %convert_element_type3A_71, %shift_left3A_72 : vector<128x10000xi32>
      %or3A = arith.ori %convert_element_type3A_68, %shift_left3A_73 : vector<128x10000xi32>
      %bitcast_convert_type3A_74 = tpu.bitcast %or3A : vector<128x10000xi32> -> vector<128x10000xi32>
      %swap3A = arith.constant 0 : index
      %swap3A_75 = arith.constant 0 : index
      %swap3A_76 = vector.load %arg8[%swap3A, %swap3A_75] : memref<128x10000xi32, #tpu.memory_space<vmem>>, vector<128x10000xi32>
      tpu.vector_store %arg8[%swap3A, %swap3A_75], %bitcast_convert_type3A_74 {strides = array<i32>} : memref<128x10000xi32, #tpu.memory_space<vmem>>, vector<128x10000xi32>,
    } else {
    }
    return
  }
  func.func @transform_0(%arg0: i32) -> (i32, i32) {
    %c0_i32 = arith.constant 0 : i32
    %c0_i32_0 = arith.constant 0 : i32
    return %arg0, %c0_i32 : i32, i32
  }
  func.func @transform_1(%arg0: i32) -> (i32, i32) {
    %c0_i32 = arith.constant 0 : i32
    %c0_i32_0 = arith.constant 0 : i32
    return %arg0, %c0_i32 : i32, i32
  }
  func.func @transform_2(%arg0: i32) -> (i32, i32) {
    %c0_i32 = arith.constant 0 : i32
    %c0_i32_0 = arith.constant 0 : i32
    %c0_i32_1 = arith.constant 0 : i32
    return %c0_i32, %c0_i32_0 : i32, i32
  }
  func.func @transform_3(%arg0: i32) -> (i32, i32) {
    %c0_i32 = arith.constant 0 : i32
    %c0_i32_0 = arith.constant 0 : i32
    return %arg0, %c0_i32 : i32, i32
  }
  func.func @transform_4(%arg0: i32) -> (i32, i32) {
    %c0_i32 = arith.constant 0 : i32
    %c0_i32_0 = arith.constant 0 : i32
    return %arg0, %c0_i32 : i32, i32
  }
  func.func @transform_5(%arg0: i32) -> (i32, i32) {
    %c0_i32 = arith.constant 0 : i32
    %c0_i32_0 = arith.constant 0 : i32
    %c0_i32_1 = arith.constant 0 : i32
    return %c0_i32, %c0_i32_0 : i32, i32
  }
  func.func @transform_6(%arg0: i32) -> (i32, i32) {
    %c0_i32 = arith.constant 0 : i32
    %c0_i32_0 = arith.constant 0 : i32
    return %arg0, %c0_i32 : i32, i32
  }
  func.func @transform_7(%arg0: i32) -> (i32, i32) {
    %c0_i32 = arith.constant 0 : i32
    %c0_i32_0 = arith.constant 0 : i32
    %c0_i32_1 = arith.constant 0 : i32
    return %c0_i32, %c0_i32_0 : i32, i32
  }
}

module attributes {stable_mosaic.version = 14 : i64} {
  func.func @_final_body(%arg0: i32, %arg1: memref<128x10000xf32, #tpu.memory_space<vmem>>, %arg2: memref<128x1xf32, #tpu.memory_space<vmem>>, %arg3: memref<1x1xf32, #tpu.memory_space<smem>>, %arg4: memref<128x1xf32, #tpu.memory_space<vmem>>, %arg5: memref<128x1xf32, #tpu.memory_space<vmem>>, %arg6: memref<1x1xf32, #tpu.memory_space<smem>>, %arg7: memref<10000x128xf32, #tpu.memory_space<vmem>>) attributes {dimension_semantics = [#tpu.dimension_semantics<arbitrary>], iteration_bounds = array<i64: 2>, scalar_prefetch = 0 : i64, scratch_operands = 0 : i64, tpu.core_type = #tpu.core_type<tc>, window_params = [{transform_indices = @transform_0, window_bounds = array<i64: 128, 10000>}, {transform_indices = @transform_1, window_bounds = array<i64: 128, 1>}, {transform_indices = @transform_2, window_bounds = array<i64: 1, 1>}, {transform_indices = @transform_3, window_bounds = array<i64: 128, 1>}, {transform_indices = @transform_4, window_bounds = array<i64: 128, 1>}, {transform_indices = @transform_5, window_bounds = array<i64: 1, 1>}, {transform_indices = @transform_6, window_bounds = array<i64: 10000, 128>}]} {
    %get3A = arith.constant 0 : index
    %get3A_0 = arith.constant 0 : index
    %get3A_1 = vector.load %arg1[%get3A, %get3A_0] : memref<128x10000xf32, #tpu.memory_space<vmem>>, vector<128x10000xf32>
    %get3A_2 = arith.constant 0 : index
    %get3A_3 = arith.constant 0 : index
    %get3A_4 = vector.load %arg2[%get3A_2, %get3A_3] : memref<128x1xf32, #tpu.memory_space<vmem>>, vector<128x1xf32>
    %get3A_5 = arith.constant 0 : index
    %get3A_6 = arith.constant 0 : index
    %get3A_7 = memref.load %arg3[%get3A_5, %get3A_6] : memref<1x1xf32, #tpu.memory_space<smem>>
    %get3A_8 = arith.constant 0 : index
    %get3A_9 = arith.constant 0 : index
    %get3A_10 = vector.load %arg4[%get3A_8, %get3A_9] : memref<128x1xf32, #tpu.memory_space<vmem>>, vector<128x1xf32>
    %get3A_11 = arith.constant 0 : index
    %get3A_12 = arith.constant 0 : index
    %get3A_13 = vector.load %arg5[%get3A_11, %get3A_12] : memref<128x1xf32, #tpu.memory_space<vmem>>, vector<128x1xf32>
    %get3A_14 = arith.constant 0 : index
    %get3A_15 = arith.constant 0 : index
    %get3A_16 = memref.load %arg6[%get3A_14, %get3A_15] : memref<1x1xf32, #tpu.memory_space<smem>>
    %add3A = vector.broadcast %get3A_4 : vector<128x1xf32> to vector<128x10000xf32>
    %add3A_17 = arith.addf %get3A_1, %add3A : vector<128x10000xf32>
    %gt3A = arith.constant 0.000000e+00 : f32
    %gt3A_18 = vector.broadcast %gt3A : f32 to vector<128x10000xf32>
    %gt3A_19 = arith.cmpf ogt, %add3A_17, %gt3A_18 : vector<128x10000xf32>
    %mul3A = vector.broadcast %get3A_7 : f32 to vector<128x10000xf32>
    %mul3A_20 = arith.mulf %mul3A, %add3A_17 : vector<128x10000xf32>
    %select_n3A = arith.select %gt3A_19, %add3A_17, %mul3A_20 : vector<128x10000xi1>, vector<128x10000xf32>
    %reduce_sum3A = arith.constant dense<0.000000e+00> : vector<128xf32>
    %reduce_sum3A_21 = vector.multi_reduction <add>, %select_n3A, %reduce_sum3A [1] : vector<128x10000xf32> to vector<128xf32>
    %broadcast_in_dim3A = vector.shape_cast %reduce_sum3A_21 : vector<128xf32> to vector<128x1xf32>
    %div3A = arith.constant 1.000000e+04 : f32
    %div3A_22 = vector.broadcast %div3A : f32 to vector<128x1xf32>
    %div3A_23 = arith.divf %broadcast_in_dim3A, %div3A_22 : vector<128x1xf32>
    %sub3A = vector.broadcast %div3A_23 : vector<128x1xf32> to vector<128x10000xf32>
    %sub3A_24 = arith.subf %select_n3A, %sub3A : vector<128x10000xf32>
    %mul3A_25 = arith.mulf %sub3A_24, %sub3A_24 : vector<128x10000xf32>
    %reduce_sum3A_26 = arith.constant dense<0.000000e+00> : vector<128xf32>
    %reduce_sum3A_27 = vector.multi_reduction <add>, %mul3A_25, %reduce_sum3A_26 [1] : vector<128x10000xf32> to vector<128xf32>
    %broadcast_in_dim3A_28 = vector.shape_cast %reduce_sum3A_27 : vector<128xf32> to vector<128x1xf32>
    %div3A_29 = arith.constant 1.000000e+04 : f32
    %div3A_30 = vector.broadcast %div3A_29 : f32 to vector<128x1xf32>
    %div3A_31 = arith.divf %broadcast_in_dim3A_28, %div3A_30 : vector<128x1xf32>
    %mul3A_32 = vector.broadcast %get3A_10 : vector<128x1xf32> to vector<128x10000xf32>
    %mul3A_33 = arith.mulf %mul3A_32, %sub3A_24 : vector<128x10000xf32>
    %add3A_34 = arith.constant 9.99999974E-6 : f32
    %add3A_35 = vector.broadcast %add3A_34 : f32 to vector<128x1xf32>
    %add3A_36 = arith.addf %div3A_31, %add3A_35 : vector<128x1xf32>
    %rsqrt3A = math.rsqrt %add3A_36 : vector<128x1xf32>
    %mul3A_37 = vector.broadcast %rsqrt3A : vector<128x1xf32> to vector<128x10000xf32>
    %mul3A_38 = arith.mulf %mul3A_33, %mul3A_37 : vector<128x10000xf32>
    %add3A_39 = vector.broadcast %get3A_13 : vector<128x1xf32> to vector<128x10000xf32>
    %add3A_40 = arith.addf %mul3A_38, %add3A_39 : vector<128x10000xf32>
    %gt3A_41 = arith.constant 0.000000e+00 : f32
    %gt3A_42 = vector.broadcast %gt3A_41 : f32 to vector<128x10000xf32>
    %gt3A_43 = arith.cmpf ogt, %add3A_40, %gt3A_42 : vector<128x10000xf32>
    %mul3A_44 = vector.broadcast %get3A_16 : f32 to vector<128x10000xf32>
    %mul3A_45 = arith.mulf %mul3A_44, %add3A_40 : vector<128x10000xf32>
    %select_n3A_46 = arith.select %gt3A_43, %add3A_40, %mul3A_45 : vector<128x10000xi1>, vector<128x10000xf32>
    %transpose3A = tpu.transpose %select_n3A_46, [1, 0] : vector<128x10000xf32> -> vector<10000x128xf32>
    %swap3A = arith.constant 0 : index
    %swap3A_47 = arith.constant 0 : index
    %swap3A_48 = vector.load %arg7[%swap3A, %swap3A_47] : memref<10000x128xf32, #tpu.memory_space<vmem>>, vector<10000x128xf32>
    tpu.vector_store %arg7[%swap3A, %swap3A_47], %transpose3A {strides = array<i32>} : memref<10000x128xf32, #tpu.memory_space<vmem>>, vector<10000x128xf32>,
    return
  }
  func.func @transform_0(%arg0: i32) -> (i32, i32) {
    %c0_i32 = arith.constant 0 : i32
    %c0_i32_0 = arith.constant 0 : i32
    return %arg0, %c0_i32 : i32, i32
  }
  func.func @transform_1(%arg0: i32) -> (i32, i32) {
    %c0_i32 = arith.constant 0 : i32
    %c0_i32_0 = arith.constant 0 : i32
    return %arg0, %c0_i32 : i32, i32
  }
  func.func @transform_2(%arg0: i32) -> (i32, i32) {
    %c0_i32 = arith.constant 0 : i32
    %c0_i32_0 = arith.constant 0 : i32
    %c0_i32_1 = arith.constant 0 : i32
    return %c0_i32, %c0_i32_0 : i32, i32
  }
  func.func @transform_3(%arg0: i32) -> (i32, i32) {
    %c0_i32 = arith.constant 0 : i32
    %c0_i32_0 = arith.constant 0 : i32
    return %arg0, %c0_i32 : i32, i32
  }
  func.func @transform_4(%arg0: i32) -> (i32, i32) {
    %c0_i32 = arith.constant 0 : i32
    %c0_i32_0 = arith.constant 0 : i32
    return %arg0, %c0_i32 : i32, i32
  }
  func.func @transform_5(%arg0: i32) -> (i32, i32) {
    %c0_i32 = arith.constant 0 : i32
    %c0_i32_0 = arith.constant 0 : i32
    %c0_i32_1 = arith.constant 0 : i32
    return %c0_i32, %c0_i32_0 : i32, i32
  }
  func.func @transform_6(%arg0: i32) -> (i32, i32) {
    %c0_i32 = arith.constant 0 : i32
    %c0_i32_0 = arith.constant 0 : i32
    return %c0_i32, %arg0 : i32, i32
  }
}

</mosaic_0001>

<sc_bundles>
// kernel: kernel.10.cloned.1.call-start
scs
__scs_entry_jumppad:
0x0: {  	(pc) =	sbr.rel $0x88, $3  }
0x1: {  	(tag) =	ssettag $0x0;
	lr =	simm.s32 $0x1  }
0x2: {  	[smem:$0x3F92] =	sst lr;
	_ =	strace $0xD0000000  }
0x3: {  	_ = 	snop  }
0x4: {  	_ = 	snop  }
0x5: {  	_ = 	snop  }
0x6: {  	_ = 	snop  }
0x7: {  	_ = 	snop  }
__scs_overlays_trampoline_lowered:
0x8: {  	[smem:$0x3FA1] =	sst s0  }
0x9: {  	[smem:$0x3FA2] =	sst s1  }
0xa: {  	[smem:$0x3FA3] =	sst s2  }
0xb: {  	[smem:$0x3FA4] =	sst s3  }
0xc: {  	[smem:$0x3FA5] =	sst s4  }
0xd: {  	[smem:$0x3FA6] =	sst s5  }
0xe: {  	[smem:$0x3FA7] =	sst s6  }
0xf: {  	[smem:$0x3FA8] =	sst s7  }
0x10: {  	[smem:$0x3FA9] =	sst s8  }
0x11: {  	[smem:$0x3FAA] =	sst s9;
	s0 =	simm.s32 @!p0 $0x0  }
0x12: {  	s1 =	sld [smem:$0x3F90];
	s0 =	simm.s32 @p0 $0x1  }
0x13: {  	[smem:$0x3FAB] =	sst s0;
	s0 =	simm.s32 @!p1 $0x0  }
0x14: {  	s2 =	sld [smem:$0x3F8F];
	s0 =	simm.s32 @p1 $0x1  }
0x15: {  	[smem:$0x3FAC] =	sst s0;
	s0 =	simm.s32 @!p2 $0x0  }
0x16: {  	s3 =	sld [smem:$0x3FDB];
	s0 =	simm.s32 @p2 $0x1  }
0x17: {  	s4 =	simm.s32 $0x1BF5;
	[smem:$0x3FAE] =	sst s0  }
0x18: {  	s0 =	sld [smem:$0x3F91];
	_ =	swait.ge [sflag:s4], $0x0  }
0x19: {  	s7 =	sld [smem:$0x3F92]  }
0x1a: {  	s8 =	sadd.s32 $0xFFFFE003, lr  }
0x1b: {  	s9 =	sadd.s32 $0xFFFFFEF7, lr;
	s5 =	simm.s32 $0xFFFFFFFF;
	p2 =	slt.u32 s8, $0xFFFFF086  }
0x1c: {  	p1 =	slt.u32 s9, $0xF7A;
	s5 =	simm.s32 @!p2 $0x0  }
0x1d: {  	s5 =	simm.s32 @p1 $0x1;
	p0 =	seq.s32 s7, s2  }
0x1e: {  	s7 =	smul.u32 @!p0 $0xF7A, s2;
	p2 =	seq.s32 @!p0 s5, $0x0  }
0x1f: {  	s9 =	smul.u32 $0xF7A, s1;
	s8 =	simm.s32 @!p0 $0x1BF5;
	p2 =	por !p2, p0  }
0x20: {  	[sflag:s8] =	ssyncset.s32 @!p0 $0xFFFFF086;
	s6 =	sadd.s32 @!p0 s3, s7;
	s7 =	simm.s32 @!p0 $0x108  }
0x21: {  	s3 =	sadd.s32 s3, s9;
	s6 =	sadd.s32 @!p0 $0x88, s6;
	s7 =	simm.s32 @p2 $0x1082  }
0x22: {  	[simem:s7], [sflag:s8] =	dma.local @!p0 [hbm:s6], $0xF7A  }
0x23: {  	s9 =	sor.u32 $0xD0000000, s2;
	s6 =	simm.s32 $0x108;
	_ =	swait.ge @!p0 [sflag:s8], $0x0  }
0x24: {  	s3 =	sadd.s32 $0x88, s3;
	s6 =	simm.s32 @!p1 $0x1082;
	[sflag:s4] =	ssyncset.s32 $0xFFFFF086  }
0x25: {  	[simem:s6], [sflag:s4] =	dma.local [hbm:s3], $0xF7A  }
0x26: {  	[smem:$0x3F92] =	sst s1;
	(tag) =	ssettag s2;
	_ =	strace s9  }
0x27: {  	s1 =	sld [smem:$0x3FA2]  }
0x28: {  	s2 =	sld [smem:$0x3FA3]  }
0x29: {  	s4 =	sld [smem:$0x3FA5]  }
0x2a: {  	p0 =	seq.s32 s5, $0x0;
	s5 =	sld [smem:$0x3FA6]  }
0x2b: {  	s6 =	sld [smem:$0x3FA7]  }
0x2c: {  	s7 =	sld [smem:$0x3FA8]  }
0x2d: {  	s3 =	simm.s32 $0x108;
	s8 =	sld [smem:$0x3FA9]  }
0x2e: {  	s3 =	simm.s32 @!p0 $0x1082;
	s9 =	sld [smem:$0x3FAA]  }
0x2f: {  	lr =	sadd.s32 s0, s3;
	s0 =	sld [smem:$0x3FA1]  }
0x30: {  	s3 =	sld [smem:$0x3FA4]  }
0x31: {  	[smem:$0x3FAD] =	sst s10  }
0x32: {  	s10 =	sld [smem:$0x3FAB];
	_ =	sdelay $0x3  }
0x33: {  	p0 =	seq.s32 s10, $0x1;
	s10 =	sld [smem:$0x3FAD];
	_ =	sdelay $0x3  }
0x34: {  	[smem:$0x3FAD] =	sst s10  }
0x35: {  	s10 =	sld [smem:$0x3FAC];
	_ =	sdelay $0x3  }
0x36: {  	p1 =	seq.s32 s10, $0x1;
	s10 =	sld [smem:$0x3FAD];
	_ =	sdelay $0x3  }
0x37: {  	[smem:$0x3FAD] =	sst s10  }
0x38: {  	s10 =	sld [smem:$0x3FAE]  }
0x39: {  	_ = 	snop;
	(pc) =	sbr.ind lr, $3  }
0x3a: {  	_ = 	snop  }
0x3b: {  	_ = 	snop  }
0x3c: {  	p2 =	seq.s32 s10, $0x1;
	s10 =	sld [smem:$0x3FAD]  }
0x3d: {  	_ =	shalt  }
0x3e: {  	_ =	shalt  }
0x3f: {  	_ =	shalt  }
0x40: {  	_ =	shalt  }
0x41: {  	_ =	shalt  }
0x42: {  	_ =	shalt  }
0x43: {  	_ =	shalt  }
0x44: {  	_ =	shalt  }
0x45: {  	_ =	shalt  }
0x46: {  	_ =	shalt  }
0x47: {  	_ =	shalt  }
0x48: {  	_ =	shalt  }
0x49: {  	_ =	shalt  }
0x4a: {  	_ =	shalt  }
0x4b: {  	_ =	shalt  }
0x4c: {  	_ =	shalt  }
0x4d: {  	_ =	shalt  }
0x4e: {  	_ =	shalt  }
0x4f: {  	_ =	shalt  }
0x50: {  	_ =	shalt  }
0x51: {  	_ =	shalt  }
0x52: {  	_ =	shalt  }
0x53: {  	_ =	shalt  }
0x54: {  	_ =	shalt  }
0x55: {  	_ =	shalt  }
0x56: {  	_ =	shalt  }
0x57: {  	_ =	shalt  }
0x58: {  	_ =	shalt  }
0x59: {  	_ =	shalt  }
0x5a: {  	_ =	shalt  }
0x5b: {  	_ =	shalt  }
0x5c: {  	_ =	shalt  }
0x5d: {  	_ =	shalt  }
0x5e: {  	_ =	shalt  }
0x5f: {  	_ =	shalt  }
0x60: {  	_ =	shalt  }
0x61: {  	_ =	shalt  }
0x62: {  	_ =	shalt  }
0x63: {  	_ =	shalt  }
0x64: {  	_ =	shalt  }
0x65: {  	_ =	shalt  }
0x66: {  	_ =	shalt  }
0x67: {  	_ =	shalt  }
0x68: {  	_ =	shalt  }
0x69: {  	_ =	shalt  }
0x6a: {  	_ =	shalt  }
0x6b: {  	_ =	shalt  }
0x6c: {  	_ =	shalt  }
0x6d: {  	_ =	shalt  }
0x6e: {  	_ =	shalt  }
0x6f: {  	_ =	shalt  }
0x70: {  	_ =	shalt  }
0x71: {  	_ =	shalt  }
0x72: {  	_ =	shalt  }
0x73: {  	_ =	shalt  }
0x74: {  	_ =	shalt  }
0x75: {  	_ =	shalt  }
0x76: {  	_ =	shalt  }
0x77: {  	_ =	shalt  }
0x78: {  	_ =	shalt  }
0x79: {  	_ =	shalt  }
0x7a: {  	_ =	shalt  }
0x7b: {  	_ =	shalt  }
0x7c: {  	_ =	shalt  }
0x7d: {  	_ =	shalt  }
0x7e: {  	_ =	shalt  }
0x7f: {  	_ =	shalt  }
0x80: {  	_ =	shalt  }
0x81: {  	_ =	shalt  }
0x82: {  	_ =	shalt  }
0x83: {  	_ =	shalt  }
0x84: {  	_ =	shalt  }
0x85: {  	_ =	shalt  }
0x86: {  	_ =	shalt  }
0x87: {  	_ =	shalt  }
.Lfunc_end0:
.L_simem_size_0:
called_computation.1_lowered:
.L_overlay_start_0:
0x88: {  	s2 =	sld [smem:$0x3FD9]  }
0x89: {  	s3 =	sld [smem:$0x3FFE];
	_ =	sdelay $0x1  }
0x8a: {  	s1 =	srdreg.scid  }
0x8b: {  	s0 =	sand.u32 $0x1, s1  }
0x8c: {  	s17 =	sshll.u32 s0, $0xA;
	s2 =	sadd.s32 s3, s2  }
0x8d: {  	s2 =	sadd.s32 s2, s17  }
0x8e: {  	[smem:$0x3FB9] =	sst s2  }
0x8f: {  	_ = 	snop  }
0x90: {  	s2 =	sld [smem:$0x3FD0];
	(tm) =	ssettm $0x1  }
0x91: {  	s18 =	sld [smem:$0x3FFB];
	_ =	sdelay $0x3  }
0x92: {  	_ =	strace s18  }
0x93: {  	s3 =	sld [smem:$0x3FFC];
	_ =	sdelay $0x3  }
0x94: {  	_ =	strace s3  }
0x95: {  	s3 =	sld [smem:$0x3FFD];
	_ =	sdelay $0x3  }
0x96: {  	_ =	strace s3  }
0x97: {  	_ =	strace $0x8FFFFFFF  }
0x98: {  	s19 =	sld [smem:$0x3FDB];
	_ =	sdelay $0x1  }
0x99: {  	s4 =	simm.s32 $_scs_section_size  }
0x9a: {  	s5 =	simm.s32 $_size__tile_overlayer_lowered;
	s6 =	simm.s32 $_tile_overlayer_lowered  }
0x9b: {  	s22 =	simm.s32 $0x1BFF;
	s21 =	sshll.u32 s6, $0x1;
	s3 =	sadd.s32 s4, s19  }
0x9c: {  	s7 =	simm.s32 $0x0;
	s20 =	sshll.u32 s5, $0x1;
	s5 =	sadd.s32 s21, s3  }
0x9d: {  	[timem:s7], [sflag:s22] =	dma.local [hbm:s5], s20  }
0x9e: {  	_ =	swait.ge [sflag:s22], s20  }
0x9f: {  	s4 =	ssub.s32 $0x0, s20;
	[sflag:s22] =	ssyncset.done $0x0  }
0xa0: {  	[sflag:s22] =	ssyncadd.s32 s4;
	_ =	sdelay $0x1  }
0xa1: {  	s23 =	simm.s32 $0x1B8B  }
0xa2: {  	_ =	swait.ge [sflag:s23], $0x1  }
0xa3: {  	[sflag:s23] =	ssyncset.done $0x0  }
0xa4: {  	s25 =	simm.s32 $0x1B8E;
	s24 =	sld [smem:$0x3FFE];
	[sflag:s23] =	ssyncadd.s32 $0xFFFFFFFF  }
0xa5: {  	s26 =	simm.s32 $execute0_lowered;
	[smem:$0x3FD2] =	sst s25  }
0xa6: {  	s5 =	sshll.u32 s26, $0x1;
	_ =	strace $0x80000049;
	[dreg:$0x1] =	wrdreg $0xFFFFFFFF  }
0xa7: {  	s28 =	simm.s32 $_size_execute0_lowered;
	s3 =	sadd.s32 s3, s5;
	[dreg:$0x0] =	wrdreg $0x0  }
0xa8: {  	s5 =	sshll.u32 s28, $0x1;
	[dreg:$0x2] =	wrdreg s3  }
0xa9: {  	[dreg:$0x3] =	wrdreg s5  }
0xaa: {  	[dreg:$0x4] =	wrdreg $0xC0  }
0xab: {  	_ =	task [dreg:s7], $0x5FFFF  }
0xac: {  	[dreg:$0x1] =	wrdreg $0xFFFFFFFF  }
0xad: {  	[dreg:$0x0] =	wrdreg $0x60  }
0xae: {  	[dreg:$0x2] =	wrdreg s2  }
0xaf: {  	[dreg:$0x3] =	wrdreg s24  }
0xb0: {  	[dreg:$0x4] =	wrdreg $0x9  }
0xb1: {  	_ =	task.clear_ibuf [dreg:s7], $0x5FFFF;
	_ =	strace $0x90000049  }
0xb2: {  	s29 =	simm.s32 $0x9;
	_ =	strace $0x8000004B  }
0xb3: {  	_ =	swait.ge [sflag:s29], $0x1  }
0xb4: {  	[sflag:s29] =	ssyncadd.s32 $0xFFFFFFFF  }
0xb5: {  	_ =	strace $0x9000004B  }
0xb6: {  	_ =	sfence  }
0xb7: {  	s30 =	sld [smem:$0x0];
	_ =	sdelay $0x2  }
0xb8: {  	s31 =	sshll.u32 s1, $0xD;
	s1 =	sshrl.u32 s1, $0x2  }
0xb9: {  	s3 =	sand.u32 $0x4000, s31;
	s1 =	sadd.s32 s1, s30  }
0xba: {  	s0 =	sor.u32 s3, s0;
	s1 =	sshll.u32 s1, $0x11  }
0xbb: {  	s0 =	sor.u32 s1, s0  }
0xbc: {  	s0 =	sadd.s32 $0x8F2B, s0  }
0xbd: {  	[sflag:s0] =	ssyncadd.remote.s32 $0x1  }
0xbe: {  	_ =	sfence.sel $0xFFFF  }
0xbf: {  	[dreg:$0x0] =	wrdreg $0xFFFFFFFF;
	(pc) =	sbr.abs _section_cstart, $3  }
0xc0: {  	[dreg:$0x1] =	wrdreg $0xFFFFFFFF  }
0xc1: {  	_ =	task.clear_ibuf [dreg:s7], $0x2FFFF;
	_ =	strace $0x9FFFFFFF  }
0xc2: {  	(tm) =	ssettm $0x7FFFFFFF  }
0xc3: {  	_ =	shalt  }
tec
execute0_lowered:
.L_overlay_start_1:
0x0: {  	(tag) =	ssettag $0x1  }
0x1: {  	s0 =	rddreg [dreg:$0x0]  }
0x2: {  	s1 =	rddreg [dreg:$0x1];
	s2 =	simm.s32 $0x0;
	s3 =	srdreg.scid  }
0x3: {  	s9 =	stileid.u32;
	s28 =	simm.s32 $0x13C00;
	s29 =	simm.s32 $0xC580  }
0x4: {  	s30 =	simm.s32 $0x16380;
	s31 =	simm.s32 $0xED00;
	[smem:$0x7FF] =	sst s2  }
0x5: {  	s4 =	sand.u32 $0x1, s3;
	s5 =	smul.u32 $0x13C00, s9;
	s3 =	sadd.s32 $0x2200, s1  }
0x6: {  	s1 =	sadd.s32 $0xC000, s1;
	s24 =	sshll.u32 s9, $0x3;
	_ =	strace $0x8000004A  }
0x7: {  	s6 =	ssub.s32 $0x2, s4;
	s7 =	sshll.u32 s4, $0x9;
	s4 =	sshll.u32 s4, $0x2  }
0x8: {  	s8 =	sshrl.u32 s6, $0x1;
	s5 =	sor.u32 s7, s5;
	s4 =	sor.u32 s4, s24  }
0x9: {  	s25 =	sshrl.u32 s5, $0x3;
	s6 =	ssub.s32 s6, s8;
	s11 =	sor.u32 $0x81, s4  }
0xa: {  	s16 =	sadd.s32 $0x13C000, s5;
	s19 =	sor.u32 $0x82, s4;
	s4 =	sor.u32 $0x83, s4  }
0xb: {  	s8 =	simm.s32 $0x80;
	s26 =	sor.u32 $0x10, s25;
	s12 =	sadd.s32 s0, s25  }
0xc: {  	s14 =	sor.u32 $0x20, s25;
	s15 =	sor.u32 $0x30, s25;
	s17 =	sshrl.u32 s11, $0x3  }
0xd: {  	s11 =	sshll.u32 s11, $0x7;
	s9 =	sadd.s32 s1, s25;
	s20 =	sshrl.u32 s19, $0x3  }
0xe: {  	s21 =	sshrl.u32 s4, $0x3;
	s4 =	sshll.u32 s4, $0x7;
	[dreg:$0x3] =	wrdreg s12  }
0xf: {  	s13 =	sadd.s32 s0, s26;
	s10 =	sadd.s32 s0, s14;
	[dreg:$0x7] =	wrdreg s9  }
0x10: {  	s0 =	sadd.s32 s0, s15;
	s5 =	smul.u32 $0x13C00, s17;
	[dreg:$0x4] =	wrdreg s13  }
0x11: {  	s18 =	sand.u32 $0x280, s11;
	s7 =	sadd.s32 s1, s26;
	[dreg:$0x5] =	wrdreg s10  }
0x12: {  	s9 =	smul.u32 $0x13C00, s21;
	s4 =	sand.u32 $0x380, s4;
	[dreg:$0x6] =	wrdreg s0  }
0x13: {  	s23 =	sadd.s32 s1, s14;
	s24 =	sadd.s32 s1, s15;
	[dreg:$0x9] =	wrdreg s7  }
0x14: {  	s26 =	smax.u32 s6, $0x1;
	s21 =	simm.s32 $0x4F00;
	[dreg:$0xb] =	wrdreg s23  }
0x15: {  	s6 =	simm.s32 $0x0;
	s0 =	sshrl.u32 s16, $0x3;
	[dreg:$0xd] =	wrdreg s24  }
0x16: {  	s7 =	smul.u32 $0x13C00, s20;
	[dreg:$0xf] =	wrdreg s26;
	s20 =	simm.s32 $0x2780  }
0x17: {  	s23 =	simm.s32 $0x1DA00;
	s24 =	simm.s32 $0x1E400;
	s26 =	simm.s32 $0x9E00  }
0x18: {  	s0 =	sadd.s32 s1, s0;
	s4 =	sor.u32 s4, s9;
	s9 =	simm.s32 $0x400  }
0x19: {  	[dreg:$0x8] =	wrdreg s0;
	s0 =	sor.u32 s18, s5;
	s5 =	sshll.u32 s19, $0x7  }
0x1a: {  	s25 =	sshrl.u32 s4, $0x3;
	s0 =	sshrl.u32 s0, $0x3;
	s5 =	sand.u32 $0x300, s5  }
0x1b: {  	s19 =	simm.s32 $0x3;
	s0 =	sadd.s32 s1, s0;
	s22 =	sor.u32 s5, s7  }
0x1c: {  	s4 =	simm.s32 $0x1B280;
	[dreg:$0xa] =	wrdreg s0;
	s0 =	sshrl.u32 s22, $0x3  }
0x1d: {  	s5 =	simm.s32 $0x2;
	s22 =	simm.s32 $0x7680;
	s0 =	sadd.s32 s1, s0  }
0x1e: {  	[dreg:$0xc] =	wrdreg s0;
	s0 =	sadd.s32 s1, s25;
	s25 =	simm.s32 $0x1  }
0x1f: {  	v0 =	vimm.f32 $0.0e+00;
	s1 =	simm.s32 $0x11480;
	[dreg:$0xe] =	wrdreg s0;
	s0 =	simm.s32 $0x18B00  }
.LBB2_1:
0x20: {  	s7 =	rddreg [dreg:$0x3]  }
0x21: {  	[tilespmem:s2], [sflag:$0x3] =	stream.strided.gather [hbm4b:s7+s8], $0x2780, s9, s8, $0x38;
	[tilespmem:$0x1EE00] =	vst v63  }
0x22: {  	_ =	swait.ge [sflag:s19], $0x2780  }
0x23: {  	[sflag:s19] =	ssyncset.done $0x0  }
0x24: {  	s16 =	rddreg [dreg:$0x4];
	[sflag:s19] =	ssyncadd.s32 $0xFFFFD880  }
0x25: {  	[tilespmem:s20], [sflag:$0x3] =	stream.strided.gather [hbm4b:s16+s8], $0x2780, s9, s8, $0x38;
	[tilespmem:$0x1EE00] =	vst v63  }
0x26: {  	_ =	swait.ge [sflag:s19], $0x2780  }
0x27: {  	[sflag:s19] =	ssyncset.done $0x0  }
0x28: {  	s17 =	rddreg [dreg:$0x5];
	[sflag:s19] =	ssyncadd.s32 $0xFFFFD880  }
0x29: {  	[tilespmem:s21], [sflag:$0x3] =	stream.strided.gather [hbm4b:s17+s8], $0x2780, s9, s8, $0x38;
	[tilespmem:$0x1EE00] =	vst v63  }
0x2a: {  	_ =	swait.ge [sflag:s19], $0x2780  }
0x2b: {  	[sflag:s19] =	ssyncset.done $0x0  }
0x2c: {  	s18 =	rddreg [dreg:$0x6];
	[sflag:s19] =	ssyncadd.s32 $0xFFFFD880  }
0x2d: {  	[tilespmem:s22], [sflag:$0x3] =	stream.strided.gather [hbm4b:s18+s8], $0x2780, s9, s8, $0x38;
	[tilespmem:$0x1EE00] =	vst v63  }
0x2e: {  	_ =	swait.ge [sflag:s19], $0x2780  }
0x2f: {  	[sflag:s19] =	ssyncset.done $0x0  }
0x30: {  	s7 =	simm.s32 $0x9E20;
	[sflag:s19] =	ssyncadd.s32 $0xFFFFD880  }
0x31: {  	s8 =	simm.s32 $0xC5A0;
	[tilespmem:s7+$0xFFFFFFE0] =	vst v0  }
0x32: {  	s10 =	simm.s32 $0xED20;
	[tilespmem:s8+$0xFFFFFFE0] =	vst v0  }
0x33: {  	s11 =	simm.s32 $0x114A0;
	[tilespmem:s10+$0xFFFFFFE0] =	vst v0  }
0x34: {  	s12 =	simm.s32 $0x13C20;
	[tilespmem:s11+$0xFFFFFFE0] =	vst v0  }
0x35: {  	s13 =	simm.s32 $0x163A0;
	[tilespmem:s12+$0xFFFFFFE0] =	vst v0  }
0x36: {  	s14 =	simm.s32 $0x18B20;
	[tilespmem:s13+$0xFFFFFFE0] =	vst v0  }
0x37: {  	s9 =	simm.s32 $0x1B2A0;
	[tilespmem:s14+$0xFFFFFFE0] =	vst v0  }
0x38: {  	[tilespmem:s9+$0xFFFFFFE0] =	vst v0  }
0x39: {  	[tilespmem:s7+$0xFFFFFFF0] =	vst v0  }
0x3a: {  	[tilespmem:s8+$0xFFFFFFF0] =	vst v0  }
0x3b: {  	[tilespmem:s10+$0xFFFFFFF0] =	vst v0  }
0x3c: {  	[tilespmem:s11+$0xFFFFFFF0] =	vst v0  }
0x3d: {  	[tilespmem:s12+$0xFFFFFFF0] =	vst v0  }
0x3e: {  	[tilespmem:s13+$0xFFFFFFF0] =	vst v0  }
0x3f: {  	[tilespmem:s14+$0xFFFFFFF0] =	vst v0  }
0x40: {  	[tilespmem:s9+$0xFFFFFFF0] =	vst v0  }
0x41: {  	[tilespmem:s7+$0x0] =	vst v0  }
0x42: {  	[tilespmem:s8+$0x0] =	vst v0  }
0x43: {  	[tilespmem:s10+$0x0] =	vst v0  }
0x44: {  	[tilespmem:s11+$0x0] =	vst v0  }
0x45: {  	[tilespmem:s12+$0x0] =	vst v0  }
0x46: {  	[tilespmem:s13+$0x0] =	vst v0  }
0x47: {  	[tilespmem:s14+$0x0] =	vst v0  }
0x48: {  	[tilespmem:s9+$0x0] =	vst v0  }
0x49: {  	[tilespmem:s7+$0x10] =	vst v0  }
0x4a: {  	[tilespmem:s8+$0x10] =	vst v0  }
0x4b: {  	[tilespmem:s10+$0x10] =	vst v0  }
0x4c: {  	[tilespmem:s11+$0x10] =	vst v0  }
0x4d: {  	[tilespmem:s12+$0x10] =	vst v0  }
0x4e: {  	[tilespmem:s13+$0x10] =	vst v0  }
0x4f: {  	[tilespmem:s14+$0x10] =	vst v0  }
0x50: {  	[tilespmem:s9+$0x10] =	vst v0  }
0x51: {  	[tilespmem:s7+$0x20] =	vst v0  }
0x52: {  	[tilespmem:s8+$0x20] =	vst v0  }
0x53: {  	[tilespmem:s10+$0x20] =	vst v0  }
0x54: {  	[tilespmem:s11+$0x20] =	vst v0  }
0x55: {  	s15 =	simm.s32 $0x114F0;
	[tilespmem:s12+$0x20] =	vst v0  }
0x56: {  	s16 =	simm.s32 $0x13C70;
	s10 =	simm.s32 $0x0;
	s11 =	simm.s32 $0x163F0;
	[tilespmem:s13+$0x20] =	vst v0  }
0x57: {  	s12 =	simm.s32 $0x18B70;
	s13 =	simm.s32 $0x1B2F0;
	[tilespmem:s14+$0x20] =	vst v0;
	s14 =	simm.s32 $0xED70  }
.LBB2_2:
0x58: {  	s10 =	sadd.s32 $0x5, s10;
	[tilespmem:s9+$0x20] =	vst v0;
	s7 =	sadd.s32 $0x50, s7;
	s8 =	sadd.s32 $0x50, s8  }
0x59: {  	s17 =	smov.u32 s12;
	s9 =	smov.u32 s13;
	[tilespmem:s7+$0xFFFFFFE0] =	vst v0;
	p0 =	slt.u32 s10, $0x26C  }
0x5a: {  	[tilespmem:s8+$0xFFFFFFE0] =	vst v0  }
0x5b: {  	[tilespmem:s14+$0xFFFFFFE0] =	vst v0  }
0x5c: {  	[tilespmem:s15+$0xFFFFFFE0] =	vst v0  }
0x5d: {  	[tilespmem:s16+$0xFFFFFFE0] =	vst v0  }
0x5e: {  	[tilespmem:s11+$0xFFFFFFE0] =	vst v0  }
0x5f: {  	[tilespmem:s12+$0xFFFFFFE0] =	vst v0  }
0x60: {  	[tilespmem:s13+$0xFFFFFFE0] =	vst v0  }
0x61: {  	[tilespmem:s7+$0xFFFFFFF0] =	vst v0  }
0x62: {  	[tilespmem:s8+$0xFFFFFFF0] =	vst v0  }
0x63: {  	[tilespmem:s14+$0xFFFFFFF0] =	vst v0  }
0x64: {  	[tilespmem:s15+$0xFFFFFFF0] =	vst v0  }
0x65: {  	[tilespmem:s16+$0xFFFFFFF0] =	vst v0  }
0x66: {  	[tilespmem:s11+$0xFFFFFFF0] =	vst v0  }
0x67: {  	[tilespmem:s12+$0xFFFFFFF0] =	vst v0  }
0x68: {  	[tilespmem:s13+$0xFFFFFFF0] =	vst v0  }
0x69: {  	[tilespmem:s7+$0x0] =	vst v0  }
0x6a: {  	[tilespmem:s8+$0x0] =	vst v0  }
0x6b: {  	[tilespmem:s14+$0x0] =	vst v0  }
0x6c: {  	[tilespmem:s15+$0x0] =	vst v0  }
0x6d: {  	[tilespmem:s16+$0x0] =	vst v0  }
0x6e: {  	[tilespmem:s11+$0x0] =	vst v0  }
0x6f: {  	[tilespmem:s12+$0x0] =	vst v0  }
0x70: {  	[tilespmem:s13+$0x0] =	vst v0  }
0x71: {  	[tilespmem:s7+$0x10] =	vst v0  }
0x72: {  	[tilespmem:s8+$0x10] =	vst v0  }
0x73: {  	[tilespmem:s14+$0x10] =	vst v0  }
0x74: {  	[tilespmem:s15+$0x10] =	vst v0  }
0x75: {  	[tilespmem:s16+$0x10] =	vst v0  }
0x76: {  	[tilespmem:s11+$0x10] =	vst v0  }
0x77: {  	[tilespmem:s12+$0x10] =	vst v0  }
0x78: {  	[tilespmem:s13+$0x10] =	vst v0  }
0x79: {  	[tilespmem:s7+$0x20] =	vst v0  }
0x7a: {  	[tilespmem:s8+$0x20] =	vst v0  }
.Ltmp0:
0x7b: {  	[tilespmem:s14+$0x20] =	vst v0;
	(pc) =	sbr.rel @p0 .LBB2_2-.Ltmp0, $4  }
0x7c: {  	[tilespmem:s15+$0x20] =	vst v0  }
0x7d: {  	[tilespmem:s16+$0x20] =	vst v0  }
0x7e: {  	s12 =	sadd.s32 $0x50, s12;
	s13 =	sadd.s32 $0x50, s13;
	[tilespmem:s11+$0x20] =	vst v0;
	s11 =	sadd.s32 $0x50, s11  }
0x7f: {  	s14 =	sadd.s32 $0x50, s14;
	s15 =	sadd.s32 $0x50, s15;
	s16 =	sadd.s32 $0x50, s16;
	[tilespmem:s17+$0x20] =	vst v0  }
0x80: {  	[tilespmem:s9+$0x20] =	vst v0;
	s7 =	simm.s32 $0x0;
	s8 =	simm.s32 $0x0  }
0x81: {  	[tilespmem:s23], [sflag:$0x1] =	stream.linear.gather [hbm4b:s3+s7], $0xA00, $0x38;
	[tilespmem:$0x1EE00] =	vst v63  }
.LBB2_4:
0x82: {  	s9 =	smul.u32 $0x1400, s8;
	_ =	sdelay $0x1  }
0x83: {  	s9 =	sshrl.u32 s9, $0x3  }
0x84: {  	s9 =	sadd.s32 s3, s9  }
0x85: {  	s10 =	sadd.s32 $0x140, s9  }
0x86: {  	[tilespmem:s24], [sflag:$0x2] =	stream.linear.gather [hbm4b:s10+s7], $0xA00, $0x38;
	[tilespmem:$0x1EE00] =	vst v63  }
0x87: {  	s16 =	sand.u32 $0x40, s7;
	s11 =	sand.u32 $0xF00, s7;
	_ =	swait.ge [sflag:s25], $0xA00  }
0x88: {  	p0 =	por $0x0, $0x0;
	s10 =	sor.u32 s16, s11;
	[sflag:s25] =	ssyncset.done $0x0  }
0x89: {  	s12 =	simm.s32 $0x1;
	s11 =	sadd.s32 $0x1DA00, s10;
	[sflag:s25] =	ssyncadd.s32 $0xFFFFF600  }
0x8a: {  	s12 =	simm.s32 @!p0 $0x0;
	v4 =	vld [tilespmem:s11+$0x20]  }
0x8b: {  	s12 =	sshll.u32 s12, $0x6  }
0x8c: {  	s17 =	sadd.s32 $0x0, s12;
	v17 =	vld [tilespmem:s10+$0x1DA00]  }
0x8d: {  	s12 =	sadd.s32 $0x30, s17;
	v13 =	vld [tilespmem:s11+$0x10]  }
0x8e: {  	s13 =	sadd.s32 $0x20, s17;
	s12 =	sor.u32 $0x80, s12  }
0x8f: {  	s13 =	sor.u32 $0x80, s13;
	v1 =	vld [tilespmem:s12+$0x1DA00];
	v19 =	vand.u32 $0xFFFF, v4  }
0x90: {  	s18 =	sadd.s32 $0x10, s17;
	v2 =	vld [tilespmem:s13+$0x1DA00]  }
0x91: {  	s12 =	sor.u32 $0x80, s18;
	v3 =	vld [tilespmem:s11+$0x30];
	v5 =	vand.u32 $0xFFFF, v17  }
0x92: {  	s10 =	sor.u32 $0x80, s17;
	v6 =	vld [tilespmem:s12+$0x1DA00];
	v20 =	vand.u32 $0xFFFF, v13  }
0x93: {  	v16 =	vld [tilespmem:s10+$0x1DA00]  }
0x94: {  	v32 =	vld.idx.msk [tilespmem:v19+s20+$0x0], $0xffff  }
0x95: {  	v7 =	vld.idx.msk [tilespmem:v19+s22+$0x0], $0xffff  }
0x96: {  	v10 =	vld.idx.msk [tilespmem:v5+s22+$0x0], $0xffff  }
0x97: {  	v24 =	vand.u32 $0xFFFF, v3;
	v12 =	vld.idx.msk [tilespmem:v20+s22+$0x0], $0xffff  }
0x98: {  	v21 =	vld.idx.msk [tilespmem:v19+s2+$0x0], $0xffff  }
0x99: {  	v26 =	vld.idx.msk [tilespmem:v5+s21+$0x0], $0xffff  }
0x9a: {  	v30 =	vld.idx.msk [tilespmem:v5+s20+$0x0], $0xffff  }
0x9b: {  	v27 =	vld.idx.msk [tilespmem:v5+s2+$0x0], $0xffff;
	v8 =	vand.u32 $0xFFFF0000, v32;
	v5 =	vshll.u32 v7, $0x10;
	v9 =	vand.u32 $0xFFFF0000, v7  }
0x9c: {  	v18 =	vld.idx.msk [tilespmem:v24+s2+$0x0], $0xffff;
	v22 =	vshll.u32 v10, $0x10;
	v23 =	vand.u32 $0xFFFF0000, v10;
	v15 =	vshll.u32 v12, $0x10  }
0x9d: {  	v11 =	vld.idx.msk [tilespmem:v24+s21+$0x0], $0xffff;
	v14 =	vand.u32 $0xFFFF0000, v12;
	v12 =	vshll.u32 v21, $0x10;
	v10 =	vand.u32 $0xFFFF0000, v21  }
0x9e: {  	v25 =	vld.idx.msk [tilespmem:v20+s21+$0x0], $0xffff;
	v21 =	vshrl.u32 v17, $0x10;
	v29 =	vshll.u32 v26, $0x10;
	v28 =	vand.u32 $0xFFFF0000, v26  }
0x9f: {  	v31 =	vshll.u32 v30, $0x10;
	v7 =	vmul.f32 v5, v2;
	v5 =	vmul.f32 v9, v2;
	v9 =	vld.idx.msk [tilespmem:v24+s22+$0x0], $0xffff  }
0xa0: {  	p0 =	por !p0, !p0;
	s13 =	simm.s32 $0x40;
	s10 =	simm.s32 $0x80;
	v26 =	vld.idx.msk [tilespmem:v20+s20+$0x0], $0xffff;
	v30 =	vand.u32 $0xFFFF0000, v30;
	v17 =	vshll.u32 v32, $0x10;
	v8 =	vmul.f32 v8, v2  }
.LBB2_5:
0xa1: {  	s11 =	smov.u32 s13  }
0xa2: {  	s12 =	sand.u32 $0x40, s13;
	s14 =	sand.u32 $0xF00, s10;
	v19 =	vld.idx.msk [tilespmem:v19+s21+$0x0], $0xffff;
	v32 =	vshll.u32 v27, $0x10;
	s11 =	sadd.s32 $0x40, s13  }
0xa3: {  	p1 =	sne.s32 s13, $0x4C0;
	v27 =	vand.u32 $0xFFFF0000, v27;
	v33 =	vshll.u32 v18, $0x10;
	s12 =	sor.u32 s12, s14;
	v32 =	vmul.f32 v32, v16;
	v24 =	vld.idx.msk [tilespmem:v24+s20+$0x0], $0xffff  }
0xa4: {  	v18 =	vand.u32 $0xFFFF0000, v18;
	v27 =	vmul.f32 v27, v16;
	v34 =	vshll.u32 v9, $0x10;
	v20 =	vld.idx.msk [tilespmem:v20+s2+$0x0], $0xffff  }
0xa5: {  	v13 =	vshrl.u32 v13, $0x10;
	v31 =	vmul.f32 v31, v16;
	[tilespmem:v21+s26+$0x0] =	vst.idx.add.f32.msk $0xffff, v32;
	v32 =	vshll.u32 v11, $0x10  }
0xa6: {  	[tilespmem:v21+s28+$0x0] =	vst.idx.add.f32.msk $0xffff, v27;
	v27 =	vmul.f32 v30, v16;
	v30 =	vshll.u32 v25, $0x10;
	v25 =	vand.u32 $0xFFFF0000, v25  }
0xa7: {  	v29 =	vmul.f32 v29, v16;
	[tilespmem:v21+s29+$0x0] =	vst.idx.add.f32.msk $0xffff, v31;
	v31 =	vshll.u32 v26, $0x10;
	v26 =	vand.u32 $0xFFFF0000, v26  }
0xa8: {  	[tilespmem:v21+s30+$0x0] =	vst.idx.add.f32.msk $0xffff, v27;
	v27 =	vmul.f32 v28, v16;
	v28 =	vshll.u32 v19, $0x10;
	v19 =	vand.u32 $0xFFFF0000, v19  }
0xa9: {  	v22 =	vmul.f32 v22, v16;
	v16 =	vmul.f32 v23, v16;
	v23 =	vshll.u32 v24, $0x10;
	[tilespmem:v21+s31+$0x0] =	vst.idx.add.f32.msk $0xffff, v29  }
0xaa: {  	s13 =	sadd.s32 $0x1DA00, s12;
	v24 =	vand.u32 $0xFFFF0000, v24;
	[tilespmem:v21+s0+$0x0] =	vst.idx.add.f32.msk $0xffff, v27;
	v27 =	vshll.u32 v20, $0x10;
	v20 =	vand.u32 $0xFFFF0000, v20  }
0xab: {  	v11 =	vand.u32 $0xFFFF0000, v11;
	[tilespmem:v21+s1+$0x0] =	vst.idx.add.f32.msk $0xffff, v22;
	v22 =	vmul.f32 v27, v6;
	v27 =	vmul.f32 v32, v1  }
0xac: {  	v9 =	vand.u32 $0xFFFF0000, v9;
	v11 =	vmul.f32 v11, v1;
	[tilespmem:v21+s4+$0x0] =	vst.idx.add.f32.msk $0xffff, v16;
	v16 =	vmul.f32 v20, v6  }
0xad: {  	v20 =	vmul.f32 v31, v6;
	v21 =	vmul.f32 v34, v1;
	[tilespmem:v13+s26+$0x0] =	vst.idx.add.f32.msk $0xffff, v22  }
0xae: {  	v9 =	vmul.f32 v9, v1;
	[tilespmem:v13+s28+$0x0] =	vst.idx.add.f32.msk $0xffff, v16;
	v16 =	vmul.f32 v26, v6  }
0xaf: {  	[tilespmem:v13+s29+$0x0] =	vst.idx.add.f32.msk $0xffff, v20;
	v20 =	vmul.f32 v30, v6  }
0xb0: {  	v4 =	vshrl.u32 v4, $0x10;
	[tilespmem:v13+s30+$0x0] =	vst.idx.add.f32.msk $0xffff, v16;
	v16 =	vmul.f32 v25, v6  }
0xb1: {  	v15 =	vmul.f32 v15, v6;
	v17 =	vmul.f32 v17, v2;
	[tilespmem:v13+s31+$0x0] =	vst.idx.add.f32.msk $0xffff, v20  }
0xb2: {  	v6 =	vmul.f32 v14, v6;
	[tilespmem:v13+s0+$0x0] =	vst.idx.add.f32.msk $0xffff, v16  }
0xb3: {  	v12 =	vmul.f32 v12, v2;
	[tilespmem:v13+s1+$0x0] =	vst.idx.add.f32.msk $0xffff, v15  }
0xb4: {  	[tilespmem:v13+s4+$0x0] =	vst.idx.add.f32.msk $0xffff, v6;
	v6 =	vmul.f32 v10, v2  }
0xb5: {  	[tilespmem:v4+s26+$0x0] =	vst.idx.add.f32.msk $0xffff, v12  }
0xb6: {  	[tilespmem:v4+s28+$0x0] =	vst.idx.add.f32.msk $0xffff, v6  }
0xb7: {  	v6 =	vmul.f32 v28, v2;
	[tilespmem:v4+s29+$0x0] =	vst.idx.add.f32.msk $0xffff, v17  }
0xb8: {  	v3 =	vshrl.u32 v3, $0x10;
	v2 =	vmul.f32 v19, v2;
	[tilespmem:v4+s30+$0x0] =	vst.idx.add.f32.msk $0xffff, v8  }
0xb9: {  	[tilespmem:v4+s31+$0x0] =	vst.idx.add.f32.msk $0xffff, v6  }
0xba: {  	[tilespmem:v4+s0+$0x0] =	vst.idx.add.f32.msk $0xffff, v2  }
0xbb: {  	v2 =	vmul.f32 v33, v1;
	[tilespmem:v4+s1+$0x0] =	vst.idx.add.f32.msk $0xffff, v7  }
0xbc: {  	[tilespmem:v4+s4+$0x0] =	vst.idx.add.f32.msk $0xffff, v5;
	v4 =	vmul.f32 v18, v1  }
0xbd: {  	[tilespmem:v3+s26+$0x0] =	vst.idx.add.f32.msk $0xffff, v2  }
0xbe: {  	v2 =	vmul.f32 v23, v1;
	[tilespmem:v3+s28+$0x0] =	vst.idx.add.f32.msk $0xffff, v4  }
0xbf: {  	v1 =	vmul.f32 v24, v1;
	v17 =	vld [tilespmem:s12+$0x1DA00]  }
0xc0: {  	[tilespmem:v3+s29+$0x0] =	vst.idx.add.f32.msk $0xffff, v2  }
0xc1: {  	[tilespmem:v3+s30+$0x0] =	vst.idx.add.f32.msk $0xffff, v1  }
0xc2: {  	s12 =	simm.s32 $0x1;
	[tilespmem:v3+s31+$0x0] =	vst.idx.add.f32.msk $0xffff, v27  }
0xc3: {  	s12 =	simm.s32 @!p0 $0x0;
	v4 =	vld [tilespmem:s13+$0x20]  }
0xc4: {  	s12 =	sshll.u32 s12, $0x6;
	[tilespmem:v3+s0+$0x0] =	vst.idx.add.f32.msk $0xffff, v11  }
0xc5: {  	s12 =	sadd.s32 s12, s10;
	[tilespmem:v3+s1+$0x0] =	vst.idx.add.f32.msk $0xffff, v21  }
0xc6: {  	s14 =	sadd.s32 $0x10, s12;
	s15 =	sadd.s32 $0x20, s12;
	s16 =	sadd.s32 $0x30, s12;
	v13 =	vld [tilespmem:s13+$0x10]  }
0xc7: {  	s16 =	sor.u32 $0x80, s16;
	[tilespmem:v3+s4+$0x0] =	vst.idx.add.f32.msk $0xffff, v9  }
0xc8: {  	s15 =	sor.u32 $0x80, s15;
	v19 =	vand.u32 $0xFFFF, v4;
	v1 =	vld [tilespmem:s16+$0x1DA00]  }
0xc9: {  	v2 =	vld [tilespmem:s15+$0x1DA00]  }
0xca: {  	v5 =	vand.u32 $0xFFFF, v17;
	s14 =	sor.u32 $0x80, s14;
	v3 =	vld [tilespmem:s13+$0x30]  }
0xcb: {  	s12 =	sor.u32 $0x80, s12;
	v6 =	vld [tilespmem:s14+$0x1DA00];
	v20 =	vand.u32 $0xFFFF, v13  }
0xcc: {  	v16 =	vld [tilespmem:s12+$0x1DA00]  }
0xcd: {  	v32 =	vld.idx.msk [tilespmem:v19+s20+$0x0], $0xffff  }
0xce: {  	v7 =	vld.idx.msk [tilespmem:v19+s22+$0x0], $0xffff  }
0xcf: {  	v10 =	vld.idx.msk [tilespmem:v5+s22+$0x0], $0xffff;
	v24 =	vand.u32 $0xFFFF, v3  }
0xd0: {  	v12 =	vld.idx.msk [tilespmem:v20+s22+$0x0], $0xffff  }
0xd1: {  	v21 =	vld.idx.msk [tilespmem:v19+s2+$0x0], $0xffff  }
0xd2: {  	v26 =	vld.idx.msk [tilespmem:v5+s21+$0x0], $0xffff  }
0xd3: {  	v8 =	vand.u32 $0xFFFF0000, v32;
	v30 =	vld.idx.msk [tilespmem:v5+s20+$0x0], $0xffff  }
0xd4: {  	v8 =	vmul.f32 v8, v2;
	v9 =	vand.u32 $0xFFFF0000, v7;
	v27 =	vld.idx.msk [tilespmem:v5+s2+$0x0], $0xffff;
	v5 =	vshll.u32 v7, $0x10  }
.Ltmp1:
0xd5: {  	v18 =	vld.idx.msk [tilespmem:v24+s2+$0x0], $0xffff;
	v7 =	vmul.f32 v5, v2;
	v5 =	vmul.f32 v9, v2;
	(pc) =	sbr.rel @p1 .LBB2_5-.Ltmp1, $4  }
0xd6: {  	v22 =	vshll.u32 v10, $0x10;
	v23 =	vand.u32 $0xFFFF0000, v10;
	v15 =	vshll.u32 v12, $0x10;
	v9 =	vld.idx.msk [tilespmem:v24+s22+$0x0], $0xffff  }
0xd7: {  	v14 =	vand.u32 $0xFFFF0000, v12;
	v12 =	vshll.u32 v21, $0x10;
	v10 =	vand.u32 $0xFFFF0000, v21;
	v11 =	vld.idx.msk [tilespmem:v24+s21+$0x0], $0xffff  }
0xd8: {  	v21 =	vshrl.u32 v17, $0x10;
	v29 =	vshll.u32 v26, $0x10;
	v28 =	vand.u32 $0xFFFF0000, v26;
	v25 =	vld.idx.msk [tilespmem:v20+s21+$0x0], $0xffff  }
0xd9: {  	p0 =	por !p0, !p0;
	s10 =	sadd.s32 $0x80, s10;
	s13 =	smov.u32 s11;
	v17 =	vshll.u32 v32, $0x10;
	v31 =	vshll.u32 v30, $0x10;
	v30 =	vand.u32 $0xFFFF0000, v30;
	v26 =	vld.idx.msk [tilespmem:v20+s20+$0x0], $0xffff  }
0xda: {  	_ =	sdelay $0x3  }
0xdb: {  	v19 =	vld.idx.msk [tilespmem:v19+s21+$0x0], $0xffff;
	v32 =	vshll.u32 v27, $0x10  }
0xdc: {  	v24 =	vld.idx.msk [tilespmem:v24+s20+$0x0], $0xffff;
	v53 =	vand.u32 $0xFFFF0000, v27;
	v32 =	vmul.f32 v32, v16  }
0xdd: {  	v20 =	vld.idx.msk [tilespmem:v20+s2+$0x0], $0xffff;
	v27 =	vmul.f32 v53, v16  }
0xde: {  	v31 =	vmul.f32 v31, v16;
	[tilespmem:v21+s26+$0x0] =	vst.idx.add.f32.msk $0xffff, v32  }
0xdf: {  	v54 =	vmul.f32 v30, v16;
	[tilespmem:v21+s28+$0x0] =	vst.idx.add.f32.msk $0xffff, v27  }
0xe0: {  	v29 =	vmul.f32 v29, v16;
	[tilespmem:v21+s29+$0x0] =	vst.idx.add.f32.msk $0xffff, v31  }
0xe1: {  	v13 =	vshrl.u32 v13, $0x10;
	v55 =	vmul.f32 v28, v16;
	[tilespmem:v21+s30+$0x0] =	vst.idx.add.f32.msk $0xffff, v54  }
0xe2: {  	v22 =	vmul.f32 v22, v16;
	[tilespmem:v21+s31+$0x0] =	vst.idx.add.f32.msk $0xffff, v29  }
0xe3: {  	v16 =	vmul.f32 v23, v16;
	v56 =	vshll.u32 v20, $0x10;
	[tilespmem:v21+s0+$0x0] =	vst.idx.add.f32.msk $0xffff, v55  }
0xe4: {  	v20 =	vand.u32 $0xFFFF0000, v20;
	v57 =	vmul.f32 v56, v6;
	[tilespmem:v21+s1+$0x0] =	vst.idx.add.f32.msk $0xffff, v22  }
0xe5: {  	v58 =	vshll.u32 v26, $0x10;
	[tilespmem:v21+s4+$0x0] =	vst.idx.add.f32.msk $0xffff, v16;
	v16 =	vmul.f32 v20, v6  }
0xe6: {  	v59 =	vand.u32 $0xFFFF0000, v26;
	v60 =	vmul.f32 v58, v6;
	[tilespmem:v13+s26+$0x0] =	vst.idx.add.f32.msk $0xffff, v57  }
0xe7: {  	v61 =	vshll.u32 v25, $0x10;
	[tilespmem:v13+s28+$0x0] =	vst.idx.add.f32.msk $0xffff, v16;
	v16 =	vmul.f32 v59, v6  }
0xe8: {  	v62 =	vand.u32 $0xFFFF0000, v25;
	v63 =	vmul.f32 v61, v6;
	[tilespmem:v13+s29+$0x0] =	vst.idx.add.f32.msk $0xffff, v60  }
0xe9: {  	v4 =	vshrl.u32 v4, $0x10;
	[tilespmem:v13+s30+$0x0] =	vst.idx.add.f32.msk $0xffff, v16;
	v16 =	vmul.f32 v62, v6  }
0xea: {  	v15 =	vmul.f32 v15, v6;
	[tilespmem:v13+s31+$0x0] =	vst.idx.add.f32.msk $0xffff, v63  }
0xeb: {  	v6 =	vmul.f32 v14, v6;
	[tilespmem:v13+s0+$0x0] =	vst.idx.add.f32.msk $0xffff, v16  }
0xec: {  	v12 =	vmul.f32 v12, v2;
	[tilespmem:v13+s1+$0x0] =	vst.idx.add.f32.msk $0xffff, v15  }
0xed: {  	[tilespmem:v13+s4+$0x0] =	vst.idx.add.f32.msk $0xffff, v6;
	v6 =	vmul.f32 v10, v2  }
0xee: {  	v10 =	vmul.f32 v17, v2;
	[tilespmem:v4+s26+$0x0] =	vst.idx.add.f32.msk $0xffff, v12  }
0xef: {  	v12 =	vshll.u32 v19, $0x10;
	[tilespmem:v4+s28+$0x0] =	vst.idx.add.f32.msk $0xffff, v6  }
0xf0: {  	v6 =	vand.u32 $0xFFFF0000, v19;
	[tilespmem:v4+s29+$0x0] =	vst.idx.add.f32.msk $0xffff, v10;
	v10 =	vmul.f32 v12, v2  }
0xf1: {  	v3 =	vshrl.u32 v3, $0x10;
	v2 =	vmul.f32 v6, v2;
	[tilespmem:v4+s30+$0x0] =	vst.idx.add.f32.msk $0xffff, v8  }
0xf2: {  	[tilespmem:v4+s31+$0x0] =	vst.idx.add.f32.msk $0xffff, v10  }
0xf3: {  	v6 =	vshll.u32 v18, $0x10;
	[tilespmem:v4+s0+$0x0] =	vst.idx.add.f32.msk $0xffff, v2  }
0xf4: {  	v6 =	vmul.f32 v6, v1;
	v2 =	vand.u32 $0xFFFF0000, v18;
	[tilespmem:v4+s1+$0x0] =	vst.idx.add.f32.msk $0xffff, v7  }
0xf5: {  	v7 =	vshll.u32 v24, $0x10;
	v2 =	vmul.f32 v2, v1;
	[tilespmem:v4+s4+$0x0] =	vst.idx.add.f32.msk $0xffff, v5  }
0xf6: {  	v4 =	vand.u32 $0xFFFF0000, v24;
	v5 =	vmul.f32 v7, v1;
	[tilespmem:v3+s26+$0x0] =	vst.idx.add.f32.msk $0xffff, v6  }
0xf7: {  	v6 =	vshll.u32 v11, $0x10;
	[tilespmem:v3+s28+$0x0] =	vst.idx.add.f32.msk $0xffff, v2;
	v2 =	vmul.f32 v4, v1  }
0xf8: {  	v4 =	vand.u32 $0xFFFF0000, v11;
	v6 =	vmul.f32 v6, v1;
	[tilespmem:v3+s29+$0x0] =	vst.idx.add.f32.msk $0xffff, v5  }
0xf9: {  	v5 =	vshll.u32 v9, $0x10;
	v4 =	vmul.f32 v4, v1;
	[tilespmem:v3+s30+$0x0] =	vst.idx.add.f32.msk $0xffff, v2  }
0xfa: {  	v2 =	vand.u32 $0xFFFF0000, v9;
	v5 =	vmul.f32 v5, v1;
	[tilespmem:v3+s31+$0x0] =	vst.idx.add.f32.msk $0xffff, v6  }
0xfb: {  	v1 =	vmul.f32 v2, v1;
	[tilespmem:v3+s0+$0x0] =	vst.idx.add.f32.msk $0xffff, v4  }
0xfc: {  	[tilespmem:v3+s1+$0x0] =	vst.idx.add.f32.msk $0xffff, v5  }
0xfd: {  	s9 =	sadd.s32 $0x280, s9;
	s10 =	simm.s32 $0x0;
	[tilespmem:v3+s4+$0x0] =	vst.idx.add.f32.msk $0xffff, v1  }
0xfe: {  	[tilespmem:s23], [sflag:$0x1] =	stream.linear.gather [hbm4b:s9+s10], $0xA00, $0x38;
	[tilespmem:$0x1EE00] =	vst v63  }
0xff: {  	s18 =	sand.u32 $0xF00, s10;
	s10 =	sand.u32 $0x40, s10;
	_ =	swait.ge [sflag:s5], $0xA00  }
0x100: {  	s11 =	sadd.s32 $0x1E400, s18;
	s13 =	sor.u32 $0x20, s10;
	[sflag:s5] =	ssyncset.done $0x0  }
0x101: {  	s12 =	sor.u32 $0x30, s10;
	s14 =	sor.u32 s13, s11;
	[sflag:s5] =	ssyncadd.s32 $0xFFFFF600  }
0x102: {  	s15 =	sor.u32 s12, s11;
	v2 =	vld [tilespmem:s14+$0x0]  }
0x103: {  	v1 =	vld [tilespmem:s15+$0x0];
	_ =	sdelay $0x3  }
0x104: {  	s16 =	sor.u32 $0x10, s10;
	s15 =	sor.u32 s10, s11;
	v10 =	vand.u32 $0xFFFF, v2  }
0x105: {  	s14 =	sadd.s32 $0x1E480, s18;
	s11 =	sor.u32 s16, s11;
	v8 =	vld [tilespmem:s15+$0x0];
	v12 =	vand.u32 $0xFFFF, v1  }
0x106: {  	s17 =	sor.u32 s16, s14;
	v7 =	vld [tilespmem:s11+$0x0]  }
0x107: {  	s18 =	sor.u32 s10, s14;
	v3 =	vld [tilespmem:s17+$0x0]  }
0x108: {  	v5 =	vld [tilespmem:s18+$0x0]  }
0x109: {  	v6 =	vld.idx.msk [tilespmem:v10+s21+$0x0], $0xffff  }
0x10a: {  	v4 =	vld.idx.msk [tilespmem:v12+s2+$0x0], $0xffff  }
0x10b: {  	s9 =	simm.s32 $0x40;
	v9 =	vand.u32 $0xFFFF, v8;
	v15 =	vld.idx.msk [tilespmem:v10+s20+$0x0], $0xffff  }
0x10c: {  	s12 =	sor.u32 s12, s14;
	s11 =	sor.u32 s13, s14;
	s10 =	simm.s32 $0x80;
	v13 =	vand.u32 $0xFFFF, v7;
	v16 =	vld.idx.msk [tilespmem:v10+s2+$0x0], $0xffff  }
.LBB2_7:
0x10d: {  	s13 =	sand.u32 $0xF00, s10  }
0x10e: {  	p0 =	sne.s32 s9, $0x4C0;
	v11 =	vld [tilespmem:s12+$0x0];
	s12 =	smov.u32 s9;
	s9 =	sadd.s32 $0x40, s9  }
0x10f: {  	s12 =	sand.u32 $0x40, s12;
	s14 =	sadd.s32 $0x1E400, s13;
	s13 =	sadd.s32 $0x1E480, s13;
	v14 =	vld [tilespmem:s11+$0x0]  }
0x110: {  	s11 =	sor.u32 s12, s14;
	s15 =	sor.u32 $0x10, s12;
	s16 =	sor.u32 $0x30, s12;
	v17 =	vld.idx.msk [tilespmem:v9+s22+$0x0], $0xffff  }
0x111: {  	v18 =	vld [tilespmem:s11+$0x0];
	s17 =	sor.u32 s15, s14;
	s11 =	sor.u32 s15, s13;
	s15 =	sor.u32 s16, s14  }
0x112: {  	s18 =	sor.u32 s12, s13;
	v20 =	vshll.u32 v15, $0x10;
	v15 =	vand.u32 $0xFFFF0000, v15;
	v19 =	vld [tilespmem:s11+$0x0];
	s11 =	sor.u32 $0x20, s12;
	s12 =	sor.u32 s16, s13  }
0x113: {  	v22 =	vshll.u32 v16, $0x10;
	v16 =	vand.u32 $0xFFFF0000, v16;
	v21 =	vld [tilespmem:s18+$0x0];
	s14 =	sor.u32 s11, s14;
	s11 =	sor.u32 s11, s13  }
0x114: {  	v23 =	vld [tilespmem:s17+$0x0]  }
0x115: {  	v24 =	vld.idx.msk [tilespmem:v9+s21+$0x0], $0xffff  }
0x116: {  	v25 =	vld.idx.msk [tilespmem:v9+s20+$0x0], $0xffff  }
0x117: {  	v26 =	vld.idx.msk [tilespmem:v13+s22+$0x0], $0xffff  }
0x118: {  	v27 =	vld.idx.msk [tilespmem:v13+s21+$0x0], $0xffff  }
0x119: {  	v28 =	vld.idx.msk [tilespmem:v9+s2+$0x0], $0xffff  }
0x11a: {  	v29 =	vld.idx.msk [tilespmem:v13+s20+$0x0], $0xffff  }
0x11b: {  	v9 =	vand.u32 $0xFFFF0000, v24;
	v30 =	vld.idx.msk [tilespmem:v13+s2+$0x0], $0xffff  }
0x11c: {  	v31 =	vshrl.u32 v7, $0x10;
	v7 =	vmovc v23;
	v32 =	vshll.u32 v25, $0x10;
	v33 =	vmul.f32 v9, v5;
	v13 =	vld.idx.msk [tilespmem:v12+s22+$0x0], $0xffff  }
0x11d: {  	v23 =	vshrl.u32 v8, $0x10;
	v8 =	vmovc v18;
	v32 =	vmul.f32 v32, v5;
	v9 =	vshll.u32 v26, $0x10;
	v34 =	vld.idx.msk [tilespmem:v12+s21+$0x0], $0xffff  }
0x11e: {  	v35 =	vmul.f32 v9, v3;
	v18 =	vld.idx.msk [tilespmem:v12+s20+$0x0], $0xffff;
	v12 =	vshll.u32 v27, $0x10;
	v27 =	vand.u32 $0xFFFF0000, v27  }
0x11f: {  	v9 =	vand.u32 $0xFFFF, v8;
	v36 =	vld.idx.msk [tilespmem:v10+s22+$0x0], $0xffff;
	v10 =	vshll.u32 v28, $0x10;
	v28 =	vand.u32 $0xFFFF0000, v28  }
0x120: {  	v38 =	vshll.u32 v29, $0x10;
	v39 =	vmul.f32 v12, v3;
	v37 =	vld [tilespmem:s14+$0x0];
	v10 =	vmul.f32 v10, v5  }
0x121: {  	v12 =	vmul.f32 v28, v5;
	v28 =	vand.u32 $0xFFFF0000, v30;
	v38 =	vmul.f32 v38, v3;
	v40 =	vld [tilespmem:s15+$0x0]  }
0x122: {  	[tilespmem:v23+s26+$0x0] =	vst.idx.add.f32.msk $0xffff, v10;
	v10 =	vand.u32 $0xFFFF0000, v25;
	v25 =	vmul.f32 v28, v3;
	v28 =	vshll.u32 v13, $0x10  }
0x123: {  	[tilespmem:v23+s28+$0x0] =	vst.idx.add.f32.msk $0xffff, v12;
	v10 =	vmul.f32 v10, v5;
	v12 =	vshll.u32 v24, $0x10;
	v24 =	vshll.u32 v34, $0x10  }
0x124: {  	v34 =	vand.u32 $0xFFFF0000, v34;
	[tilespmem:v23+s29+$0x0] =	vst.idx.add.f32.msk $0xffff, v32;
	v12 =	vmul.f32 v12, v5;
	v32 =	vand.u32 $0xFFFF0000, v18  }
0x125: {  	v27 =	vmul.f32 v27, v3;
	v41 =	vshll.u32 v36, $0x10;
	[tilespmem:v23+s30+$0x0] =	vst.idx.add.f32.msk $0xffff, v10;
	v10 =	vshll.u32 v17, $0x10  }
0x126: {  	[tilespmem:v23+s31+$0x0] =	vst.idx.add.f32.msk $0xffff, v12;
	v12 =	vand.u32 $0xFFFF0000, v17;
	v10 =	vmul.f32 v10, v5;
	v17 =	vand.u32 $0xFFFF0000, v13  }
0x127: {  	v30 =	vshll.u32 v30, $0x10;
	v13 =	vand.u32 $0xFFFF, v7;
	[tilespmem:v23+s0+$0x0] =	vst.idx.add.f32.msk $0xffff, v33;
	v12 =	vmul.f32 v12, v5;
	v5 =	vmovc v21  }
0x128: {  	[tilespmem:v23+s1+$0x0] =	vst.idx.add.f32.msk $0xffff, v10;
	v10 =	vmul.f32 v30, v3  }
0x129: {  	[tilespmem:v23+s4+$0x0] =	vst.idx.add.f32.msk $0xffff, v12  }
0x12a: {  	v12 =	vand.u32 $0xFFFF, v40;
	[tilespmem:v31+s26+$0x0] =	vst.idx.add.f32.msk $0xffff, v10;
	v10 =	vand.u32 $0xFFFF0000, v29  }
0x12b: {  	[tilespmem:v31+s28+$0x0] =	vst.idx.add.f32.msk $0xffff, v25;
	v21 =	vmul.f32 v10, v3  }
0x12c: {  	v10 =	vand.u32 $0xFFFF, v37;
	[tilespmem:v31+s29+$0x0] =	vst.idx.add.f32.msk $0xffff, v38  }
0x12d: {  	v23 =	vshrl.u32 v2, $0x10;
	v2 =	vmov v37;
	[tilespmem:v31+s30+$0x0] =	vst.idx.add.f32.msk $0xffff, v21  }
0x12e: {  	v21 =	vand.u32 $0xFFFF0000, v26;
	[tilespmem:v31+s31+$0x0] =	vst.idx.add.f32.msk $0xffff, v39  }
0x12f: {  	v21 =	vmul.f32 v21, v3;
	v3 =	vmov v19;
	[tilespmem:v31+s0+$0x0] =	vst.idx.add.f32.msk $0xffff, v27  }
0x130: {  	v19 =	vmul.f32 v22, v14;
	[tilespmem:v31+s1+$0x0] =	vst.idx.add.f32.msk $0xffff, v35  }
0x131: {  	v16 =	vmul.f32 v16, v14;
	[tilespmem:v31+s4+$0x0] =	vst.idx.add.f32.msk $0xffff, v21  }
0x132: {  	[tilespmem:v23+s26+$0x0] =	vst.idx.add.f32.msk $0xffff, v19;
	v19 =	vmul.f32 v20, v14  }
0x133: {  	v15 =	vmul.f32 v15, v14;
	[tilespmem:v23+s28+$0x0] =	vst.idx.add.f32.msk $0xffff, v16;
	v16 =	vshll.u32 v6, $0x10  }
0x134: {  	v6 =	vand.u32 $0xFFFF0000, v6;
	[tilespmem:v23+s29+$0x0] =	vst.idx.add.f32.msk $0xffff, v19;
	v16 =	vmul.f32 v16, v14  }
0x135: {  	v19 =	vshrl.u32 v1, $0x10;
	v6 =	vmul.f32 v6, v14;
	v1 =	vmov v40;
	[tilespmem:v23+s30+$0x0] =	vst.idx.add.f32.msk $0xffff, v15  }
0x136: {  	v15 =	vand.u32 $0xFFFF0000, v36;
	[tilespmem:v23+s31+$0x0] =	vst.idx.add.f32.msk $0xffff, v16;
	v16 =	vmul.f32 v41, v14  }
0x137: {  	[tilespmem:v23+s0+$0x0] =	vst.idx.add.f32.msk $0xffff, v6;
	v6 =	vmul.f32 v15, v14;
	v14 =	vshll.u32 v4, $0x10  }
0x138: {  	v4 =	vand.u32 $0xFFFF0000, v4;
	[tilespmem:v23+s1+$0x0] =	vst.idx.add.f32.msk $0xffff, v16;
	v14 =	vmul.f32 v14, v11  }
0x139: {  	v4 =	vmul.f32 v4, v11;
	[tilespmem:v23+s4+$0x0] =	vst.idx.add.f32.msk $0xffff, v6;
	v6 =	vshll.u32 v18, $0x10  }
0x13a: {  	[tilespmem:v19+s26+$0x0] =	vst.idx.add.f32.msk $0xffff, v14;
	v6 =	vmul.f32 v6, v11  }
0x13b: {  	[tilespmem:v19+s28+$0x0] =	vst.idx.add.f32.msk $0xffff, v4;
	v4 =	vmul.f32 v32, v11  }
0x13c: {  	[tilespmem:v19+s29+$0x0] =	vst.idx.add.f32.msk $0xffff, v6;
	v6 =	vmul.f32 v24, v11  }
0x13d: {  	[tilespmem:v19+s30+$0x0] =	vst.idx.add.f32.msk $0xffff, v4;
	v4 =	vmul.f32 v34, v11  }
0x13e: {  	[tilespmem:v19+s31+$0x0] =	vst.idx.add.f32.msk $0xffff, v6;
	v6 =	vmul.f32 v28, v11  }
0x13f: {  	[tilespmem:v19+s0+$0x0] =	vst.idx.add.f32.msk $0xffff, v4;
	v4 =	vmul.f32 v17, v11  }
0x140: {  	[tilespmem:v19+s1+$0x0] =	vst.idx.add.f32.msk $0xffff, v6  }
.Ltmp2:
0x141: {  	[tilespmem:v19+s4+$0x0] =	vst.idx.add.f32.msk $0xffff, v4;
	(pc) =	sbr.rel @p0 .LBB2_7-.Ltmp2, $4  }
0x142: {  	v6 =	vld.idx.msk [tilespmem:v10+s21+$0x0], $0xffff  }
0x143: {  	v4 =	vld.idx.msk [tilespmem:v12+s2+$0x0], $0xffff  }
0x144: {  	v15 =	vld.idx.msk [tilespmem:v10+s20+$0x0], $0xffff  }
0x145: {  	s10 =	sadd.s32 $0x80, s10;
	v16 =	vld.idx.msk [tilespmem:v10+s2+$0x0], $0xffff  }
0x146: {  	_ =	sdelay $0x1  }
0x147: {  	v11 =	vld [tilespmem:s12+$0x0]  }
0x148: {  	v14 =	vld [tilespmem:s11+$0x0]  }
0x149: {  	v17 =	vld.idx.msk [tilespmem:v9+s22+$0x0], $0xffff  }
0x14a: {  	v18 =	vld.idx.msk [tilespmem:v9+s21+$0x0], $0xffff  }
0x14b: {  	v19 =	vld.idx.msk [tilespmem:v9+s20+$0x0], $0xffff  }
0x14c: {  	v20 =	vld.idx.msk [tilespmem:v13+s22+$0x0], $0xffff  }
0x14d: {  	v29 =	vld.idx.msk [tilespmem:v9+s2+$0x0], $0xffff  }
0x14e: {  	v21 =	vld.idx.msk [tilespmem:v13+s21+$0x0], $0xffff  }
0x14f: {  	v22 =	vld.idx.msk [tilespmem:v13+s20+$0x0], $0xffff  }
0x150: {  	v30 =	vld.idx.msk [tilespmem:v13+s2+$0x0], $0xffff;
	v8 =	vshrl.u32 v8, $0x10  }
0x151: {  	v23 =	vld.idx.msk [tilespmem:v12+s22+$0x0], $0xffff  }
0x152: {  	v24 =	vld.idx.msk [tilespmem:v12+s21+$0x0], $0xffff;
	v25 =	vshll.u32 v29, $0x10  }
0x153: {  	v31 =	vld.idx.msk [tilespmem:v12+s20+$0x0], $0xffff;
	v9 =	vand.u32 $0xFFFF0000, v29;
	v25 =	vmul.f32 v25, v5  }
0x154: {  	v10 =	vld.idx.msk [tilespmem:v10+s22+$0x0], $0xffff;
	v26 =	vshll.u32 v19, $0x10;
	v9 =	vmul.f32 v9, v5  }
0x155: {  	v19 =	vand.u32 $0xFFFF0000, v19;
	v26 =	vmul.f32 v26, v5;
	[tilespmem:v8+s26+$0x0] =	vst.idx.add.f32.msk $0xffff, v25  }
0x156: {  	v33 =	vshll.u32 v18, $0x10;
	v32 =	vmul.f32 v19, v5;
	[tilespmem:v8+s28+$0x0] =	vst.idx.add.f32.msk $0xffff, v9  }
0x157: {  	v18 =	vand.u32 $0xFFFF0000, v18;
	v19 =	vmul.f32 v33, v5;
	[tilespmem:v8+s29+$0x0] =	vst.idx.add.f32.msk $0xffff, v26  }
0x158: {  	v7 =	vshrl.u32 v7, $0x10;
	v34 =	vshll.u32 v17, $0x10;
	v18 =	vmul.f32 v18, v5;
	[tilespmem:v8+s30+$0x0] =	vst.idx.add.f32.msk $0xffff, v32  }
0x159: {  	v17 =	vand.u32 $0xFFFF0000, v17;
	v9 =	vmul.f32 v34, v5;
	[tilespmem:v8+s31+$0x0] =	vst.idx.add.f32.msk $0xffff, v19  }
0x15a: {  	v36 =	vshll.u32 v30, $0x10;
	v35 =	vmul.f32 v17, v5;
	[tilespmem:v8+s0+$0x0] =	vst.idx.add.f32.msk $0xffff, v18  }
0x15b: {  	v13 =	vand.u32 $0xFFFF0000, v30;
	v37 =	vmul.f32 v36, v3;
	[tilespmem:v8+s1+$0x0] =	vst.idx.add.f32.msk $0xffff, v9  }
0x15c: {  	v38 =	vshll.u32 v22, $0x10;
	v13 =	vmul.f32 v13, v3;
	[tilespmem:v8+s4+$0x0] =	vst.idx.add.f32.msk $0xffff, v35  }
0x15d: {  	v40 =	vand.u32 $0xFFFF0000, v22;
	v39 =	vmul.f32 v38, v3;
	[tilespmem:v7+s26+$0x0] =	vst.idx.add.f32.msk $0xffff, v37  }
0x15e: {  	v41 =	vshll.u32 v21, $0x10;
	v8 =	vmul.f32 v40, v3;
	[tilespmem:v7+s28+$0x0] =	vst.idx.add.f32.msk $0xffff, v13  }
0x15f: {  	v42 =	vand.u32 $0xFFFF0000, v21;
	v9 =	vmul.f32 v41, v3;
	[tilespmem:v7+s29+$0x0] =	vst.idx.add.f32.msk $0xffff, v39  }
0x160: {  	v2 =	vshrl.u32 v2, $0x10;
	v43 =	vshll.u32 v20, $0x10;
	v13 =	vmul.f32 v42, v3;
	[tilespmem:v7+s30+$0x0] =	vst.idx.add.f32.msk $0xffff, v8  }
0x161: {  	v44 =	vand.u32 $0xFFFF0000, v20;
	v5 =	vmul.f32 v43, v3;
	[tilespmem:v7+s31+$0x0] =	vst.idx.add.f32.msk $0xffff, v9  }
0x162: {  	v45 =	vshll.u32 v16, $0x10;
	v3 =	vmul.f32 v44, v3;
	[tilespmem:v7+s0+$0x0] =	vst.idx.add.f32.msk $0xffff, v13  }
0x163: {  	v46 =	vand.u32 $0xFFFF0000, v16;
	v47 =	vmul.f32 v45, v14;
	[tilespmem:v7+s1+$0x0] =	vst.idx.add.f32.msk $0xffff, v5  }
0x164: {  	v48 =	vshll.u32 v15, $0x10;
	[tilespmem:v7+s4+$0x0] =	vst.idx.add.f32.msk $0xffff, v3;
	v3 =	vmul.f32 v46, v14  }
0x165: {  	v49 =	vand.u32 $0xFFFF0000, v15;
	v50 =	vmul.f32 v48, v14;
	[tilespmem:v2+s26+$0x0] =	vst.idx.add.f32.msk $0xffff, v47  }
0x166: {  	v51 =	vshll.u32 v6, $0x10;
	[tilespmem:v2+s28+$0x0] =	vst.idx.add.f32.msk $0xffff, v3;
	v3 =	vmul.f32 v49, v14  }
0x167: {  	v52 =	vand.u32 $0xFFFF0000, v6;
	v53 =	vmul.f32 v51, v14;
	[tilespmem:v2+s29+$0x0] =	vst.idx.add.f32.msk $0xffff, v50  }
0x168: {  	v1 =	vshrl.u32 v1, $0x10;
	v54 =	vshll.u32 v10, $0x10;
	[tilespmem:v2+s30+$0x0] =	vst.idx.add.f32.msk $0xffff, v3;
	v3 =	vmul.f32 v52, v14  }
0x169: {  	v55 =	vand.u32 $0xFFFF0000, v10;
	v56 =	vmul.f32 v54, v14;
	[tilespmem:v2+s31+$0x0] =	vst.idx.add.f32.msk $0xffff, v53  }
0x16a: {  	v57 =	vshll.u32 v4, $0x10;
	[tilespmem:v2+s0+$0x0] =	vst.idx.add.f32.msk $0xffff, v3;
	v3 =	vmul.f32 v55, v14  }
0x16b: {  	v58 =	vand.u32 $0xFFFF0000, v4;
	v5 =	vmul.f32 v57, v11;
	[tilespmem:v2+s1+$0x0] =	vst.idx.add.f32.msk $0xffff, v56  }
0x16c: {  	[tilespmem:v2+s4+$0x0] =	vst.idx.add.f32.msk $0xffff, v3;
	v2 =	vmul.f32 v58, v11;
	v3 =	vshll.u32 v31, $0x10  }
0x16d: {  	v59 =	vand.u32 $0xFFFF0000, v31;
	[tilespmem:v1+s26+$0x0] =	vst.idx.add.f32.msk $0xffff, v5;
	v3 =	vmul.f32 v3, v11  }
0x16e: {  	s8 =	sadd.s32 $0x1, s8;
	v60 =	vshll.u32 v24, $0x10;
	[tilespmem:v1+s28+$0x0] =	vst.idx.add.f32.msk $0xffff, v2;
	v2 =	vmul.f32 v59, v11  }
0x16f: {  	p0 =	sne.s32 s8, $0x3E;
	v61 =	vand.u32 $0xFFFF0000, v24;
	[tilespmem:v1+s29+$0x0] =	vst.idx.add.f32.msk $0xffff, v3;
	v3 =	vmul.f32 v60, v11  }
.Ltmp3:
0x170: {  	v62 =	vshll.u32 v23, $0x10;
	[tilespmem:v1+s30+$0x0] =	vst.idx.add.f32.msk $0xffff, v2;
	v2 =	vmul.f32 v61, v11;
	(pc) =	sbr.rel @p0 .LBB2_4-.Ltmp3, $4  }
0x171: {  	v63 =	vand.u32 $0xFFFF0000, v23;
	[tilespmem:v1+s31+$0x0] =	vst.idx.add.f32.msk $0xffff, v3;
	v3 =	vmul.f32 v62, v11  }
0x172: {  	[tilespmem:v1+s0+$0x0] =	vst.idx.add.f32.msk $0xffff, v2;
	v2 =	vmul.f32 v63, v11  }
0x173: {  	[tilespmem:v1+s1+$0x0] =	vst.idx.add.f32.msk $0xffff, v3  }
0x174: {  	[tilespmem:v1+s4+$0x0] =	vst.idx.add.f32.msk $0xffff, v2  }
0x175: {  	_ =	swait.ge [sflag:s25], $0xA00;
	s7 =	simm.s32 $0x0  }
0x176: {  	[sflag:s25] =	ssyncset.done $0x0;
	s8 =	sand.u32 $0x40, s7;
	s7 =	sand.u32 $0xF00, s7  }
0x177: {  	[sflag:s25] =	ssyncadd.s32 $0xFFFFF600;
	s7 =	sor.u32 s8, s7  }
0x178: {  	v17 =	vld [tilespmem:s7+$0x1DA00];
	_ =	sdelay $0x1  }
0x179: {  	p0 =	por $0x0, $0x0;
	s9 =	simm.s32 $0x1;
	s8 =	sadd.s32 $0x1DA00, s7  }
0x17a: {  	s9 =	simm.s32 @!p0 $0x0;
	v4 =	vld [tilespmem:s8+$0x20]  }
0x17b: {  	s9 =	sshll.u32 s9, $0x6  }
0x17c: {  	s17 =	sadd.s32 $0x0, s9;
	v13 =	vld [tilespmem:s8+$0x10];
	v5 =	vand.u32 $0xFFFF, v17  }
0x17d: {  	s9 =	sadd.s32 $0x30, s17;
	v3 =	vld [tilespmem:s8+$0x30];
	s7 =	sor.u32 $0x80, s17  }
0x17e: {  	s10 =	sadd.s32 $0x20, s17;
	s9 =	sor.u32 $0x80, s9;
	v16 =	vld [tilespmem:s7+$0x1DA00]  }
0x17f: {  	s10 =	sor.u32 $0x80, s10;
	v1 =	vld [tilespmem:s9+$0x1DA00];
	v19 =	vand.u32 $0xFFFF, v4  }
0x180: {  	v2 =	vld [tilespmem:s10+$0x1DA00]  }
0x181: {  	v20 =	vand.u32 $0xFFFF, v13;
	v10 =	vld.idx.msk [tilespmem:v5+s22+$0x0], $0xffff  }
0x182: {  	v26 =	vld.idx.msk [tilespmem:v5+s21+$0x0], $0xffff  }
0x183: {  	v30 =	vld.idx.msk [tilespmem:v5+s20+$0x0], $0xffff  }
0x184: {  	v32 =	vld.idx.msk [tilespmem:v19+s20+$0x0], $0xffff  }
0x185: {  	v24 =	vand.u32 $0xFFFF, v3;
	v7 =	vld.idx.msk [tilespmem:v19+s22+$0x0], $0xffff  }
0x186: {  	s18 =	sadd.s32 $0x10, s17;
	v12 =	vld.idx.msk [tilespmem:v20+s22+$0x0], $0xffff  }
0x187: {  	s9 =	sor.u32 $0x80, s18;
	v21 =	vld.idx.msk [tilespmem:v19+s2+$0x0], $0xffff  }
0x188: {  	v6 =	vld [tilespmem:s9+$0x1DA00]  }
0x189: {  	v27 =	vld.idx.msk [tilespmem:v5+s2+$0x0], $0xffff;
	v22 =	vshll.u32 v10, $0x10;
	v23 =	vand.u32 $0xFFFF0000, v10;
	v29 =	vshll.u32 v26, $0x10  }
0x18a: {  	v18 =	vld.idx.msk [tilespmem:v24+s2+$0x0], $0xffff;
	v28 =	vand.u32 $0xFFFF0000, v26;
	v31 =	vshll.u32 v30, $0x10;
	v30 =	vand.u32 $0xFFFF0000, v30  }
0x18b: {  	v11 =	vld.idx.msk [tilespmem:v24+s21+$0x0], $0xffff;
	v8 =	vand.u32 $0xFFFF0000, v32;
	v5 =	vshll.u32 v7, $0x10;
	v9 =	vand.u32 $0xFFFF0000, v7  }
0x18c: {  	v25 =	vld.idx.msk [tilespmem:v20+s21+$0x0], $0xffff;
	v15 =	vshll.u32 v12, $0x10;
	v14 =	vand.u32 $0xFFFF0000, v12;
	v12 =	vshll.u32 v21, $0x10  }
0x18d: {  	v10 =	vand.u32 $0xFFFF0000, v21;
	v7 =	vmul.f32 v5, v2;
	v5 =	vmul.f32 v9, v2;
	v9 =	vld.idx.msk [tilespmem:v24+s22+$0x0], $0xffff  }
0x18e: {  	p0 =	por !p0, !p0;
	s7 =	simm.s32 $0x80;
	s10 =	simm.s32 $0x40;
	v26 =	vld.idx.msk [tilespmem:v20+s20+$0x0], $0xffff;
	v21 =	vshrl.u32 v17, $0x10;
	v17 =	vshll.u32 v32, $0x10;
	v8 =	vmul.f32 v8, v2  }
.LBB2_10:
0x18f: {  	s8 =	smov.u32 s10  }
0x190: {  	s9 =	sand.u32 $0x40, s10;
	s11 =	sand.u32 $0xF00, s7;
	v19 =	vld.idx.msk [tilespmem:v19+s21+$0x0], $0xffff;
	v32 =	vshll.u32 v27, $0x10;
	s8 =	sadd.s32 $0x40, s10  }
0x191: {  	p1 =	sne.s32 s10, $0x4C0;
	v27 =	vand.u32 $0xFFFF0000, v27;
	v33 =	vshll.u32 v18, $0x10;
	s9 =	sor.u32 s9, s11;
	v32 =	vmul.f32 v32, v16;
	v24 =	vld.idx.msk [tilespmem:v24+s20+$0x0], $0xffff  }
0x192: {  	v18 =	vand.u32 $0xFFFF0000, v18;
	v27 =	vmul.f32 v27, v16;
	v34 =	vshll.u32 v9, $0x10;
	v20 =	vld.idx.msk [tilespmem:v20+s2+$0x0], $0xffff  }
0x193: {  	v13 =	vshrl.u32 v13, $0x10;
	v31 =	vmul.f32 v31, v16;
	[tilespmem:v21+s26+$0x0] =	vst.idx.add.f32.msk $0xffff, v32;
	v32 =	vshll.u32 v11, $0x10  }
0x194: {  	[tilespmem:v21+s28+$0x0] =	vst.idx.add.f32.msk $0xffff, v27;
	v27 =	vmul.f32 v30, v16;
	v30 =	vshll.u32 v25, $0x10;
	v25 =	vand.u32 $0xFFFF0000, v25  }
0x195: {  	v29 =	vmul.f32 v29, v16;
	[tilespmem:v21+s29+$0x0] =	vst.idx.add.f32.msk $0xffff, v31;
	v31 =	vshll.u32 v26, $0x10;
	v26 =	vand.u32 $0xFFFF0000, v26  }
0x196: {  	[tilespmem:v21+s30+$0x0] =	vst.idx.add.f32.msk $0xffff, v27;
	v27 =	vmul.f32 v28, v16;
	v28 =	vshll.u32 v19, $0x10;
	v19 =	vand.u32 $0xFFFF0000, v19  }
0x197: {  	v22 =	vmul.f32 v22, v16;
	v16 =	vmul.f32 v23, v16;
	v23 =	vshll.u32 v24, $0x10;
	[tilespmem:v21+s31+$0x0] =	vst.idx.add.f32.msk $0xffff, v29  }
0x198: {  	s10 =	sadd.s32 $0x1DA00, s9;
	v24 =	vand.u32 $0xFFFF0000, v24;
	[tilespmem:v21+s0+$0x0] =	vst.idx.add.f32.msk $0xffff, v27;
	v27 =	vshll.u32 v20, $0x10;
	v20 =	vand.u32 $0xFFFF0000, v20  }
0x199: {  	v11 =	vand.u32 $0xFFFF0000, v11;
	[tilespmem:v21+s1+$0x0] =	vst.idx.add.f32.msk $0xffff, v22;
	v22 =	vmul.f32 v27, v6;
	v27 =	vmul.f32 v32, v1  }
0x19a: {  	v9 =	vand.u32 $0xFFFF0000, v9;
	v11 =	vmul.f32 v11, v1;
	[tilespmem:v21+s4+$0x0] =	vst.idx.add.f32.msk $0xffff, v16;
	v16 =	vmul.f32 v20, v6  }
0x19b: {  	v20 =	vmul.f32 v31, v6;
	v21 =	vmul.f32 v34, v1;
	[tilespmem:v13+s26+$0x0] =	vst.idx.add.f32.msk $0xffff, v22  }
0x19c: {  	v9 =	vmul.f32 v9, v1;
	[tilespmem:v13+s28+$0x0] =	vst.idx.add.f32.msk $0xffff, v16;
	v16 =	vmul.f32 v26, v6  }
0x19d: {  	[tilespmem:v13+s29+$0x0] =	vst.idx.add.f32.msk $0xffff, v20;
	v20 =	vmul.f32 v30, v6  }
0x19e: {  	v4 =	vshrl.u32 v4, $0x10;
	[tilespmem:v13+s30+$0x0] =	vst.idx.add.f32.msk $0xffff, v16;
	v16 =	vmul.f32 v25, v6  }
0x19f: {  	v15 =	vmul.f32 v15, v6;
	v17 =	vmul.f32 v17, v2;
	[tilespmem:v13+s31+$0x0] =	vst.idx.add.f32.msk $0xffff, v20  }
0x1a0: {  	v6 =	vmul.f32 v14, v6;
	[tilespmem:v13+s0+$0x0] =	vst.idx.add.f32.msk $0xffff, v16  }
0x1a1: {  	v12 =	vmul.f32 v12, v2;
	[tilespmem:v13+s1+$0x0] =	vst.idx.add.f32.msk $0xffff, v15  }
0x1a2: {  	[tilespmem:v13+s4+$0x0] =	vst.idx.add.f32.msk $0xffff, v6;
	v6 =	vmul.f32 v10, v2  }
0x1a3: {  	[tilespmem:v4+s26+$0x0] =	vst.idx.add.f32.msk $0xffff, v12  }
0x1a4: {  	[tilespmem:v4+s28+$0x0] =	vst.idx.add.f32.msk $0xffff, v6  }
0x1a5: {  	v6 =	vmul.f32 v28, v2;
	[tilespmem:v4+s29+$0x0] =	vst.idx.add.f32.msk $0xffff, v17  }
0x1a6: {  	v3 =	vshrl.u32 v3, $0x10;
	v2 =	vmul.f32 v19, v2;
	[tilespmem:v4+s30+$0x0] =	vst.idx.add.f32.msk $0xffff, v8  }
0x1a7: {  	[tilespmem:v4+s31+$0x0] =	vst.idx.add.f32.msk $0xffff, v6  }
0x1a8: {  	[tilespmem:v4+s0+$0x0] =	vst.idx.add.f32.msk $0xffff, v2  }
0x1a9: {  	v2 =	vmul.f32 v33, v1;
	[tilespmem:v4+s1+$0x0] =	vst.idx.add.f32.msk $0xffff, v7  }
0x1aa: {  	[tilespmem:v4+s4+$0x0] =	vst.idx.add.f32.msk $0xffff, v5;
	v4 =	vmul.f32 v18, v1  }
0x1ab: {  	[tilespmem:v3+s26+$0x0] =	vst.idx.add.f32.msk $0xffff, v2  }
0x1ac: {  	v2 =	vmul.f32 v23, v1;
	[tilespmem:v3+s28+$0x0] =	vst.idx.add.f32.msk $0xffff, v4  }
0x1ad: {  	v1 =	vmul.f32 v24, v1;
	v17 =	vld [tilespmem:s9+$0x1DA00]  }
0x1ae: {  	[tilespmem:v3+s29+$0x0] =	vst.idx.add.f32.msk $0xffff, v2  }
0x1af: {  	[tilespmem:v3+s30+$0x0] =	vst.idx.add.f32.msk $0xffff, v1  }
0x1b0: {  	s9 =	simm.s32 $0x1;
	[tilespmem:v3+s31+$0x0] =	vst.idx.add.f32.msk $0xffff, v27  }
0x1b1: {  	s9 =	simm.s32 @!p0 $0x0;
	v4 =	vld [tilespmem:s10+$0x20]  }
0x1b2: {  	s9 =	sshll.u32 s9, $0x6;
	[tilespmem:v3+s0+$0x0] =	vst.idx.add.f32.msk $0xffff, v11  }
0x1b3: {  	s9 =	sadd.s32 s9, s7;
	[tilespmem:v3+s1+$0x0] =	vst.idx.add.f32.msk $0xffff, v21  }
0x1b4: {  	s11 =	sadd.s32 $0x10, s9;
	s12 =	sadd.s32 $0x20, s9;
	s13 =	sadd.s32 $0x30, s9;
	v13 =	vld [tilespmem:s10+$0x10]  }
0x1b5: {  	s13 =	sor.u32 $0x80, s13;
	[tilespmem:v3+s4+$0x0] =	vst.idx.add.f32.msk $0xffff, v9  }
0x1b6: {  	s12 =	sor.u32 $0x80, s12;
	v19 =	vand.u32 $0xFFFF, v4;
	v1 =	vld [tilespmem:s13+$0x1DA00]  }
0x1b7: {  	v2 =	vld [tilespmem:s12+$0x1DA00]  }
0x1b8: {  	v5 =	vand.u32 $0xFFFF, v17;
	s11 =	sor.u32 $0x80, s11;
	v3 =	vld [tilespmem:s10+$0x30]  }
0x1b9: {  	s9 =	sor.u32 $0x80, s9;
	v6 =	vld [tilespmem:s11+$0x1DA00];
	v20 =	vand.u32 $0xFFFF, v13  }
0x1ba: {  	v16 =	vld [tilespmem:s9+$0x1DA00]  }
0x1bb: {  	v32 =	vld.idx.msk [tilespmem:v19+s20+$0x0], $0xffff  }
0x1bc: {  	v7 =	vld.idx.msk [tilespmem:v19+s22+$0x0], $0xffff  }
0x1bd: {  	v10 =	vld.idx.msk [tilespmem:v5+s22+$0x0], $0xffff;
	v24 =	vand.u32 $0xFFFF, v3  }
0x1be: {  	v12 =	vld.idx.msk [tilespmem:v20+s22+$0x0], $0xffff  }
0x1bf: {  	v21 =	vld.idx.msk [tilespmem:v19+s2+$0x0], $0xffff  }
0x1c0: {  	v26 =	vld.idx.msk [tilespmem:v5+s21+$0x0], $0xffff  }
0x1c1: {  	v8 =	vand.u32 $0xFFFF0000, v32;
	v30 =	vld.idx.msk [tilespmem:v5+s20+$0x0], $0xffff  }
0x1c2: {  	v8 =	vmul.f32 v8, v2;
	v9 =	vand.u32 $0xFFFF0000, v7;
	v27 =	vld.idx.msk [tilespmem:v5+s2+$0x0], $0xffff;
	v5 =	vshll.u32 v7, $0x10  }
.Ltmp4:
0x1c3: {  	v18 =	vld.idx.msk [tilespmem:v24+s2+$0x0], $0xffff;
	v7 =	vmul.f32 v5, v2;
	v5 =	vmul.f32 v9, v2;
	(pc) =	sbr.rel @p1 .LBB2_10-.Ltmp4, $4  }
0x1c4: {  	v22 =	vshll.u32 v10, $0x10;
	v23 =	vand.u32 $0xFFFF0000, v10;
	v15 =	vshll.u32 v12, $0x10;
	v9 =	vld.idx.msk [tilespmem:v24+s22+$0x0], $0xffff  }
0x1c5: {  	v14 =	vand.u32 $0xFFFF0000, v12;
	v12 =	vshll.u32 v21, $0x10;
	v10 =	vand.u32 $0xFFFF0000, v21;
	v11 =	vld.idx.msk [tilespmem:v24+s21+$0x0], $0xffff  }
0x1c6: {  	v21 =	vshrl.u32 v17, $0x10;
	v29 =	vshll.u32 v26, $0x10;
	v28 =	vand.u32 $0xFFFF0000, v26;
	v25 =	vld.idx.msk [tilespmem:v20+s21+$0x0], $0xffff  }
0x1c7: {  	p0 =	por !p0, !p0;
	s7 =	sadd.s32 $0x80, s7;
	s10 =	smov.u32 s8;
	v17 =	vshll.u32 v32, $0x10;
	v31 =	vshll.u32 v30, $0x10;
	v30 =	vand.u32 $0xFFFF0000, v30;
	v26 =	vld.idx.msk [tilespmem:v20+s20+$0x0], $0xffff  }
0x1c8: {  	_ =	sdelay $0x3  }
0x1c9: {  	v19 =	vld.idx.msk [tilespmem:v19+s21+$0x0], $0xffff;
	v32 =	vshll.u32 v27, $0x10  }
0x1ca: {  	v24 =	vld.idx.msk [tilespmem:v24+s20+$0x0], $0xffff;
	v36 =	vand.u32 $0xFFFF0000, v27;
	v32 =	vmul.f32 v32, v16  }
0x1cb: {  	v20 =	vld.idx.msk [tilespmem:v20+s2+$0x0], $0xffff;
	v27 =	vmul.f32 v36, v16  }
0x1cc: {  	v31 =	vmul.f32 v31, v16;
	[tilespmem:v21+s26+$0x0] =	vst.idx.add.f32.msk $0xffff, v32  }
0x1cd: {  	v37 =	vmul.f32 v30, v16;
	[tilespmem:v21+s28+$0x0] =	vst.idx.add.f32.msk $0xffff, v27  }
0x1ce: {  	v29 =	vmul.f32 v29, v16;
	[tilespmem:v21+s29+$0x0] =	vst.idx.add.f32.msk $0xffff, v31  }
0x1cf: {  	v13 =	vshrl.u32 v13, $0x10;
	v38 =	vmul.f32 v28, v16;
	[tilespmem:v21+s30+$0x0] =	vst.idx.add.f32.msk $0xffff, v37  }
0x1d0: {  	v22 =	vmul.f32 v22, v16;
	[tilespmem:v21+s31+$0x0] =	vst.idx.add.f32.msk $0xffff, v29  }
0x1d1: {  	v39 =	vmul.f32 v23, v16;
	v40 =	vshll.u32 v20, $0x10;
	[tilespmem:v21+s0+$0x0] =	vst.idx.add.f32.msk $0xffff, v38  }
0x1d2: {  	v20 =	vand.u32 $0xFFFF0000, v20;
	v41 =	vmul.f32 v40, v6;
	[tilespmem:v21+s1+$0x0] =	vst.idx.add.f32.msk $0xffff, v22  }
0x1d3: {  	v42 =	vshll.u32 v26, $0x10;
	v43 =	vmul.f32 v20, v6;
	[tilespmem:v21+s4+$0x0] =	vst.idx.add.f32.msk $0xffff, v39  }
0x1d4: {  	v44 =	vand.u32 $0xFFFF0000, v26;
	v45 =	vmul.f32 v42, v6;
	[tilespmem:v13+s26+$0x0] =	vst.idx.add.f32.msk $0xffff, v41  }
0x1d5: {  	v46 =	vshll.u32 v25, $0x10;
	v47 =	vmul.f32 v44, v6;
	[tilespmem:v13+s28+$0x0] =	vst.idx.add.f32.msk $0xffff, v43  }
0x1d6: {  	v48 =	vand.u32 $0xFFFF0000, v25;
	v49 =	vmul.f32 v46, v6;
	[tilespmem:v13+s29+$0x0] =	vst.idx.add.f32.msk $0xffff, v45  }
0x1d7: {  	v4 =	vshrl.u32 v4, $0x10;
	v50 =	vmul.f32 v48, v6;
	[tilespmem:v13+s30+$0x0] =	vst.idx.add.f32.msk $0xffff, v47  }
0x1d8: {  	v15 =	vmul.f32 v15, v6;
	[tilespmem:v13+s31+$0x0] =	vst.idx.add.f32.msk $0xffff, v49  }
0x1d9: {  	v51 =	vmul.f32 v14, v6;
	[tilespmem:v13+s0+$0x0] =	vst.idx.add.f32.msk $0xffff, v50  }
0x1da: {  	v12 =	vmul.f32 v12, v2;
	[tilespmem:v13+s1+$0x0] =	vst.idx.add.f32.msk $0xffff, v15  }
0x1db: {  	v52 =	vmul.f32 v10, v2;
	[tilespmem:v13+s4+$0x0] =	vst.idx.add.f32.msk $0xffff, v51  }
0x1dc: {  	v53 =	vmul.f32 v17, v2;
	[tilespmem:v4+s26+$0x0] =	vst.idx.add.f32.msk $0xffff, v12  }
0x1dd: {  	v54 =	vshll.u32 v19, $0x10;
	[tilespmem:v4+s28+$0x0] =	vst.idx.add.f32.msk $0xffff, v52  }
0x1de: {  	v55 =	vand.u32 $0xFFFF0000, v19;
	v56 =	vmul.f32 v54, v2;
	[tilespmem:v4+s29+$0x0] =	vst.idx.add.f32.msk $0xffff, v53  }
0x1df: {  	v3 =	vshrl.u32 v3, $0x10;
	v2 =	vmul.f32 v55, v2;
	[tilespmem:v4+s30+$0x0] =	vst.idx.add.f32.msk $0xffff, v8  }
0x1e0: {  	[tilespmem:v4+s31+$0x0] =	vst.idx.add.f32.msk $0xffff, v56  }
0x1e1: {  	v57 =	vshll.u32 v18, $0x10;
	[tilespmem:v4+s0+$0x0] =	vst.idx.add.f32.msk $0xffff, v2  }
0x1e2: {  	v6 =	vmul.f32 v57, v1;
	v2 =	vand.u32 $0xFFFF0000, v18;
	[tilespmem:v4+s1+$0x0] =	vst.idx.add.f32.msk $0xffff, v7  }
0x1e3: {  	v58 =	vshll.u32 v24, $0x10;
	v2 =	vmul.f32 v2, v1;
	[tilespmem:v4+s4+$0x0] =	vst.idx.add.f32.msk $0xffff, v5  }
0x1e4: {  	v59 =	vand.u32 $0xFFFF0000, v24;
	v60 =	vmul.f32 v58, v1;
	[tilespmem:v3+s26+$0x0] =	vst.idx.add.f32.msk $0xffff, v6  }
0x1e5: {  	v61 =	vshll.u32 v11, $0x10;
	[tilespmem:v3+s28+$0x0] =	vst.idx.add.f32.msk $0xffff, v2;
	v2 =	vmul.f32 v59, v1  }
0x1e6: {  	v62 =	vand.u32 $0xFFFF0000, v11;
	v6 =	vmul.f32 v61, v1;
	[tilespmem:v3+s29+$0x0] =	vst.idx.add.f32.msk $0xffff, v60  }
0x1e7: {  	v63 =	vshll.u32 v9, $0x10;
	v4 =	vmul.f32 v62, v1;
	[tilespmem:v3+s30+$0x0] =	vst.idx.add.f32.msk $0xffff, v2  }
0x1e8: {  	v5 =	vmul.f32 v63, v1;
	v2 =	vand.u32 $0xFFFF0000, v9;
	[tilespmem:v3+s31+$0x0] =	vst.idx.add.f32.msk $0xffff, v6  }
0x1e9: {  	v1 =	vmul.f32 v2, v1;
	[tilespmem:v3+s0+$0x0] =	vst.idx.add.f32.msk $0xffff, v4  }
0x1ea: {  	[tilespmem:v3+s1+$0x0] =	vst.idx.add.f32.msk $0xffff, v5  }
0x1eb: {  	[tilespmem:v3+s4+$0x0] =	vst.idx.add.f32.msk $0xffff, v1  }
0x1ec: {  	s8 =	simm.s32 $0x80;
	s9 =	simm.s32 $0x400;
	s7 =	rddreg [dreg:$0x7]  }
0x1ed: {  	[hbm4b:s7+s8] =	stream.strided.scatter [tilespmem:s26], [sflag:$0x3], $0x2780, s9, s8, $0x38;
	[tilespmem:$0x1EE00] =	vst v63  }
0x1ee: {  	_ =	swait.ge [sflag:s19], $0x2780  }
0x1ef: {  	[sflag:s19] =	ssyncset.done $0x0  }
0x1f0: {  	s11 =	rddreg [dreg:$0x8];
	[sflag:s19] =	ssyncadd.s32 $0xFFFFD880  }
0x1f1: {  	[hbm4b:s11+s8] =	stream.strided.scatter [tilespmem:s28], [sflag:$0x3], $0x2780, s9, s8, $0x38;
	[tilespmem:$0x1EE00] =	vst v63  }
0x1f2: {  	_ =	swait.ge [sflag:s19], $0x2780  }
0x1f3: {  	[sflag:s19] =	ssyncset.done $0x0  }
0x1f4: {  	s12 =	rddreg [dreg:$0x9];
	[sflag:s19] =	ssyncadd.s32 $0xFFFFD880  }
0x1f5: {  	[hbm4b:s12+s8] =	stream.strided.scatter [tilespmem:s29], [sflag:$0x3], $0x2780, s9, s8, $0x38;
	[tilespmem:$0x1EE00] =	vst v63  }
0x1f6: {  	_ =	swait.ge [sflag:s19], $0x2780  }
0x1f7: {  	[sflag:s19] =	ssyncset.done $0x0  }
0x1f8: {  	s13 =	rddreg [dreg:$0xa];
	[sflag:s19] =	ssyncadd.s32 $0xFFFFD880  }
0x1f9: {  	[hbm4b:s13+s8] =	stream.strided.scatter [tilespmem:s30], [sflag:$0x3], $0x2780, s9, s8, $0x38;
	[tilespmem:$0x1EE00] =	vst v63  }
0x1fa: {  	_ =	swait.ge [sflag:s19], $0x2780  }
0x1fb: {  	[sflag:s19] =	ssyncset.done $0x0  }
0x1fc: {  	s14 =	rddreg [dreg:$0xb];
	[sflag:s19] =	ssyncadd.s32 $0xFFFFD880  }
0x1fd: {  	[hbm4b:s14+s8] =	stream.strided.scatter [tilespmem:s31], [sflag:$0x3], $0x2780, s9, s8, $0x38;
	[tilespmem:$0x1EE00] =	vst v63  }
0x1fe: {  	_ =	swait.ge [sflag:s19], $0x2780  }
0x1ff: {  	[sflag:s19] =	ssyncset.done $0x0  }
0x200: {  	s15 =	rddreg [dreg:$0xc];
	[sflag:s19] =	ssyncadd.s32 $0xFFFFD880  }
0x201: {  	[hbm4b:s15+s8] =	stream.strided.scatter [tilespmem:s0], [sflag:$0x3], $0x2780, s9, s8, $0x38;
	[tilespmem:$0x1EE00] =	vst v63  }
0x202: {  	_ =	swait.ge [sflag:s19], $0x2780  }
0x203: {  	[sflag:s19] =	ssyncset.done $0x0  }
0x204: {  	s16 =	rddreg [dreg:$0xd];
	[sflag:s19] =	ssyncadd.s32 $0xFFFFD880  }
0x205: {  	[hbm4b:s16+s8] =	stream.strided.scatter [tilespmem:s1], [sflag:$0x3], $0x2780, s9, s8, $0x38;
	[tilespmem:$0x1EE00] =	vst v63  }
0x206: {  	_ =	swait.ge [sflag:s19], $0x2780  }
0x207: {  	[sflag:s19] =	ssyncset.done $0x0  }
0x208: {  	s17 =	rddreg [dreg:$0xe];
	[sflag:s19] =	ssyncadd.s32 $0xFFFFD880  }
0x209: {  	[hbm4b:s17+s8] =	stream.strided.scatter [tilespmem:s4], [sflag:$0x3], $0x2780, s9, s8, $0x38;
	[tilespmem:$0x1EE00] =	vst v63  }
0x20a: {  	_ =	swait.ge [sflag:s19], $0x2780  }
0x20b: {  	s6 =	sadd.s32 $0x1, s6;
	s18 =	rddreg [dreg:$0xf]  }
0x20c: {  	p0 =	sne.s32 s6, s18  }
.Ltmp5:
0x20d: {  	_ = 	snop;
	(pc) =	sbr.rel @p0 .LBB2_1-.Ltmp5, $3  }
0x20e: {  	_ =	sdelay $0x1  }
0x20f: {  	[sflag:s19] =	ssyncset.done $0x0  }
0x210: {  	[sflag:s19] =	ssyncadd.s32 $0xFFFFD880  }
0x211: {  	_ =	sfence.sel $0x180000  }
0x212: {  	[bflag:$0x0] =	sbarrier.arrive $0xFFFF  }
0x213: {  	_ =	strace $0x9000004A  }
0x214: {  	s0 =	stileid.u32;
	[bflag:$0x2] =	sbarrier.arrive $0xFFFF  }
0x215: {  	p0 =	sne.s32 s0, $0x0;
	s0 =	rddreg [dreg:$0x2]  }
0x216: {  	s0 =	sadd.s32 @!p0 $0x100000, s0  }
0x217: {  	[sflag:s0] =	ssyncadd.tile.s32 @!p0 $0x1;
	_ =	shalt  }
.Lfunc_end2:
_tile_overlayer_lowered:
.L_overlay_start_2:
0x218: {  	(tag) =	ssettag $0x2  }
0x219: {  	s0 =	rddreg [dreg:$0x0];
	s2 =	stileid.u32  }
0x21a: {  	s1 =	rddreg [dreg:$0x1];
	p0 =	sne.s32 s2, $0x0  }
0x21b: {  	s3 =	rddreg [dreg:$0x2];
	[bflag:$0x3] =	sbarrier.arrive $0xFFFF;
	s2 =	simm.s32 @!p0 $0x1C03  }
0x21c: {  	[timem:s3], [sflag:s2] =	dma.local @!p0 [hbm:s0], s1  }
0x21d: {  	s0 =	simm.s32 @!p0 $0x3  }
0x21e: {  	_ =	swait.ge @!p0 [sflag:s0], s1  }
0x21f: {  	s1 =	ssub.s32 @!p0 $0x0, s1;
	[sflag:s0] =	ssyncset.done @!p0 $0x0  }
0x220: {  	[sflag:s0] =	ssyncadd.s32 @!p0 s1  }
0x221: {  	[bflag:$0x3] =	sbarrier.arrive $0xFFFF  }
0x222: {  	_ =	shalt  }

// kernel: kernel.7.cloned.1.call-start
scs
__scs_entry_jumppad:
0x0: {  	(pc) =	sbr.rel $0x88, $3  }
0x1: {  	(tag) =	ssettag $0x0;
	lr =	simm.s32 $0x1  }
0x2: {  	[smem:$0x3F92] =	sst lr;
	_ =	strace $0xD0000000  }
0x3: {  	_ = 	snop  }
0x4: {  	_ = 	snop  }
0x5: {  	_ = 	snop  }
0x6: {  	_ = 	snop  }
0x7: {  	_ = 	snop  }
__scs_overlays_trampoline_lowered:
0x8: {  	[smem:$0x3FA1] =	sst s0  }
0x9: {  	[smem:$0x3FA2] =	sst s1  }
0xa: {  	[smem:$0x3FA3] =	sst s2  }
0xb: {  	[smem:$0x3FA4] =	sst s3  }
0xc: {  	[smem:$0x3FA5] =	sst s4  }
0xd: {  	[smem:$0x3FA6] =	sst s5  }
0xe: {  	[smem:$0x3FA7] =	sst s6  }
0xf: {  	[smem:$0x3FA8] =	sst s7  }
0x10: {  	[smem:$0x3FA9] =	sst s8  }
0x11: {  	[smem:$0x3FAA] =	sst s9;
	s0 =	simm.s32 @!p0 $0x0  }
0x12: {  	s1 =	sld [smem:$0x3F90];
	s0 =	simm.s32 @p0 $0x1  }
0x13: {  	[smem:$0x3FAB] =	sst s0;
	s0 =	simm.s32 @!p1 $0x0  }
0x14: {  	s2 =	sld [smem:$0x3F8F];
	s0 =	simm.s32 @p1 $0x1  }
0x15: {  	[smem:$0x3FAC] =	sst s0;
	s0 =	simm.s32 @!p2 $0x0  }
0x16: {  	s3 =	sld [smem:$0x3FDB];
	s0 =	simm.s32 @p2 $0x1  }
0x17: {  	s4 =	simm.s32 $0x1BF5;
	[smem:$0x3FAE] =	sst s0  }
0x18: {  	s0 =	sld [smem:$0x3F91];
	_ =	swait.ge [sflag:s4], $0x0  }
0x19: {  	s7 =	sld [smem:$0x3F92]  }
0x1a: {  	s8 =	sadd.s32 $0xFFFFE003, lr  }
0x1b: {  	s9 =	sadd.s32 $0xFFFFFEF7, lr;
	s5 =	simm.s32 $0xFFFFFFFF;
	p2 =	slt.u32 s8, $0xFFFFF086  }
0x1c: {  	p1 =	slt.u32 s9, $0xF7A;
	s5 =	simm.s32 @!p2 $0x0  }
0x1d: {  	s5 =	simm.s32 @p1 $0x1;
	p0 =	seq.s32 s7, s2  }
0x1e: {  	s7 =	smul.u32 @!p0 $0xF7A, s2;
	p2 =	seq.s32 @!p0 s5, $0x0  }
0x1f: {  	s9 =	smul.u32 $0xF7A, s1;
	s8 =	simm.s32 @!p0 $0x1BF5;
	p2 =	por !p2, p0  }
0x20: {  	[sflag:s8] =	ssyncset.s32 @!p0 $0xFFFFF086;
	s6 =	sadd.s32 @!p0 s3, s7;
	s7 =	simm.s32 @!p0 $0x108  }
0x21: {  	s3 =	sadd.s32 s3, s9;
	s6 =	sadd.s32 @!p0 $0x88, s6;
	s7 =	simm.s32 @p2 $0x1082  }
0x22: {  	[simem:s7], [sflag:s8] =	dma.local @!p0 [hbm:s6], $0xF7A  }
0x23: {  	s9 =	sor.u32 $0xD0000000, s2;
	s6 =	simm.s32 $0x108;
	_ =	swait.ge @!p0 [sflag:s8], $0x0  }
0x24: {  	s3 =	sadd.s32 $0x88, s3;
	s6 =	simm.s32 @!p1 $0x1082;
	[sflag:s4] =	ssyncset.s32 $0xFFFFF086  }
0x25: {  	[simem:s6], [sflag:s4] =	dma.local [hbm:s3], $0xF7A  }
0x26: {  	[smem:$0x3F92] =	sst s1;
	(tag) =	ssettag s2;
	_ =	strace s9  }
0x27: {  	s1 =	sld [smem:$0x3FA2]  }
0x28: {  	s2 =	sld [smem:$0x3FA3]  }
0x29: {  	s4 =	sld [smem:$0x3FA5]  }
0x2a: {  	p0 =	seq.s32 s5, $0x0;
	s5 =	sld [smem:$0x3FA6]  }
0x2b: {  	s6 =	sld [smem:$0x3FA7]  }
0x2c: {  	s7 =	sld [smem:$0x3FA8]  }
0x2d: {  	s3 =	simm.s32 $0x108;
	s8 =	sld [smem:$0x3FA9]  }
0x2e: {  	s3 =	simm.s32 @!p0 $0x1082;
	s9 =	sld [smem:$0x3FAA]  }
0x2f: {  	lr =	sadd.s32 s0, s3;
	s0 =	sld [smem:$0x3FA1]  }
0x30: {  	s3 =	sld [smem:$0x3FA4]  }
0x31: {  	[smem:$0x3FAD] =	sst s10  }
0x32: {  	s10 =	sld [smem:$0x3FAB];
	_ =	sdelay $0x3  }
0x33: {  	p0 =	seq.s32 s10, $0x1;
	s10 =	sld [smem:$0x3FAD];
	_ =	sdelay $0x3  }
0x34: {  	[smem:$0x3FAD] =	sst s10  }
0x35: {  	s10 =	sld [smem:$0x3FAC];
	_ =	sdelay $0x3  }
0x36: {  	p1 =	seq.s32 s10, $0x1;
	s10 =	sld [smem:$0x3FAD];
	_ =	sdelay $0x3  }
0x37: {  	[smem:$0x3FAD] =	sst s10  }
0x38: {  	s10 =	sld [smem:$0x3FAE]  }
0x39: {  	_ = 	snop;
	(pc) =	sbr.ind lr, $3  }
0x3a: {  	_ = 	snop  }
0x3b: {  	_ = 	snop  }
0x3c: {  	p2 =	seq.s32 s10, $0x1;
	s10 =	sld [smem:$0x3FAD]  }
0x3d: {  	_ =	shalt  }
0x3e: {  	_ =	shalt  }
0x3f: {  	_ =	shalt  }
0x40: {  	_ =	shalt  }
0x41: {  	_ =	shalt  }
0x42: {  	_ =	shalt  }
0x43: {  	_ =	shalt  }
0x44: {  	_ =	shalt  }
0x45: {  	_ =	shalt  }
0x46: {  	_ =	shalt  }
0x47: {  	_ =	shalt  }
0x48: {  	_ =	shalt  }
0x49: {  	_ =	shalt  }
0x4a: {  	_ =	shalt  }
0x4b: {  	_ =	shalt  }
0x4c: {  	_ =	shalt  }
0x4d: {  	_ =	shalt  }
0x4e: {  	_ =	shalt  }
0x4f: {  	_ =	shalt  }
0x50: {  	_ =	shalt  }
0x51: {  	_ =	shalt  }
0x52: {  	_ =	shalt  }
0x53: {  	_ =	shalt  }
0x54: {  	_ =	shalt  }
0x55: {  	_ =	shalt  }
0x56: {  	_ =	shalt  }
0x57: {  	_ =	shalt  }
0x58: {  	_ =	shalt  }
0x59: {  	_ =	shalt  }
0x5a: {  	_ =	shalt  }
0x5b: {  	_ =	shalt  }
0x5c: {  	_ =	shalt  }
0x5d: {  	_ =	shalt  }
0x5e: {  	_ =	shalt  }
0x5f: {  	_ =	shalt  }
0x60: {  	_ =	shalt  }
0x61: {  	_ =	shalt  }
0x62: {  	_ =	shalt  }
0x63: {  	_ =	shalt  }
0x64: {  	_ =	shalt  }
0x65: {  	_ =	shalt  }
0x66: {  	_ =	shalt  }
0x67: {  	_ =	shalt  }
0x68: {  	_ =	shalt  }
0x69: {  	_ =	shalt  }
0x6a: {  	_ =	shalt  }
0x6b: {  	_ =	shalt  }
0x6c: {  	_ =	shalt  }
0x6d: {  	_ =	shalt  }
0x6e: {  	_ =	shalt  }
0x6f: {  	_ =	shalt  }
0x70: {  	_ =	shalt  }
0x71: {  	_ =	shalt  }
0x72: {  	_ =	shalt  }
0x73: {  	_ =	shalt  }
0x74: {  	_ =	shalt  }
0x75: {  	_ =	shalt  }
0x76: {  	_ =	shalt  }
0x77: {  	_ =	shalt  }
0x78: {  	_ =	shalt  }
0x79: {  	_ =	shalt  }
0x7a: {  	_ =	shalt  }
0x7b: {  	_ =	shalt  }
0x7c: {  	_ =	shalt  }
0x7d: {  	_ =	shalt  }
0x7e: {  	_ =	shalt  }
0x7f: {  	_ =	shalt  }
0x80: {  	_ =	shalt  }
0x81: {  	_ =	shalt  }
0x82: {  	_ =	shalt  }
0x83: {  	_ =	shalt  }
0x84: {  	_ =	shalt  }
0x85: {  	_ =	shalt  }
0x86: {  	_ =	shalt  }
0x87: {  	_ =	shalt  }
.Lfunc_end0:
.L_simem_size_0:
called_computation_lowered:
.L_overlay_start_0:
0x88: {  	s2 =	sld [smem:$0x3FD9]  }
0x89: {  	s3 =	sld [smem:$0x3FFE];
	_ =	sdelay $0x1  }
0x8a: {  	s1 =	srdreg.scid  }
0x8b: {  	s0 =	sand.u32 $0x1, s1  }
0x8c: {  	s17 =	sshll.u32 s0, $0xA;
	s2 =	sadd.s32 s3, s2  }
0x8d: {  	s2 =	sadd.s32 s2, s17  }
0x8e: {  	[smem:$0x3FB9] =	sst s2  }
0x8f: {  	_ = 	snop  }
0x90: {  	s2 =	sld [smem:$0x3FD0];
	(tm) =	ssettm $0x1  }
0x91: {  	s18 =	sld [smem:$0x3FFB];
	_ =	sdelay $0x3  }
0x92: {  	_ =	strace s18  }
0x93: {  	s3 =	sld [smem:$0x3FFC];
	_ =	sdelay $0x3  }
0x94: {  	_ =	strace s3  }
0x95: {  	s3 =	sld [smem:$0x3FFD];
	_ =	sdelay $0x3  }
0x96: {  	_ =	strace s3  }
0x97: {  	_ =	strace $0x8FFFFFFF  }
0x98: {  	s19 =	sld [smem:$0x3FDB];
	_ =	sdelay $0x1  }
0x99: {  	s4 =	simm.s32 $_scs_section_size  }
0x9a: {  	s5 =	simm.s32 $_size__tile_overlayer_lowered;
	s6 =	simm.s32 $_tile_overlayer_lowered  }
0x9b: {  	s22 =	simm.s32 $0x1BFF;
	s21 =	sshll.u32 s6, $0x1;
	s3 =	sadd.s32 s4, s19  }
0x9c: {  	s7 =	simm.s32 $0x0;
	s20 =	sshll.u32 s5, $0x1;
	s5 =	sadd.s32 s21, s3  }
0x9d: {  	[timem:s7], [sflag:s22] =	dma.local [hbm:s5], s20  }
0x9e: {  	_ =	swait.ge [sflag:s22], s20  }
0x9f: {  	s4 =	ssub.s32 $0x0, s20;
	[sflag:s22] =	ssyncset.done $0x0  }
0xa0: {  	[sflag:s22] =	ssyncadd.s32 s4;
	_ =	sdelay $0x1  }
0xa1: {  	s23 =	simm.s32 $0x1B8B  }
0xa2: {  	_ =	swait.ge [sflag:s23], $0x1  }
0xa3: {  	[sflag:s23] =	ssyncset.done $0x0  }
0xa4: {  	s25 =	simm.s32 $0x1B8E;
	s24 =	sld [smem:$0x3FFE];
	[sflag:s23] =	ssyncadd.s32 $0xFFFFFFFF  }
0xa5: {  	s26 =	simm.s32 $execute0_lowered;
	[smem:$0x3FD2] =	sst s25  }
0xa6: {  	s5 =	sshll.u32 s26, $0x1;
	_ =	strace $0x80000046;
	[dreg:$0x1] =	wrdreg $0xFFFFFFFF  }
0xa7: {  	s28 =	simm.s32 $_size_execute0_lowered;
	s3 =	sadd.s32 s3, s5;
	[dreg:$0x0] =	wrdreg $0x0  }
0xa8: {  	s5 =	sshll.u32 s28, $0x1;
	[dreg:$0x2] =	wrdreg s3  }
0xa9: {  	[dreg:$0x3] =	wrdreg s5  }
0xaa: {  	[dreg:$0x4] =	wrdreg $0xC0  }
0xab: {  	_ =	task [dreg:s7], $0x5FFFF  }
0xac: {  	[dreg:$0x1] =	wrdreg $0xFFFFFFFF  }
0xad: {  	[dreg:$0x0] =	wrdreg $0x60  }
0xae: {  	[dreg:$0x2] =	wrdreg s2  }
0xaf: {  	[dreg:$0x3] =	wrdreg s24  }
0xb0: {  	[dreg:$0x4] =	wrdreg $0x9  }
0xb1: {  	_ =	task.clear_ibuf [dreg:s7], $0x5FFFF;
	_ =	strace $0x90000046  }
0xb2: {  	s29 =	simm.s32 $0x9;
	_ =	strace $0x80000048  }
0xb3: {  	_ =	swait.ge [sflag:s29], $0x1  }
0xb4: {  	[sflag:s29] =	ssyncadd.s32 $0xFFFFFFFF  }
0xb5: {  	_ =	strace $0x90000048  }
0xb6: {  	_ =	sfence  }
0xb7: {  	s30 =	sld [smem:$0x0];
	_ =	sdelay $0x2  }
0xb8: {  	s31 =	sshll.u32 s1, $0xD;
	s1 =	sshrl.u32 s1, $0x2  }
0xb9: {  	s3 =	sand.u32 $0x4000, s31;
	s1 =	sadd.s32 s1, s30  }
0xba: {  	s0 =	sor.u32 s3, s0;
	s1 =	sshll.u32 s1, $0x11  }
0xbb: {  	s0 =	sor.u32 s1, s0  }
0xbc: {  	s0 =	sadd.s32 $0x8F2B, s0  }
0xbd: {  	[sflag:s0] =	ssyncadd.remote.s32 $0x1  }
0xbe: {  	_ =	sfence.sel $0xFFFF  }
0xbf: {  	[dreg:$0x0] =	wrdreg $0xFFFFFFFF;
	(pc) =	sbr.abs _section_cstart, $3  }
0xc0: {  	[dreg:$0x1] =	wrdreg $0xFFFFFFFF  }
0xc1: {  	_ =	task.clear_ibuf [dreg:s7], $0x2FFFF;
	_ =	strace $0x9FFFFFFF  }
0xc2: {  	(tm) =	ssettm $0x7FFFFFFF  }
0xc3: {  	_ =	shalt  }
tec
execute0_lowered:
.L_overlay_start_1:
0x0: {  	(tag) =	ssettag $0x1  }
0x1: {  	s0 =	rddreg [dreg:$0x0]  }
0x2: {  	s1 =	rddreg [dreg:$0x1];
	s2 =	simm.s32 $0x0;
	s3 =	srdreg.scid  }
0x3: {  	s9 =	stileid.u32;
	s28 =	simm.s32 $0x13C00;
	s29 =	simm.s32 $0xC580  }
0x4: {  	s30 =	simm.s32 $0x16380;
	s31 =	simm.s32 $0xED00;
	[smem:$0x7FF] =	sst s2  }
0x5: {  	s4 =	sand.u32 $0x1, s3;
	s5 =	smul.u32 $0x13C00, s9;
	s3 =	sadd.s32 $0x2200, s1  }
0x6: {  	s1 =	sadd.s32 $0xC000, s1;
	s24 =	sshll.u32 s9, $0x3;
	_ =	strace $0x80000047  }
0x7: {  	s6 =	ssub.s32 $0x2, s4;
	s7 =	sshll.u32 s4, $0x9;
	s4 =	sshll.u32 s4, $0x2  }
0x8: {  	s8 =	sshrl.u32 s6, $0x1;
	s5 =	sor.u32 s7, s5;
	s4 =	sor.u32 s4, s24  }
0x9: {  	s25 =	sshrl.u32 s5, $0x3;
	s6 =	ssub.s32 s6, s8;
	s11 =	sor.u32 $0x81, s4  }
0xa: {  	s16 =	sadd.s32 $0x13C000, s5;
	s19 =	sor.u32 $0x82, s4;
	s4 =	sor.u32 $0x83, s4  }
0xb: {  	s8 =	simm.s32 $0x80;
	s26 =	sor.u32 $0x10, s25;
	s12 =	sadd.s32 s0, s25  }
0xc: {  	s14 =	sor.u32 $0x20, s25;
	s15 =	sor.u32 $0x30, s25;
	s17 =	sshrl.u32 s11, $0x3  }
0xd: {  	s11 =	sshll.u32 s11, $0x7;
	s9 =	sadd.s32 s1, s25;
	s20 =	sshrl.u32 s19, $0x3  }
0xe: {  	s21 =	sshrl.u32 s4, $0x3;
	s4 =	sshll.u32 s4, $0x7;
	[dreg:$0x3] =	wrdreg s12  }
0xf: {  	s13 =	sadd.s32 s0, s26;
	s10 =	sadd.s32 s0, s14;
	[dreg:$0x7] =	wrdreg s9  }
0x10: {  	s0 =	sadd.s32 s0, s15;
	s5 =	smul.u32 $0x13C00, s17;
	[dreg:$0x4] =	wrdreg s13  }
0x11: {  	s18 =	sand.u32 $0x280, s11;
	s7 =	sadd.s32 s1, s26;
	[dreg:$0x5] =	wrdreg s10  }
0x12: {  	s9 =	smul.u32 $0x13C00, s21;
	s4 =	sand.u32 $0x380, s4;
	[dreg:$0x6] =	wrdreg s0  }
0x13: {  	s23 =	sadd.s32 s1, s14;
	s24 =	sadd.s32 s1, s15;
	[dreg:$0x9] =	wrdreg s7  }
0x14: {  	s26 =	smax.u32 s6, $0x1;
	s21 =	simm.s32 $0x4F00;
	[dreg:$0xb] =	wrdreg s23  }
0x15: {  	s6 =	simm.s32 $0x0;
	s0 =	sshrl.u32 s16, $0x3;
	[dreg:$0xd] =	wrdreg s24  }
0x16: {  	s7 =	smul.u32 $0x13C00, s20;
	[dreg:$0xf] =	wrdreg s26;
	s20 =	simm.s32 $0x2780  }
0x17: {  	s23 =	simm.s32 $0x1DA00;
	s24 =	simm.s32 $0x1E400;
	s26 =	simm.s32 $0x9E00  }
0x18: {  	s0 =	sadd.s32 s1, s0;
	s4 =	sor.u32 s4, s9;
	s9 =	simm.s32 $0x400  }
0x19: {  	[dreg:$0x8] =	wrdreg s0;
	s0 =	sor.u32 s18, s5;
	s5 =	sshll.u32 s19, $0x7  }
0x1a: {  	s25 =	sshrl.u32 s4, $0x3;
	s0 =	sshrl.u32 s0, $0x3;
	s5 =	sand.u32 $0x300, s5  }
0x1b: {  	s19 =	simm.s32 $0x3;
	s0 =	sadd.s32 s1, s0;
	s22 =	sor.u32 s5, s7  }
0x1c: {  	s4 =	simm.s32 $0x1B280;
	[dreg:$0xa] =	wrdreg s0;
	s0 =	sshrl.u32 s22, $0x3  }
0x1d: {  	s5 =	simm.s32 $0x2;
	s22 =	simm.s32 $0x7680;
	s0 =	sadd.s32 s1, s0  }
0x1e: {  	[dreg:$0xc] =	wrdreg s0;
	s0 =	sadd.s32 s1, s25;
	s25 =	simm.s32 $0x1  }
0x1f: {  	v0 =	vimm.f32 $0.0e+00;
	s1 =	simm.s32 $0x11480;
	[dreg:$0xe] =	wrdreg s0;
	s0 =	simm.s32 $0x18B00  }
.LBB2_1:
0x20: {  	s7 =	rddreg [dreg:$0x3]  }
0x21: {  	[tilespmem:s2], [sflag:$0x3] =	stream.strided.gather [hbm4b:s7+s8], $0x2780, s9, s8, $0x38;
	[tilespmem:$0x1EE00] =	vst v63  }
0x22: {  	_ =	swait.ge [sflag:s19], $0x2780  }
0x23: {  	[sflag:s19] =	ssyncset.done $0x0  }
0x24: {  	s16 =	rddreg [dreg:$0x4];
	[sflag:s19] =	ssyncadd.s32 $0xFFFFD880  }
0x25: {  	[tilespmem:s20], [sflag:$0x3] =	stream.strided.gather [hbm4b:s16+s8], $0x2780, s9, s8, $0x38;
	[tilespmem:$0x1EE00] =	vst v63  }
0x26: {  	_ =	swait.ge [sflag:s19], $0x2780  }
0x27: {  	[sflag:s19] =	ssyncset.done $0x0  }
0x28: {  	s17 =	rddreg [dreg:$0x5];
	[sflag:s19] =	ssyncadd.s32 $0xFFFFD880  }
0x29: {  	[tilespmem:s21], [sflag:$0x3] =	stream.strided.gather [hbm4b:s17+s8], $0x2780, s9, s8, $0x38;
	[tilespmem:$0x1EE00] =	vst v63  }
0x2a: {  	_ =	swait.ge [sflag:s19], $0x2780  }
0x2b: {  	[sflag:s19] =	ssyncset.done $0x0  }
0x2c: {  	s18 =	rddreg [dreg:$0x6];
	[sflag:s19] =	ssyncadd.s32 $0xFFFFD880  }
0x2d: {  	[tilespmem:s22], [sflag:$0x3] =	stream.strided.gather [hbm4b:s18+s8], $0x2780, s9, s8, $0x38;
	[tilespmem:$0x1EE00] =	vst v63  }
0x2e: {  	_ =	swait.ge [sflag:s19], $0x2780  }
0x2f: {  	[sflag:s19] =	ssyncset.done $0x0  }
0x30: {  	s7 =	simm.s32 $0x9E20;
	[sflag:s19] =	ssyncadd.s32 $0xFFFFD880  }
0x31: {  	s8 =	simm.s32 $0xC5A0;
	[tilespmem:s7+$0xFFFFFFE0] =	vst v0  }
0x32: {  	s10 =	simm.s32 $0xED20;
	[tilespmem:s8+$0xFFFFFFE0] =	vst v0  }
0x33: {  	s11 =	simm.s32 $0x114A0;
	[tilespmem:s10+$0xFFFFFFE0] =	vst v0  }
0x34: {  	s12 =	simm.s32 $0x13C20;
	[tilespmem:s11+$0xFFFFFFE0] =	vst v0  }
0x35: {  	s13 =	simm.s32 $0x163A0;
	[tilespmem:s12+$0xFFFFFFE0] =	vst v0  }
0x36: {  	s14 =	simm.s32 $0x18B20;
	[tilespmem:s13+$0xFFFFFFE0] =	vst v0  }
0x37: {  	s9 =	simm.s32 $0x1B2A0;
	[tilespmem:s14+$0xFFFFFFE0] =	vst v0  }
0x38: {  	[tilespmem:s9+$0xFFFFFFE0] =	vst v0  }
0x39: {  	[tilespmem:s7+$0xFFFFFFF0] =	vst v0  }
0x3a: {  	[tilespmem:s8+$0xFFFFFFF0] =	vst v0  }
0x3b: {  	[tilespmem:s10+$0xFFFFFFF0] =	vst v0  }
0x3c: {  	[tilespmem:s11+$0xFFFFFFF0] =	vst v0  }
0x3d: {  	[tilespmem:s12+$0xFFFFFFF0] =	vst v0  }
0x3e: {  	[tilespmem:s13+$0xFFFFFFF0] =	vst v0  }
0x3f: {  	[tilespmem:s14+$0xFFFFFFF0] =	vst v0  }
0x40: {  	[tilespmem:s9+$0xFFFFFFF0] =	vst v0  }
0x41: {  	[tilespmem:s7+$0x0] =	vst v0  }
0x42: {  	[tilespmem:s8+$0x0] =	vst v0  }
0x43: {  	[tilespmem:s10+$0x0] =	vst v0  }
0x44: {  	[tilespmem:s11+$0x0] =	vst v0  }
0x45: {  	[tilespmem:s12+$0x0] =	vst v0  }
0x46: {  	[tilespmem:s13+$0x0] =	vst v0  }
0x47: {  	[tilespmem:s14+$0x0] =	vst v0  }
0x48: {  	[tilespmem:s9+$0x0] =	vst v0  }
0x49: {  	[tilespmem:s7+$0x10] =	vst v0  }
0x4a: {  	[tilespmem:s8+$0x10] =	vst v0  }
0x4b: {  	[tilespmem:s10+$0x10] =	vst v0  }
0x4c: {  	[tilespmem:s11+$0x10] =	vst v0  }
0x4d: {  	[tilespmem:s12+$0x10] =	vst v0  }
0x4e: {  	[tilespmem:s13+$0x10] =	vst v0  }
0x4f: {  	[tilespmem:s14+$0x10] =	vst v0  }
0x50: {  	[tilespmem:s9+$0x10] =	vst v0  }
0x51: {  	[tilespmem:s7+$0x20] =	vst v0  }
0x52: {  	[tilespmem:s8+$0x20] =	vst v0  }
0x53: {  	[tilespmem:s10+$0x20] =	vst v0  }
0x54: {  	[tilespmem:s11+$0x20] =	vst v0  }
0x55: {  	s15 =	simm.s32 $0x114F0;
	[tilespmem:s12+$0x20] =	vst v0  }
0x56: {  	s16 =	simm.s32 $0x13C70;
	s10 =	simm.s32 $0x0;
	s11 =	simm.s32 $0x163F0;
	[tilespmem:s13+$0x20] =	vst v0  }
0x57: {  	s12 =	simm.s32 $0x18B70;
	s13 =	simm.s32 $0x1B2F0;
	[tilespmem:s14+$0x20] =	vst v0;
	s14 =	simm.s32 $0xED70  }
.LBB2_2:
0x58: {  	s10 =	sadd.s32 $0x5, s10;
	[tilespmem:s9+$0x20] =	vst v0;
	s7 =	sadd.s32 $0x50, s7;
	s8 =	sadd.s32 $0x50, s8  }
0x59: {  	s17 =	smov.u32 s12;
	s9 =	smov.u32 s13;
	[tilespmem:s7+$0xFFFFFFE0] =	vst v0;
	p0 =	slt.u32 s10, $0x26C  }
0x5a: {  	[tilespmem:s8+$0xFFFFFFE0] =	vst v0  }
0x5b: {  	[tilespmem:s14+$0xFFFFFFE0] =	vst v0  }
0x5c: {  	[tilespmem:s15+$0xFFFFFFE0] =	vst v0  }
0x5d: {  	[tilespmem:s16+$0xFFFFFFE0] =	vst v0  }
0x5e: {  	[tilespmem:s11+$0xFFFFFFE0] =	vst v0  }
0x5f: {  	[tilespmem:s12+$0xFFFFFFE0] =	vst v0  }
0x60: {  	[tilespmem:s13+$0xFFFFFFE0] =	vst v0  }
0x61: {  	[tilespmem:s7+$0xFFFFFFF0] =	vst v0  }
0x62: {  	[tilespmem:s8+$0xFFFFFFF0] =	vst v0  }
0x63: {  	[tilespmem:s14+$0xFFFFFFF0] =	vst v0  }
0x64: {  	[tilespmem:s15+$0xFFFFFFF0] =	vst v0  }
0x65: {  	[tilespmem:s16+$0xFFFFFFF0] =	vst v0  }
0x66: {  	[tilespmem:s11+$0xFFFFFFF0] =	vst v0  }
0x67: {  	[tilespmem:s12+$0xFFFFFFF0] =	vst v0  }
0x68: {  	[tilespmem:s13+$0xFFFFFFF0] =	vst v0  }
0x69: {  	[tilespmem:s7+$0x0] =	vst v0  }
0x6a: {  	[tilespmem:s8+$0x0] =	vst v0  }
0x6b: {  	[tilespmem:s14+$0x0] =	vst v0  }
0x6c: {  	[tilespmem:s15+$0x0] =	vst v0  }
0x6d: {  	[tilespmem:s16+$0x0] =	vst v0  }
0x6e: {  	[tilespmem:s11+$0x0] =	vst v0  }
0x6f: {  	[tilespmem:s12+$0x0] =	vst v0  }
0x70: {  	[tilespmem:s13+$0x0] =	vst v0  }
0x71: {  	[tilespmem:s7+$0x10] =	vst v0  }
0x72: {  	[tilespmem:s8+$0x10] =	vst v0  }
0x73: {  	[tilespmem:s14+$0x10] =	vst v0  }
0x74: {  	[tilespmem:s15+$0x10] =	vst v0  }
0x75: {  	[tilespmem:s16+$0x10] =	vst v0  }
0x76: {  	[tilespmem:s11+$0x10] =	vst v0  }
0x77: {  	[tilespmem:s12+$0x10] =	vst v0  }
0x78: {  	[tilespmem:s13+$0x10] =	vst v0  }
0x79: {  	[tilespmem:s7+$0x20] =	vst v0  }
0x7a: {  	[tilespmem:s8+$0x20] =	vst v0  }
.Ltmp0:
0x7b: {  	[tilespmem:s14+$0x20] =	vst v0;
	(pc) =	sbr.rel @p0 .LBB2_2-.Ltmp0, $4  }
0x7c: {  	[tilespmem:s15+$0x20] =	vst v0  }
0x7d: {  	[tilespmem:s16+$0x20] =	vst v0  }
0x7e: {  	s12 =	sadd.s32 $0x50, s12;
	s13 =	sadd.s32 $0x50, s13;
	[tilespmem:s11+$0x20] =	vst v0;
	s11 =	sadd.s32 $0x50, s11  }
0x7f: {  	s14 =	sadd.s32 $0x50, s14;
	s15 =	sadd.s32 $0x50, s15;
	s16 =	sadd.s32 $0x50, s16;
	[tilespmem:s17+$0x20] =	vst v0  }
0x80: {  	[tilespmem:s9+$0x20] =	vst v0;
	s7 =	simm.s32 $0x0;
	s8 =	simm.s32 $0x0  }
0x81: {  	[tilespmem:s23], [sflag:$0x1] =	stream.linear.gather [hbm4b:s3+s7], $0xA00, $0x38;
	[tilespmem:$0x1EE00] =	vst v63  }
.LBB2_4:
0x82: {  	s9 =	smul.u32 $0x1400, s8;
	_ =	sdelay $0x1  }
0x83: {  	s9 =	sshrl.u32 s9, $0x3  }
0x84: {  	s9 =	sadd.s32 s3, s9  }
0x85: {  	s10 =	sadd.s32 $0x140, s9  }
0x86: {  	[tilespmem:s24], [sflag:$0x2] =	stream.linear.gather [hbm4b:s10+s7], $0xA00, $0x38;
	[tilespmem:$0x1EE00] =	vst v63  }
0x87: {  	s16 =	sand.u32 $0x40, s7;
	s11 =	sand.u32 $0xF00, s7;
	_ =	swait.ge [sflag:s25], $0xA00  }
0x88: {  	p0 =	por $0x0, $0x0;
	s10 =	sor.u32 s16, s11;
	[sflag:s25] =	ssyncset.done $0x0  }
0x89: {  	s12 =	simm.s32 $0x1;
	s11 =	sadd.s32 $0x1DA00, s10;
	[sflag:s25] =	ssyncadd.s32 $0xFFFFF600  }
0x8a: {  	s12 =	simm.s32 @!p0 $0x0;
	v4 =	vld [tilespmem:s11+$0x20]  }
0x8b: {  	s12 =	sshll.u32 s12, $0x6  }
0x8c: {  	s17 =	sadd.s32 $0x0, s12;
	v17 =	vld [tilespmem:s10+$0x1DA00]  }
0x8d: {  	s12 =	sadd.s32 $0x30, s17;
	v13 =	vld [tilespmem:s11+$0x10]  }
0x8e: {  	s13 =	sadd.s32 $0x20, s17;
	s12 =	sor.u32 $0x80, s12  }
0x8f: {  	s13 =	sor.u32 $0x80, s13;
	v1 =	vld [tilespmem:s12+$0x1DA00];
	v19 =	vand.u32 $0xFFFF, v4  }
0x90: {  	s18 =	sadd.s32 $0x10, s17;
	v2 =	vld [tilespmem:s13+$0x1DA00]  }
0x91: {  	s12 =	sor.u32 $0x80, s18;
	v3 =	vld [tilespmem:s11+$0x30];
	v5 =	vand.u32 $0xFFFF, v17  }
0x92: {  	s10 =	sor.u32 $0x80, s17;
	v6 =	vld [tilespmem:s12+$0x1DA00];
	v20 =	vand.u32 $0xFFFF, v13  }
0x93: {  	v16 =	vld [tilespmem:s10+$0x1DA00]  }
0x94: {  	v32 =	vld.idx.msk [tilespmem:v19+s20+$0x0], $0xffff  }
0x95: {  	v7 =	vld.idx.msk [tilespmem:v19+s22+$0x0], $0xffff  }
0x96: {  	v10 =	vld.idx.msk [tilespmem:v5+s22+$0x0], $0xffff  }
0x97: {  	v24 =	vand.u32 $0xFFFF, v3;
	v12 =	vld.idx.msk [tilespmem:v20+s22+$0x0], $0xffff  }
0x98: {  	v21 =	vld.idx.msk [tilespmem:v19+s2+$0x0], $0xffff  }
0x99: {  	v26 =	vld.idx.msk [tilespmem:v5+s21+$0x0], $0xffff  }
0x9a: {  	v30 =	vld.idx.msk [tilespmem:v5+s20+$0x0], $0xffff  }
0x9b: {  	v27 =	vld.idx.msk [tilespmem:v5+s2+$0x0], $0xffff;
	v8 =	vand.u32 $0xFFFF0000, v32;
	v5 =	vshll.u32 v7, $0x10;
	v9 =	vand.u32 $0xFFFF0000, v7  }
0x9c: {  	v18 =	vld.idx.msk [tilespmem:v24+s2+$0x0], $0xffff;
	v22 =	vshll.u32 v10, $0x10;
	v23 =	vand.u32 $0xFFFF0000, v10;
	v15 =	vshll.u32 v12, $0x10  }
0x9d: {  	v11 =	vld.idx.msk [tilespmem:v24+s21+$0x0], $0xffff;
	v14 =	vand.u32 $0xFFFF0000, v12;
	v12 =	vshll.u32 v21, $0x10;
	v10 =	vand.u32 $0xFFFF0000, v21  }
0x9e: {  	v25 =	vld.idx.msk [tilespmem:v20+s21+$0x0], $0xffff;
	v21 =	vshrl.u32 v17, $0x10;
	v29 =	vshll.u32 v26, $0x10;
	v28 =	vand.u32 $0xFFFF0000, v26  }
0x9f: {  	v31 =	vshll.u32 v30, $0x10;
	v7 =	vmul.f32 v5, v2;
	v5 =	vmul.f32 v9, v2;
	v9 =	vld.idx.msk [tilespmem:v24+s22+$0x0], $0xffff  }
0xa0: {  	p0 =	por !p0, !p0;
	s13 =	simm.s32 $0x40;
	s10 =	simm.s32 $0x80;
	v26 =	vld.idx.msk [tilespmem:v20+s20+$0x0], $0xffff;
	v30 =	vand.u32 $0xFFFF0000, v30;
	v17 =	vshll.u32 v32, $0x10;
	v8 =	vmul.f32 v8, v2  }
.LBB2_5:
0xa1: {  	s11 =	smov.u32 s13  }
0xa2: {  	s12 =	sand.u32 $0x40, s13;
	s14 =	sand.u32 $0xF00, s10;
	v19 =	vld.idx.msk [tilespmem:v19+s21+$0x0], $0xffff;
	v32 =	vshll.u32 v27, $0x10;
	s11 =	sadd.s32 $0x40, s13  }
0xa3: {  	p1 =	sne.s32 s13, $0x4C0;
	v27 =	vand.u32 $0xFFFF0000, v27;
	v33 =	vshll.u32 v18, $0x10;
	s12 =	sor.u32 s12, s14;
	v32 =	vmul.f32 v32, v16;
	v24 =	vld.idx.msk [tilespmem:v24+s20+$0x0], $0xffff  }
0xa4: {  	v18 =	vand.u32 $0xFFFF0000, v18;
	v27 =	vmul.f32 v27, v16;
	v34 =	vshll.u32 v9, $0x10;
	v20 =	vld.idx.msk [tilespmem:v20+s2+$0x0], $0xffff  }
0xa5: {  	v13 =	vshrl.u32 v13, $0x10;
	v31 =	vmul.f32 v31, v16;
	[tilespmem:v21+s26+$0x0] =	vst.idx.add.f32.msk $0xffff, v32;
	v32 =	vshll.u32 v11, $0x10  }
0xa6: {  	[tilespmem:v21+s28+$0x0] =	vst.idx.add.f32.msk $0xffff, v27;
	v27 =	vmul.f32 v30, v16;
	v30 =	vshll.u32 v25, $0x10;
	v25 =	vand.u32 $0xFFFF0000, v25  }
0xa7: {  	v29 =	vmul.f32 v29, v16;
	[tilespmem:v21+s29+$0x0] =	vst.idx.add.f32.msk $0xffff, v31;
	v31 =	vshll.u32 v26, $0x10;
	v26 =	vand.u32 $0xFFFF0000, v26  }
0xa8: {  	[tilespmem:v21+s30+$0x0] =	vst.idx.add.f32.msk $0xffff, v27;
	v27 =	vmul.f32 v28, v16;
	v28 =	vshll.u32 v19, $0x10;
	v19 =	vand.u32 $0xFFFF0000, v19  }
0xa9: {  	v22 =	vmul.f32 v22, v16;
	v16 =	vmul.f32 v23, v16;
	v23 =	vshll.u32 v24, $0x10;
	[tilespmem:v21+s31+$0x0] =	vst.idx.add.f32.msk $0xffff, v29  }
0xaa: {  	s13 =	sadd.s32 $0x1DA00, s12;
	v24 =	vand.u32 $0xFFFF0000, v24;
	[tilespmem:v21+s0+$0x0] =	vst.idx.add.f32.msk $0xffff, v27;
	v27 =	vshll.u32 v20, $0x10;
	v20 =	vand.u32 $0xFFFF0000, v20  }
0xab: {  	v11 =	vand.u32 $0xFFFF0000, v11;
	[tilespmem:v21+s1+$0x0] =	vst.idx.add.f32.msk $0xffff, v22;
	v22 =	vmul.f32 v27, v6;
	v27 =	vmul.f32 v32, v1  }
0xac: {  	v9 =	vand.u32 $0xFFFF0000, v9;
	v11 =	vmul.f32 v11, v1;
	[tilespmem:v21+s4+$0x0] =	vst.idx.add.f32.msk $0xffff, v16;
	v16 =	vmul.f32 v20, v6  }
0xad: {  	v20 =	vmul.f32 v31, v6;
	v21 =	vmul.f32 v34, v1;
	[tilespmem:v13+s26+$0x0] =	vst.idx.add.f32.msk $0xffff, v22  }
0xae: {  	v9 =	vmul.f32 v9, v1;
	[tilespmem:v13+s28+$0x0] =	vst.idx.add.f32.msk $0xffff, v16;
	v16 =	vmul.f32 v26, v6  }
0xaf: {  	[tilespmem:v13+s29+$0x0] =	vst.idx.add.f32.msk $0xffff, v20;
	v20 =	vmul.f32 v30, v6  }
0xb0: {  	v4 =	vshrl.u32 v4, $0x10;
	[tilespmem:v13+s30+$0x0] =	vst.idx.add.f32.msk $0xffff, v16;
	v16 =	vmul.f32 v25, v6  }
0xb1: {  	v15 =	vmul.f32 v15, v6;
	v17 =	vmul.f32 v17, v2;
	[tilespmem:v13+s31+$0x0] =	vst.idx.add.f32.msk $0xffff, v20  }
0xb2: {  	v6 =	vmul.f32 v14, v6;
	[tilespmem:v13+s0+$0x0] =	vst.idx.add.f32.msk $0xffff, v16  }
0xb3: {  	v12 =	vmul.f32 v12, v2;
	[tilespmem:v13+s1+$0x0] =	vst.idx.add.f32.msk $0xffff, v15  }
0xb4: {  	[tilespmem:v13+s4+$0x0] =	vst.idx.add.f32.msk $0xffff, v6;
	v6 =	vmul.f32 v10, v2  }
0xb5: {  	[tilespmem:v4+s26+$0x0] =	vst.idx.add.f32.msk $0xffff, v12  }
0xb6: {  	[tilespmem:v4+s28+$0x0] =	vst.idx.add.f32.msk $0xffff, v6  }
0xb7: {  	v6 =	vmul.f32 v28, v2;
	[tilespmem:v4+s29+$0x0] =	vst.idx.add.f32.msk $0xffff, v17  }
0xb8: {  	v3 =	vshrl.u32 v3, $0x10;
	v2 =	vmul.f32 v19, v2;
	[tilespmem:v4+s30+$0x0] =	vst.idx.add.f32.msk $0xffff, v8  }
0xb9: {  	[tilespmem:v4+s31+$0x0] =	vst.idx.add.f32.msk $0xffff, v6  }
0xba: {  	[tilespmem:v4+s0+$0x0] =	vst.idx.add.f32.msk $0xffff, v2  }
0xbb: {  	v2 =	vmul.f32 v33, v1;
	[tilespmem:v4+s1+$0x0] =	vst.idx.add.f32.msk $0xffff, v7  }
0xbc: {  	[tilespmem:v4+s4+$0x0] =	vst.idx.add.f32.msk $0xffff, v5;
	v4 =	vmul.f32 v18, v1  }
0xbd: {  	[tilespmem:v3+s26+$0x0] =	vst.idx.add.f32.msk $0xffff, v2  }
0xbe: {  	v2 =	vmul.f32 v23, v1;
	[tilespmem:v3+s28+$0x0] =	vst.idx.add.f32.msk $0xffff, v4  }
0xbf: {  	v1 =	vmul.f32 v24, v1;
	v17 =	vld [tilespmem:s12+$0x1DA00]  }
0xc0: {  	[tilespmem:v3+s29+$0x0] =	vst.idx.add.f32.msk $0xffff, v2  }
0xc1: {  	[tilespmem:v3+s30+$0x0] =	vst.idx.add.f32.msk $0xffff, v1  }
0xc2: {  	s12 =	simm.s32 $0x1;
	[tilespmem:v3+s31+$0x0] =	vst.idx.add.f32.msk $0xffff, v27  }
0xc3: {  	s12 =	simm.s32 @!p0 $0x0;
	v4 =	vld [tilespmem:s13+$0x20]  }
0xc4: {  	s12 =	sshll.u32 s12, $0x6;
	[tilespmem:v3+s0+$0x0] =	vst.idx.add.f32.msk $0xffff, v11  }
0xc5: {  	s12 =	sadd.s32 s12, s10;
	[tilespmem:v3+s1+$0x0] =	vst.idx.add.f32.msk $0xffff, v21  }
0xc6: {  	s14 =	sadd.s32 $0x10, s12;
	s15 =	sadd.s32 $0x20, s12;
	s16 =	sadd.s32 $0x30, s12;
	v13 =	vld [tilespmem:s13+$0x10]  }
0xc7: {  	s16 =	sor.u32 $0x80, s16;
	[tilespmem:v3+s4+$0x0] =	vst.idx.add.f32.msk $0xffff, v9  }
0xc8: {  	s15 =	sor.u32 $0x80, s15;
	v19 =	vand.u32 $0xFFFF, v4;
	v1 =	vld [tilespmem:s16+$0x1DA00]  }
0xc9: {  	v2 =	vld [tilespmem:s15+$0x1DA00]  }
0xca: {  	v5 =	vand.u32 $0xFFFF, v17;
	s14 =	sor.u32 $0x80, s14;
	v3 =	vld [tilespmem:s13+$0x30]  }
0xcb: {  	s12 =	sor.u32 $0x80, s12;
	v6 =	vld [tilespmem:s14+$0x1DA00];
	v20 =	vand.u32 $0xFFFF, v13  }
0xcc: {  	v16 =	vld [tilespmem:s12+$0x1DA00]  }
0xcd: {  	v32 =	vld.idx.msk [tilespmem:v19+s20+$0x0], $0xffff  }
0xce: {  	v7 =	vld.idx.msk [tilespmem:v19+s22+$0x0], $0xffff  }
0xcf: {  	v10 =	vld.idx.msk [tilespmem:v5+s22+$0x0], $0xffff;
	v24 =	vand.u32 $0xFFFF, v3  }
0xd0: {  	v12 =	vld.idx.msk [tilespmem:v20+s22+$0x0], $0xffff  }
0xd1: {  	v21 =	vld.idx.msk [tilespmem:v19+s2+$0x0], $0xffff  }
0xd2: {  	v26 =	vld.idx.msk [tilespmem:v5+s21+$0x0], $0xffff  }
0xd3: {  	v8 =	vand.u32 $0xFFFF0000, v32;
	v30 =	vld.idx.msk [tilespmem:v5+s20+$0x0], $0xffff  }
0xd4: {  	v8 =	vmul.f32 v8, v2;
	v9 =	vand.u32 $0xFFFF0000, v7;
	v27 =	vld.idx.msk [tilespmem:v5+s2+$0x0], $0xffff;
	v5 =	vshll.u32 v7, $0x10  }
.Ltmp1:
0xd5: {  	v18 =	vld.idx.msk [tilespmem:v24+s2+$0x0], $0xffff;
	v7 =	vmul.f32 v5, v2;
	v5 =	vmul.f32 v9, v2;
	(pc) =	sbr.rel @p1 .LBB2_5-.Ltmp1, $4  }
0xd6: {  	v22 =	vshll.u32 v10, $0x10;
	v23 =	vand.u32 $0xFFFF0000, v10;
	v15 =	vshll.u32 v12, $0x10;
	v9 =	vld.idx.msk [tilespmem:v24+s22+$0x0], $0xffff  }
0xd7: {  	v14 =	vand.u32 $0xFFFF0000, v12;
	v12 =	vshll.u32 v21, $0x10;
	v10 =	vand.u32 $0xFFFF0000, v21;
	v11 =	vld.idx.msk [tilespmem:v24+s21+$0x0], $0xffff  }
0xd8: {  	v21 =	vshrl.u32 v17, $0x10;
	v29 =	vshll.u32 v26, $0x10;
	v28 =	vand.u32 $0xFFFF0000, v26;
	v25 =	vld.idx.msk [tilespmem:v20+s21+$0x0], $0xffff  }
0xd9: {  	p0 =	por !p0, !p0;
	s10 =	sadd.s32 $0x80, s10;
	s13 =	smov.u32 s11;
	v17 =	vshll.u32 v32, $0x10;
	v31 =	vshll.u32 v30, $0x10;
	v30 =	vand.u32 $0xFFFF0000, v30;
	v26 =	vld.idx.msk [tilespmem:v20+s20+$0x0], $0xffff  }
0xda: {  	_ =	sdelay $0x3  }
0xdb: {  	v19 =	vld.idx.msk [tilespmem:v19+s21+$0x0], $0xffff;
	v32 =	vshll.u32 v27, $0x10  }
0xdc: {  	v24 =	vld.idx.msk [tilespmem:v24+s20+$0x0], $0xffff;
	v53 =	vand.u32 $0xFFFF0000, v27;
	v32 =	vmul.f32 v32, v16  }
0xdd: {  	v20 =	vld.idx.msk [tilespmem:v20+s2+$0x0], $0xffff;
	v27 =	vmul.f32 v53, v16  }
0xde: {  	v31 =	vmul.f32 v31, v16;
	[tilespmem:v21+s26+$0x0] =	vst.idx.add.f32.msk $0xffff, v32  }
0xdf: {  	v54 =	vmul.f32 v30, v16;
	[tilespmem:v21+s28+$0x0] =	vst.idx.add.f32.msk $0xffff, v27  }
0xe0: {  	v29 =	vmul.f32 v29, v16;
	[tilespmem:v21+s29+$0x0] =	vst.idx.add.f32.msk $0xffff, v31  }
0xe1: {  	v13 =	vshrl.u32 v13, $0x10;
	v55 =	vmul.f32 v28, v16;
	[tilespmem:v21+s30+$0x0] =	vst.idx.add.f32.msk $0xffff, v54  }
0xe2: {  	v22 =	vmul.f32 v22, v16;
	[tilespmem:v21+s31+$0x0] =	vst.idx.add.f32.msk $0xffff, v29  }
0xe3: {  	v16 =	vmul.f32 v23, v16;
	v56 =	vshll.u32 v20, $0x10;
	[tilespmem:v21+s0+$0x0] =	vst.idx.add.f32.msk $0xffff, v55  }
0xe4: {  	v20 =	vand.u32 $0xFFFF0000, v20;
	v57 =	vmul.f32 v56, v6;
	[tilespmem:v21+s1+$0x0] =	vst.idx.add.f32.msk $0xffff, v22  }
0xe5: {  	v58 =	vshll.u32 v26, $0x10;
	[tilespmem:v21+s4+$0x0] =	vst.idx.add.f32.msk $0xffff, v16;
	v16 =	vmul.f32 v20, v6  }
0xe6: {  	v59 =	vand.u32 $0xFFFF0000, v26;
	v60 =	vmul.f32 v58, v6;
	[tilespmem:v13+s26+$0x0] =	vst.idx.add.f32.msk $0xffff, v57  }
0xe7: {  	v61 =	vshll.u32 v25, $0x10;
	[tilespmem:v13+s28+$0x0] =	vst.idx.add.f32.msk $0xffff, v16;
	v16 =	vmul.f32 v59, v6  }
0xe8: {  	v62 =	vand.u32 $0xFFFF0000, v25;
	v63 =	vmul.f32 v61, v6;
	[tilespmem:v13+s29+$0x0] =	vst.idx.add.f32.msk $0xffff, v60  }
0xe9: {  	v4 =	vshrl.u32 v4, $0x10;
	[tilespmem:v13+s30+$0x0] =	vst.idx.add.f32.msk $0xffff, v16;
	v16 =	vmul.f32 v62, v6  }
0xea: {  	v15 =	vmul.f32 v15, v6;
	[tilespmem:v13+s31+$0x0] =	vst.idx.add.f32.msk $0xffff, v63  }
0xeb: {  	v6 =	vmul.f32 v14, v6;
	[tilespmem:v13+s0+$0x0] =	vst.idx.add.f32.msk $0xffff, v16  }
0xec: {  	v12 =	vmul.f32 v12, v2;
	[tilespmem:v13+s1+$0x0] =	vst.idx.add.f32.msk $0xffff, v15  }
0xed: {  	[tilespmem:v13+s4+$0x0] =	vst.idx.add.f32.msk $0xffff, v6;
	v6 =	vmul.f32 v10, v2  }
0xee: {  	v10 =	vmul.f32 v17, v2;
	[tilespmem:v4+s26+$0x0] =	vst.idx.add.f32.msk $0xffff, v12  }
0xef: {  	v12 =	vshll.u32 v19, $0x10;
	[tilespmem:v4+s28+$0x0] =	vst.idx.add.f32.msk $0xffff, v6  }
0xf0: {  	v6 =	vand.u32 $0xFFFF0000, v19;
	[tilespmem:v4+s29+$0x0] =	vst.idx.add.f32.msk $0xffff, v10;
	v10 =	vmul.f32 v12, v2  }
0xf1: {  	v3 =	vshrl.u32 v3, $0x10;
	v2 =	vmul.f32 v6, v2;
	[tilespmem:v4+s30+$0x0] =	vst.idx.add.f32.msk $0xffff, v8  }
0xf2: {  	[tilespmem:v4+s31+$0x0] =	vst.idx.add.f32.msk $0xffff, v10  }
0xf3: {  	v6 =	vshll.u32 v18, $0x10;
	[tilespmem:v4+s0+$0x0] =	vst.idx.add.f32.msk $0xffff, v2  }
0xf4: {  	v6 =	vmul.f32 v6, v1;
	v2 =	vand.u32 $0xFFFF0000, v18;
	[tilespmem:v4+s1+$0x0] =	vst.idx.add.f32.msk $0xffff, v7  }
0xf5: {  	v7 =	vshll.u32 v24, $0x10;
	v2 =	vmul.f32 v2, v1;
	[tilespmem:v4+s4+$0x0] =	vst.idx.add.f32.msk $0xffff, v5  }
0xf6: {  	v4 =	vand.u32 $0xFFFF0000, v24;
	v5 =	vmul.f32 v7, v1;
	[tilespmem:v3+s26+$0x0] =	vst.idx.add.f32.msk $0xffff, v6  }
0xf7: {  	v6 =	vshll.u32 v11, $0x10;
	[tilespmem:v3+s28+$0x0] =	vst.idx.add.f32.msk $0xffff, v2;
	v2 =	vmul.f32 v4, v1  }
0xf8: {  	v4 =	vand.u32 $0xFFFF0000, v11;
	v6 =	vmul.f32 v6, v1;
	[tilespmem:v3+s29+$0x0] =	vst.idx.add.f32.msk $0xffff, v5  }
0xf9: {  	v5 =	vshll.u32 v9, $0x10;
	v4 =	vmul.f32 v4, v1;
	[tilespmem:v3+s30+$0x0] =	vst.idx.add.f32.msk $0xffff, v2  }
0xfa: {  	v2 =	vand.u32 $0xFFFF0000, v9;
	v5 =	vmul.f32 v5, v1;
	[tilespmem:v3+s31+$0x0] =	vst.idx.add.f32.msk $0xffff, v6  }
0xfb: {  	v1 =	vmul.f32 v2, v1;
	[tilespmem:v3+s0+$0x0] =	vst.idx.add.f32.msk $0xffff, v4  }
0xfc: {  	[tilespmem:v3+s1+$0x0] =	vst.idx.add.f32.msk $0xffff, v5  }
0xfd: {  	s9 =	sadd.s32 $0x280, s9;
	s10 =	simm.s32 $0x0;
	[tilespmem:v3+s4+$0x0] =	vst.idx.add.f32.msk $0xffff, v1  }
0xfe: {  	[tilespmem:s23], [sflag:$0x1] =	stream.linear.gather [hbm4b:s9+s10], $0xA00, $0x38;
	[tilespmem:$0x1EE00] =	vst v63  }
0xff: {  	s18 =	sand.u32 $0xF00, s10;
	s10 =	sand.u32 $0x40, s10;
	_ =	swait.ge [sflag:s5], $0xA00  }
0x100: {  	s11 =	sadd.s32 $0x1E400, s18;
	s13 =	sor.u32 $0x20, s10;
	[sflag:s5] =	ssyncset.done $0x0  }
0x101: {  	s12 =	sor.u32 $0x30, s10;
	s14 =	sor.u32 s13, s11;
	[sflag:s5] =	ssyncadd.s32 $0xFFFFF600  }
0x102: {  	s15 =	sor.u32 s12, s11;
	v2 =	vld [tilespmem:s14+$0x0]  }
0x103: {  	v1 =	vld [tilespmem:s15+$0x0];
	_ =	sdelay $0x3  }
0x104: {  	s16 =	sor.u32 $0x10, s10;
	s15 =	sor.u32 s10, s11;
	v10 =	vand.u32 $0xFFFF, v2  }
0x105: {  	s14 =	sadd.s32 $0x1E480, s18;
	s11 =	sor.u32 s16, s11;
	v8 =	vld [tilespmem:s15+$0x0];
	v12 =	vand.u32 $0xFFFF, v1  }
0x106: {  	s17 =	sor.u32 s16, s14;
	v7 =	vld [tilespmem:s11+$0x0]  }
0x107: {  	s18 =	sor.u32 s10, s14;
	v3 =	vld [tilespmem:s17+$0x0]  }
0x108: {  	v5 =	vld [tilespmem:s18+$0x0]  }
0x109: {  	v6 =	vld.idx.msk [tilespmem:v10+s21+$0x0], $0xffff  }
0x10a: {  	v4 =	vld.idx.msk [tilespmem:v12+s2+$0x0], $0xffff  }
0x10b: {  	s9 =	simm.s32 $0x40;
	v9 =	vand.u32 $0xFFFF, v8;
	v15 =	vld.idx.msk [tilespmem:v10+s20+$0x0], $0xffff  }
0x10c: {  	s12 =	sor.u32 s12, s14;
	s11 =	sor.u32 s13, s14;
	s10 =	simm.s32 $0x80;
	v13 =	vand.u32 $0xFFFF, v7;
	v16 =	vld.idx.msk [tilespmem:v10+s2+$0x0], $0xffff  }
.LBB2_7:
0x10d: {  	s13 =	sand.u32 $0xF00, s10  }
0x10e: {  	p0 =	sne.s32 s9, $0x4C0;
	v11 =	vld [tilespmem:s12+$0x0];
	s12 =	smov.u32 s9;
	s9 =	sadd.s32 $0x40, s9  }
0x10f: {  	s12 =	sand.u32 $0x40, s12;
	s14 =	sadd.s32 $0x1E400, s13;
	s13 =	sadd.s32 $0x1E480, s13;
	v14 =	vld [tilespmem:s11+$0x0]  }
0x110: {  	s11 =	sor.u32 s12, s14;
	s15 =	sor.u32 $0x10, s12;
	s16 =	sor.u32 $0x30, s12;
	v17 =	vld.idx.msk [tilespmem:v9+s22+$0x0], $0xffff  }
0x111: {  	v18 =	vld [tilespmem:s11+$0x0];
	s17 =	sor.u32 s15, s14;
	s11 =	sor.u32 s15, s13;
	s15 =	sor.u32 s16, s14  }
0x112: {  	s18 =	sor.u32 s12, s13;
	v20 =	vshll.u32 v15, $0x10;
	v15 =	vand.u32 $0xFFFF0000, v15;
	v19 =	vld [tilespmem:s11+$0x0];
	s11 =	sor.u32 $0x20, s12;
	s12 =	sor.u32 s16, s13  }
0x113: {  	v22 =	vshll.u32 v16, $0x10;
	v16 =	vand.u32 $0xFFFF0000, v16;
	v21 =	vld [tilespmem:s18+$0x0];
	s14 =	sor.u32 s11, s14;
	s11 =	sor.u32 s11, s13  }
0x114: {  	v23 =	vld [tilespmem:s17+$0x0]  }
0x115: {  	v24 =	vld.idx.msk [tilespmem:v9+s21+$0x0], $0xffff  }
0x116: {  	v25 =	vld.idx.msk [tilespmem:v9+s20+$0x0], $0xffff  }
0x117: {  	v26 =	vld.idx.msk [tilespmem:v13+s22+$0x0], $0xffff  }
0x118: {  	v27 =	vld.idx.msk [tilespmem:v13+s21+$0x0], $0xffff  }
0x119: {  	v28 =	vld.idx.msk [tilespmem:v9+s2+$0x0], $0xffff  }
0x11a: {  	v29 =	vld.idx.msk [tilespmem:v13+s20+$0x0], $0xffff  }
0x11b: {  	v9 =	vand.u32 $0xFFFF0000, v24;
	v30 =	vld.idx.msk [tilespmem:v13+s2+$0x0], $0xffff  }
0x11c: {  	v31 =	vshrl.u32 v7, $0x10;
	v7 =	vmovc v23;
	v32 =	vshll.u32 v25, $0x10;
	v33 =	vmul.f32 v9, v5;
	v13 =	vld.idx.msk [tilespmem:v12+s22+$0x0], $0xffff  }
0x11d: {  	v23 =	vshrl.u32 v8, $0x10;
	v8 =	vmovc v18;
	v32 =	vmul.f32 v32, v5;
	v9 =	vshll.u32 v26, $0x10;
	v34 =	vld.idx.msk [tilespmem:v12+s21+$0x0], $0xffff  }
0x11e: {  	v35 =	vmul.f32 v9, v3;
	v18 =	vld.idx.msk [tilespmem:v12+s20+$0x0], $0xffff;
	v12 =	vshll.u32 v27, $0x10;
	v27 =	vand.u32 $0xFFFF0000, v27  }
0x11f: {  	v9 =	vand.u32 $0xFFFF, v8;
	v36 =	vld.idx.msk [tilespmem:v10+s22+$0x0], $0xffff;
	v10 =	vshll.u32 v28, $0x10;
	v28 =	vand.u32 $0xFFFF0000, v28  }
0x120: {  	v38 =	vshll.u32 v29, $0x10;
	v39 =	vmul.f32 v12, v3;
	v37 =	vld [tilespmem:s14+$0x0];
	v10 =	vmul.f32 v10, v5  }
0x121: {  	v12 =	vmul.f32 v28, v5;
	v28 =	vand.u32 $0xFFFF0000, v30;
	v38 =	vmul.f32 v38, v3;
	v40 =	vld [tilespmem:s15+$0x0]  }
0x122: {  	[tilespmem:v23+s26+$0x0] =	vst.idx.add.f32.msk $0xffff, v10;
	v10 =	vand.u32 $0xFFFF0000, v25;
	v25 =	vmul.f32 v28, v3;
	v28 =	vshll.u32 v13, $0x10  }
0x123: {  	[tilespmem:v23+s28+$0x0] =	vst.idx.add.f32.msk $0xffff, v12;
	v10 =	vmul.f32 v10, v5;
	v12 =	vshll.u32 v24, $0x10;
	v24 =	vshll.u32 v34, $0x10  }
0x124: {  	v34 =	vand.u32 $0xFFFF0000, v34;
	[tilespmem:v23+s29+$0x0] =	vst.idx.add.f32.msk $0xffff, v32;
	v12 =	vmul.f32 v12, v5;
	v32 =	vand.u32 $0xFFFF0000, v18  }
0x125: {  	v27 =	vmul.f32 v27, v3;
	v41 =	vshll.u32 v36, $0x10;
	[tilespmem:v23+s30+$0x0] =	vst.idx.add.f32.msk $0xffff, v10;
	v10 =	vshll.u32 v17, $0x10  }
0x126: {  	[tilespmem:v23+s31+$0x0] =	vst.idx.add.f32.msk $0xffff, v12;
	v12 =	vand.u32 $0xFFFF0000, v17;
	v10 =	vmul.f32 v10, v5;
	v17 =	vand.u32 $0xFFFF0000, v13  }
0x127: {  	v30 =	vshll.u32 v30, $0x10;
	v13 =	vand.u32 $0xFFFF, v7;
	[tilespmem:v23+s0+$0x0] =	vst.idx.add.f32.msk $0xffff, v33;
	v12 =	vmul.f32 v12, v5;
	v5 =	vmovc v21  }
0x128: {  	[tilespmem:v23+s1+$0x0] =	vst.idx.add.f32.msk $0xffff, v10;
	v10 =	vmul.f32 v30, v3  }
0x129: {  	[tilespmem:v23+s4+$0x0] =	vst.idx.add.f32.msk $0xffff, v12  }
0x12a: {  	v12 =	vand.u32 $0xFFFF, v40;
	[tilespmem:v31+s26+$0x0] =	vst.idx.add.f32.msk $0xffff, v10;
	v10 =	vand.u32 $0xFFFF0000, v29  }
0x12b: {  	[tilespmem:v31+s28+$0x0] =	vst.idx.add.f32.msk $0xffff, v25;
	v21 =	vmul.f32 v10, v3  }
0x12c: {  	v10 =	vand.u32 $0xFFFF, v37;
	[tilespmem:v31+s29+$0x0] =	vst.idx.add.f32.msk $0xffff, v38  }
0x12d: {  	v23 =	vshrl.u32 v2, $0x10;
	v2 =	vmov v37;
	[tilespmem:v31+s30+$0x0] =	vst.idx.add.f32.msk $0xffff, v21  }
0x12e: {  	v21 =	vand.u32 $0xFFFF0000, v26;
	[tilespmem:v31+s31+$0x0] =	vst.idx.add.f32.msk $0xffff, v39  }
0x12f: {  	v21 =	vmul.f32 v21, v3;
	v3 =	vmov v19;
	[tilespmem:v31+s0+$0x0] =	vst.idx.add.f32.msk $0xffff, v27  }
0x130: {  	v19 =	vmul.f32 v22, v14;
	[tilespmem:v31+s1+$0x0] =	vst.idx.add.f32.msk $0xffff, v35  }
0x131: {  	v16 =	vmul.f32 v16, v14;
	[tilespmem:v31+s4+$0x0] =	vst.idx.add.f32.msk $0xffff, v21  }
0x132: {  	[tilespmem:v23+s26+$0x0] =	vst.idx.add.f32.msk $0xffff, v19;
	v19 =	vmul.f32 v20, v14  }
0x133: {  	v15 =	vmul.f32 v15, v14;
	[tilespmem:v23+s28+$0x0] =	vst.idx.add.f32.msk $0xffff, v16;
	v16 =	vshll.u32 v6, $0x10  }
0x134: {  	v6 =	vand.u32 $0xFFFF0000, v6;
	[tilespmem:v23+s29+$0x0] =	vst.idx.add.f32.msk $0xffff, v19;
	v16 =	vmul.f32 v16, v14  }
0x135: {  	v19 =	vshrl.u32 v1, $0x10;
	v6 =	vmul.f32 v6, v14;
	v1 =	vmov v40;
	[tilespmem:v23+s30+$0x0] =	vst.idx.add.f32.msk $0xffff, v15  }
0x136: {  	v15 =	vand.u32 $0xFFFF0000, v36;
	[tilespmem:v23+s31+$0x0] =	vst.idx.add.f32.msk $0xffff, v16;
	v16 =	vmul.f32 v41, v14  }
0x137: {  	[tilespmem:v23+s0+$0x0] =	vst.idx.add.f32.msk $0xffff, v6;
	v6 =	vmul.f32 v15, v14;
	v14 =	vshll.u32 v4, $0x10  }
0x138: {  	v4 =	vand.u32 $0xFFFF0000, v4;
	[tilespmem:v23+s1+$0x0] =	vst.idx.add.f32.msk $0xffff, v16;
	v14 =	vmul.f32 v14, v11  }
0x139: {  	v4 =	vmul.f32 v4, v11;
	[tilespmem:v23+s4+$0x0] =	vst.idx.add.f32.msk $0xffff, v6;
	v6 =	vshll.u32 v18, $0x10  }
0x13a: {  	[tilespmem:v19+s26+$0x0] =	vst.idx.add.f32.msk $0xffff, v14;
	v6 =	vmul.f32 v6, v11  }
0x13b: {  	[tilespmem:v19+s28+$0x0] =	vst.idx.add.f32.msk $0xffff, v4;
	v4 =	vmul.f32 v32, v11  }
0x13c: {  	[tilespmem:v19+s29+$0x0] =	vst.idx.add.f32.msk $0xffff, v6;
	v6 =	vmul.f32 v24, v11  }
0x13d: {  	[tilespmem:v19+s30+$0x0] =	vst.idx.add.f32.msk $0xffff, v4;
	v4 =	vmul.f32 v34, v11  }
0x13e: {  	[tilespmem:v19+s31+$0x0] =	vst.idx.add.f32.msk $0xffff, v6;
	v6 =	vmul.f32 v28, v11  }
0x13f: {  	[tilespmem:v19+s0+$0x0] =	vst.idx.add.f32.msk $0xffff, v4;
	v4 =	vmul.f32 v17, v11  }
0x140: {  	[tilespmem:v19+s1+$0x0] =	vst.idx.add.f32.msk $0xffff, v6  }
.Ltmp2:
0x141: {  	[tilespmem:v19+s4+$0x0] =	vst.idx.add.f32.msk $0xffff, v4;
	(pc) =	sbr.rel @p0 .LBB2_7-.Ltmp2, $4  }
0x142: {  	v6 =	vld.idx.msk [tilespmem:v10+s21+$0x0], $0xffff  }
0x143: {  	v4 =	vld.idx.msk [tilespmem:v12+s2+$0x0], $0xffff  }
0x144: {  	v15 =	vld.idx.msk [tilespmem:v10+s20+$0x0], $0xffff  }
0x145: {  	s10 =	sadd.s32 $0x80, s10;
	v16 =	vld.idx.msk [tilespmem:v10+s2+$0x0], $0xffff  }
0x146: {  	_ =	sdelay $0x1  }
0x147: {  	v11 =	vld [tilespmem:s12+$0x0]  }
0x148: {  	v14 =	vld [tilespmem:s11+$0x0]  }
0x149: {  	v17 =	vld.idx.msk [tilespmem:v9+s22+$0x0], $0xffff  }
0x14a: {  	v18 =	vld.idx.msk [tilespmem:v9+s21+$0x0], $0xffff  }
0x14b: {  	v19 =	vld.idx.msk [tilespmem:v9+s20+$0x0], $0xffff  }
0x14c: {  	v20 =	vld.idx.msk [tilespmem:v13+s22+$0x0], $0xffff  }
0x14d: {  	v29 =	vld.idx.msk [tilespmem:v9+s2+$0x0], $0xffff  }
0x14e: {  	v21 =	vld.idx.msk [tilespmem:v13+s21+$0x0], $0xffff  }
0x14f: {  	v22 =	vld.idx.msk [tilespmem:v13+s20+$0x0], $0xffff  }
0x150: {  	v30 =	vld.idx.msk [tilespmem:v13+s2+$0x0], $0xffff;
	v8 =	vshrl.u32 v8, $0x10  }
0x151: {  	v23 =	vld.idx.msk [tilespmem:v12+s22+$0x0], $0xffff  }
0x152: {  	v24 =	vld.idx.msk [tilespmem:v12+s21+$0x0], $0xffff;
	v25 =	vshll.u32 v29, $0x10  }
0x153: {  	v31 =	vld.idx.msk [tilespmem:v12+s20+$0x0], $0xffff;
	v9 =	vand.u32 $0xFFFF0000, v29;
	v25 =	vmul.f32 v25, v5  }
0x154: {  	v10 =	vld.idx.msk [tilespmem:v10+s22+$0x0], $0xffff;
	v26 =	vshll.u32 v19, $0x10;
	v9 =	vmul.f32 v9, v5  }
0x155: {  	v19 =	vand.u32 $0xFFFF0000, v19;
	v26 =	vmul.f32 v26, v5;
	[tilespmem:v8+s26+$0x0] =	vst.idx.add.f32.msk $0xffff, v25  }
0x156: {  	v33 =	vshll.u32 v18, $0x10;
	v32 =	vmul.f32 v19, v5;
	[tilespmem:v8+s28+$0x0] =	vst.idx.add.f32.msk $0xffff, v9  }
0x157: {  	v18 =	vand.u32 $0xFFFF0000, v18;
	v19 =	vmul.f32 v33, v5;
	[tilespmem:v8+s29+$0x0] =	vst.idx.add.f32.msk $0xffff, v26  }
0x158: {  	v7 =	vshrl.u32 v7, $0x10;
	v34 =	vshll.u32 v17, $0x10;
	v18 =	vmul.f32 v18, v5;
	[tilespmem:v8+s30+$0x0] =	vst.idx.add.f32.msk $0xffff, v32  }
0x159: {  	v17 =	vand.u32 $0xFFFF0000, v17;
	v9 =	vmul.f32 v34, v5;
	[tilespmem:v8+s31+$0x0] =	vst.idx.add.f32.msk $0xffff, v19  }
0x15a: {  	v36 =	vshll.u32 v30, $0x10;
	v35 =	vmul.f32 v17, v5;
	[tilespmem:v8+s0+$0x0] =	vst.idx.add.f32.msk $0xffff, v18  }
0x15b: {  	v13 =	vand.u32 $0xFFFF0000, v30;
	v37 =	vmul.f32 v36, v3;
	[tilespmem:v8+s1+$0x0] =	vst.idx.add.f32.msk $0xffff, v9  }
0x15c: {  	v38 =	vshll.u32 v22, $0x10;
	v13 =	vmul.f32 v13, v3;
	[tilespmem:v8+s4+$0x0] =	vst.idx.add.f32.msk $0xffff, v35  }
0x15d: {  	v40 =	vand.u32 $0xFFFF0000, v22;
	v39 =	vmul.f32 v38, v3;
	[tilespmem:v7+s26+$0x0] =	vst.idx.add.f32.msk $0xffff, v37  }
0x15e: {  	v41 =	vshll.u32 v21, $0x10;
	v8 =	vmul.f32 v40, v3;
	[tilespmem:v7+s28+$0x0] =	vst.idx.add.f32.msk $0xffff, v13  }
0x15f: {  	v42 =	vand.u32 $0xFFFF0000, v21;
	v9 =	vmul.f32 v41, v3;
	[tilespmem:v7+s29+$0x0] =	vst.idx.add.f32.msk $0xffff, v39  }
0x160: {  	v2 =	vshrl.u32 v2, $0x10;
	v43 =	vshll.u32 v20, $0x10;
	v13 =	vmul.f32 v42, v3;
	[tilespmem:v7+s30+$0x0] =	vst.idx.add.f32.msk $0xffff, v8  }
0x161: {  	v44 =	vand.u32 $0xFFFF0000, v20;
	v5 =	vmul.f32 v43, v3;
	[tilespmem:v7+s31+$0x0] =	vst.idx.add.f32.msk $0xffff, v9  }
0x162: {  	v45 =	vshll.u32 v16, $0x10;
	v3 =	vmul.f32 v44, v3;
	[tilespmem:v7+s0+$0x0] =	vst.idx.add.f32.msk $0xffff, v13  }
0x163: {  	v46 =	vand.u32 $0xFFFF0000, v16;
	v47 =	vmul.f32 v45, v14;
	[tilespmem:v7+s1+$0x0] =	vst.idx.add.f32.msk $0xffff, v5  }
0x164: {  	v48 =	vshll.u32 v15, $0x10;
	[tilespmem:v7+s4+$0x0] =	vst.idx.add.f32.msk $0xffff, v3;
	v3 =	vmul.f32 v46, v14  }
0x165: {  	v49 =	vand.u32 $0xFFFF0000, v15;
	v50 =	vmul.f32 v48, v14;
	[tilespmem:v2+s26+$0x0] =	vst.idx.add.f32.msk $0xffff, v47  }
0x166: {  	v51 =	vshll.u32 v6, $0x10;
	[tilespmem:v2+s28+$0x0] =	vst.idx.add.f32.msk $0xffff, v3;
	v3 =	vmul.f32 v49, v14  }
0x167: {  	v52 =	vand.u32 $0xFFFF0000, v6;
	v53 =	vmul.f32 v51, v14;
	[tilespmem:v2+s29+$0x0] =	vst.idx.add.f32.msk $0xffff, v50  }
0x168: {  	v1 =	vshrl.u32 v1, $0x10;
	v54 =	vshll.u32 v10, $0x10;
	[tilespmem:v2+s30+$0x0] =	vst.idx.add.f32.msk $0xffff, v3;
	v3 =	vmul.f32 v52, v14  }
0x169: {  	v55 =	vand.u32 $0xFFFF0000, v10;
	v56 =	vmul.f32 v54, v14;
	[tilespmem:v2+s31+$0x0] =	vst.idx.add.f32.msk $0xffff, v53  }
0x16a: {  	v57 =	vshll.u32 v4, $0x10;
	[tilespmem:v2+s0+$0x0] =	vst.idx.add.f32.msk $0xffff, v3;
	v3 =	vmul.f32 v55, v14  }
0x16b: {  	v58 =	vand.u32 $0xFFFF0000, v4;
	v5 =	vmul.f32 v57, v11;
	[tilespmem:v2+s1+$0x0] =	vst.idx.add.f32.msk $0xffff, v56  }
0x16c: {  	[tilespmem:v2+s4+$0x0] =	vst.idx.add.f32.msk $0xffff, v3;
	v2 =	vmul.f32 v58, v11;
	v3 =	vshll.u32 v31, $0x10  }
0x16d: {  	v59 =	vand.u32 $0xFFFF0000, v31;
	[tilespmem:v1+s26+$0x0] =	vst.idx.add.f32.msk $0xffff, v5;
	v3 =	vmul.f32 v3, v11  }
0x16e: {  	s8 =	sadd.s32 $0x1, s8;
	v60 =	vshll.u32 v24, $0x10;
	[tilespmem:v1+s28+$0x0] =	vst.idx.add.f32.msk $0xffff, v2;
	v2 =	vmul.f32 v59, v11  }
0x16f: {  	p0 =	sne.s32 s8, $0x3E;
	v61 =	vand.u32 $0xFFFF0000, v24;
	[tilespmem:v1+s29+$0x0] =	vst.idx.add.f32.msk $0xffff, v3;
	v3 =	vmul.f32 v60, v11  }
.Ltmp3:
0x170: {  	v62 =	vshll.u32 v23, $0x10;
	[tilespmem:v1+s30+$0x0] =	vst.idx.add.f32.msk $0xffff, v2;
	v2 =	vmul.f32 v61, v11;
	(pc) =	sbr.rel @p0 .LBB2_4-.Ltmp3, $4  }
0x171: {  	v63 =	vand.u32 $0xFFFF0000, v23;
	[tilespmem:v1+s31+$0x0] =	vst.idx.add.f32.msk $0xffff, v3;
	v3 =	vmul.f32 v62, v11  }
0x172: {  	[tilespmem:v1+s0+$0x0] =	vst.idx.add.f32.msk $0xffff, v2;
	v2 =	vmul.f32 v63, v11  }
0x173: {  	[tilespmem:v1+s1+$0x0] =	vst.idx.add.f32.msk $0xffff, v3  }
0x174: {  	[tilespmem:v1+s4+$0x0] =	vst.idx.add.f32.msk $0xffff, v2  }
0x175: {  	_ =	swait.ge [sflag:s25], $0xA00;
	s7 =	simm.s32 $0x0  }
0x176: {  	[sflag:s25] =	ssyncset.done $0x0;
	s8 =	sand.u32 $0x40, s7;
	s7 =	sand.u32 $0xF00, s7  }
0x177: {  	[sflag:s25] =	ssyncadd.s32 $0xFFFFF600;
	s7 =	sor.u32 s8, s7  }
0x178: {  	v17 =	vld [tilespmem:s7+$0x1DA00];
	_ =	sdelay $0x1  }
0x179: {  	p0 =	por $0x0, $0x0;
	s9 =	simm.s32 $0x1;
	s8 =	sadd.s32 $0x1DA00, s7  }
0x17a: {  	s9 =	simm.s32 @!p0 $0x0;
	v4 =	vld [tilespmem:s8+$0x20]  }
0x17b: {  	s9 =	sshll.u32 s9, $0x6  }
0x17c: {  	s17 =	sadd.s32 $0x0, s9;
	v13 =	vld [tilespmem:s8+$0x10];
	v5 =	vand.u32 $0xFFFF, v17  }
0x17d: {  	s9 =	sadd.s32 $0x30, s17;
	v3 =	vld [tilespmem:s8+$0x30];
	s7 =	sor.u32 $0x80, s17  }
0x17e: {  	s10 =	sadd.s32 $0x20, s17;
	s9 =	sor.u32 $0x80, s9;
	v16 =	vld [tilespmem:s7+$0x1DA00]  }
0x17f: {  	s10 =	sor.u32 $0x80, s10;
	v1 =	vld [tilespmem:s9+$0x1DA00];
	v19 =	vand.u32 $0xFFFF, v4  }
0x180: {  	v2 =	vld [tilespmem:s10+$0x1DA00]  }
0x181: {  	v20 =	vand.u32 $0xFFFF, v13;
	v10 =	vld.idx.msk [tilespmem:v5+s22+$0x0], $0xffff  }
0x182: {  	v26 =	vld.idx.msk [tilespmem:v5+s21+$0x0], $0xffff  }
0x183: {  	v30 =	vld.idx.msk [tilespmem:v5+s20+$0x0], $0xffff  }
0x184: {  	v32 =	vld.idx.msk [tilespmem:v19+s20+$0x0], $0xffff  }
0x185: {  	v24 =	vand.u32 $0xFFFF, v3;
	v7 =	vld.idx.msk [tilespmem:v19+s22+$0x0], $0xffff  }
0x186: {  	s18 =	sadd.s32 $0x10, s17;
	v12 =	vld.idx.msk [tilespmem:v20+s22+$0x0], $0xffff  }
0x187: {  	s9 =	sor.u32 $0x80, s18;
	v21 =	vld.idx.msk [tilespmem:v19+s2+$0x0], $0xffff  }
0x188: {  	v6 =	vld [tilespmem:s9+$0x1DA00]  }
0x189: {  	v27 =	vld.idx.msk [tilespmem:v5+s2+$0x0], $0xffff;
	v22 =	vshll.u32 v10, $0x10;
	v23 =	vand.u32 $0xFFFF0000, v10;
	v29 =	vshll.u32 v26, $0x10  }
0x18a: {  	v18 =	vld.idx.msk [tilespmem:v24+s2+$0x0], $0xffff;
	v28 =	vand.u32 $0xFFFF0000, v26;
	v31 =	vshll.u32 v30, $0x10;
	v30 =	vand.u32 $0xFFFF0000, v30  }
0x18b: {  	v11 =	vld.idx.msk [tilespmem:v24+s21+$0x0], $0xffff;
	v8 =	vand.u32 $0xFFFF0000, v32;
	v5 =	vshll.u32 v7, $0x10;
	v9 =	vand.u32 $0xFFFF0000, v7  }
0x18c: {  	v25 =	vld.idx.msk [tilespmem:v20+s21+$0x0], $0xffff;
	v15 =	vshll.u32 v12, $0x10;
	v14 =	vand.u32 $0xFFFF0000, v12;
	v12 =	vshll.u32 v21, $0x10  }
0x18d: {  	v10 =	vand.u32 $0xFFFF0000, v21;
	v7 =	vmul.f32 v5, v2;
	v5 =	vmul.f32 v9, v2;
	v9 =	vld.idx.msk [tilespmem:v24+s22+$0x0], $0xffff  }
0x18e: {  	p0 =	por !p0, !p0;
	s7 =	simm.s32 $0x80;
	s10 =	simm.s32 $0x40;
	v26 =	vld.idx.msk [tilespmem:v20+s20+$0x0], $0xffff;
	v21 =	vshrl.u32 v17, $0x10;
	v17 =	vshll.u32 v32, $0x10;
	v8 =	vmul.f32 v8, v2  }
.LBB2_10:
0x18f: {  	s8 =	smov.u32 s10  }
0x190: {  	s9 =	sand.u32 $0x40, s10;
	s11 =	sand.u32 $0xF00, s7;
	v19 =	vld.idx.msk [tilespmem:v19+s21+$0x0], $0xffff;
	v32 =	vshll.u32 v27, $0x10;
	s8 =	sadd.s32 $0x40, s10  }
0x191: {  	p1 =	sne.s32 s10, $0x4C0;
	v27 =	vand.u32 $0xFFFF0000, v27;
	v33 =	vshll.u32 v18, $0x10;
	s9 =	sor.u32 s9, s11;
	v32 =	vmul.f32 v32, v16;
	v24 =	vld.idx.msk [tilespmem:v24+s20+$0x0], $0xffff  }
0x192: {  	v18 =	vand.u32 $0xFFFF0000, v18;
	v27 =	vmul.f32 v27, v16;
	v34 =	vshll.u32 v9, $0x10;
	v20 =	vld.idx.msk [tilespmem:v20+s2+$0x0], $0xffff  }
0x193: {  	v13 =	vshrl.u32 v13, $0x10;
	v31 =	vmul.f32 v31, v16;
	[tilespmem:v21+s26+$0x0] =	vst.idx.add.f32.msk $0xffff, v32;
	v32 =	vshll.u32 v11, $0x10  }
0x194: {  	[tilespmem:v21+s28+$0x0] =	vst.idx.add.f32.msk $0xffff, v27;
	v27 =	vmul.f32 v30, v16;
	v30 =	vshll.u32 v25, $0x10;
	v25 =	vand.u32 $0xFFFF0000, v25  }
0x195: {  	v29 =	vmul.f32 v29, v16;
	[tilespmem:v21+s29+$0x0] =	vst.idx.add.f32.msk $0xffff, v31;
	v31 =	vshll.u32 v26, $0x10;
	v26 =	vand.u32 $0xFFFF0000, v26  }
0x196: {  	[tilespmem:v21+s30+$0x0] =	vst.idx.add.f32.msk $0xffff, v27;
	v27 =	vmul.f32 v28, v16;
	v28 =	vshll.u32 v19, $0x10;
	v19 =	vand.u32 $0xFFFF0000, v19  }
0x197: {  	v22 =	vmul.f32 v22, v16;
	v16 =	vmul.f32 v23, v16;
	v23 =	vshll.u32 v24, $0x10;
	[tilespmem:v21+s31+$0x0] =	vst.idx.add.f32.msk $0xffff, v29  }
0x198: {  	s10 =	sadd.s32 $0x1DA00, s9;
	v24 =	vand.u32 $0xFFFF0000, v24;
	[tilespmem:v21+s0+$0x0] =	vst.idx.add.f32.msk $0xffff, v27;
	v27 =	vshll.u32 v20, $0x10;
	v20 =	vand.u32 $0xFFFF0000, v20  }
0x199: {  	v11 =	vand.u32 $0xFFFF0000, v11;
	[tilespmem:v21+s1+$0x0] =	vst.idx.add.f32.msk $0xffff, v22;
	v22 =	vmul.f32 v27, v6;
	v27 =	vmul.f32 v32, v1  }
0x19a: {  	v9 =	vand.u32 $0xFFFF0000, v9;
	v11 =	vmul.f32 v11, v1;
	[tilespmem:v21+s4+$0x0] =	vst.idx.add.f32.msk $0xffff, v16;
	v16 =	vmul.f32 v20, v6  }
0x19b: {  	v20 =	vmul.f32 v31, v6;
	v21 =	vmul.f32 v34, v1;
	[tilespmem:v13+s26+$0x0] =	vst.idx.add.f32.msk $0xffff, v22  }
0x19c: {  	v9 =	vmul.f32 v9, v1;
	[tilespmem:v13+s28+$0x0] =	vst.idx.add.f32.msk $0xffff, v16;
	v16 =	vmul.f32 v26, v6  }
0x19d: {  	[tilespmem:v13+s29+$0x0] =	vst.idx.add.f32.msk $0xffff, v20;
	v20 =	vmul.f32 v30, v6  }
0x19e: {  	v4 =	vshrl.u32 v4, $0x10;
	[tilespmem:v13+s30+$0x0] =	vst.idx.add.f32.msk $0xffff, v16;
	v16 =	vmul.f32 v25, v6  }
0x19f: {  	v15 =	vmul.f32 v15, v6;
	v17 =	vmul.f32 v17, v2;
	[tilespmem:v13+s31+$0x0] =	vst.idx.add.f32.msk $0xffff, v20  }
0x1a0: {  	v6 =	vmul.f32 v14, v6;
	[tilespmem:v13+s0+$0x0] =	vst.idx.add.f32.msk $0xffff, v16  }
0x1a1: {  	v12 =	vmul.f32 v12, v2;
	[tilespmem:v13+s1+$0x0] =	vst.idx.add.f32.msk $0xffff, v15  }
0x1a2: {  	[tilespmem:v13+s4+$0x0] =	vst.idx.add.f32.msk $0xffff, v6;
	v6 =	vmul.f32 v10, v2  }
0x1a3: {  	[tilespmem:v4+s26+$0x0] =	vst.idx.add.f32.msk $0xffff, v12  }
0x1a4: {  	[tilespmem:v4+s28+$0x0] =	vst.idx.add.f32.msk $0xffff, v6  }
0x1a5: {  	v6 =	vmul.f32 v28, v2;
	[tilespmem:v4+s29+$0x0] =	vst.idx.add.f32.msk $0xffff, v17  }
0x1a6: {  	v3 =	vshrl.u32 v3, $0x10;
	v2 =	vmul.f32 v19, v2;
	[tilespmem:v4+s30+$0x0] =	vst.idx.add.f32.msk $0xffff, v8  }
0x1a7: {  	[tilespmem:v4+s31+$0x0] =	vst.idx.add.f32.msk $0xffff, v6  }
0x1a8: {  	[tilespmem:v4+s0+$0x0] =	vst.idx.add.f32.msk $0xffff, v2  }
0x1a9: {  	v2 =	vmul.f32 v33, v1;
	[tilespmem:v4+s1+$0x0] =	vst.idx.add.f32.msk $0xffff, v7  }
0x1aa: {  	[tilespmem:v4+s4+$0x0] =	vst.idx.add.f32.msk $0xffff, v5;
	v4 =	vmul.f32 v18, v1  }
0x1ab: {  	[tilespmem:v3+s26+$0x0] =	vst.idx.add.f32.msk $0xffff, v2  }
0x1ac: {  	v2 =	vmul.f32 v23, v1;
	[tilespmem:v3+s28+$0x0] =	vst.idx.add.f32.msk $0xffff, v4  }
0x1ad: {  	v1 =	vmul.f32 v24, v1;
	v17 =	vld [tilespmem:s9+$0x1DA00]  }
0x1ae: {  	[tilespmem:v3+s29+$0x0] =	vst.idx.add.f32.msk $0xffff, v2  }
0x1af: {  	[tilespmem:v3+s30+$0x0] =	vst.idx.add.f32.msk $0xffff, v1  }
0x1b0: {  	s9 =	simm.s32 $0x1;
	[tilespmem:v3+s31+$0x0] =	vst.idx.add.f32.msk $0xffff, v27  }
0x1b1: {  	s9 =	simm.s32 @!p0 $0x0;
	v4 =	vld [tilespmem:s10+$0x20]  }
0x1b2: {  	s9 =	sshll.u32 s9, $0x6;
	[tilespmem:v3+s0+$0x0] =	vst.idx.add.f32.msk $0xffff, v11  }
0x1b3: {  	s9 =	sadd.s32 s9, s7;
	[tilespmem:v3+s1+$0x0] =	vst.idx.add.f32.msk $0xffff, v21  }
0x1b4: {  	s11 =	sadd.s32 $0x10, s9;
	s12 =	sadd.s32 $0x20, s9;
	s13 =	sadd.s32 $0x30, s9;
	v13 =	vld [tilespmem:s10+$0x10]  }
0x1b5: {  	s13 =	sor.u32 $0x80, s13;
	[tilespmem:v3+s4+$0x0] =	vst.idx.add.f32.msk $0xffff, v9  }
0x1b6: {  	s12 =	sor.u32 $0x80, s12;
	v19 =	vand.u32 $0xFFFF, v4;
	v1 =	vld [tilespmem:s13+$0x1DA00]  }
0x1b7: {  	v2 =	vld [tilespmem:s12+$0x1DA00]  }
0x1b8: {  	v5 =	vand.u32 $0xFFFF, v17;
	s11 =	sor.u32 $0x80, s11;
	v3 =	vld [tilespmem:s10+$0x30]  }
0x1b9: {  	s9 =	sor.u32 $0x80, s9;
	v6 =	vld [tilespmem:s11+$0x1DA00];
	v20 =	vand.u32 $0xFFFF, v13  }
0x1ba: {  	v16 =	vld [tilespmem:s9+$0x1DA00]  }
0x1bb: {  	v32 =	vld.idx.msk [tilespmem:v19+s20+$0x0], $0xffff  }
0x1bc: {  	v7 =	vld.idx.msk [tilespmem:v19+s22+$0x0], $0xffff  }
0x1bd: {  	v10 =	vld.idx.msk [tilespmem:v5+s22+$0x0], $0xffff;
	v24 =	vand.u32 $0xFFFF, v3  }
0x1be: {  	v12 =	vld.idx.msk [tilespmem:v20+s22+$0x0], $0xffff  }
0x1bf: {  	v21 =	vld.idx.msk [tilespmem:v19+s2+$0x0], $0xffff  }
0x1c0: {  	v26 =	vld.idx.msk [tilespmem:v5+s21+$0x0], $0xffff  }
0x1c1: {  	v8 =	vand.u32 $0xFFFF0000, v32;
	v30 =	vld.idx.msk [tilespmem:v5+s20+$0x0], $0xffff  }
0x1c2: {  	v8 =	vmul.f32 v8, v2;
	v9 =	vand.u32 $0xFFFF0000, v7;
	v27 =	vld.idx.msk [tilespmem:v5+s2+$0x0], $0xffff;
	v5 =	vshll.u32 v7, $0x10  }
.Ltmp4:
0x1c3: {  	v18 =	vld.idx.msk [tilespmem:v24+s2+$0x0], $0xffff;
	v7 =	vmul.f32 v5, v2;
	v5 =	vmul.f32 v9, v2;
	(pc) =	sbr.rel @p1 .LBB2_10-.Ltmp4, $4  }
0x1c4: {  	v22 =	vshll.u32 v10, $0x10;
	v23 =	vand.u32 $0xFFFF0000, v10;
	v15 =	vshll.u32 v12, $0x10;
	v9 =	vld.idx.msk [tilespmem:v24+s22+$0x0], $0xffff  }
0x1c5: {  	v14 =	vand.u32 $0xFFFF0000, v12;
	v12 =	vshll.u32 v21, $0x10;
	v10 =	vand.u32 $0xFFFF0000, v21;
	v11 =	vld.idx.msk [tilespmem:v24+s21+$0x0], $0xffff  }
0x1c6: {  	v21 =	vshrl.u32 v17, $0x10;
	v29 =	vshll.u32 v26, $0x10;
	v28 =	vand.u32 $0xFFFF0000, v26;
	v25 =	vld.idx.msk [tilespmem:v20+s21+$0x0], $0xffff  }
0x1c7: {  	p0 =	por !p0, !p0;
	s7 =	sadd.s32 $0x80, s7;
	s10 =	smov.u32 s8;
	v17 =	vshll.u32 v32, $0x10;
	v31 =	vshll.u32 v30, $0x10;
	v30 =	vand.u32 $0xFFFF0000, v30;
	v26 =	vld.idx.msk [tilespmem:v20+s20+$0x0], $0xffff  }
0x1c8: {  	_ =	sdelay $0x3  }
0x1c9: {  	v19 =	vld.idx.msk [tilespmem:v19+s21+$0x0], $0xffff;
	v32 =	vshll.u32 v27, $0x10  }
0x1ca: {  	v24 =	vld.idx.msk [tilespmem:v24+s20+$0x0], $0xffff;
	v36 =	vand.u32 $0xFFFF0000, v27;
	v32 =	vmul.f32 v32, v16  }
0x1cb: {  	v20 =	vld.idx.msk [tilespmem:v20+s2+$0x0], $0xffff;
	v27 =	vmul.f32 v36, v16  }
0x1cc: {  	v31 =	vmul.f32 v31, v16;
	[tilespmem:v21+s26+$0x0] =	vst.idx.add.f32.msk $0xffff, v32  }
0x1cd: {  	v37 =	vmul.f32 v30, v16;
	[tilespmem:v21+s28+$0x0] =	vst.idx.add.f32.msk $0xffff, v27  }
0x1ce: {  	v29 =	vmul.f32 v29, v16;
	[tilespmem:v21+s29+$0x0] =	vst.idx.add.f32.msk $0xffff, v31  }
0x1cf: {  	v13 =	vshrl.u32 v13, $0x10;
	v38 =	vmul.f32 v28, v16;
	[tilespmem:v21+s30+$0x0] =	vst.idx.add.f32.msk $0xffff, v37  }
0x1d0: {  	v22 =	vmul.f32 v22, v16;
	[tilespmem:v21+s31+$0x0] =	vst.idx.add.f32.msk $0xffff, v29  }
0x1d1: {  	v39 =	vmul.f32 v23, v16;
	v40 =	vshll.u32 v20, $0x10;
	[tilespmem:v21+s0+$0x0] =	vst.idx.add.f32.msk $0xffff, v38  }
0x1d2: {  	v20 =	vand.u32 $0xFFFF0000, v20;
	v41 =	vmul.f32 v40, v6;
	[tilespmem:v21+s1+$0x0] =	vst.idx.add.f32.msk $0xffff, v22  }
0x1d3: {  	v42 =	vshll.u32 v26, $0x10;
	v43 =	vmul.f32 v20, v6;
	[tilespmem:v21+s4+$0x0] =	vst.idx.add.f32.msk $0xffff, v39  }
0x1d4: {  	v44 =	vand.u32 $0xFFFF0000, v26;
	v45 =	vmul.f32 v42, v6;
	[tilespmem:v13+s26+$0x0] =	vst.idx.add.f32.msk $0xffff, v41  }
0x1d5: {  	v46 =	vshll.u32 v25, $0x10;
	v47 =	vmul.f32 v44, v6;
	[tilespmem:v13+s28+$0x0] =	vst.idx.add.f32.msk $0xffff, v43  }
0x1d6: {  	v48 =	vand.u32 $0xFFFF0000, v25;
	v49 =	vmul.f32 v46, v6;
	[tilespmem:v13+s29+$0x0] =	vst.idx.add.f32.msk $0xffff, v45  }
0x1d7: {  	v4 =	vshrl.u32 v4, $0x10;
	v50 =	vmul.f32 v48, v6;
	[tilespmem:v13+s30+$0x0] =	vst.idx.add.f32.msk $0xffff, v47  }
0x1d8: {  	v15 =	vmul.f32 v15, v6;
	[tilespmem:v13+s31+$0x0] =	vst.idx.add.f32.msk $0xffff, v49  }
0x1d9: {  	v51 =	vmul.f32 v14, v6;
	[tilespmem:v13+s0+$0x0] =	vst.idx.add.f32.msk $0xffff, v50  }
0x1da: {  	v12 =	vmul.f32 v12, v2;
	[tilespmem:v13+s1+$0x0] =	vst.idx.add.f32.msk $0xffff, v15  }
0x1db: {  	v52 =	vmul.f32 v10, v2;
	[tilespmem:v13+s4+$0x0] =	vst.idx.add.f32.msk $0xffff, v51  }
0x1dc: {  	v53 =	vmul.f32 v17, v2;
	[tilespmem:v4+s26+$0x0] =	vst.idx.add.f32.msk $0xffff, v12  }
0x1dd: {  	v54 =	vshll.u32 v19, $0x10;
	[tilespmem:v4+s28+$0x0] =	vst.idx.add.f32.msk $0xffff, v52  }
0x1de: {  	v55 =	vand.u32 $0xFFFF0000, v19;
	v56 =	vmul.f32 v54, v2;
	[tilespmem:v4+s29+$0x0] =	vst.idx.add.f32.msk $0xffff, v53  }
0x1df: {  	v3 =	vshrl.u32 v3, $0x10;
	v2 =	vmul.f32 v55, v2;
	[tilespmem:v4+s30+$0x0] =	vst.idx.add.f32.msk $0xffff, v8  }
0x1e0: {  	[tilespmem:v4+s31+$0x0] =	vst.idx.add.f32.msk $0xffff, v56  }
0x1e1: {  	v57 =	vshll.u32 v18, $0x10;
	[tilespmem:v4+s0+$0x0] =	vst.idx.add.f32.msk $0xffff, v2  }
0x1e2: {  	v6 =	vmul.f32 v57, v1;
	v2 =	vand.u32 $0xFFFF0000, v18;
	[tilespmem:v4+s1+$0x0] =	vst.idx.add.f32.msk $0xffff, v7  }
0x1e3: {  	v58 =	vshll.u32 v24, $0x10;
	v2 =	vmul.f32 v2, v1;
	[tilespmem:v4+s4+$0x0] =	vst.idx.add.f32.msk $0xffff, v5  }
0x1e4: {  	v59 =	vand.u32 $0xFFFF0000, v24;
	v60 =	vmul.f32 v58, v1;
	[tilespmem:v3+s26+$0x0] =	vst.idx.add.f32.msk $0xffff, v6  }
0x1e5: {  	v61 =	vshll.u32 v11, $0x10;
	[tilespmem:v3+s28+$0x0] =	vst.idx.add.f32.msk $0xffff, v2;
	v2 =	vmul.f32 v59, v1  }
0x1e6: {  	v62 =	vand.u32 $0xFFFF0000, v11;
	v6 =	vmul.f32 v61, v1;
	[tilespmem:v3+s29+$0x0] =	vst.idx.add.f32.msk $0xffff, v60  }
0x1e7: {  	v63 =	vshll.u32 v9, $0x10;
	v4 =	vmul.f32 v62, v1;
	[tilespmem:v3+s30+$0x0] =	vst.idx.add.f32.msk $0xffff, v2  }
0x1e8: {  	v5 =	vmul.f32 v63, v1;
	v2 =	vand.u32 $0xFFFF0000, v9;
	[tilespmem:v3+s31+$0x0] =	vst.idx.add.f32.msk $0xffff, v6  }
0x1e9: {  	v1 =	vmul.f32 v2, v1;
	[tilespmem:v3+s0+$0x0] =	vst.idx.add.f32.msk $0xffff, v4  }
0x1ea: {  	[tilespmem:v3+s1+$0x0] =	vst.idx.add.f32.msk $0xffff, v5  }
0x1eb: {  	[tilespmem:v3+s4+$0x0] =	vst.idx.add.f32.msk $0xffff, v1  }
0x1ec: {  	s8 =	simm.s32 $0x80;
	s9 =	simm.s32 $0x400;
	s7 =	rddreg [dreg:$0x7]  }
0x1ed: {  	[hbm4b:s7+s8] =	stream.strided.scatter [tilespmem:s26], [sflag:$0x3], $0x2780, s9, s8, $0x38;
	[tilespmem:$0x1EE00] =	vst v63  }
0x1ee: {  	_ =	swait.ge [sflag:s19], $0x2780  }
0x1ef: {  	[sflag:s19] =	ssyncset.done $0x0  }
0x1f0: {  	s11 =	rddreg [dreg:$0x8];
	[sflag:s19] =	ssyncadd.s32 $0xFFFFD880  }
0x1f1: {  	[hbm4b:s11+s8] =	stream.strided.scatter [tilespmem:s28], [sflag:$0x3], $0x2780, s9, s8, $0x38;
	[tilespmem:$0x1EE00] =	vst v63  }
0x1f2: {  	_ =	swait.ge [sflag:s19], $0x2780  }
0x1f3: {  	[sflag:s19] =	ssyncset.done $0x0  }
0x1f4: {  	s12 =	rddreg [dreg:$0x9];
	[sflag:s19] =	ssyncadd.s32 $0xFFFFD880  }
0x1f5: {  	[hbm4b:s12+s8] =	stream.strided.scatter [tilespmem:s29], [sflag:$0x3], $0x2780, s9, s8, $0x38;
	[tilespmem:$0x1EE00] =	vst v63  }
0x1f6: {  	_ =	swait.ge [sflag:s19], $0x2780  }
0x1f7: {  	[sflag:s19] =	ssyncset.done $0x0  }
0x1f8: {  	s13 =	rddreg [dreg:$0xa];
	[sflag:s19] =	ssyncadd.s32 $0xFFFFD880  }
0x1f9: {  	[hbm4b:s13+s8] =	stream.strided.scatter [tilespmem:s30], [sflag:$0x3], $0x2780, s9, s8, $0x38;
	[tilespmem:$0x1EE00] =	vst v63  }
0x1fa: {  	_ =	swait.ge [sflag:s19], $0x2780  }
0x1fb: {  	[sflag:s19] =	ssyncset.done $0x0  }
0x1fc: {  	s14 =	rddreg [dreg:$0xb];
	[sflag:s19] =	ssyncadd.s32 $0xFFFFD880  }
0x1fd: {  	[hbm4b:s14+s8] =	stream.strided.scatter [tilespmem:s31], [sflag:$0x3], $0x2780, s9, s8, $0x38;
	[tilespmem:$0x1EE00] =	vst v63  }
0x1fe: {  	_ =	swait.ge [sflag:s19], $0x2780  }
0x1ff: {  	[sflag:s19] =	ssyncset.done $0x0  }
0x200: {  	s15 =	rddreg [dreg:$0xc];
	[sflag:s19] =	ssyncadd.s32 $0xFFFFD880  }
0x201: {  	[hbm4b:s15+s8] =	stream.strided.scatter [tilespmem:s0], [sflag:$0x3], $0x2780, s9, s8, $0x38;
	[tilespmem:$0x1EE00] =	vst v63  }
0x202: {  	_ =	swait.ge [sflag:s19], $0x2780  }
0x203: {  	[sflag:s19] =	ssyncset.done $0x0  }
0x204: {  	s16 =	rddreg [dreg:$0xd];
	[sflag:s19] =	ssyncadd.s32 $0xFFFFD880  }
0x205: {  	[hbm4b:s16+s8] =	stream.strided.scatter [tilespmem:s1], [sflag:$0x3], $0x2780, s9, s8, $0x38;
	[tilespmem:$0x1EE00] =	vst v63  }
0x206: {  	_ =	swait.ge [sflag:s19], $0x2780  }
0x207: {  	[sflag:s19] =	ssyncset.done $0x0  }
0x208: {  	s17 =	rddreg [dreg:$0xe];
	[sflag:s19] =	ssyncadd.s32 $0xFFFFD880  }
0x209: {  	[hbm4b:s17+s8] =	stream.strided.scatter [tilespmem:s4], [sflag:$0x3], $0x2780, s9, s8, $0x38;
	[tilespmem:$0x1EE00] =	vst v63  }
0x20a: {  	_ =	swait.ge [sflag:s19], $0x2780  }
0x20b: {  	s6 =	sadd.s32 $0x1, s6;
	s18 =	rddreg [dreg:$0xf]  }
0x20c: {  	p0 =	sne.s32 s6, s18  }
.Ltmp5:
0x20d: {  	_ = 	snop;
	(pc) =	sbr.rel @p0 .LBB2_1-.Ltmp5, $3  }
0x20e: {  	_ =	sdelay $0x1  }
0x20f: {  	[sflag:s19] =	ssyncset.done $0x0  }
0x210: {  	[sflag:s19] =	ssyncadd.s32 $0xFFFFD880  }
0x211: {  	_ =	sfence.sel $0x180000  }
0x212: {  	[bflag:$0x0] =	sbarrier.arrive $0xFFFF  }
0x213: {  	_ =	strace $0x90000047  }
0x214: {  	s0 =	stileid.u32;
	[bflag:$0x2] =	sbarrier.arrive $0xFFFF  }
0x215: {  	p0 =	sne.s32 s0, $0x0;
	s0 =	rddreg [dreg:$0x2]  }
0x216: {  	s0 =	sadd.s32 @!p0 $0x100000, s0  }
0x217: {  	[sflag:s0] =	ssyncadd.tile.s32 @!p0 $0x1;
	_ =	shalt  }
.Lfunc_end2:
_tile_overlayer_lowered:
.L_overlay_start_2:
0x218: {  	(tag) =	ssettag $0x2  }
0x219: {  	s0 =	rddreg [dreg:$0x0];
	s2 =	stileid.u32  }
0x21a: {  	s1 =	rddreg [dreg:$0x1];
	p0 =	sne.s32 s2, $0x0  }
0x21b: {  	s3 =	rddreg [dreg:$0x2];
	[bflag:$0x3] =	sbarrier.arrive $0xFFFF;
	s2 =	simm.s32 @!p0 $0x1C03  }
0x21c: {  	[timem:s3], [sflag:s2] =	dma.local @!p0 [hbm:s0], s1  }
0x21d: {  	s0 =	simm.s32 @!p0 $0x3  }
0x21e: {  	_ =	swait.ge @!p0 [sflag:s0], s1  }
0x21f: {  	s1 =	ssub.s32 @!p0 $0x0, s1;
	[sflag:s0] =	ssyncset.done @!p0 $0x0  }
0x220: {  	[sflag:s0] =	ssyncadd.s32 @!p0 s1  }
0x221: {  	[bflag:$0x3] =	sbarrier.arrive $0xFFFF  }
0x222: {  	_ =	shalt  }

</sc_bundles>
